<compile_context>
chip_gen: v7x
topology: tpu7x:2x2x1
jax: 0.10.2.dev20260603
libtpu: 0.0.44.dev20260713+nightly
codegen_flags: <defaults>
</compile_context>

<pallas_src>
import jax
import jax.numpy as jnp
from jax import lax
from jax.experimental import pallas as pl
from jax.experimental.pallas import tpu as pltpu
from jax.experimental.pallas import tpu_sc as plsc

_E = 8
_TOPK = 2
_T = 2048
_D = 1024
_H = 2048
_A = _T * _TOPK
_BLK = 256
_P = _A + _E * _BLK
_NBLK = _P // _BLK

_NC = 2
_NS = 16
_NW = _NC * _NS


def _router_kernel(x_ref, rw_ref, rb_ref, pos_ref, pr_ref, eb_ref, nact_ref,
                   loss_ref):
    x = x_ref[...]
    logits = jnp.dot(x, rw_ref[...],
                     preferred_element_type=jnp.float32) + rb_ref[...]
    m = jnp.max(logits, axis=-1, keepdims=True)
    p = jnp.exp(logits - m)
    probs = p / jnp.sum(p, axis=-1, keepdims=True)
    T = probs.shape[0]

    def top1(pr):
        mx = jnp.max(pr, axis=-1, keepdims=True)
        eq = (pr == mx).astype(jnp.float32)
        acc = jnp.zeros((T, 1), jnp.float32)
        cols = []
        for j in range(_E):
            cols.append(acc)
            acc = acc + eq[:, j:j + 1]
        excl = jnp.concatenate(cols, axis=1)
        return (eq > 0) & (excl == 0), mx

    oh1, m1 = top1(probs)
    oh2, m2 = top1(jnp.where(oh1, -1.0, probs))

    hit = (oh1 | oh2).astype(jnp.float32)
    f_i = jnp.mean(hit, axis=0, keepdims=True)
    P_i = jnp.mean(probs, axis=0, keepdims=True)
    loss_ref[...] = (0.01 * _E * jnp.sum(f_i * P_i)).reshape(1, 1)

    M = jnp.concatenate([oh1.astype(jnp.float32), oh2.astype(jnp.float32)],
                        axis=0)
    cum = M
    d = 1
    while d < _A:
        shifted = jnp.concatenate(
            [jnp.zeros((d, _E), jnp.float32), cum[:-d, :]], axis=0)
        cum = cum + shifted
        d *= 2
    within = cum - M
    c32 = cum[_A - 1:_A, :].astype(jnp.int32)
    pc = ((c32 + _BLK - 1) // _BLK) * _BLK
    accb = jnp.zeros((1, 1), jnp.int32)
    bcols = []
    for j in range(_E):
        bcols.append(accb)
        accb = accb + pc[:, j:j + 1]
    base = jnp.concatenate(bcols, axis=1)
    nact_ref[...] = accb // _BLK

    posf = jnp.sum(M * (base.astype(jnp.float32) + within), axis=1,
                   keepdims=True)
    pos_ref[...] = posf.astype(jnp.int32)

    pr_all = jnp.concatenate([m1, m2], axis=0)
    pr_ref[...] = jnp.broadcast_to(pr_all, (_A, 128))

    ends = base + pc
    b_iota = lax.broadcasted_iota(jnp.int32, (1, _NBLK), 1)
    ebf = jnp.zeros((1, _NBLK), jnp.int32)
    for j in range(_E):
        ebf = ebf + ((b_iota * _BLK) >= ends[:, j:j + 1]).astype(jnp.int32)
    eb_ref[...] = jnp.minimum(ebf, _E - 1)


def _dispatch_body(x_hbm, pos_hbm, xg_hbm,
                   idx0_v, idx1_v, rows0_v, rows1_v, sem_a, sem_b):
    wid = lax.axis_index("s") * _NC + lax.axis_index("c")
    per_w = _A // _NW
    ch = 32
    bufs = [(idx0_v, rows0_v, sem_a), (idx1_v, rows1_v, sem_b)]
    pend = [None, None]
    for ci in range(per_w // ch):
        idx_v, rows_v, sa = bufs[ci % 2]
        if pend[ci % 2] is not None:
            pend[ci % 2].wait()
        a0 = wid * per_w + ci * ch
        t0 = lax.rem(a0, _T)
        pltpu.sync_copy(pos_hbm.at[pl.ds(a0, ch)], idx_v)
        pltpu.sync_copy(x_hbm.at[pl.ds(t0, ch)], rows_v)
        pend[ci % 2] = pltpu.async_copy(rows_v, xg_hbm.at[idx_v], sa)
    for p in pend:
        if p is not None:
            p.wait()


def _ffn_kernel(eb_ref, nact_ref, xg_ref, w1_ref, b1_ref, w2_ref,
                b2_ref, wo_ref, bo_ref, y_ref):
    b = pl.program_id(0)

    @pl.when(b < nact_ref[0])
    def _():
        xx = xg_ref[...].astype(jnp.bfloat16)
        h = jnp.dot(xx, w1_ref[0],
                    preferred_element_type=jnp.float32) + b1_ref[0, 0]
        g = jnp.dot(xx, w2_ref[0],
                    preferred_element_type=jnp.float32) + b2_ref[0, 0]
        a = (h * (g * jax.nn.sigmoid(g))).astype(jnp.bfloat16)
        y = jnp.dot(a, wo_ref[0],
                    preferred_element_type=jnp.float32) + bo_ref[0, 0]
        y_ref[...] = y


def _combine_body(y_hbm, pos_hbm, pr_hbm, out_hbm, idx0_v, idx1_v, b0_v,
                  b1_v, p0_v, p1_v, sem_a, sem_b):
    wid = lax.axis_index("s") * _NC + lax.axis_index("c")
    per_w = _T // _NW
    ch_rows = 32
    for ch in range(per_w // ch_rows):
        t0 = wid * per_w + ch * ch_rows
        pltpu.sync_copy(pos_hbm.at[pl.ds(t0, ch_rows)], idx0_v)
        pltpu.sync_copy(pos_hbm.at[pl.ds(_T + t0, ch_rows)], idx1_v)
        c0 = pltpu.async_copy(y_hbm.at[idx0_v], b0_v, sem_a)
        c1 = pltpu.async_copy(y_hbm.at[idx1_v], b1_v, sem_b)
        pltpu.sync_copy(pr_hbm.at[pl.ds(t0, ch_rows)], p0_v)
        pltpu.sync_copy(pr_hbm.at[pl.ds(_T + t0, ch_rows)], p1_v)
        c0.wait()
        c1.wait()

        def add_row(r, carry):
            pv0 = p0_v[r, pl.ds(0, 16)]
            pv1 = p1_v[r, pl.ds(0, 16)]
            for j in range(_D // 16):
                col = j * 16
                b0_v[r, pl.ds(col, 16)] = (b0_v[r, pl.ds(col, 16)] * pv0
                                           + b1_v[r, pl.ds(col, 16)] * pv1)
            return carry

        lax.fori_loop(0, ch_rows, add_row, 0)
        pltpu.sync_copy(b0_v, out_hbm.at[pl.ds(t0, ch_rows)])


def _router(x_flat, rw, rb):
    return pl.pallas_call(
        _router_kernel,
        out_shape=(
            jax.ShapeDtypeStruct((_A, 1), jnp.int32),
            jax.ShapeDtypeStruct((_A, 128), jnp.float32),
            jax.ShapeDtypeStruct((1, _NBLK), jnp.int32),
            jax.ShapeDtypeStruct((1, 1), jnp.int32),
            jax.ShapeDtypeStruct((1, 1), jnp.float32),
        ),
    )(x_flat, rw, rb.reshape(1, _E))


def _dispatch(x_flat, pos_flat):
    mesh = plsc.VectorSubcoreMesh(core_axis_name="c", subcore_axis_name="s",
                                  num_cores=_NC, num_subcores=_NS)
    return pl.kernel(
        _dispatch_body,
        out_type=jax.ShapeDtypeStruct((_P, _D), jnp.float32),
        mesh=mesh,
        scratch_types=[
            pltpu.VMEM((32,), jnp.int32),
            pltpu.VMEM((32,), jnp.int32),
            pltpu.VMEM((32, _D), jnp.float32),
            pltpu.VMEM((32, _D), jnp.float32),
            pltpu.SemaphoreType.DMA,
            pltpu.SemaphoreType.DMA,
        ],
    )(x_flat, pos_flat)


def _ffn(eb_flat, nact_flat, xg, w1, b1, w2, b2, wo, bo):
    grid_spec = pltpu.PrefetchScalarGridSpec(
        num_scalar_prefetch=2,
        grid=(_NBLK,),
        in_specs=[
            pl.BlockSpec((_BLK, _D), lambda b, eb, na: (b, 0)),
            pl.BlockSpec((1, _D, _H), lambda b, eb, na: (eb[b], 0, 0)),
            pl.BlockSpec((1, 1, _H), lambda b, eb, na: (eb[b], 0, 0)),
            pl.BlockSpec((1, _D, _H), lambda b, eb, na: (eb[b], 0, 0)),
            pl.BlockSpec((1, 1, _H), lambda b, eb, na: (eb[b], 0, 0)),
            pl.BlockSpec((1, _H, _D), lambda b, eb, na: (eb[b], 0, 0)),
            pl.BlockSpec((1, 1, _D), lambda b, eb, na: (eb[b], 0, 0)),
        ],
        out_specs=pl.BlockSpec((_BLK, _D), lambda b, eb, na: (b, 0)),
    )
    return pl.pallas_call(
        _ffn_kernel,
        grid_spec=grid_spec,
        out_shape=jax.ShapeDtypeStruct((_P, _D), jnp.float32),
    )(eb_flat, nact_flat, xg,
      w1.astype(jnp.bfloat16), b1.reshape(_E, 1, _H),
      w2.astype(jnp.bfloat16), b2.reshape(_E, 1, _H),
      wo.astype(jnp.bfloat16), bo.reshape(_E, 1, _D))


def _combine(y, pos_flat, pr):
    mesh = plsc.VectorSubcoreMesh(core_axis_name="c", subcore_axis_name="s",
                                  num_cores=_NC, num_subcores=_NS)
    return pl.kernel(
        _combine_body,
        out_type=jax.ShapeDtypeStruct((_T, _D), jnp.float32),
        mesh=mesh,
        scratch_types=[
            pltpu.VMEM((32,), jnp.int32),
            pltpu.VMEM((32,), jnp.int32),
            pltpu.VMEM((32, _D), jnp.float32),
            pltpu.VMEM((32, _D), jnp.float32),
            pltpu.VMEM((32, 128), jnp.float32),
            pltpu.VMEM((32, 128), jnp.float32),
            pltpu.SemaphoreType.DMA,
            pltpu.SemaphoreType.DMA,
        ],
    )(y, pos_flat, pr)


def kernel(x, w1, b1, w2, b2, wo, bo, rw, rb):
    B, S, D = x.shape
    x_flat = x.reshape(_T, _D)

    pos, pr, eb, nact, loss2d = _router(x_flat, rw, rb)
    pos_flat = pos.reshape(_A)
    xg = _dispatch(x_flat, pos_flat)
    y = _ffn(eb.reshape(_NBLK), nact.reshape(1), xg,
             w1, b1, w2, b2, wo, bo)
    out = _combine(y, pos_flat, pr)
    return out.reshape(B, S, D), loss2d[0, 0]

# --- scband reference (transcript-rebuilt; emitter-appended) ---
"""Pipeline reference for scband-sparse-moe-7541962572503 (READ-ONLY COPY).

The authoritative reference and input builder live on the scoring server;
editing this copy changes nothing except your own understanding.
"""

import jax, jax.numpy as jnp
import numpy as np

B = 1
S = 2048
D_MODEL = 1024
D_HIDDEN = 2048
E = 8
TOP_K = 2


def _linear_init(key, fan_in, shape):
    bound = 1.0 / np.sqrt(fan_in)
    return jax.random.uniform(key, shape, jnp.float32, -bound, bound)


def setup_inputs(seed: int = 0):
    key = jax.random.key(seed)
    ks = jax.random.split(key, 9)
    x = jax.random.normal(ks[0], (B, S, D_MODEL), jnp.float32)
    # expert params stacked over E (SwiGLUFFN: w_1, w_2, out)
    w1 = _linear_init(ks[1], D_MODEL, (E, D_MODEL, D_HIDDEN))
    b1 = _linear_init(ks[2], D_MODEL, (E, D_HIDDEN))
    w2 = _linear_init(ks[3], D_MODEL, (E, D_MODEL, D_HIDDEN))
    b2 = _linear_init(ks[4], D_MODEL, (E, D_HIDDEN))
    wo = _linear_init(ks[5], D_HIDDEN, (E, D_HIDDEN, D_MODEL))
    bo = _linear_init(ks[6], D_HIDDEN, (E, D_MODEL))
    rw = _linear_init(ks[7], D_MODEL, (D_MODEL, E))
    rb = _linear_init(ks[8], D_MODEL, (E,))
    return {"x": x, "w1": w1, "b1": b1, "w2": w2, "b2": b2, "wo": wo, "bo": bo, "rw": rw, "rb": rb}


def reference(x, w1, b1, w2, b2, wo, bo, rw, rb):
    Bq, Sq, D = x.shape
    x_flat = x.reshape(-1, D)
    T = x_flat.shape[0]
    router_logits = x_flat @ rw + rb
    router_probs = jax.nn.softmax(router_logits, axis=-1)
    topk_probs, topk_indices = jax.lax.top_k(router_probs, TOP_K)
    # compute every expert's SwiGLU output over all tokens: [E, T, D]
    h = jnp.einsum('td,edh->eth', x_flat, w1) + b1[:, None, :]
    g = jnp.einsum('td,edh->eth', x_flat, w2) + b2[:, None, :]
    expert_out = jnp.einsum('eth,ehd->etd', h * jax.nn.silu(g), wo) + bo[:, None, :]
    token_ids = jnp.arange(T)
    final_output = jnp.zeros_like(x_flat)
    for i in range(TOP_K):
        idx = topk_indices[:, i]
        out_i = expert_out[idx, token_ids, :]  # gather per-token selected expert output
        final_output = final_output + topk_probs[:, i][:, None] * out_i
    final_output = final_output.reshape(Bq, Sq, D)
    # load-balancing loss
    hit = (topk_indices[:, :, None] == jnp.arange(E)[None, None, :]).any(axis=1)
    f_i = hit.astype(jnp.float32).mean(axis=0)
    P_i = router_probs.mean(axis=0)
    alpha = 0.01
    load_balancing_loss = alpha * E * jnp.sum(f_i * P_i)
    return (final_output, load_balancing_loss)

if __name__ == "__main__":
    import jax
    _d = setup_inputs()
    print(jax.jit(kernel)(*tuple(_d.values())))

</pallas_src>

<mosaic_0001>
#map = affine_map<(d0, d1) -> (0, 0)>
#map1 = affine_map<(d0, d1) -> (0)>
module attributes {stable_mosaic.version = 14 : i64} {
  func.func @_combine_body(%arg0: i32, %arg1: i32, %arg2: memref<6144x1024xf32, #tpu.memory_space<hbm>>, %arg3: memref<4096xi32, #tpu.memory_space<hbm>>, %arg4: memref<4096x128xf32, #tpu.memory_space<hbm>>, %arg5: memref<2048x1024xf32, #tpu.memory_space<hbm>>, %arg6: memref<32xi32, #tpu.memory_space<vmem>>, %arg7: memref<32xi32, #tpu.memory_space<vmem>>, %arg8: memref<32x1024xf32, #tpu.memory_space<vmem>>, %arg9: memref<32x1024xf32, #tpu.memory_space<vmem>>, %arg10: memref<32x128xf32, #tpu.memory_space<vmem>>, %arg11: memref<32x128xf32, #tpu.memory_space<vmem>>, %arg12: memref<!tpu.dma_semaphore, #tpu.memory_space<semaphore_mem>>, %arg13: memref<!tpu.dma_semaphore, #tpu.memory_space<semaphore_mem>>) attributes {dimension_semantics = [#tpu.dimension_semantics<core_parallel>, #tpu.dimension_semantics<subcore_parallel>], iteration_bounds = array<i64: 2, 16>, scalar_prefetch = 0 : i64, scratch_operands = 8 : i64, tpu.core_type = #tpu.core_type<sc_vector_subcore>, window_params = [{transform_indices = #map}, {transform_indices = #map1}, {transform_indices = #map}, {transform_indices = #map}]} {
    %mul3A = arith.constant 2 : i32
    %mul3A_0 = arith.muli %arg1, %mul3A : i32
    %add3A = arith.addi %mul3A_0, %arg0 : i32
    %mul3A_1 = arith.constant 64 : i32
    %mul3A_2 = arith.muli %add3A, %mul3A_1 : i32
    %add3A_3 = arith.constant 0 : i32
    %add3A_4 = arith.addi %mul3A_2, %add3A_3 : i32
    "tpu.region"() ({
      %run_scoped3A = tpu.sem_alloc : memref<!tpu.dma_semaphore, #tpu.memory_space<semaphore_mem>>
      %dma_start3A_50 = tpu.memref_slice %arg3[%add3A_4] : memref<4096xi32, #tpu.memory_space<hbm>> -> memref<32xi32, #tpu.memory_space<hbm>>
      %dma_start3A_51 = tpu.memref_slice %arg3[%add3A_4] : memref<4096xi32, #tpu.memory_space<hbm>> -> memref<32xi32, #tpu.memory_space<hbm>>
      tpu.enqueue_dma source(%dma_start3A_51 : memref<32xi32, #tpu.memory_space<hbm>>) target(%arg6 : memref<32xi32, #tpu.memory_space<vmem>>) target_semaphore(%run_scoped3A : memref<!tpu.dma_semaphore, #tpu.memory_space<semaphore_mem>>)
      %dma_wait3A_52 = tpu.memref_slice %arg3[%add3A_4] : memref<4096xi32, #tpu.memory_space<hbm>> -> memref<32xi32, #tpu.memory_space<hbm>>
      %dma_wait3A_53 = tpu.memref_slice %arg3[%add3A_4] : memref<4096xi32, #tpu.memory_space<hbm>> -> memref<32xi32, #tpu.memory_space<hbm>>
      tpu.wait_dma2 semaphore(%run_scoped3A : memref<!tpu.dma_semaphore, #tpu.memory_space<semaphore_mem>>) src(%dma_wait3A_53 : memref<32xi32, #tpu.memory_space<hbm>>) dst(%arg6 : memref<32xi32, #tpu.memory_space<vmem>>)
      tpu.yield
    }) : () -> ()
    %add3A_5 = arith.constant 2048 : i32
    %add3A_6 = arith.addi %add3A_5, %add3A_4 : i32
    "tpu.region"() ({
      %run_scoped3A = tpu.sem_alloc : memref<!tpu.dma_semaphore, #tpu.memory_space<semaphore_mem>>
      %dma_start3A_50 = tpu.memref_slice %arg3[%add3A_6] : memref<4096xi32, #tpu.memory_space<hbm>> -> memref<32xi32, #tpu.memory_space<hbm>>
      %dma_start3A_51 = tpu.memref_slice %arg3[%add3A_6] : memref<4096xi32, #tpu.memory_space<hbm>> -> memref<32xi32, #tpu.memory_space<hbm>>
      tpu.enqueue_dma source(%dma_start3A_51 : memref<32xi32, #tpu.memory_space<hbm>>) target(%arg7 : memref<32xi32, #tpu.memory_space<vmem>>) target_semaphore(%run_scoped3A : memref<!tpu.dma_semaphore, #tpu.memory_space<semaphore_mem>>)
      %dma_wait3A_52 = tpu.memref_slice %arg3[%add3A_6] : memref<4096xi32, #tpu.memory_space<hbm>> -> memref<32xi32, #tpu.memory_space<hbm>>
      %dma_wait3A_53 = tpu.memref_slice %arg3[%add3A_6] : memref<4096xi32, #tpu.memory_space<hbm>> -> memref<32xi32, #tpu.memory_space<hbm>>
      tpu.wait_dma2 semaphore(%run_scoped3A : memref<!tpu.dma_semaphore, #tpu.memory_space<semaphore_mem>>) src(%dma_wait3A_53 : memref<32xi32, #tpu.memory_space<hbm>>) dst(%arg7 : memref<32xi32, #tpu.memory_space<vmem>>)
      tpu.yield
    }) : () -> ()
    %dma_start3A = arith.constant 0 : i32
    %dma_start3A_7 = arith.constant 0 : i32
    %dma_start3A_8 = tpu.memref_slice %arg2[%dma_start3A, %dma_start3A_7] : memref<6144x1024xf32, #tpu.memory_space<hbm>> -> memref<6144x1024xf32, #tpu.memory_space<hbm>>
    tpu.enqueue_indirect_dma source(%dma_start3A_8 : memref<6144x1024xf32, #tpu.memory_space<hbm>>) target(%arg8 : memref<32x1024xf32, #tpu.memory_space<vmem>>) offsets(%arg6 : memref<32xi32, #tpu.memory_space<vmem>>) semaphore(%arg12 : memref<!tpu.dma_semaphore, #tpu.memory_space<semaphore_mem>>)
    %dma_start3A_9 = arith.constant 0 : i32
    %dma_start3A_10 = arith.constant 0 : i32
    %dma_start3A_11 = tpu.memref_slice %arg2[%dma_start3A_9, %dma_start3A_10] : memref<6144x1024xf32, #tpu.memory_space<hbm>> -> memref<6144x1024xf32, #tpu.memory_space<hbm>>
    tpu.enqueue_indirect_dma source(%dma_start3A_11 : memref<6144x1024xf32, #tpu.memory_space<hbm>>) target(%arg9 : memref<32x1024xf32, #tpu.memory_space<vmem>>) offsets(%arg7 : memref<32xi32, #tpu.memory_space<vmem>>) semaphore(%arg13 : memref<!tpu.dma_semaphore, #tpu.memory_space<semaphore_mem>>)
    "tpu.region"() ({
      %run_scoped3A = tpu.sem_alloc : memref<!tpu.dma_semaphore, #tpu.memory_space<semaphore_mem>>
      %dma_start3A_50 = arith.constant 0 : i32
      %dma_start3A_51 = tpu.memref_slice %arg4[%add3A_4, %dma_start3A_50] : memref<4096x128xf32, #tpu.memory_space<hbm>> -> memref<32x128xf32, #tpu.memory_space<hbm>>
      %dma_start3A_52 = arith.constant 0 : i32
      %dma_start3A_53 = tpu.memref_slice %arg4[%add3A_4, %dma_start3A_52] : memref<4096x128xf32, #tpu.memory_space<hbm>> -> memref<32x128xf32, #tpu.memory_space<hbm>>
      tpu.enqueue_dma source(%dma_start3A_53 : memref<32x128xf32, #tpu.memory_space<hbm>>) target(%arg10 : memref<32x128xf32, #tpu.memory_space<vmem>>) target_semaphore(%run_scoped3A : memref<!tpu.dma_semaphore, #tpu.memory_space<semaphore_mem>>)
      %dma_wait3A_54 = arith.constant 0 : i32
      %dma_wait3A_55 = tpu.memref_slice %arg4[%add3A_4, %dma_wait3A_54] : memref<4096x128xf32, #tpu.memory_space<hbm>> -> memref<32x128xf32, #tpu.memory_space<hbm>>
      %dma_wait3A_56 = arith.constant 0 : i32
      %dma_wait3A_57 = tpu.memref_slice %arg4[%add3A_4, %dma_wait3A_56] : memref<4096x128xf32, #tpu.memory_space<hbm>> -> memref<32x128xf32, #tpu.memory_space<hbm>>
      tpu.wait_dma2 semaphore(%run_scoped3A : memref<!tpu.dma_semaphore, #tpu.memory_space<semaphore_mem>>) src(%dma_wait3A_57 : memref<32x128xf32, #tpu.memory_space<hbm>>) dst(%arg10 : memref<32x128xf32, #tpu.memory_space<vmem>>)
      tpu.yield
    }) : () -> ()
    %add3A_12 = arith.constant 2048 : i32
    %add3A_13 = arith.addi %add3A_12, %add3A_4 : i32
    "tpu.region"() ({
      %run_scoped3A = tpu.sem_alloc : memref<!tpu.dma_semaphore, #tpu.memory_space<semaphore_mem>>
      %dma_start3A_50 = arith.constant 0 : i32
      %dma_start3A_51 = tpu.memref_slice %arg4[%add3A_13, %dma_start3A_50] : memref<4096x128xf32, #tpu.memory_space<hbm>> -> memref<32x128xf32, #tpu.memory_space<hbm>>
      %dma_start3A_52 = arith.constant 0 : i32
      %dma_start3A_53 = tpu.memref_slice %arg4[%add3A_13, %dma_start3A_52] : memref<4096x128xf32, #tpu.memory_space<hbm>> -> memref<32x128xf32, #tpu.memory_space<hbm>>
      tpu.enqueue_dma source(%dma_start3A_53 : memref<32x128xf32, #tpu.memory_space<hbm>>) target(%arg11 : memref<32x128xf32, #tpu.memory_space<vmem>>) target_semaphore(%run_scoped3A : memref<!tpu.dma_semaphore, #tpu.memory_space<semaphore_mem>>)
      %dma_wait3A_54 = arith.constant 0 : i32
      %dma_wait3A_55 = tpu.memref_slice %arg4[%add3A_13, %dma_wait3A_54] : memref<4096x128xf32, #tpu.memory_space<hbm>> -> memref<32x128xf32, #tpu.memory_space<hbm>>
      %dma_wait3A_56 = arith.constant 0 : i32
      %dma_wait3A_57 = tpu.memref_slice %arg4[%add3A_13, %dma_wait3A_56] : memref<4096x128xf32, #tpu.memory_space<hbm>> -> memref<32x128xf32, #tpu.memory_space<hbm>>
      tpu.wait_dma2 semaphore(%run_scoped3A : memref<!tpu.dma_semaphore, #tpu.memory_space<semaphore_mem>>) src(%dma_wait3A_57 : memref<32x128xf32, #tpu.memory_space<hbm>>) dst(%arg11 : memref<32x128xf32, #tpu.memory_space<vmem>>)
      tpu.yield
    }) : () -> ()
    %dma_wait3A = arith.constant 0 : i32
    %dma_wait3A_14 = arith.constant 0 : i32
    %dma_wait3A_15 = tpu.memref_slice %arg2[%dma_wait3A, %dma_wait3A_14] : memref<6144x1024xf32, #tpu.memory_space<hbm>> -> memref<6144x1024xf32, #tpu.memory_space<hbm>>
    tpu.wait_indirect_dma semaphore(%arg12 : memref<!tpu.dma_semaphore, #tpu.memory_space<semaphore_mem>>) src(%dma_wait3A_15 : memref<6144x1024xf32, #tpu.memory_space<hbm>>) dst(%arg8 : memref<32x1024xf32, #tpu.memory_space<vmem>>)
    %dma_wait3A_16 = arith.constant 0 : i32
    %dma_wait3A_17 = arith.constant 0 : i32
    %dma_wait3A_18 = tpu.memref_slice %arg2[%dma_wait3A_16, %dma_wait3A_17] : memref<6144x1024xf32, #tpu.memory_space<hbm>> -> memref<6144x1024xf32, #tpu.memory_space<hbm>>
    tpu.wait_indirect_dma semaphore(%arg13 : memref<!tpu.dma_semaphore, #tpu.memory_space<semaphore_mem>>) src(%dma_wait3A_18 : memref<6144x1024xf32, #tpu.memory_space<hbm>>) dst(%arg9 : memref<32x1024xf32, #tpu.memory_space<vmem>>)
    %scan3A = arith.constant 0 : i32
    %scan3A_19 = arith.constant 0 : i32
    %scan3A_20 = arith.constant 32 : i32
    %scan3A_21 = arith.addi %scan3A_19, %scan3A_20 : i32
    %scan3A_22 = arith.constant 1 : i32
    scf.for %scan3A_50 = %scan3A_19 to %scan3A_21 step %scan3A_22  : i32 {
      %get3A = arith.index_cast %scan3A_50 : i32 to index
      %get3A_51 = arith.constant 0 : index
      %get3A_52 = tpu.vector_load %arg10[%get3A, %get3A_51] {strides = array<i32>} : memref<32x128xf32, #tpu.memory_space<vmem>>, vector<1x16xf32>,
      %get3A_53 = vector.shape_cast %get3A_52 : vector<1x16xf32> to vector<16xf32>
      %get3A_54 = arith.index_cast %scan3A_50 : i32 to index
      %get3A_55 = arith.constant 0 : index
      %get3A_56 = tpu.vector_load %arg11[%get3A_54, %get3A_55] {strides = array<i32>} : memref<32x128xf32, #tpu.memory_space<vmem>>, vector<1x16xf32>,
      %get3A_57 = vector.shape_cast %get3A_56 : vector<1x16xf32> to vector<16xf32>
      %get3A_58 = arith.index_cast %scan3A_50 : i32 to index
      %get3A_59 = arith.constant 0 : index
      %get3A_60 = tpu.vector_load %arg8[%get3A_58, %get3A_59] {strides = array<i32>} : memref<32x1024xf32, #tpu.memory_space<vmem>>, vector<1x16xf32>,
      %get3A_61 = vector.shape_cast %get3A_60 : vector<1x16xf32> to vector<16xf32>
      %mul3A_62 = arith.mulf %get3A_61, %get3A_53 : vector<16xf32>
      %get3A_63 = arith.index_cast %scan3A_50 : i32 to index
      %get3A_64 = arith.constant 0 : index
      %get3A_65 = tpu.vector_load %arg9[%get3A_63, %get3A_64] {strides = array<i32>} : memref<32x1024xf32, #tpu.memory_space<vmem>>, vector<1x16xf32>,
      %get3A_66 = vector.shape_cast %get3A_65 : vector<1x16xf32> to vector<16xf32>
      %mul3A_67 = arith.mulf %get3A_66, %get3A_57 : vector<16xf32>
      %add3A_68 = arith.addf %mul3A_62, %mul3A_67 : vector<16xf32>
      %swap3A = arith.index_cast %scan3A_50 : i32 to index
      %swap3A_69 = arith.constant 0 : index
      %swap3A_70 = tpu.vector_load %arg8[%swap3A, %swap3A_69] {strides = array<i32>} : memref<32x1024xf32, #tpu.memory_space<vmem>>, vector<1x16xf32>,
      %swap3A_71 = vector.shape_cast %swap3A_70 : vector<1x16xf32> to vector<16xf32>
      %swap3A_72 = vector.shape_cast %add3A_68 : vector<16xf32> to vector<1x16xf32>
      tpu.vector_store %arg8[%swap3A, %swap3A_69], %swap3A_72 {strides = array<i32>} : memref<32x1024xf32, #tpu.memory_space<vmem>>, vector<1x16xf32>,
      %get3A_73 = arith.index_cast %scan3A_50 : i32 to index
      %get3A_74 = arith.constant 16 : index
      %get3A_75 = tpu.vector_load %arg8[%get3A_73, %get3A_74] {strides = array<i32>} : memref<32x1024xf32, #tpu.memory_space<vmem>>, vector<1x16xf32>,
      %get3A_76 = vector.shape_cast %get3A_75 : vector<1x16xf32> to vector<16xf32>
      %mul3A_77 = arith.mulf %get3A_76, %get3A_53 : vector<16xf32>
      %get3A_78 = arith.index_cast %scan3A_50 : i32 to index
      %get3A_79 = arith.constant 16 : index
      %get3A_80 = tpu.vector_load %arg9[%get3A_78, %get3A_79] {strides = array<i32>} : memref<32x1024xf32, #tpu.memory_space<vmem>>, vector<1x16xf32>,
      %get3A_81 = vector.shape_cast %get3A_80 : vector<1x16xf32> to vector<16xf32>
      %mul3A_82 = arith.mulf %get3A_81, %get3A_57 : vector<16xf32>
      %add3A_83 = arith.addf %mul3A_77, %mul3A_82 : vector<16xf32>
      %swap3A_84 = arith.index_cast %scan3A_50 : i32 to index
      %swap3A_85 = arith.constant 16 : index
      %swap3A_86 = tpu.vector_load %arg8[%swap3A_84, %swap3A_85] {strides = array<i32>} : memref<32x1024xf32, #tpu.memory_space<vmem>>, vector<1x16xf32>,
      %swap3A_87 = vector.shape_cast %swap3A_86 : vector<1x16xf32> to vector<16xf32>
      %swap3A_88 = vector.shape_cast %add3A_83 : vector<16xf32> to vector<1x16xf32>
      tpu.vector_store %arg8[%swap3A_84, %swap3A_85], %swap3A_88 {strides = array<i32>} : memref<32x1024xf32, #tpu.memory_space<vmem>>, vector<1x16xf32>,
      %get3A_89 = arith.index_cast %scan3A_50 : i32 to index
      %get3A_90 = arith.constant 32 : index
      %get3A_91 = tpu.vector_load %arg8[%get3A_89, %get3A_90] {strides = array<i32>} : memref<32x1024xf32, #tpu.memory_space<vmem>>, vector<1x16xf32>,
      %get3A_92 = vector.shape_cast %get3A_91 : vector<1x16xf32> to vector<16xf32>
      %mul3A_93 = arith.mulf %get3A_92, %get3A_53 : vector<16xf32>
      %get3A_94 = arith.index_cast %scan3A_50 : i32 to index
      %get3A_95 = arith.constant 32 : index
      %get3A_96 = tpu.vector_load %arg9[%get3A_94, %get3A_95] {strides = array<i32>} : memref<32x1024xf32, #tpu.memory_space<vmem>>, vector<1x16xf32>,
      %get3A_97 = vector.shape_cast %get3A_96 : vector<1x16xf32> to vector<16xf32>
      %mul3A_98 = arith.mulf %get3A_97, %get3A_57 : vector<16xf32>
      %add3A_99 = arith.addf %mul3A_93, %mul3A_98 : vector<16xf32>
      %swap3A_100 = arith.index_cast %scan3A_50 : i32 to index
      %swap3A_101 = arith.constant 32 : index
      %swap3A_102 = tpu.vector_load %arg8[%swap3A_100, %swap3A_101] {strides = array<i32>} : memref<32x1024xf32, #tpu.memory_space<vmem>>, vector<1x16xf32>,
      %swap3A_103 = vector.shape_cast %swap3A_102 : vector<1x16xf32> to vector<16xf32>
      %swap3A_104 = vector.shape_cast %add3A_99 : vector<16xf32> to vector<1x16xf32>
      tpu.vector_store %arg8[%swap3A_100, %swap3A_101], %swap3A_104 {strides = array<i32>} : memref<32x1024xf32, #tpu.memory_space<vmem>>, vector<1x16xf32>,
      %get3A_105 = arith.index_cast %scan3A_50 : i32 to index
      %get3A_106 = arith.constant 48 : index
      %get3A_107 = tpu.vector_load %arg8[%get3A_105, %get3A_106] {strides = array<i32>} : memref<32x1024xf32, #tpu.memory_space<vmem>>, vector<1x16xf32>,
      %get3A_108 = vector.shape_cast %get3A_107 : vector<1x16xf32> to vector<16xf32>
      %mul3A_109 = arith.mulf %get3A_108, %get3A_53 : vector<16xf32>
      %get3A_110 = arith.index_cast %scan3A_50 : i32 to index
      %get3A_111 = arith.constant 48 : index
      %get3A_112 = tpu.vector_load %arg9[%get3A_110, %get3A_111] {strides = array<i32>} : memref<32x1024xf32, #tpu.memory_space<vmem>>, vector<1x16xf32>,
      %get3A_113 = vector.shape_cast %get3A_112 : vector<1x16xf32> to vector<16xf32>
      %mul3A_114 = arith.mulf %get3A_113, %get3A_57 : vector<16xf32>
      %add3A_115 = arith.addf %mul3A_109, %mul3A_114 : vector<16xf32>
      %swap3A_116 = arith.index_cast %scan3A_50 : i32 to index
      %swap3A_117 = arith.constant 48 : index
      %swap3A_118 = tpu.vector_load %arg8[%swap3A_116, %swap3A_117] {strides = array<i32>} : memref<32x1024xf32, #tpu.memory_space<vmem>>, vector<1x16xf32>,
      %swap3A_119 = vector.shape_cast %swap3A_118 : vector<1x16xf32> to vector<16xf32>
      %swap3A_120 = vector.shape_cast %add3A_115 : vector<16xf32> to vector<1x16xf32>
      tpu.vector_store %arg8[%swap3A_116, %swap3A_117], %swap3A_120 {strides = array<i32>} : memref<32x1024xf32, #tpu.memory_space<vmem>>, vector<1x16xf32>,
      %get3A_121 = arith.index_cast %scan3A_50 : i32 to index
      %get3A_122 = arith.constant 64 : index
      %get3A_123 = tpu.vector_load %arg8[%get3A_121, %get3A_122] {strides = array<i32>} : memref<32x1024xf32, #tpu.memory_space<vmem>>, vector<1x16xf32>,
      %get3A_124 = vector.shape_cast %get3A_123 : vector<1x16xf32> to vector<16xf32>
      %mul3A_125 = arith.mulf %get3A_124, %get3A_53 : vector<16xf32>
      %get3A_126 = arith.index_cast %scan3A_50 : i32 to index
      %get3A_127 = arith.constant 64 : index
      %get3A_128 = tpu.vector_load %arg9[%get3A_126, %get3A_127] {strides = array<i32>} : memref<32x1024xf32, #tpu.memory_space<vmem>>, vector<1x16xf32>,
      %get3A_129 = vector.shape_cast %get3A_128 : vector<1x16xf32> to vector<16xf32>
      %mul3A_130 = arith.mulf %get3A_129, %get3A_57 : vector<16xf32>
      %add3A_131 = arith.addf %mul3A_125, %mul3A_130 : vector<16xf32>
      %swap3A_132 = arith.index_cast %scan3A_50 : i32 to index
      %swap3A_133 = arith.constant 64 : index
      %swap3A_134 = tpu.vector_load %arg8[%swap3A_132, %swap3A_133] {strides = array<i32>} : memref<32x1024xf32, #tpu.memory_space<vmem>>, vector<1x16xf32>,
      %swap3A_135 = vector.shape_cast %swap3A_134 : vector<1x16xf32> to vector<16xf32>
      %swap3A_136 = vector.shape_cast %add3A_131 : vector<16xf32> to vector<1x16xf32>
      tpu.vector_store %arg8[%swap3A_132, %swap3A_133], %swap3A_136 {strides = array<i32>} : memref<32x1024xf32, #tpu.memory_space<vmem>>, vector<1x16xf32>,
      %get3A_137 = arith.index_cast %scan3A_50 : i32 to index
      %get3A_138 = arith.constant 80 : index
      %get3A_139 = tpu.vector_load %arg8[%get3A_137, %get3A_138] {strides = array<i32>} : memref<32x1024xf32, #tpu.memory_space<vmem>>, vector<1x16xf32>,
      %get3A_140 = vector.shape_cast %get3A_139 : vector<1x16xf32> to vector<16xf32>
      %mul3A_141 = arith.mulf %get3A_140, %get3A_53 : vector<16xf32>
      %get3A_142 = arith.index_cast %scan3A_50 : i32 to index
      %get3A_143 = arith.constant 80 : index
      %get3A_144 = tpu.vector_load %arg9[%get3A_142, %get3A_143] {strides = array<i32>} : memref<32x1024xf32, #tpu.memory_space<vmem>>, vector<1x16xf32>,
      %get3A_145 = vector.shape_cast %get3A_144 : vector<1x16xf32> to vector<16xf32>
      %mul3A_146 = arith.mulf %get3A_145, %get3A_57 : vector<16xf32>
      %add3A_147 = arith.addf %mul3A_141, %mul3A_146 : vector<16xf32>
      %swap3A_148 = arith.index_cast %scan3A_50 : i32 to index
      %swap3A_149 = arith.constant 80 : index
      %swap3A_150 = tpu.vector_load %arg8[%swap3A_148, %swap3A_149] {strides = array<i32>} : memref<32x1024xf32, #tpu.memory_space<vmem>>, vector<1x16xf32>,
      %swap3A_151 = vector.shape_cast %swap3A_150 : vector<1x16xf32> to vector<16xf32>
      %swap3A_152 = vector.shape_cast %add3A_147 : vector<16xf32> to vector<1x16xf32>
      tpu.vector_store %arg8[%swap3A_148, %swap3A_149], %swap3A_152 {strides = array<i32>} : memref<32x1024xf32, #tpu.memory_space<vmem>>, vector<1x16xf32>,
      %get3A_153 = arith.index_cast %scan3A_50 : i32 to index
      %get3A_154 = arith.constant 96 : index
      %get3A_155 = tpu.vector_load %arg8[%get3A_153, %get3A_154] {strides = array<i32>} : memref<32x1024xf32, #tpu.memory_space<vmem>>, vector<1x16xf32>,
      %get3A_156 = vector.shape_cast %get3A_155 : vector<1x16xf32> to vector<16xf32>
      %mul3A_157 = arith.mulf %get3A_156, %get3A_53 : vector<16xf32>
      %get3A_158 = arith.index_cast %scan3A_50 : i32 to index
      %get3A_159 = arith.constant 96 : index
      %get3A_160 = tpu.vector_load %arg9[%get3A_158, %get3A_159] {strides = array<i32>} : memref<32x1024xf32, #tpu.memory_space<vmem>>, vector<1x16xf32>,
      %get3A_161 = vector.shape_cast %get3A_160 : vector<1x16xf32> to vector<16xf32>
      %mul3A_162 = arith.mulf %get3A_161, %get3A_57 : vector<16xf32>
      %add3A_163 = arith.addf %mul3A_157, %mul3A_162 : vector<16xf32>
      %swap3A_164 = arith.index_cast %scan3A_50 : i32 to index
      %swap3A_165 = arith.constant 96 : index
      %swap3A_166 = tpu.vector_load %arg8[%swap3A_164, %swap3A_165] {strides = array<i32>} : memref<32x1024xf32, #tpu.memory_space<vmem>>, vector<1x16xf32>,
      %swap3A_167 = vector.shape_cast %swap3A_166 : vector<1x16xf32> to vector<16xf32>
      %swap3A_168 = vector.shape_cast %add3A_163 : vector<16xf32> to vector<1x16xf32>
      tpu.vector_store %arg8[%swap3A_164, %swap3A_165], %swap3A_168 {strides = array<i32>} : memref<32x1024xf32, #tpu.memory_space<vmem>>, vector<1x16xf32>,
      %get3A_169 = arith.index_cast %scan3A_50 : i32 to index
      %get3A_170 = arith.constant 112 : index
      %get3A_171 = tpu.vector_load %arg8[%get3A_169, %get3A_170] {strides = array<i32>} : memref<32x1024xf32, #tpu.memory_space<vmem>>, vector<1x16xf32>,
      %get3A_172 = vector.shape_cast %get3A_171 : vector<1x16xf32> to vector<16xf32>
      %mul3A_173 = arith.mulf %get3A_172, %get3A_53 : vector<16xf32>
      %get3A_174 = arith.index_cast %scan3A_50 : i32 to index
      %get3A_175 = arith.constant 112 : index
      %get3A_176 = tpu.vector_load %arg9[%get3A_174, %get3A_175] {strides = array<i32>} : memref<32x1024xf32, #tpu.memory_space<vmem>>, vector<1x16xf32>,
      %get3A_177 = vector.shape_cast %get3A_176 : vector<1x16xf32> to vector<16xf32>
      %mul3A_178 = arith.mulf %get3A_177, %get3A_57 : vector<16xf32>
      %add3A_179 = arith.addf %mul3A_173, %mul3A_178 : vector<16xf32>
      %swap3A_180 = arith.index_cast %scan3A_50 : i32 to index
      %swap3A_181 = arith.constant 112 : index
      %swap3A_182 = tpu.vector_load %arg8[%swap3A_180, %swap3A_181] {strides = array<i32>} : memref<32x1024xf32, #tpu.memory_space<vmem>>, vector<1x16xf32>,
      %swap3A_183 = vector.shape_cast %swap3A_182 : vector<1x16xf32> to vector<16xf32>
      %swap3A_184 = vector.shape_cast %add3A_179 : vector<16xf32> to vector<1x16xf32>
      tpu.vector_store %arg8[%swap3A_180, %swap3A_181], %swap3A_184 {strides = array<i32>} : memref<32x1024xf32, #tpu.memory_space<vmem>>, vector<1x16xf32>,
      %get3A_185 = arith.index_cast %scan3A_50 : i32 to index
      %get3A_186 = arith.constant 128 : index
      %get3A_187 = tpu.vector_load %arg8[%get3A_185, %get3A_186] {strides = array<i32>} : memref<32x1024xf32, #tpu.memory_space<vmem>>, vector<1x16xf32>,
      %get3A_188 = vector.shape_cast %get3A_187 : vector<1x16xf32> to vector<16xf32>
      %mul3A_189 = arith.mulf %get3A_188, %get3A_53 : vector<16xf32>
      %get3A_190 = arith.index_cast %scan3A_50 : i32 to index
      %get3A_191 = arith.constant 128 : index
      %get3A_192 = tpu.vector_load %arg9[%get3A_190, %get3A_191] {strides = array<i32>} : memref<32x1024xf32, #tpu.memory_space<vmem>>, vector<1x16xf32>,
      %get3A_193 = vector.shape_cast %get3A_192 : vector<1x16xf32> to vector<16xf32>
      %mul3A_194 = arith.mulf %get3A_193, %get3A_57 : vector<16xf32>
      %add3A_195 = arith.addf %mul3A_189, %mul3A_194 : vector<16xf32>
      %swap3A_196 = arith.index_cast %scan3A_50 : i32 to index
      %swap3A_197 = arith.constant 128 : index
      %swap3A_198 = tpu.vector_load %arg8[%swap3A_196, %swap3A_197] {strides = array<i32>} : memref<32x1024xf32, #tpu.memory_space<vmem>>, vector<1x16xf32>,
      %swap3A_199 = vector.shape_cast %swap3A_198 : vector<1x16xf32> to vector<16xf32>
      %swap3A_200 = vector.shape_cast %add3A_195 : vector<16xf32> to vector<1x16xf32>
      tpu.vector_store %arg8[%swap3A_196, %swap3A_197], %swap3A_200 {strides = array<i32>} : memref<32x1024xf32, #tpu.memory_space<vmem>>, vector<1x16xf32>,
      %get3A_201 = arith.index_cast %scan3A_50 : i32 to index
      %get3A_202 = arith.constant 144 : index
      %get3A_203 = tpu.vector_load %arg8[%get3A_201, %get3A_202] {strides = array<i32>} : memref<32x1024xf32, #tpu.memory_space<vmem>>, vector<1x16xf32>,
      %get3A_204 = vector.shape_cast %get3A_203 : vector<1x16xf32> to vector<16xf32>
      %mul3A_205 = arith.mulf %get3A_204, %get3A_53 : vector<16xf32>
      %get3A_206 = arith.index_cast %scan3A_50 : i32 to index
      %get3A_207 = arith.constant 144 : index
      %get3A_208 = tpu.vector_load %arg9[%get3A_206, %get3A_207] {strides = array<i32>} : memref<32x1024xf32, #tpu.memory_space<vmem>>, vector<1x16xf32>,
      %get3A_209 = vector.shape_cast %get3A_208 : vector<1x16xf32> to vector<16xf32>
      %mul3A_210 = arith.mulf %get3A_209, %get3A_57 : vector<16xf32>
      %add3A_211 = arith.addf %mul3A_205, %mul3A_210 : vector<16xf32>
      %swap3A_212 = arith.index_cast %scan3A_50 : i32 to index
      %swap3A_213 = arith.constant 144 : index
      %swap3A_214 = tpu.vector_load %arg8[%swap3A_212, %swap3A_213] {strides = array<i32>} : memref<32x1024xf32, #tpu.memory_space<vmem>>, vector<1x16xf32>,
      %swap3A_215 = vector.shape_cast %swap3A_214 : vector<1x16xf32> to vector<16xf32>
      %swap3A_216 = vector.shape_cast %add3A_211 : vector<16xf32> to vector<1x16xf32>
      tpu.vector_store %arg8[%swap3A_212, %swap3A_213], %swap3A_216 {strides = array<i32>} : memref<32x1024xf32, #tpu.memory_space<vmem>>, vector<1x16xf32>,
      %get3A_217 = arith.index_cast %scan3A_50 : i32 to index
      %get3A_218 = arith.constant 160 : index
      %get3A_219 = tpu.vector_load %arg8[%get3A_217, %get3A_218] {strides = array<i32>} : memref<32x1024xf32, #tpu.memory_space<vmem>>, vector<1x16xf32>,
      %get3A_220 = vector.shape_cast %get3A_219 : vector<1x16xf32> to vector<16xf32>
      %mul3A_221 = arith.mulf %get3A_220, %get3A_53 : vector<16xf32>
      %get3A_222 = arith.index_cast %scan3A_50 : i32 to index
      %get3A_223 = arith.constant 160 : index
      %get3A_224 = tpu.vector_load %arg9[%get3A_222, %get3A_223] {strides = array<i32>} : memref<32x1024xf32, #tpu.memory_space<vmem>>, vector<1x16xf32>,
      %get3A_225 = vector.shape_cast %get3A_224 : vector<1x16xf32> to vector<16xf32>
      %mul3A_226 = arith.mulf %get3A_225, %get3A_57 : vector<16xf32>
      %add3A_227 = arith.addf %mul3A_221, %mul3A_226 : vector<16xf32>
      %swap3A_228 = arith.index_cast %scan3A_50 : i32 to index
      %swap3A_229 = arith.constant 160 : index
      %swap3A_230 = tpu.vector_load %arg8[%swap3A_228, %swap3A_229] {strides = array<i32>} : memref<32x1024xf32, #tpu.memory_space<vmem>>, vector<1x16xf32>,
      %swap3A_231 = vector.shape_cast %swap3A_230 : vector<1x16xf32> to vector<16xf32>
      %swap3A_232 = vector.shape_cast %add3A_227 : vector<16xf32> to vector<1x16xf32>
      tpu.vector_store %arg8[%swap3A_228, %swap3A_229], %swap3A_232 {strides = array<i32>} : memref<32x1024xf32, #tpu.memory_space<vmem>>, vector<1x16xf32>,
      %get3A_233 = arith.index_cast %scan3A_50 : i32 to index
      %get3A_234 = arith.constant 176 : index
      %get3A_235 = tpu.vector_load %arg8[%get3A_233, %get3A_234] {strides = array<i32>} : memref<32x1024xf32, #tpu.memory_space<vmem>>, vector<1x16xf32>,
      %get3A_236 = vector.shape_cast %get3A_235 : vector<1x16xf32> to vector<16xf32>
      %mul3A_237 = arith.mulf %get3A_236, %get3A_53 : vector<16xf32>
      %get3A_238 = arith.index_cast %scan3A_50 : i32 to index
      %get3A_239 = arith.constant 176 : index
      %get3A_240 = tpu.vector_load %arg9[%get3A_238, %get3A_239] {strides = array<i32>} : memref<32x1024xf32, #tpu.memory_space<vmem>>, vector<1x16xf32>,
      %get3A_241 = vector.shape_cast %get3A_240 : vector<1x16xf32> to vector<16xf32>
      %mul3A_242 = arith.mulf %get3A_241, %get3A_57 : vector<16xf32>
      %add3A_243 = arith.addf %mul3A_237, %mul3A_242 : vector<16xf32>
      %swap3A_244 = arith.index_cast %scan3A_50 : i32 to index
      %swap3A_245 = arith.constant 176 : index
      %swap3A_246 = tpu.vector_load %arg8[%swap3A_244, %swap3A_245] {strides = array<i32>} : memref<32x1024xf32, #tpu.memory_space<vmem>>, vector<1x16xf32>,
      %swap3A_247 = vector.shape_cast %swap3A_246 : vector<1x16xf32> to vector<16xf32>
      %swap3A_248 = vector.shape_cast %add3A_243 : vector<16xf32> to vector<1x16xf32>
      tpu.vector_store %arg8[%swap3A_244, %swap3A_245], %swap3A_248 {strides = array<i32>} : memref<32x1024xf32, #tpu.memory_space<vmem>>, vector<1x16xf32>,
      %get3A_249 = arith.index_cast %scan3A_50 : i32 to index
      %get3A_250 = arith.constant 192 : index
      %get3A_251 = tpu.vector_load %arg8[%get3A_249, %get3A_250] {strides = array<i32>} : memref<32x1024xf32, #tpu.memory_space<vmem>>, vector<1x16xf32>,
      %get3A_252 = vector.shape_cast %get3A_251 : vector<1x16xf32> to vector<16xf32>
      %mul3A_253 = arith.mulf %get3A_252, %get3A_53 : vector<16xf32>
      %get3A_254 = arith.index_cast %scan3A_50 : i32 to index
      %get3A_255 = arith.constant 192 : index
      %get3A_256 = tpu.vector_load %arg9[%get3A_254, %get3A_255] {strides = array<i32>} : memref<32x1024xf32, #tpu.memory_space<vmem>>, vector<1x16xf32>,
      %get3A_257 = vector.shape_cast %get3A_256 : vector<1x16xf32> to vector<16xf32>
      %mul3A_258 = arith.mulf %get3A_257, %get3A_57 : vector<16xf32>
      %add3A_259 = arith.addf %mul3A_253, %mul3A_258 : vector<16xf32>
      %swap3A_260 = arith.index_cast %scan3A_50 : i32 to index
      %swap3A_261 = arith.constant 192 : index
      %swap3A_262 = tpu.vector_load %arg8[%swap3A_260, %swap3A_261] {strides = array<i32>} : memref<32x1024xf32, #tpu.memory_space<vmem>>, vector<1x16xf32>,
      %swap3A_263 = vector.shape_cast %swap3A_262 : vector<1x16xf32> to vector<16xf32>
      %swap3A_264 = vector.shape_cast %add3A_259 : vector<16xf32> to vector<1x16xf32>
      tpu.vector_store %arg8[%swap3A_260, %swap3A_261], %swap3A_264 {strides = array<i32>} : memref<32x1024xf32, #tpu.memory_space<vmem>>, vector<1x16xf32>,
      %get3A_265 = arith.index_cast %scan3A_50 : i32 to index
      %get3A_266 = arith.constant 208 : index
      %get3A_267 = tpu.vector_load %arg8[%get3A_265, %get3A_266] {strides = array<i32>} : memref<32x1024xf32, #tpu.memory_space<vmem>>, vector<1x16xf32>,
      %get3A_268 = vector.shape_cast %get3A_267 : vector<1x16xf32> to vector<16xf32>
      %mul3A_269 = arith.mulf %get3A_268, %get3A_53 : vector<16xf32>
      %get3A_270 = arith.index_cast %scan3A_50 : i32 to index
      %get3A_271 = arith.constant 208 : index
      %get3A_272 = tpu.vector_load %arg9[%get3A_270, %get3A_271] {strides = array<i32>} : memref<32x1024xf32, #tpu.memory_space<vmem>>, vector<1x16xf32>,
      %get3A_273 = vector.shape_cast %get3A_272 : vector<1x16xf32> to vector<16xf32>
      %mul3A_274 = arith.mulf %get3A_273, %get3A_57 : vector<16xf32>
      %add3A_275 = arith.addf %mul3A_269, %mul3A_274 : vector<16xf32>
      %swap3A_276 = arith.index_cast %scan3A_50 : i32 to index
      %swap3A_277 = arith.constant 208 : index
      %swap3A_278 = tpu.vector_load %arg8[%swap3A_276, %swap3A_277] {strides = array<i32>} : memref<32x1024xf32, #tpu.memory_space<vmem>>, vector<1x16xf32>,
      %swap3A_279 = vector.shape_cast %swap3A_278 : vector<1x16xf32> to vector<16xf32>
      %swap3A_280 = vector.shape_cast %add3A_275 : vector<16xf32> to vector<1x16xf32>
      tpu.vector_store %arg8[%swap3A_276, %swap3A_277], %swap3A_280 {strides = array<i32>} : memref<32x1024xf32, #tpu.memory_space<vmem>>, vector<1x16xf32>,
      %get3A_281 = arith.index_cast %scan3A_50 : i32 to index
      %get3A_282 = arith.constant 224 : index
      %get3A_283 = tpu.vector_load %arg8[%get3A_281, %get3A_282] {strides = array<i32>} : memref<32x1024xf32, #tpu.memory_space<vmem>>, vector<1x16xf32>,
      %get3A_284 = vector.shape_cast %get3A_283 : vector<1x16xf32> to vector<16xf32>
      %mul3A_285 = arith.mulf %get3A_284, %get3A_53 : vector<16xf32>
      %get3A_286 = arith.index_cast %scan3A_50 : i32 to index
      %get3A_287 = arith.constant 224 : index
      %get3A_288 = tpu.vector_load %arg9[%get3A_286, %get3A_287] {strides = array<i32>} : memref<32x1024xf32, #tpu.memory_space<vmem>>, vector<1x16xf32>,
      %get3A_289 = vector.shape_cast %get3A_288 : vector<1x16xf32> to vector<16xf32>
      %mul3A_290 = arith.mulf %get3A_289, %get3A_57 : vector<16xf32>
      %add3A_291 = arith.addf %mul3A_285, %mul3A_290 : vector<16xf32>
      %swap3A_292 = arith.index_cast %scan3A_50 : i32 to index
      %swap3A_293 = arith.constant 224 : index
      %swap3A_294 = tpu.vector_load %arg8[%swap3A_292, %swap3A_293] {strides = array<i32>} : memref<32x1024xf32, #tpu.memory_space<vmem>>, vector<1x16xf32>,
      %swap3A_295 = vector.shape_cast %swap3A_294 : vector<1x16xf32> to vector<16xf32>
      %swap3A_296 = vector.shape_cast %add3A_291 : vector<16xf32> to vector<1x16xf32>
      tpu.vector_store %arg8[%swap3A_292, %swap3A_293], %swap3A_296 {strides = array<i32>} : memref<32x1024xf32, #tpu.memory_space<vmem>>, vector<1x16xf32>,
      %get3A_297 = arith.index_cast %scan3A_50 : i32 to index
      %get3A_298 = arith.constant 240 : index
      %get3A_299 = tpu.vector_load %arg8[%get3A_297, %get3A_298] {strides = array<i32>} : memref<32x1024xf32, #tpu.memory_space<vmem>>, vector<1x16xf32>,
      %get3A_300 = vector.shape_cast %get3A_299 : vector<1x16xf32> to vector<16xf32>
      %mul3A_301 = arith.mulf %get3A_300, %get3A_53 : vector<16xf32>
      %get3A_302 = arith.index_cast %scan3A_50 : i32 to index
      %get3A_303 = arith.constant 240 : index
      %get3A_304 = tpu.vector_load %arg9[%get3A_302, %get3A_303] {strides = array<i32>} : memref<32x1024xf32, #tpu.memory_space<vmem>>, vector<1x16xf32>,
      %get3A_305 = vector.shape_cast %get3A_304 : vector<1x16xf32> to vector<16xf32>
      %mul3A_306 = arith.mulf %get3A_305, %get3A_57 : vector<16xf32>
      %add3A_307 = arith.addf %mul3A_301, %mul3A_306 : vector<16xf32>
      %swap3A_308 = arith.index_cast %scan3A_50 : i32 to index
      %swap3A_309 = arith.constant 240 : index
      %swap3A_310 = tpu.vector_load %arg8[%swap3A_308, %swap3A_309] {strides = array<i32>} : memref<32x1024xf32, #tpu.memory_space<vmem>>, vector<1x16xf32>,
      %swap3A_311 = vector.shape_cast %swap3A_310 : vector<1x16xf32> to vector<16xf32>
      %swap3A_312 = vector.shape_cast %add3A_307 : vector<16xf32> to vector<1x16xf32>
      tpu.vector_store %arg8[%swap3A_308, %swap3A_309], %swap3A_312 {strides = array<i32>} : memref<32x1024xf32, #tpu.memory_space<vmem>>, vector<1x16xf32>,
      %get3A_313 = arith.index_cast %scan3A_50 : i32 to index
      %get3A_314 = arith.constant 256 : index
      %get3A_315 = tpu.vector_load %arg8[%get3A_313, %get3A_314] {strides = array<i32>} : memref<32x1024xf32, #tpu.memory_space<vmem>>, vector<1x16xf32>,
      %get3A_316 = vector.shape_cast %get3A_315 : vector<1x16xf32> to vector<16xf32>
      %mul3A_317 = arith.mulf %get3A_316, %get3A_53 : vector<16xf32>
      %get3A_318 = arith.index_cast %scan3A_50 : i32 to index
      %get3A_319 = arith.constant 256 : index
      %get3A_320 = tpu.vector_load %arg9[%get3A_318, %get3A_319] {strides = array<i32>} : memref<32x1024xf32, #tpu.memory_space<vmem>>, vector<1x16xf32>,
      %get3A_321 = vector.shape_cast %get3A_320 : vector<1x16xf32> to vector<16xf32>
      %mul3A_322 = arith.mulf %get3A_321, %get3A_57 : vector<16xf32>
      %add3A_323 = arith.addf %mul3A_317, %mul3A_322 : vector<16xf32>
      %swap3A_324 = arith.index_cast %scan3A_50 : i32 to index
      %swap3A_325 = arith.constant 256 : index
      %swap3A_326 = tpu.vector_load %arg8[%swap3A_324, %swap3A_325] {strides = array<i32>} : memref<32x1024xf32, #tpu.memory_space<vmem>>, vector<1x16xf32>,
      %swap3A_327 = vector.shape_cast %swap3A_326 : vector<1x16xf32> to vector<16xf32>
      %swap3A_328 = vector.shape_cast %add3A_323 : vector<16xf32> to vector<1x16xf32>
      tpu.vector_store %arg8[%swap3A_324, %swap3A_325], %swap3A_328 {strides = array<i32>} : memref<32x1024xf32, #tpu.memory_space<vmem>>, vector<1x16xf32>,
      %get3A_329 = arith.index_cast %scan3A_50 : i32 to index
      %get3A_330 = arith.constant 272 : index
      %get3A_331 = tpu.vector_load %arg8[%get3A_329, %get3A_330] {strides = array<i32>} : memref<32x1024xf32, #tpu.memory_space<vmem>>, vector<1x16xf32>,
      %get3A_332 = vector.shape_cast %get3A_331 : vector<1x16xf32> to vector<16xf32>
      %mul3A_333 = arith.mulf %get3A_332, %get3A_53 : vector<16xf32>
      %get3A_334 = arith.index_cast %scan3A_50 : i32 to index
      %get3A_335 = arith.constant 272 : index
      %get3A_336 = tpu.vector_load %arg9[%get3A_334, %get3A_335] {strides = array<i32>} : memref<32x1024xf32, #tpu.memory_space<vmem>>, vector<1x16xf32>,
      %get3A_337 = vector.shape_cast %get3A_336 : vector<1x16xf32> to vector<16xf32>
      %mul3A_338 = arith.mulf %get3A_337, %get3A_57 : vector<16xf32>
      %add3A_339 = arith.addf %mul3A_333, %mul3A_338 : vector<16xf32>
      %swap3A_340 = arith.index_cast %scan3A_50 : i32 to index
      %swap3A_341 = arith.constant 272 : index
      %swap3A_342 = tpu.vector_load %arg8[%swap3A_340, %swap3A_341] {strides = array<i32>} : memref<32x1024xf32, #tpu.memory_space<vmem>>, vector<1x16xf32>,
      %swap3A_343 = vector.shape_cast %swap3A_342 : vector<1x16xf32> to vector<16xf32>
      %swap3A_344 = vector.shape_cast %add3A_339 : vector<16xf32> to vector<1x16xf32>
      tpu.vector_store %arg8[%swap3A_340, %swap3A_341], %swap3A_344 {strides = array<i32>} : memref<32x1024xf32, #tpu.memory_space<vmem>>, vector<1x16xf32>,
      %get3A_345 = arith.index_cast %scan3A_50 : i32 to index
      %get3A_346 = arith.constant 288 : index
      %get3A_347 = tpu.vector_load %arg8[%get3A_345, %get3A_346] {strides = array<i32>} : memref<32x1024xf32, #tpu.memory_space<vmem>>, vector<1x16xf32>,
      %get3A_348 = vector.shape_cast %get3A_347 : vector<1x16xf32> to vector<16xf32>
      %mul3A_349 = arith.mulf %get3A_348, %get3A_53 : vector<16xf32>
      %get3A_350 = arith.index_cast %scan3A_50 : i32 to index
      %get3A_351 = arith.constant 288 : index
      %get3A_352 = tpu.vector_load %arg9[%get3A_350, %get3A_351] {strides = array<i32>} : memref<32x1024xf32, #tpu.memory_space<vmem>>, vector<1x16xf32>,
      %get3A_353 = vector.shape_cast %get3A_352 : vector<1x16xf32> to vector<16xf32>
      %mul3A_354 = arith.mulf %get3A_353, %get3A_57 : vector<16xf32>
      %add3A_355 = arith.addf %mul3A_349, %mul3A_354 : vector<16xf32>
      %swap3A_356 = arith.index_cast %scan3A_50 : i32 to index
      %swap3A_357 = arith.constant 288 : index
      %swap3A_358 = tpu.vector_load %arg8[%swap3A_356, %swap3A_357] {strides = array<i32>} : memref<32x1024xf32, #tpu.memory_space<vmem>>, vector<1x16xf32>,
      %swap3A_359 = vector.shape_cast %swap3A_358 : vector<1x16xf32> to vector<16xf32>
      %swap3A_360 = vector.shape_cast %add3A_355 : vector<16xf32> to vector<1x16xf32>
      tpu.vector_store %arg8[%swap3A_356, %swap3A_357], %swap3A_360 {strides = array<i32>} : memref<32x1024xf32, #tpu.memory_space<vmem>>, vector<1x16xf32>,
      %get3A_361 = arith.index_cast %scan3A_50 : i32 to index
      %get3A_362 = arith.constant 304 : index
      %get3A_363 = tpu.vector_load %arg8[%get3A_361, %get3A_362] {strides = array<i32>} : memref<32x1024xf32, #tpu.memory_space<vmem>>, vector<1x16xf32>,
      %get3A_364 = vector.shape_cast %get3A_363 : vector<1x16xf32> to vector<16xf32>
      %mul3A_365 = arith.mulf %get3A_364, %get3A_53 : vector<16xf32>
      %get3A_366 = arith.index_cast %scan3A_50 : i32 to index
      %get3A_367 = arith.constant 304 : index
      %get3A_368 = tpu.vector_load %arg9[%get3A_366, %get3A_367] {strides = array<i32>} : memref<32x1024xf32, #tpu.memory_space<vmem>>, vector<1x16xf32>,
      %get3A_369 = vector.shape_cast %get3A_368 : vector<1x16xf32> to vector<16xf32>
      %mul3A_370 = arith.mulf %get3A_369, %get3A_57 : vector<16xf32>
      %add3A_371 = arith.addf %mul3A_365, %mul3A_370 : vector<16xf32>
      %swap3A_372 = arith.index_cast %scan3A_50 : i32 to index
      %swap3A_373 = arith.constant 304 : index
      %swap3A_374 = tpu.vector_load %arg8[%swap3A_372, %swap3A_373] {strides = array<i32>} : memref<32x1024xf32, #tpu.memory_space<vmem>>, vector<1x16xf32>,
      %swap3A_375 = vector.shape_cast %swap3A_374 : vector<1x16xf32> to vector<16xf32>
      %swap3A_376 = vector.shape_cast %add3A_371 : vector<16xf32> to vector<1x16xf32>
      tpu.vector_store %arg8[%swap3A_372, %swap3A_373], %swap3A_376 {strides = array<i32>} : memref<32x1024xf32, #tpu.memory_space<vmem>>, vector<1x16xf32>,
      %get3A_377 = arith.index_cast %scan3A_50 : i32 to index
      %get3A_378 = arith.constant 320 : index
      %get3A_379 = tpu.vector_load %arg8[%get3A_377, %get3A_378] {strides = array<i32>} : memref<32x1024xf32, #tpu.memory_space<vmem>>, vector<1x16xf32>,
      %get3A_380 = vector.shape_cast %get3A_379 : vector<1x16xf32> to vector<16xf32>
      %mul3A_381 = arith.mulf %get3A_380, %get3A_53 : vector<16xf32>
      %get3A_382 = arith.index_cast %scan3A_50 : i32 to index
      %get3A_383 = arith.constant 320 : index
      %get3A_384 = tpu.vector_load %arg9[%get3A_382, %get3A_383] {strides = array<i32>} : memref<32x1024xf32, #tpu.memory_space<vmem>>, vector<1x16xf32>,
      %get3A_385 = vector.shape_cast %get3A_384 : vector<1x16xf32> to vector<16xf32>
      %mul3A_386 = arith.mulf %get3A_385, %get3A_57 : vector<16xf32>
      %add3A_387 = arith.addf %mul3A_381, %mul3A_386 : vector<16xf32>
      %swap3A_388 = arith.index_cast %scan3A_50 : i32 to index
      %swap3A_389 = arith.constant 320 : index
      %swap3A_390 = tpu.vector_load %arg8[%swap3A_388, %swap3A_389] {strides = array<i32>} : memref<32x1024xf32, #tpu.memory_space<vmem>>, vector<1x16xf32>,
      %swap3A_391 = vector.shape_cast %swap3A_390 : vector<1x16xf32> to vector<16xf32>
      %swap3A_392 = vector.shape_cast %add3A_387 : vector<16xf32> to vector<1x16xf32>
      tpu.vector_store %arg8[%swap3A_388, %swap3A_389], %swap3A_392 {strides = array<i32>} : memref<32x1024xf32, #tpu.memory_space<vmem>>, vector<1x16xf32>,
      %get3A_393 = arith.index_cast %scan3A_50 : i32 to index
      %get3A_394 = arith.constant 336 : index
      %get3A_395 = tpu.vector_load %arg8[%get3A_393, %get3A_394] {strides = array<i32>} : memref<32x1024xf32, #tpu.memory_space<vmem>>, vector<1x16xf32>,
      %get3A_396 = vector.shape_cast %get3A_395 : vector<1x16xf32> to vector<16xf32>
      %mul3A_397 = arith.mulf %get3A_396, %get3A_53 : vector<16xf32>
      %get3A_398 = arith.index_cast %scan3A_50 : i32 to index
      %get3A_399 = arith.constant 336 : index
      %get3A_400 = tpu.vector_load %arg9[%get3A_398, %get3A_399] {strides = array<i32>} : memref<32x1024xf32, #tpu.memory_space<vmem>>, vector<1x16xf32>,
      %get3A_401 = vector.shape_cast %get3A_400 : vector<1x16xf32> to vector<16xf32>
      %mul3A_402 = arith.mulf %get3A_401, %get3A_57 : vector<16xf32>
      %add3A_403 = arith.addf %mul3A_397, %mul3A_402 : vector<16xf32>
      %swap3A_404 = arith.index_cast %scan3A_50 : i32 to index
      %swap3A_405 = arith.constant 336 : index
      %swap3A_406 = tpu.vector_load %arg8[%swap3A_404, %swap3A_405] {strides = array<i32>} : memref<32x1024xf32, #tpu.memory_space<vmem>>, vector<1x16xf32>,
      %swap3A_407 = vector.shape_cast %swap3A_406 : vector<1x16xf32> to vector<16xf32>
      %swap3A_408 = vector.shape_cast %add3A_403 : vector<16xf32> to vector<1x16xf32>
      tpu.vector_store %arg8[%swap3A_404, %swap3A_405], %swap3A_408 {strides = array<i32>} : memref<32x1024xf32, #tpu.memory_space<vmem>>, vector<1x16xf32>,
      %get3A_409 = arith.index_cast %scan3A_50 : i32 to index
      %get3A_410 = arith.constant 352 : index
      %get3A_411 = tpu.vector_load %arg8[%get3A_409, %get3A_410] {strides = array<i32>} : memref<32x1024xf32, #tpu.memory_space<vmem>>, vector<1x16xf32>,
      %get3A_412 = vector.shape_cast %get3A_411 : vector<1x16xf32> to vector<16xf32>
      %mul3A_413 = arith.mulf %get3A_412, %get3A_53 : vector<16xf32>
      %get3A_414 = arith.index_cast %scan3A_50 : i32 to index
      %get3A_415 = arith.constant 352 : index
      %get3A_416 = tpu.vector_load %arg9[%get3A_414, %get3A_415] {strides = array<i32>} : memref<32x1024xf32, #tpu.memory_space<vmem>>, vector<1x16xf32>,
      %get3A_417 = vector.shape_cast %get3A_416 : vector<1x16xf32> to vector<16xf32>
      %mul3A_418 = arith.mulf %get3A_417, %get3A_57 : vector<16xf32>
      %add3A_419 = arith.addf %mul3A_413, %mul3A_418 : vector<16xf32>
      %swap3A_420 = arith.index_cast %scan3A_50 : i32 to index
      %swap3A_421 = arith.constant 352 : index
      %swap3A_422 = tpu.vector_load %arg8[%swap3A_420, %swap3A_421] {strides = array<i32>} : memref<32x1024xf32, #tpu.memory_space<vmem>>, vector<1x16xf32>,
      %swap3A_423 = vector.shape_cast %swap3A_422 : vector<1x16xf32> to vector<16xf32>
      %swap3A_424 = vector.shape_cast %add3A_419 : vector<16xf32> to vector<1x16xf32>
      tpu.vector_store %arg8[%swap3A_420, %swap3A_421], %swap3A_424 {strides = array<i32>} : memref<32x1024xf32, #tpu.memory_space<vmem>>, vector<1x16xf32>,
      %get3A_425 = arith.index_cast %scan3A_50 : i32 to index
      %get3A_426 = arith.constant 368 : index
      %get3A_427 = tpu.vector_load %arg8[%get3A_425, %get3A_426] {strides = array<i32>} : memref<32x1024xf32, #tpu.memory_space<vmem>>, vector<1x16xf32>,
      %get3A_428 = vector.shape_cast %get3A_427 : vector<1x16xf32> to vector<16xf32>
      %mul3A_429 = arith.mulf %get3A_428, %get3A_53 : vector<16xf32>
      %get3A_430 = arith.index_cast %scan3A_50 : i32 to index
      %get3A_431 = arith.constant 368 : index
      %get3A_432 = tpu.vector_load %arg9[%get3A_430, %get3A_431] {strides = array<i32>} : memref<32x1024xf32, #tpu.memory_space<vmem>>, vector<1x16xf32>,
      %get3A_433 = vector.shape_cast %get3A_432 : vector<1x16xf32> to vector<16xf32>
      %mul3A_434 = arith.mulf %get3A_433, %get3A_57 : vector<16xf32>
      %add3A_435 = arith.addf %mul3A_429, %mul3A_434 : vector<16xf32>
      %swap3A_436 = arith.index_cast %scan3A_50 : i32 to index
      %swap3A_437 = arith.constant 368 : index
      %swap3A_438 = tpu.vector_load %arg8[%swap3A_436, %swap3A_437] {strides = array<i32>} : memref<32x1024xf32, #tpu.memory_space<vmem>>, vector<1x16xf32>,
      %swap3A_439 = vector.shape_cast %swap3A_438 : vector<1x16xf32> to vector<16xf32>
      %swap3A_440 = vector.shape_cast %add3A_435 : vector<16xf32> to vector<1x16xf32>
      tpu.vector_store %arg8[%swap3A_436, %swap3A_437], %swap3A_440 {strides = array<i32>} : memref<32x1024xf32, #tpu.memory_space<vmem>>, vector<1x16xf32>,
      %get3A_441 = arith.index_cast %scan3A_50 : i32 to index
      %get3A_442 = arith.constant 384 : index
      %get3A_443 = tpu.vector_load %arg8[%get3A_441, %get3A_442] {strides = array<i32>} : memref<32x1024xf32, #tpu.memory_space<vmem>>, vector<1x16xf32>,
      %get3A_444 = vector.shape_cast %get3A_443 : vector<1x16xf32> to vector<16xf32>
      %mul3A_445 = arith.mulf %get3A_444, %get3A_53 : vector<16xf32>
      %get3A_446 = arith.index_cast %scan3A_50 : i32 to index
      %get3A_447 = arith.constant 384 : index
      %get3A_448 = tpu.vector_load %arg9[%get3A_446, %get3A_447] {strides = array<i32>} : memref<32x1024xf32, #tpu.memory_space<vmem>>, vector<1x16xf32>,
      %get3A_449 = vector.shape_cast %get3A_448 : vector<1x16xf32> to vector<16xf32>
      %mul3A_450 = arith.mulf %get3A_449, %get3A_57 : vector<16xf32>
      %add3A_451 = arith.addf %mul3A_445, %mul3A_450 : vector<16xf32>
      %swap3A_452 = arith.index_cast %scan3A_50 : i32 to index
      %swap3A_453 = arith.constant 384 : index
      %swap3A_454 = tpu.vector_load %arg8[%swap3A_452, %swap3A_453] {strides = array<i32>} : memref<32x1024xf32, #tpu.memory_space<vmem>>, vector<1x16xf32>,
      %swap3A_455 = vector.shape_cast %swap3A_454 : vector<1x16xf32> to vector<16xf32>
      %swap3A_456 = vector.shape_cast %add3A_451 : vector<16xf32> to vector<1x16xf32>
      tpu.vector_store %arg8[%swap3A_452, %swap3A_453], %swap3A_456 {strides = array<i32>} : memref<32x1024xf32, #tpu.memory_space<vmem>>, vector<1x16xf32>,
      %get3A_457 = arith.index_cast %scan3A_50 : i32 to index
      %get3A_458 = arith.constant 400 : index
      %get3A_459 = tpu.vector_load %arg8[%get3A_457, %get3A_458] {strides = array<i32>} : memref<32x1024xf32, #tpu.memory_space<vmem>>, vector<1x16xf32>,
      %get3A_460 = vector.shape_cast %get3A_459 : vector<1x16xf32> to vector<16xf32>
      %mul3A_461 = arith.mulf %get3A_460, %get3A_53 : vector<16xf32>
      %get3A_462 = arith.index_cast %scan3A_50 : i32 to index
      %get3A_463 = arith.constant 400 : index
      %get3A_464 = tpu.vector_load %arg9[%get3A_462, %get3A_463] {strides = array<i32>} : memref<32x1024xf32, #tpu.memory_space<vmem>>, vector<1x16xf32>,
      %get3A_465 = vector.shape_cast %get3A_464 : vector<1x16xf32> to vector<16xf32>
      %mul3A_466 = arith.mulf %get3A_465, %get3A_57 : vector<16xf32>
      %add3A_467 = arith.addf %mul3A_461, %mul3A_466 : vector<16xf32>
      %swap3A_468 = arith.index_cast %scan3A_50 : i32 to index
      %swap3A_469 = arith.constant 400 : index
      %swap3A_470 = tpu.vector_load %arg8[%swap3A_468, %swap3A_469] {strides = array<i32>} : memref<32x1024xf32, #tpu.memory_space<vmem>>, vector<1x16xf32>,
      %swap3A_471 = vector.shape_cast %swap3A_470 : vector<1x16xf32> to vector<16xf32>
      %swap3A_472 = vector.shape_cast %add3A_467 : vector<16xf32> to vector<1x16xf32>
      tpu.vector_store %arg8[%swap3A_468, %swap3A_469], %swap3A_472 {strides = array<i32>} : memref<32x1024xf32, #tpu.memory_space<vmem>>, vector<1x16xf32>,
      %get3A_473 = arith.index_cast %scan3A_50 : i32 to index
      %get3A_474 = arith.constant 416 : index
      %get3A_475 = tpu.vector_load %arg8[%get3A_473, %get3A_474] {strides = array<i32>} : memref<32x1024xf32, #tpu.memory_space<vmem>>, vector<1x16xf32>,
      %get3A_476 = vector.shape_cast %get3A_475 : vector<1x16xf32> to vector<16xf32>
      %mul3A_477 = arith.mulf %get3A_476, %get3A_53 : vector<16xf32>
      %get3A_478 = arith.index_cast %scan3A_50 : i32 to index
      %get3A_479 = arith.constant 416 : index
      %get3A_480 = tpu.vector_load %arg9[%get3A_478, %get3A_479] {strides = array<i32>} : memref<32x1024xf32, #tpu.memory_space<vmem>>, vector<1x16xf32>,
      %get3A_481 = vector.shape_cast %get3A_480 : vector<1x16xf32> to vector<16xf32>
      %mul3A_482 = arith.mulf %get3A_481, %get3A_57 : vector<16xf32>
      %add3A_483 = arith.addf %mul3A_477, %mul3A_482 : vector<16xf32>
      %swap3A_484 = arith.index_cast %scan3A_50 : i32 to index
      %swap3A_485 = arith.constant 416 : index
      %swap3A_486 = tpu.vector_load %arg8[%swap3A_484, %swap3A_485] {strides = array<i32>} : memref<32x1024xf32, #tpu.memory_space<vmem>>, vector<1x16xf32>,
      %swap3A_487 = vector.shape_cast %swap3A_486 : vector<1x16xf32> to vector<16xf32>
      %swap3A_488 = vector.shape_cast %add3A_483 : vector<16xf32> to vector<1x16xf32>
      tpu.vector_store %arg8[%swap3A_484, %swap3A_485], %swap3A_488 {strides = array<i32>} : memref<32x1024xf32, #tpu.memory_space<vmem>>, vector<1x16xf32>,
      %get3A_489 = arith.index_cast %scan3A_50 : i32 to index
      %get3A_490 = arith.constant 432 : index
      %get3A_491 = tpu.vector_load %arg8[%get3A_489, %get3A_490] {strides = array<i32>} : memref<32x1024xf32, #tpu.memory_space<vmem>>, vector<1x16xf32>,
      %get3A_492 = vector.shape_cast %get3A_491 : vector<1x16xf32> to vector<16xf32>
      %mul3A_493 = arith.mulf %get3A_492, %get3A_53 : vector<16xf32>
      %get3A_494 = arith.index_cast %scan3A_50 : i32 to index
      %get3A_495 = arith.constant 432 : index
      %get3A_496 = tpu.vector_load %arg9[%get3A_494, %get3A_495] {strides = array<i32>} : memref<32x1024xf32, #tpu.memory_space<vmem>>, vector<1x16xf32>,
      %get3A_497 = vector.shape_cast %get3A_496 : vector<1x16xf32> to vector<16xf32>
      %mul3A_498 = arith.mulf %get3A_497, %get3A_57 : vector<16xf32>
      %add3A_499 = arith.addf %mul3A_493, %mul3A_498 : vector<16xf32>
      %swap3A_500 = arith.index_cast %scan3A_50 : i32 to index
      %swap3A_501 = arith.constant 432 : index
      %swap3A_502 = tpu.vector_load %arg8[%swap3A_500, %swap3A_501] {strides = array<i32>} : memref<32x1024xf32, #tpu.memory_space<vmem>>, vector<1x16xf32>,
      %swap3A_503 = vector.shape_cast %swap3A_502 : vector<1x16xf32> to vector<16xf32>
      %swap3A_504 = vector.shape_cast %add3A_499 : vector<16xf32> to vector<1x16xf32>
      tpu.vector_store %arg8[%swap3A_500, %swap3A_501], %swap3A_504 {strides = array<i32>} : memref<32x1024xf32, #tpu.memory_space<vmem>>, vector<1x16xf32>,
      %get3A_505 = arith.index_cast %scan3A_50 : i32 to index
      %get3A_506 = arith.constant 448 : index
      %get3A_507 = tpu.vector_load %arg8[%get3A_505, %get3A_506] {strides = array<i32>} : memref<32x1024xf32, #tpu.memory_space<vmem>>, vector<1x16xf32>,
      %get3A_508 = vector.shape_cast %get3A_507 : vector<1x16xf32> to vector<16xf32>
      %mul3A_509 = arith.mulf %get3A_508, %get3A_53 : vector<16xf32>
      %get3A_510 = arith.index_cast %scan3A_50 : i32 to index
      %get3A_511 = arith.constant 448 : index
      %get3A_512 = tpu.vector_load %arg9[%get3A_510, %get3A_511] {strides = array<i32>} : memref<32x1024xf32, #tpu.memory_space<vmem>>, vector<1x16xf32>,
      %get3A_513 = vector.shape_cast %get3A_512 : vector<1x16xf32> to vector<16xf32>
      %mul3A_514 = arith.mulf %get3A_513, %get3A_57 : vector<16xf32>
      %add3A_515 = arith.addf %mul3A_509, %mul3A_514 : vector<16xf32>
      %swap3A_516 = arith.index_cast %scan3A_50 : i32 to index
      %swap3A_517 = arith.constant 448 : index
      %swap3A_518 = tpu.vector_load %arg8[%swap3A_516, %swap3A_517] {strides = array<i32>} : memref<32x1024xf32, #tpu.memory_space<vmem>>, vector<1x16xf32>,
      %swap3A_519 = vector.shape_cast %swap3A_518 : vector<1x16xf32> to vector<16xf32>
      %swap3A_520 = vector.shape_cast %add3A_515 : vector<16xf32> to vector<1x16xf32>
      tpu.vector_store %arg8[%swap3A_516, %swap3A_517], %swap3A_520 {strides = array<i32>} : memref<32x1024xf32, #tpu.memory_space<vmem>>, vector<1x16xf32>,
      %get3A_521 = arith.index_cast %scan3A_50 : i32 to index
      %get3A_522 = arith.constant 464 : index
      %get3A_523 = tpu.vector_load %arg8[%get3A_521, %get3A_522] {strides = array<i32>} : memref<32x1024xf32, #tpu.memory_space<vmem>>, vector<1x16xf32>,
      %get3A_524 = vector.shape_cast %get3A_523 : vector<1x16xf32> to vector<16xf32>
      %mul3A_525 = arith.mulf %get3A_524, %get3A_53 : vector<16xf32>
      %get3A_526 = arith.index_cast %scan3A_50 : i32 to index
      %get3A_527 = arith.constant 464 : index
      %get3A_528 = tpu.vector_load %arg9[%get3A_526, %get3A_527] {strides = array<i32>} : memref<32x1024xf32, #tpu.memory_space<vmem>>, vector<1x16xf32>,
      %get3A_529 = vector.shape_cast %get3A_528 : vector<1x16xf32> to vector<16xf32>
      %mul3A_530 = arith.mulf %get3A_529, %get3A_57 : vector<16xf32>
      %add3A_531 = arith.addf %mul3A_525, %mul3A_530 : vector<16xf32>
      %swap3A_532 = arith.index_cast %scan3A_50 : i32 to index
      %swap3A_533 = arith.constant 464 : index
      %swap3A_534 = tpu.vector_load %arg8[%swap3A_532, %swap3A_533] {strides = array<i32>} : memref<32x1024xf32, #tpu.memory_space<vmem>>, vector<1x16xf32>,
      %swap3A_535 = vector.shape_cast %swap3A_534 : vector<1x16xf32> to vector<16xf32>
      %swap3A_536 = vector.shape_cast %add3A_531 : vector<16xf32> to vector<1x16xf32>
      tpu.vector_store %arg8[%swap3A_532, %swap3A_533], %swap3A_536 {strides = array<i32>} : memref<32x1024xf32, #tpu.memory_space<vmem>>, vector<1x16xf32>,
      %get3A_537 = arith.index_cast %scan3A_50 : i32 to index
      %get3A_538 = arith.constant 480 : index
      %get3A_539 = tpu.vector_load %arg8[%get3A_537, %get3A_538] {strides = array<i32>} : memref<32x1024xf32, #tpu.memory_space<vmem>>, vector<1x16xf32>,
      %get3A_540 = vector.shape_cast %get3A_539 : vector<1x16xf32> to vector<16xf32>
      %mul3A_541 = arith.mulf %get3A_540, %get3A_53 : vector<16xf32>
      %get3A_542 = arith.index_cast %scan3A_50 : i32 to index
      %get3A_543 = arith.constant 480 : index
      %get3A_544 = tpu.vector_load %arg9[%get3A_542, %get3A_543] {strides = array<i32>} : memref<32x1024xf32, #tpu.memory_space<vmem>>, vector<1x16xf32>,
      %get3A_545 = vector.shape_cast %get3A_544 : vector<1x16xf32> to vector<16xf32>
      %mul3A_546 = arith.mulf %get3A_545, %get3A_57 : vector<16xf32>
      %add3A_547 = arith.addf %mul3A_541, %mul3A_546 : vector<16xf32>
      %swap3A_548 = arith.index_cast %scan3A_50 : i32 to index
      %swap3A_549 = arith.constant 480 : index
      %swap3A_550 = tpu.vector_load %arg8[%swap3A_548, %swap3A_549] {strides = array<i32>} : memref<32x1024xf32, #tpu.memory_space<vmem>>, vector<1x16xf32>,
      %swap3A_551 = vector.shape_cast %swap3A_550 : vector<1x16xf32> to vector<16xf32>
      %swap3A_552 = vector.shape_cast %add3A_547 : vector<16xf32> to vector<1x16xf32>
      tpu.vector_store %arg8[%swap3A_548, %swap3A_549], %swap3A_552 {strides = array<i32>} : memref<32x1024xf32, #tpu.memory_space<vmem>>, vector<1x16xf32>,
      %get3A_553 = arith.index_cast %scan3A_50 : i32 to index
      %get3A_554 = arith.constant 496 : index
      %get3A_555 = tpu.vector_load %arg8[%get3A_553, %get3A_554] {strides = array<i32>} : memref<32x1024xf32, #tpu.memory_space<vmem>>, vector<1x16xf32>,
      %get3A_556 = vector.shape_cast %get3A_555 : vector<1x16xf32> to vector<16xf32>
      %mul3A_557 = arith.mulf %get3A_556, %get3A_53 : vector<16xf32>
      %get3A_558 = arith.index_cast %scan3A_50 : i32 to index
      %get3A_559 = arith.constant 496 : index
      %get3A_560 = tpu.vector_load %arg9[%get3A_558, %get3A_559] {strides = array<i32>} : memref<32x1024xf32, #tpu.memory_space<vmem>>, vector<1x16xf32>,
      %get3A_561 = vector.shape_cast %get3A_560 : vector<1x16xf32> to vector<16xf32>
      %mul3A_562 = arith.mulf %get3A_561, %get3A_57 : vector<16xf32>
      %add3A_563 = arith.addf %mul3A_557, %mul3A_562 : vector<16xf32>
      %swap3A_564 = arith.index_cast %scan3A_50 : i32 to index
      %swap3A_565 = arith.constant 496 : index
      %swap3A_566 = tpu.vector_load %arg8[%swap3A_564, %swap3A_565] {strides = array<i32>} : memref<32x1024xf32, #tpu.memory_space<vmem>>, vector<1x16xf32>,
      %swap3A_567 = vector.shape_cast %swap3A_566 : vector<1x16xf32> to vector<16xf32>
      %swap3A_568 = vector.shape_cast %add3A_563 : vector<16xf32> to vector<1x16xf32>
      tpu.vector_store %arg8[%swap3A_564, %swap3A_565], %swap3A_568 {strides = array<i32>} : memref<32x1024xf32, #tpu.memory_space<vmem>>, vector<1x16xf32>,
      %get3A_569 = arith.index_cast %scan3A_50 : i32 to index
      %get3A_570 = arith.constant 512 : index
      %get3A_571 = tpu.vector_load %arg8[%get3A_569, %get3A_570] {strides = array<i32>} : memref<32x1024xf32, #tpu.memory_space<vmem>>, vector<1x16xf32>,
      %get3A_572 = vector.shape_cast %get3A_571 : vector<1x16xf32> to vector<16xf32>
      %mul3A_573 = arith.mulf %get3A_572, %get3A_53 : vector<16xf32>
      %get3A_574 = arith.index_cast %scan3A_50 : i32 to index
      %get3A_575 = arith.constant 512 : index
      %get3A_576 = tpu.vector_load %arg9[%get3A_574, %get3A_575] {strides = array<i32>} : memref<32x1024xf32, #tpu.memory_space<vmem>>, vector<1x16xf32>,
      %get3A_577 = vector.shape_cast %get3A_576 : vector<1x16xf32> to vector<16xf32>
      %mul3A_578 = arith.mulf %get3A_577, %get3A_57 : vector<16xf32>
      %add3A_579 = arith.addf %mul3A_573, %mul3A_578 : vector<16xf32>
      %swap3A_580 = arith.index_cast %scan3A_50 : i32 to index
      %swap3A_581 = arith.constant 512 : index
      %swap3A_582 = tpu.vector_load %arg8[%swap3A_580, %swap3A_581] {strides = array<i32>} : memref<32x1024xf32, #tpu.memory_space<vmem>>, vector<1x16xf32>,
      %swap3A_583 = vector.shape_cast %swap3A_582 : vector<1x16xf32> to vector<16xf32>
      %swap3A_584 = vector.shape_cast %add3A_579 : vector<16xf32> to vector<1x16xf32>
      tpu.vector_store %arg8[%swap3A_580, %swap3A_581], %swap3A_584 {strides = array<i32>} : memref<32x1024xf32, #tpu.memory_space<vmem>>, vector<1x16xf32>,
      %get3A_585 = arith.index_cast %scan3A_50 : i32 to index
      %get3A_586 = arith.constant 528 : index
      %get3A_587 = tpu.vector_load %arg8[%get3A_585, %get3A_586] {strides = array<i32>} : memref<32x1024xf32, #tpu.memory_space<vmem>>, vector<1x16xf32>,
      %get3A_588 = vector.shape_cast %get3A_587 : vector<1x16xf32> to vector<16xf32>
      %mul3A_589 = arith.mulf %get3A_588, %get3A_53 : vector<16xf32>
      %get3A_590 = arith.index_cast %scan3A_50 : i32 to index
      %get3A_591 = arith.constant 528 : index
      %get3A_592 = tpu.vector_load %arg9[%get3A_590, %get3A_591] {strides = array<i32>} : memref<32x1024xf32, #tpu.memory_space<vmem>>, vector<1x16xf32>,
      %get3A_593 = vector.shape_cast %get3A_592 : vector<1x16xf32> to vector<16xf32>
      %mul3A_594 = arith.mulf %get3A_593, %get3A_57 : vector<16xf32>
      %add3A_595 = arith.addf %mul3A_589, %mul3A_594 : vector<16xf32>
      %swap3A_596 = arith.index_cast %scan3A_50 : i32 to index
      %swap3A_597 = arith.constant 528 : index
      %swap3A_598 = tpu.vector_load %arg8[%swap3A_596, %swap3A_597] {strides = array<i32>} : memref<32x1024xf32, #tpu.memory_space<vmem>>, vector<1x16xf32>,
      %swap3A_599 = vector.shape_cast %swap3A_598 : vector<1x16xf32> to vector<16xf32>
      %swap3A_600 = vector.shape_cast %add3A_595 : vector<16xf32> to vector<1x16xf32>
      tpu.vector_store %arg8[%swap3A_596, %swap3A_597], %swap3A_600 {strides = array<i32>} : memref<32x1024xf32, #tpu.memory_space<vmem>>, vector<1x16xf32>,
      %get3A_601 = arith.index_cast %scan3A_50 : i32 to index
      %get3A_602 = arith.constant 544 : index
      %get3A_603 = tpu.vector_load %arg8[%get3A_601, %get3A_602] {strides = array<i32>} : memref<32x1024xf32, #tpu.memory_space<vmem>>, vector<1x16xf32>,
      %get3A_604 = vector.shape_cast %get3A_603 : vector<1x16xf32> to vector<16xf32>
      %mul3A_605 = arith.mulf %get3A_604, %get3A_53 : vector<16xf32>
      %get3A_606 = arith.index_cast %scan3A_50 : i32 to index
      %get3A_607 = arith.constant 544 : index
      %get3A_608 = tpu.vector_load %arg9[%get3A_606, %get3A_607] {strides = array<i32>} : memref<32x1024xf32, #tpu.memory_space<vmem>>, vector<1x16xf32>,
      %get3A_609 = vector.shape_cast %get3A_608 : vector<1x16xf32> to vector<16xf32>
      %mul3A_610 = arith.mulf %get3A_609, %get3A_57 : vector<16xf32>
      %add3A_611 = arith.addf %mul3A_605, %mul3A_610 : vector<16xf32>
      %swap3A_612 = arith.index_cast %scan3A_50 : i32 to index
      %swap3A_613 = arith.constant 544 : index
      %swap3A_614 = tpu.vector_load %arg8[%swap3A_612, %swap3A_613] {strides = array<i32>} : memref<32x1024xf32, #tpu.memory_space<vmem>>, vector<1x16xf32>,
      %swap3A_615 = vector.shape_cast %swap3A_614 : vector<1x16xf32> to vector<16xf32>
      %swap3A_616 = vector.shape_cast %add3A_611 : vector<16xf32> to vector<1x16xf32>
      tpu.vector_store %arg8[%swap3A_612, %swap3A_613], %swap3A_616 {strides = array<i32>} : memref<32x1024xf32, #tpu.memory_space<vmem>>, vector<1x16xf32>,
      %get3A_617 = arith.index_cast %scan3A_50 : i32 to index
      %get3A_618 = arith.constant 560 : index
      %get3A_619 = tpu.vector_load %arg8[%get3A_617, %get3A_618] {strides = array<i32>} : memref<32x1024xf32, #tpu.memory_space<vmem>>, vector<1x16xf32>,
      %get3A_620 = vector.shape_cast %get3A_619 : vector<1x16xf32> to vector<16xf32>
      %mul3A_621 = arith.mulf %get3A_620, %get3A_53 : vector<16xf32>
      %get3A_622 = arith.index_cast %scan3A_50 : i32 to index
      %get3A_623 = arith.constant 560 : index
      %get3A_624 = tpu.vector_load %arg9[%get3A_622, %get3A_623] {strides = array<i32>} : memref<32x1024xf32, #tpu.memory_space<vmem>>, vector<1x16xf32>,
      %get3A_625 = vector.shape_cast %get3A_624 : vector<1x16xf32> to vector<16xf32>
      %mul3A_626 = arith.mulf %get3A_625, %get3A_57 : vector<16xf32>
      %add3A_627 = arith.addf %mul3A_621, %mul3A_626 : vector<16xf32>
      %swap3A_628 = arith.index_cast %scan3A_50 : i32 to index
      %swap3A_629 = arith.constant 560 : index
      %swap3A_630 = tpu.vector_load %arg8[%swap3A_628, %swap3A_629] {strides = array<i32>} : memref<32x1024xf32, #tpu.memory_space<vmem>>, vector<1x16xf32>,
      %swap3A_631 = vector.shape_cast %swap3A_630 : vector<1x16xf32> to vector<16xf32>
      %swap3A_632 = vector.shape_cast %add3A_627 : vector<16xf32> to vector<1x16xf32>
      tpu.vector_store %arg8[%swap3A_628, %swap3A_629], %swap3A_632 {strides = array<i32>} : memref<32x1024xf32, #tpu.memory_space<vmem>>, vector<1x16xf32>,
      %get3A_633 = arith.index_cast %scan3A_50 : i32 to index
      %get3A_634 = arith.constant 576 : index
      %get3A_635 = tpu.vector_load %arg8[%get3A_633, %get3A_634] {strides = array<i32>} : memref<32x1024xf32, #tpu.memory_space<vmem>>, vector<1x16xf32>,
      %get3A_636 = vector.shape_cast %get3A_635 : vector<1x16xf32> to vector<16xf32>
      %mul3A_637 = arith.mulf %get3A_636, %get3A_53 : vector<16xf32>
      %get3A_638 = arith.index_cast %scan3A_50 : i32 to index
      %get3A_639 = arith.constant 576 : index
      %get3A_640 = tpu.vector_load %arg9[%get3A_638, %get3A_639] {strides = array<i32>} : memref<32x1024xf32, #tpu.memory_space<vmem>>, vector<1x16xf32>,
      %get3A_641 = vector.shape_cast %get3A_640 : vector<1x16xf32> to vector<16xf32>
      %mul3A_642 = arith.mulf %get3A_641, %get3A_57 : vector<16xf32>
      %add3A_643 = arith.addf %mul3A_637, %mul3A_642 : vector<16xf32>
      %swap3A_644 = arith.index_cast %scan3A_50 : i32 to index
      %swap3A_645 = arith.constant 576 : index
      %swap3A_646 = tpu.vector_load %arg8[%swap3A_644, %swap3A_645] {strides = array<i32>} : memref<32x1024xf32, #tpu.memory_space<vmem>>, vector<1x16xf32>,
      %swap3A_647 = vector.shape_cast %swap3A_646 : vector<1x16xf32> to vector<16xf32>
      %swap3A_648 = vector.shape_cast %add3A_643 : vector<16xf32> to vector<1x16xf32>
      tpu.vector_store %arg8[%swap3A_644, %swap3A_645], %swap3A_648 {strides = array<i32>} : memref<32x1024xf32, #tpu.memory_space<vmem>>, vector<1x16xf32>,
      %get3A_649 = arith.index_cast %scan3A_50 : i32 to index
      %get3A_650 = arith.constant 592 : index
      %get3A_651 = tpu.vector_load %arg8[%get3A_649, %get3A_650] {strides = array<i32>} : memref<32x1024xf32, #tpu.memory_space<vmem>>, vector<1x16xf32>,
      %get3A_652 = vector.shape_cast %get3A_651 : vector<1x16xf32> to vector<16xf32>
      %mul3A_653 = arith.mulf %get3A_652, %get3A_53 : vector<16xf32>
      %get3A_654 = arith.index_cast %scan3A_50 : i32 to index
      %get3A_655 = arith.constant 592 : index
      %get3A_656 = tpu.vector_load %arg9[%get3A_654, %get3A_655] {strides = array<i32>} : memref<32x1024xf32, #tpu.memory_space<vmem>>, vector<1x16xf32>,
      %get3A_657 = vector.shape_cast %get3A_656 : vector<1x16xf32> to vector<16xf32>
      %mul3A_658 = arith.mulf %get3A_657, %get3A_57 : vector<16xf32>
      %add3A_659 = arith.addf %mul3A_653, %mul3A_658 : vector<16xf32>
      %swap3A_660 = arith.index_cast %scan3A_50 : i32 to index
      %swap3A_661 = arith.constant 592 : index
      %swap3A_662 = tpu.vector_load %arg8[%swap3A_660, %swap3A_661] {strides = array<i32>} : memref<32x1024xf32, #tpu.memory_space<vmem>>, vector<1x16xf32>,
      %swap3A_663 = vector.shape_cast %swap3A_662 : vector<1x16xf32> to vector<16xf32>
      %swap3A_664 = vector.shape_cast %add3A_659 : vector<16xf32> to vector<1x16xf32>
      tpu.vector_store %arg8[%swap3A_660, %swap3A_661], %swap3A_664 {strides = array<i32>} : memref<32x1024xf32, #tpu.memory_space<vmem>>, vector<1x16xf32>,
      %get3A_665 = arith.index_cast %scan3A_50 : i32 to index
      %get3A_666 = arith.constant 608 : index
      %get3A_667 = tpu.vector_load %arg8[%get3A_665, %get3A_666] {strides = array<i32>} : memref<32x1024xf32, #tpu.memory_space<vmem>>, vector<1x16xf32>,
      %get3A_668 = vector.shape_cast %get3A_667 : vector<1x16xf32> to vector<16xf32>
      %mul3A_669 = arith.mulf %get3A_668, %get3A_53 : vector<16xf32>
      %get3A_670 = arith.index_cast %scan3A_50 : i32 to index
      %get3A_671 = arith.constant 608 : index
      %get3A_672 = tpu.vector_load %arg9[%get3A_670, %get3A_671] {strides = array<i32>} : memref<32x1024xf32, #tpu.memory_space<vmem>>, vector<1x16xf32>,
      %get3A_673 = vector.shape_cast %get3A_672 : vector<1x16xf32> to vector<16xf32>
      %mul3A_674 = arith.mulf %get3A_673, %get3A_57 : vector<16xf32>
      %add3A_675 = arith.addf %mul3A_669, %mul3A_674 : vector<16xf32>
      %swap3A_676 = arith.index_cast %scan3A_50 : i32 to index
      %swap3A_677 = arith.constant 608 : index
      %swap3A_678 = tpu.vector_load %arg8[%swap3A_676, %swap3A_677] {strides = array<i32>} : memref<32x1024xf32, #tpu.memory_space<vmem>>, vector<1x16xf32>,
      %swap3A_679 = vector.shape_cast %swap3A_678 : vector<1x16xf32> to vector<16xf32>
      %swap3A_680 = vector.shape_cast %add3A_675 : vector<16xf32> to vector<1x16xf32>
      tpu.vector_store %arg8[%swap3A_676, %swap3A_677], %swap3A_680 {strides = array<i32>} : memref<32x1024xf32, #tpu.memory_space<vmem>>, vector<1x16xf32>,
      %get3A_681 = arith.index_cast %scan3A_50 : i32 to index
      %get3A_682 = arith.constant 624 : index
      %get3A_683 = tpu.vector_load %arg8[%get3A_681, %get3A_682] {strides = array<i32>} : memref<32x1024xf32, #tpu.memory_space<vmem>>, vector<1x16xf32>,
      %get3A_684 = vector.shape_cast %get3A_683 : vector<1x16xf32> to vector<16xf32>
      %mul3A_685 = arith.mulf %get3A_684, %get3A_53 : vector<16xf32>
      %get3A_686 = arith.index_cast %scan3A_50 : i32 to index
      %get3A_687 = arith.constant 624 : index
      %get3A_688 = tpu.vector_load %arg9[%get3A_686, %get3A_687] {strides = array<i32>} : memref<32x1024xf32, #tpu.memory_space<vmem>>, vector<1x16xf32>,
      %get3A_689 = vector.shape_cast %get3A_688 : vector<1x16xf32> to vector<16xf32>
      %mul3A_690 = arith.mulf %get3A_689, %get3A_57 : vector<16xf32>
      %add3A_691 = arith.addf %mul3A_685, %mul3A_690 : vector<16xf32>
      %swap3A_692 = arith.index_cast %scan3A_50 : i32 to index
      %swap3A_693 = arith.constant 624 : index
      %swap3A_694 = tpu.vector_load %arg8[%swap3A_692, %swap3A_693] {strides = array<i32>} : memref<32x1024xf32, #tpu.memory_space<vmem>>, vector<1x16xf32>,
      %swap3A_695 = vector.shape_cast %swap3A_694 : vector<1x16xf32> to vector<16xf32>
      %swap3A_696 = vector.shape_cast %add3A_691 : vector<16xf32> to vector<1x16xf32>
      tpu.vector_store %arg8[%swap3A_692, %swap3A_693], %swap3A_696 {strides = array<i32>} : memref<32x1024xf32, #tpu.memory_space<vmem>>, vector<1x16xf32>,
      %get3A_697 = arith.index_cast %scan3A_50 : i32 to index
      %get3A_698 = arith.constant 640 : index
      %get3A_699 = tpu.vector_load %arg8[%get3A_697, %get3A_698] {strides = array<i32>} : memref<32x1024xf32, #tpu.memory_space<vmem>>, vector<1x16xf32>,
      %get3A_700 = vector.shape_cast %get3A_699 : vector<1x16xf32> to vector<16xf32>
      %mul3A_701 = arith.mulf %get3A_700, %get3A_53 : vector<16xf32>
      %get3A_702 = arith.index_cast %scan3A_50 : i32 to index
      %get3A_703 = arith.constant 640 : index
      %get3A_704 = tpu.vector_load %arg9[%get3A_702, %get3A_703] {strides = array<i32>} : memref<32x1024xf32, #tpu.memory_space<vmem>>, vector<1x16xf32>,
      %get3A_705 = vector.shape_cast %get3A_704 : vector<1x16xf32> to vector<16xf32>
      %mul3A_706 = arith.mulf %get3A_705, %get3A_57 : vector<16xf32>
      %add3A_707 = arith.addf %mul3A_701, %mul3A_706 : vector<16xf32>
      %swap3A_708 = arith.index_cast %scan3A_50 : i32 to index
      %swap3A_709 = arith.constant 640 : index
      %swap3A_710 = tpu.vector_load %arg8[%swap3A_708, %swap3A_709] {strides = array<i32>} : memref<32x1024xf32, #tpu.memory_space<vmem>>, vector<1x16xf32>,
      %swap3A_711 = vector.shape_cast %swap3A_710 : vector<1x16xf32> to vector<16xf32>
      %swap3A_712 = vector.shape_cast %add3A_707 : vector<16xf32> to vector<1x16xf32>
      tpu.vector_store %arg8[%swap3A_708, %swap3A_709], %swap3A_712 {strides = array<i32>} : memref<32x1024xf32, #tpu.memory_space<vmem>>, vector<1x16xf32>,
      %get3A_713 = arith.index_cast %scan3A_50 : i32 to index
      %get3A_714 = arith.constant 656 : index
      %get3A_715 = tpu.vector_load %arg8[%get3A_713, %get3A_714] {strides = array<i32>} : memref<32x1024xf32, #tpu.memory_space<vmem>>, vector<1x16xf32>,
      %get3A_716 = vector.shape_cast %get3A_715 : vector<1x16xf32> to vector<16xf32>
      %mul3A_717 = arith.mulf %get3A_716, %get3A_53 : vector<16xf32>
      %get3A_718 = arith.index_cast %scan3A_50 : i32 to index
      %get3A_719 = arith.constant 656 : index
      %get3A_720 = tpu.vector_load %arg9[%get3A_718, %get3A_719] {strides = array<i32>} : memref<32x1024xf32, #tpu.memory_space<vmem>>, vector<1x16xf32>,
      %get3A_721 = vector.shape_cast %get3A_720 : vector<1x16xf32> to vector<16xf32>
      %mul3A_722 = arith.mulf %get3A_721, %get3A_57 : vector<16xf32>
      %add3A_723 = arith.addf %mul3A_717, %mul3A_722 : vector<16xf32>
      %swap3A_724 = arith.index_cast %scan3A_50 : i32 to index
      %swap3A_725 = arith.constant 656 : index
      %swap3A_726 = tpu.vector_load %arg8[%swap3A_724, %swap3A_725] {strides = array<i32>} : memref<32x1024xf32, #tpu.memory_space<vmem>>, vector<1x16xf32>,
      %swap3A_727 = vector.shape_cast %swap3A_726 : vector<1x16xf32> to vector<16xf32>
      %swap3A_728 = vector.shape_cast %add3A_723 : vector<16xf32> to vector<1x16xf32>
      tpu.vector_store %arg8[%swap3A_724, %swap3A_725], %swap3A_728 {strides = array<i32>} : memref<32x1024xf32, #tpu.memory_space<vmem>>, vector<1x16xf32>,
      %get3A_729 = arith.index_cast %scan3A_50 : i32 to index
      %get3A_730 = arith.constant 672 : index
      %get3A_731 = tpu.vector_load %arg8[%get3A_729, %get3A_730] {strides = array<i32>} : memref<32x1024xf32, #tpu.memory_space<vmem>>, vector<1x16xf32>,
      %get3A_732 = vector.shape_cast %get3A_731 : vector<1x16xf32> to vector<16xf32>
      %mul3A_733 = arith.mulf %get3A_732, %get3A_53 : vector<16xf32>
      %get3A_734 = arith.index_cast %scan3A_50 : i32 to index
      %get3A_735 = arith.constant 672 : index
      %get3A_736 = tpu.vector_load %arg9[%get3A_734, %get3A_735] {strides = array<i32>} : memref<32x1024xf32, #tpu.memory_space<vmem>>, vector<1x16xf32>,
      %get3A_737 = vector.shape_cast %get3A_736 : vector<1x16xf32> to vector<16xf32>
      %mul3A_738 = arith.mulf %get3A_737, %get3A_57 : vector<16xf32>
      %add3A_739 = arith.addf %mul3A_733, %mul3A_738 : vector<16xf32>
      %swap3A_740 = arith.index_cast %scan3A_50 : i32 to index
      %swap3A_741 = arith.constant 672 : index
      %swap3A_742 = tpu.vector_load %arg8[%swap3A_740, %swap3A_741] {strides = array<i32>} : memref<32x1024xf32, #tpu.memory_space<vmem>>, vector<1x16xf32>,
      %swap3A_743 = vector.shape_cast %swap3A_742 : vector<1x16xf32> to vector<16xf32>
      %swap3A_744 = vector.shape_cast %add3A_739 : vector<16xf32> to vector<1x16xf32>
      tpu.vector_store %arg8[%swap3A_740, %swap3A_741], %swap3A_744 {strides = array<i32>} : memref<32x1024xf32, #tpu.memory_space<vmem>>, vector<1x16xf32>,
      %get3A_745 = arith.index_cast %scan3A_50 : i32 to index
      %get3A_746 = arith.constant 688 : index
      %get3A_747 = tpu.vector_load %arg8[%get3A_745, %get3A_746] {strides = array<i32>} : memref<32x1024xf32, #tpu.memory_space<vmem>>, vector<1x16xf32>,
      %get3A_748 = vector.shape_cast %get3A_747 : vector<1x16xf32> to vector<16xf32>
      %mul3A_749 = arith.mulf %get3A_748, %get3A_53 : vector<16xf32>
      %get3A_750 = arith.index_cast %scan3A_50 : i32 to index
      %get3A_751 = arith.constant 688 : index
      %get3A_752 = tpu.vector_load %arg9[%get3A_750, %get3A_751] {strides = array<i32>} : memref<32x1024xf32, #tpu.memory_space<vmem>>, vector<1x16xf32>,
      %get3A_753 = vector.shape_cast %get3A_752 : vector<1x16xf32> to vector<16xf32>
      %mul3A_754 = arith.mulf %get3A_753, %get3A_57 : vector<16xf32>
      %add3A_755 = arith.addf %mul3A_749, %mul3A_754 : vector<16xf32>
      %swap3A_756 = arith.index_cast %scan3A_50 : i32 to index
      %swap3A_757 = arith.constant 688 : index
      %swap3A_758 = tpu.vector_load %arg8[%swap3A_756, %swap3A_757] {strides = array<i32>} : memref<32x1024xf32, #tpu.memory_space<vmem>>, vector<1x16xf32>,
      %swap3A_759 = vector.shape_cast %swap3A_758 : vector<1x16xf32> to vector<16xf32>
      %swap3A_760 = vector.shape_cast %add3A_755 : vector<16xf32> to vector<1x16xf32>
      tpu.vector_store %arg8[%swap3A_756, %swap3A_757], %swap3A_760 {strides = array<i32>} : memref<32x1024xf32, #tpu.memory_space<vmem>>, vector<1x16xf32>,
      %get3A_761 = arith.index_cast %scan3A_50 : i32 to index
      %get3A_762 = arith.constant 704 : index
      %get3A_763 = tpu.vector_load %arg8[%get3A_761, %get3A_762] {strides = array<i32>} : memref<32x1024xf32, #tpu.memory_space<vmem>>, vector<1x16xf32>,
      %get3A_764 = vector.shape_cast %get3A_763 : vector<1x16xf32> to vector<16xf32>
      %mul3A_765 = arith.mulf %get3A_764, %get3A_53 : vector<16xf32>
      %get3A_766 = arith.index_cast %scan3A_50 : i32 to index
      %get3A_767 = arith.constant 704 : index
      %get3A_768 = tpu.vector_load %arg9[%get3A_766, %get3A_767] {strides = array<i32>} : memref<32x1024xf32, #tpu.memory_space<vmem>>, vector<1x16xf32>,
      %get3A_769 = vector.shape_cast %get3A_768 : vector<1x16xf32> to vector<16xf32>
      %mul3A_770 = arith.mulf %get3A_769, %get3A_57 : vector<16xf32>
      %add3A_771 = arith.addf %mul3A_765, %mul3A_770 : vector<16xf32>
      %swap3A_772 = arith.index_cast %scan3A_50 : i32 to index
      %swap3A_773 = arith.constant 704 : index
      %swap3A_774 = tpu.vector_load %arg8[%swap3A_772, %swap3A_773] {strides = array<i32>} : memref<32x1024xf32, #tpu.memory_space<vmem>>, vector<1x16xf32>,
      %swap3A_775 = vector.shape_cast %swap3A_774 : vector<1x16xf32> to vector<16xf32>
      %swap3A_776 = vector.shape_cast %add3A_771 : vector<16xf32> to vector<1x16xf32>
      tpu.vector_store %arg8[%swap3A_772, %swap3A_773], %swap3A_776 {strides = array<i32>} : memref<32x1024xf32, #tpu.memory_space<vmem>>, vector<1x16xf32>,
      %get3A_777 = arith.index_cast %scan3A_50 : i32 to index
      %get3A_778 = arith.constant 720 : index
      %get3A_779 = tpu.vector_load %arg8[%get3A_777, %get3A_778] {strides = array<i32>} : memref<32x1024xf32, #tpu.memory_space<vmem>>, vector<1x16xf32>,
      %get3A_780 = vector.shape_cast %get3A_779 : vector<1x16xf32> to vector<16xf32>
      %mul3A_781 = arith.mulf %get3A_780, %get3A_53 : vector<16xf32>
      %get3A_782 = arith.index_cast %scan3A_50 : i32 to index
      %get3A_783 = arith.constant 720 : index
      %get3A_784 = tpu.vector_load %arg9[%get3A_782, %get3A_783] {strides = array<i32>} : memref<32x1024xf32, #tpu.memory_space<vmem>>, vector<1x16xf32>,
      %get3A_785 = vector.shape_cast %get3A_784 : vector<1x16xf32> to vector<16xf32>
      %mul3A_786 = arith.mulf %get3A_785, %get3A_57 : vector<16xf32>
      %add3A_787 = arith.addf %mul3A_781, %mul3A_786 : vector<16xf32>
      %swap3A_788 = arith.index_cast %scan3A_50 : i32 to index
      %swap3A_789 = arith.constant 720 : index
      %swap3A_790 = tpu.vector_load %arg8[%swap3A_788, %swap3A_789] {strides = array<i32>} : memref<32x1024xf32, #tpu.memory_space<vmem>>, vector<1x16xf32>,
      %swap3A_791 = vector.shape_cast %swap3A_790 : vector<1x16xf32> to vector<16xf32>
      %swap3A_792 = vector.shape_cast %add3A_787 : vector<16xf32> to vector<1x16xf32>
      tpu.vector_store %arg8[%swap3A_788, %swap3A_789], %swap3A_792 {strides = array<i32>} : memref<32x1024xf32, #tpu.memory_space<vmem>>, vector<1x16xf32>,
      %get3A_793 = arith.index_cast %scan3A_50 : i32 to index
      %get3A_794 = arith.constant 736 : index
      %get3A_795 = tpu.vector_load %arg8[%get3A_793, %get3A_794] {strides = array<i32>} : memref<32x1024xf32, #tpu.memory_space<vmem>>, vector<1x16xf32>,
      %get3A_796 = vector.shape_cast %get3A_795 : vector<1x16xf32> to vector<16xf32>
      %mul3A_797 = arith.mulf %get3A_796, %get3A_53 : vector<16xf32>
      %get3A_798 = arith.index_cast %scan3A_50 : i32 to index
      %get3A_799 = arith.constant 736 : index
      %get3A_800 = tpu.vector_load %arg9[%get3A_798, %get3A_799] {strides = array<i32>} : memref<32x1024xf32, #tpu.memory_space<vmem>>, vector<1x16xf32>,
      %get3A_801 = vector.shape_cast %get3A_800 : vector<1x16xf32> to vector<16xf32>
      %mul3A_802 = arith.mulf %get3A_801, %get3A_57 : vector<16xf32>
      %add3A_803 = arith.addf %mul3A_797, %mul3A_802 : vector<16xf32>
      %swap3A_804 = arith.index_cast %scan3A_50 : i32 to index
      %swap3A_805 = arith.constant 736 : index
      %swap3A_806 = tpu.vector_load %arg8[%swap3A_804, %swap3A_805] {strides = array<i32>} : memref<32x1024xf32, #tpu.memory_space<vmem>>, vector<1x16xf32>,
      %swap3A_807 = vector.shape_cast %swap3A_806 : vector<1x16xf32> to vector<16xf32>
      %swap3A_808 = vector.shape_cast %add3A_803 : vector<16xf32> to vector<1x16xf32>
      tpu.vector_store %arg8[%swap3A_804, %swap3A_805], %swap3A_808 {strides = array<i32>} : memref<32x1024xf32, #tpu.memory_space<vmem>>, vector<1x16xf32>,
      %get3A_809 = arith.index_cast %scan3A_50 : i32 to index
      %get3A_810 = arith.constant 752 : index
      %get3A_811 = tpu.vector_load %arg8[%get3A_809, %get3A_810] {strides = array<i32>} : memref<32x1024xf32, #tpu.memory_space<vmem>>, vector<1x16xf32>,
      %get3A_812 = vector.shape_cast %get3A_811 : vector<1x16xf32> to vector<16xf32>
      %mul3A_813 = arith.mulf %get3A_812, %get3A_53 : vector<16xf32>
      %get3A_814 = arith.index_cast %scan3A_50 : i32 to index
      %get3A_815 = arith.constant 752 : index
      %get3A_816 = tpu.vector_load %arg9[%get3A_814, %get3A_815] {strides = array<i32>} : memref<32x1024xf32, #tpu.memory_space<vmem>>, vector<1x16xf32>,
      %get3A_817 = vector.shape_cast %get3A_816 : vector<1x16xf32> to vector<16xf32>
      %mul3A_818 = arith.mulf %get3A_817, %get3A_57 : vector<16xf32>
      %add3A_819 = arith.addf %mul3A_813, %mul3A_818 : vector<16xf32>
      %swap3A_820 = arith.index_cast %scan3A_50 : i32 to index
      %swap3A_821 = arith.constant 752 : index
      %swap3A_822 = tpu.vector_load %arg8[%swap3A_820, %swap3A_821] {strides = array<i32>} : memref<32x1024xf32, #tpu.memory_space<vmem>>, vector<1x16xf32>,
      %swap3A_823 = vector.shape_cast %swap3A_822 : vector<1x16xf32> to vector<16xf32>
      %swap3A_824 = vector.shape_cast %add3A_819 : vector<16xf32> to vector<1x16xf32>
      tpu.vector_store %arg8[%swap3A_820, %swap3A_821], %swap3A_824 {strides = array<i32>} : memref<32x1024xf32, #tpu.memory_space<vmem>>, vector<1x16xf32>,
      %get3A_825 = arith.index_cast %scan3A_50 : i32 to index
      %get3A_826 = arith.constant 768 : index
      %get3A_827 = tpu.vector_load %arg8[%get3A_825, %get3A_826] {strides = array<i32>} : memref<32x1024xf32, #tpu.memory_space<vmem>>, vector<1x16xf32>,
      %get3A_828 = vector.shape_cast %get3A_827 : vector<1x16xf32> to vector<16xf32>
      %mul3A_829 = arith.mulf %get3A_828, %get3A_53 : vector<16xf32>
      %get3A_830 = arith.index_cast %scan3A_50 : i32 to index
      %get3A_831 = arith.constant 768 : index
      %get3A_832 = tpu.vector_load %arg9[%get3A_830, %get3A_831] {strides = array<i32>} : memref<32x1024xf32, #tpu.memory_space<vmem>>, vector<1x16xf32>,
      %get3A_833 = vector.shape_cast %get3A_832 : vector<1x16xf32> to vector<16xf32>
      %mul3A_834 = arith.mulf %get3A_833, %get3A_57 : vector<16xf32>
      %add3A_835 = arith.addf %mul3A_829, %mul3A_834 : vector<16xf32>
      %swap3A_836 = arith.index_cast %scan3A_50 : i32 to index
      %swap3A_837 = arith.constant 768 : index
      %swap3A_838 = tpu.vector_load %arg8[%swap3A_836, %swap3A_837] {strides = array<i32>} : memref<32x1024xf32, #tpu.memory_space<vmem>>, vector<1x16xf32>,
      %swap3A_839 = vector.shape_cast %swap3A_838 : vector<1x16xf32> to vector<16xf32>
      %swap3A_840 = vector.shape_cast %add3A_835 : vector<16xf32> to vector<1x16xf32>
      tpu.vector_store %arg8[%swap3A_836, %swap3A_837], %swap3A_840 {strides = array<i32>} : memref<32x1024xf32, #tpu.memory_space<vmem>>, vector<1x16xf32>,
      %get3A_841 = arith.index_cast %scan3A_50 : i32 to index
      %get3A_842 = arith.constant 784 : index
      %get3A_843 = tpu.vector_load %arg8[%get3A_841, %get3A_842] {strides = array<i32>} : memref<32x1024xf32, #tpu.memory_space<vmem>>, vector<1x16xf32>,
      %get3A_844 = vector.shape_cast %get3A_843 : vector<1x16xf32> to vector<16xf32>
      %mul3A_845 = arith.mulf %get3A_844, %get3A_53 : vector<16xf32>
      %get3A_846 = arith.index_cast %scan3A_50 : i32 to index
      %get3A_847 = arith.constant 784 : index
      %get3A_848 = tpu.vector_load %arg9[%get3A_846, %get3A_847] {strides = array<i32>} : memref<32x1024xf32, #tpu.memory_space<vmem>>, vector<1x16xf32>,
      %get3A_849 = vector.shape_cast %get3A_848 : vector<1x16xf32> to vector<16xf32>
      %mul3A_850 = arith.mulf %get3A_849, %get3A_57 : vector<16xf32>
      %add3A_851 = arith.addf %mul3A_845, %mul3A_850 : vector<16xf32>
      %swap3A_852 = arith.index_cast %scan3A_50 : i32 to index
      %swap3A_853 = arith.constant 784 : index
      %swap3A_854 = tpu.vector_load %arg8[%swap3A_852, %swap3A_853] {strides = array<i32>} : memref<32x1024xf32, #tpu.memory_space<vmem>>, vector<1x16xf32>,
      %swap3A_855 = vector.shape_cast %swap3A_854 : vector<1x16xf32> to vector<16xf32>
      %swap3A_856 = vector.shape_cast %add3A_851 : vector<16xf32> to vector<1x16xf32>
      tpu.vector_store %arg8[%swap3A_852, %swap3A_853], %swap3A_856 {strides = array<i32>} : memref<32x1024xf32, #tpu.memory_space<vmem>>, vector<1x16xf32>,
      %get3A_857 = arith.index_cast %scan3A_50 : i32 to index
      %get3A_858 = arith.constant 800 : index
      %get3A_859 = tpu.vector_load %arg8[%get3A_857, %get3A_858] {strides = array<i32>} : memref<32x1024xf32, #tpu.memory_space<vmem>>, vector<1x16xf32>,
      %get3A_860 = vector.shape_cast %get3A_859 : vector<1x16xf32> to vector<16xf32>
      %mul3A_861 = arith.mulf %get3A_860, %get3A_53 : vector<16xf32>
      %get3A_862 = arith.index_cast %scan3A_50 : i32 to index
      %get3A_863 = arith.constant 800 : index
      %get3A_864 = tpu.vector_load %arg9[%get3A_862, %get3A_863] {strides = array<i32>} : memref<32x1024xf32, #tpu.memory_space<vmem>>, vector<1x16xf32>,
      %get3A_865 = vector.shape_cast %get3A_864 : vector<1x16xf32> to vector<16xf32>
      %mul3A_866 = arith.mulf %get3A_865, %get3A_57 : vector<16xf32>
      %add3A_867 = arith.addf %mul3A_861, %mul3A_866 : vector<16xf32>
      %swap3A_868 = arith.index_cast %scan3A_50 : i32 to index
      %swap3A_869 = arith.constant 800 : index
      %swap3A_870 = tpu.vector_load %arg8[%swap3A_868, %swap3A_869] {strides = array<i32>} : memref<32x1024xf32, #tpu.memory_space<vmem>>, vector<1x16xf32>,
      %swap3A_871 = vector.shape_cast %swap3A_870 : vector<1x16xf32> to vector<16xf32>
      %swap3A_872 = vector.shape_cast %add3A_867 : vector<16xf32> to vector<1x16xf32>
      tpu.vector_store %arg8[%swap3A_868, %swap3A_869], %swap3A_872 {strides = array<i32>} : memref<32x1024xf32, #tpu.memory_space<vmem>>, vector<1x16xf32>,
      %get3A_873 = arith.index_cast %scan3A_50 : i32 to index
      %get3A_874 = arith.constant 816 : index
      %get3A_875 = tpu.vector_load %arg8[%get3A_873, %get3A_874] {strides = array<i32>} : memref<32x1024xf32, #tpu.memory_space<vmem>>, vector<1x16xf32>,
      %get3A_876 = vector.shape_cast %get3A_875 : vector<1x16xf32> to vector<16xf32>
      %mul3A_877 = arith.mulf %get3A_876, %get3A_53 : vector<16xf32>
      %get3A_878 = arith.index_cast %scan3A_50 : i32 to index
      %get3A_879 = arith.constant 816 : index
      %get3A_880 = tpu.vector_load %arg9[%get3A_878, %get3A_879] {strides = array<i32>} : memref<32x1024xf32, #tpu.memory_space<vmem>>, vector<1x16xf32>,
      %get3A_881 = vector.shape_cast %get3A_880 : vector<1x16xf32> to vector<16xf32>
      %mul3A_882 = arith.mulf %get3A_881, %get3A_57 : vector<16xf32>
      %add3A_883 = arith.addf %mul3A_877, %mul3A_882 : vector<16xf32>
      %swap3A_884 = arith.index_cast %scan3A_50 : i32 to index
      %swap3A_885 = arith.constant 816 : index
      %swap3A_886 = tpu.vector_load %arg8[%swap3A_884, %swap3A_885] {strides = array<i32>} : memref<32x1024xf32, #tpu.memory_space<vmem>>, vector<1x16xf32>,
      %swap3A_887 = vector.shape_cast %swap3A_886 : vector<1x16xf32> to vector<16xf32>
      %swap3A_888 = vector.shape_cast %add3A_883 : vector<16xf32> to vector<1x16xf32>
      tpu.vector_store %arg8[%swap3A_884, %swap3A_885], %swap3A_888 {strides = array<i32>} : memref<32x1024xf32, #tpu.memory_space<vmem>>, vector<1x16xf32>,
      %get3A_889 = arith.index_cast %scan3A_50 : i32 to index
      %get3A_890 = arith.constant 832 : index
      %get3A_891 = tpu.vector_load %arg8[%get3A_889, %get3A_890] {strides = array<i32>} : memref<32x1024xf32, #tpu.memory_space<vmem>>, vector<1x16xf32>,
      %get3A_892 = vector.shape_cast %get3A_891 : vector<1x16xf32> to vector<16xf32>
      %mul3A_893 = arith.mulf %get3A_892, %get3A_53 : vector<16xf32>
      %get3A_894 = arith.index_cast %scan3A_50 : i32 to index
      %get3A_895 = arith.constant 832 : index
      %get3A_896 = tpu.vector_load %arg9[%get3A_894, %get3A_895] {strides = array<i32>} : memref<32x1024xf32, #tpu.memory_space<vmem>>, vector<1x16xf32>,
      %get3A_897 = vector.shape_cast %get3A_896 : vector<1x16xf32> to vector<16xf32>
      %mul3A_898 = arith.mulf %get3A_897, %get3A_57 : vector<16xf32>
      %add3A_899 = arith.addf %mul3A_893, %mul3A_898 : vector<16xf32>
      %swap3A_900 = arith.index_cast %scan3A_50 : i32 to index
      %swap3A_901 = arith.constant 832 : index
      %swap3A_902 = tpu.vector_load %arg8[%swap3A_900, %swap3A_901] {strides = array<i32>} : memref<32x1024xf32, #tpu.memory_space<vmem>>, vector<1x16xf32>,
      %swap3A_903 = vector.shape_cast %swap3A_902 : vector<1x16xf32> to vector<16xf32>
      %swap3A_904 = vector.shape_cast %add3A_899 : vector<16xf32> to vector<1x16xf32>
      tpu.vector_store %arg8[%swap3A_900, %swap3A_901], %swap3A_904 {strides = array<i32>} : memref<32x1024xf32, #tpu.memory_space<vmem>>, vector<1x16xf32>,
      %get3A_905 = arith.index_cast %scan3A_50 : i32 to index
      %get3A_906 = arith.constant 848 : index
      %get3A_907 = tpu.vector_load %arg8[%get3A_905, %get3A_906] {strides = array<i32>} : memref<32x1024xf32, #tpu.memory_space<vmem>>, vector<1x16xf32>,
      %get3A_908 = vector.shape_cast %get3A_907 : vector<1x16xf32> to vector<16xf32>
      %mul3A_909 = arith.mulf %get3A_908, %get3A_53 : vector<16xf32>
      %get3A_910 = arith.index_cast %scan3A_50 : i32 to index
      %get3A_911 = arith.constant 848 : index
      %get3A_912 = tpu.vector_load %arg9[%get3A_910, %get3A_911] {strides = array<i32>} : memref<32x1024xf32, #tpu.memory_space<vmem>>, vector<1x16xf32>,
      %get3A_913 = vector.shape_cast %get3A_912 : vector<1x16xf32> to vector<16xf32>
      %mul3A_914 = arith.mulf %get3A_913, %get3A_57 : vector<16xf32>
      %add3A_915 = arith.addf %mul3A_909, %mul3A_914 : vector<16xf32>
      %swap3A_916 = arith.index_cast %scan3A_50 : i32 to index
      %swap3A_917 = arith.constant 848 : index
      %swap3A_918 = tpu.vector_load %arg8[%swap3A_916, %swap3A_917] {strides = array<i32>} : memref<32x1024xf32, #tpu.memory_space<vmem>>, vector<1x16xf32>,
      %swap3A_919 = vector.shape_cast %swap3A_918 : vector<1x16xf32> to vector<16xf32>
      %swap3A_920 = vector.shape_cast %add3A_915 : vector<16xf32> to vector<1x16xf32>
      tpu.vector_store %arg8[%swap3A_916, %swap3A_917], %swap3A_920 {strides = array<i32>} : memref<32x1024xf32, #tpu.memory_space<vmem>>, vector<1x16xf32>,
      %get3A_921 = arith.index_cast %scan3A_50 : i32 to index
      %get3A_922 = arith.constant 864 : index
      %get3A_923 = tpu.vector_load %arg8[%get3A_921, %get3A_922] {strides = array<i32>} : memref<32x1024xf32, #tpu.memory_space<vmem>>, vector<1x16xf32>,
      %get3A_924 = vector.shape_cast %get3A_923 : vector<1x16xf32> to vector<16xf32>
      %mul3A_925 = arith.mulf %get3A_924, %get3A_53 : vector<16xf32>
      %get3A_926 = arith.index_cast %scan3A_50 : i32 to index
      %get3A_927 = arith.constant 864 : index
      %get3A_928 = tpu.vector_load %arg9[%get3A_926, %get3A_927] {strides = array<i32>} : memref<32x1024xf32, #tpu.memory_space<vmem>>, vector<1x16xf32>,
      %get3A_929 = vector.shape_cast %get3A_928 : vector<1x16xf32> to vector<16xf32>
      %mul3A_930 = arith.mulf %get3A_929, %get3A_57 : vector<16xf32>
      %add3A_931 = arith.addf %mul3A_925, %mul3A_930 : vector<16xf32>
      %swap3A_932 = arith.index_cast %scan3A_50 : i32 to index
      %swap3A_933 = arith.constant 864 : index
      %swap3A_934 = tpu.vector_load %arg8[%swap3A_932, %swap3A_933] {strides = array<i32>} : memref<32x1024xf32, #tpu.memory_space<vmem>>, vector<1x16xf32>,
      %swap3A_935 = vector.shape_cast %swap3A_934 : vector<1x16xf32> to vector<16xf32>
      %swap3A_936 = vector.shape_cast %add3A_931 : vector<16xf32> to vector<1x16xf32>
      tpu.vector_store %arg8[%swap3A_932, %swap3A_933], %swap3A_936 {strides = array<i32>} : memref<32x1024xf32, #tpu.memory_space<vmem>>, vector<1x16xf32>,
      %get3A_937 = arith.index_cast %scan3A_50 : i32 to index
      %get3A_938 = arith.constant 880 : index
      %get3A_939 = tpu.vector_load %arg8[%get3A_937, %get3A_938] {strides = array<i32>} : memref<32x1024xf32, #tpu.memory_space<vmem>>, vector<1x16xf32>,
      %get3A_940 = vector.shape_cast %get3A_939 : vector<1x16xf32> to vector<16xf32>
      %mul3A_941 = arith.mulf %get3A_940, %get3A_53 : vector<16xf32>
      %get3A_942 = arith.index_cast %scan3A_50 : i32 to index
      %get3A_943 = arith.constant 880 : index
      %get3A_944 = tpu.vector_load %arg9[%get3A_942, %get3A_943] {strides = array<i32>} : memref<32x1024xf32, #tpu.memory_space<vmem>>, vector<1x16xf32>,
      %get3A_945 = vector.shape_cast %get3A_944 : vector<1x16xf32> to vector<16xf32>
      %mul3A_946 = arith.mulf %get3A_945, %get3A_57 : vector<16xf32>
      %add3A_947 = arith.addf %mul3A_941, %mul3A_946 : vector<16xf32>
      %swap3A_948 = arith.index_cast %scan3A_50 : i32 to index
      %swap3A_949 = arith.constant 880 : index
      %swap3A_950 = tpu.vector_load %arg8[%swap3A_948, %swap3A_949] {strides = array<i32>} : memref<32x1024xf32, #tpu.memory_space<vmem>>, vector<1x16xf32>,
      %swap3A_951 = vector.shape_cast %swap3A_950 : vector<1x16xf32> to vector<16xf32>
      %swap3A_952 = vector.shape_cast %add3A_947 : vector<16xf32> to vector<1x16xf32>
      tpu.vector_store %arg8[%swap3A_948, %swap3A_949], %swap3A_952 {strides = array<i32>} : memref<32x1024xf32, #tpu.memory_space<vmem>>, vector<1x16xf32>,
      %get3A_953 = arith.index_cast %scan3A_50 : i32 to index
      %get3A_954 = arith.constant 896 : index
      %get3A_955 = tpu.vector_load %arg8[%get3A_953, %get3A_954] {strides = array<i32>} : memref<32x1024xf32, #tpu.memory_space<vmem>>, vector<1x16xf32>,
      %get3A_956 = vector.shape_cast %get3A_955 : vector<1x16xf32> to vector<16xf32>
      %mul3A_957 = arith.mulf %get3A_956, %get3A_53 : vector<16xf32>
      %get3A_958 = arith.index_cast %scan3A_50 : i32 to index
      %get3A_959 = arith.constant 896 : index
      %get3A_960 = tpu.vector_load %arg9[%get3A_958, %get3A_959] {strides = array<i32>} : memref<32x1024xf32, #tpu.memory_space<vmem>>, vector<1x16xf32>,
      %get3A_961 = vector.shape_cast %get3A_960 : vector<1x16xf32> to vector<16xf32>
      %mul3A_962 = arith.mulf %get3A_961, %get3A_57 : vector<16xf32>
      %add3A_963 = arith.addf %mul3A_957, %mul3A_962 : vector<16xf32>
      %swap3A_964 = arith.index_cast %scan3A_50 : i32 to index
      %swap3A_965 = arith.constant 896 : index
      %swap3A_966 = tpu.vector_load %arg8[%swap3A_964, %swap3A_965] {strides = array<i32>} : memref<32x1024xf32, #tpu.memory_space<vmem>>, vector<1x16xf32>,
      %swap3A_967 = vector.shape_cast %swap3A_966 : vector<1x16xf32> to vector<16xf32>
      %swap3A_968 = vector.shape_cast %add3A_963 : vector<16xf32> to vector<1x16xf32>
      tpu.vector_store %arg8[%swap3A_964, %swap3A_965], %swap3A_968 {strides = array<i32>} : memref<32x1024xf32, #tpu.memory_space<vmem>>, vector<1x16xf32>,
      %get3A_969 = arith.index_cast %scan3A_50 : i32 to index
      %get3A_970 = arith.constant 912 : index
      %get3A_971 = tpu.vector_load %arg8[%get3A_969, %get3A_970] {strides = array<i32>} : memref<32x1024xf32, #tpu.memory_space<vmem>>, vector<1x16xf32>,
      %get3A_972 = vector.shape_cast %get3A_971 : vector<1x16xf32> to vector<16xf32>
      %mul3A_973 = arith.mulf %get3A_972, %get3A_53 : vector<16xf32>
      %get3A_974 = arith.index_cast %scan3A_50 : i32 to index
      %get3A_975 = arith.constant 912 : index
      %get3A_976 = tpu.vector_load %arg9[%get3A_974, %get3A_975] {strides = array<i32>} : memref<32x1024xf32, #tpu.memory_space<vmem>>, vector<1x16xf32>,
      %get3A_977 = vector.shape_cast %get3A_976 : vector<1x16xf32> to vector<16xf32>
      %mul3A_978 = arith.mulf %get3A_977, %get3A_57 : vector<16xf32>
      %add3A_979 = arith.addf %mul3A_973, %mul3A_978 : vector<16xf32>
      %swap3A_980 = arith.index_cast %scan3A_50 : i32 to index
      %swap3A_981 = arith.constant 912 : index
      %swap3A_982 = tpu.vector_load %arg8[%swap3A_980, %swap3A_981] {strides = array<i32>} : memref<32x1024xf32, #tpu.memory_space<vmem>>, vector<1x16xf32>,
      %swap3A_983 = vector.shape_cast %swap3A_982 : vector<1x16xf32> to vector<16xf32>
      %swap3A_984 = vector.shape_cast %add3A_979 : vector<16xf32> to vector<1x16xf32>
      tpu.vector_store %arg8[%swap3A_980, %swap3A_981], %swap3A_984 {strides = array<i32>} : memref<32x1024xf32, #tpu.memory_space<vmem>>, vector<1x16xf32>,
      %get3A_985 = arith.index_cast %scan3A_50 : i32 to index
      %get3A_986 = arith.constant 928 : index
      %get3A_987 = tpu.vector_load %arg8[%get3A_985, %get3A_986] {strides = array<i32>} : memref<32x1024xf32, #tpu.memory_space<vmem>>, vector<1x16xf32>,
      %get3A_988 = vector.shape_cast %get3A_987 : vector<1x16xf32> to vector<16xf32>
      %mul3A_989 = arith.mulf %get3A_988, %get3A_53 : vector<16xf32>
      %get3A_990 = arith.index_cast %scan3A_50 : i32 to index
      %get3A_991 = arith.constant 928 : index
      %get3A_992 = tpu.vector_load %arg9[%get3A_990, %get3A_991] {strides = array<i32>} : memref<32x1024xf32, #tpu.memory_space<vmem>>, vector<1x16xf32>,
      %get3A_993 = vector.shape_cast %get3A_992 : vector<1x16xf32> to vector<16xf32>
      %mul3A_994 = arith.mulf %get3A_993, %get3A_57 : vector<16xf32>
      %add3A_995 = arith.addf %mul3A_989, %mul3A_994 : vector<16xf32>
      %swap3A_996 = arith.index_cast %scan3A_50 : i32 to index
      %swap3A_997 = arith.constant 928 : index
      %swap3A_998 = tpu.vector_load %arg8[%swap3A_996, %swap3A_997] {strides = array<i32>} : memref<32x1024xf32, #tpu.memory_space<vmem>>, vector<1x16xf32>,
      %swap3A_999 = vector.shape_cast %swap3A_998 : vector<1x16xf32> to vector<16xf32>
      %swap3A_1000 = vector.shape_cast %add3A_995 : vector<16xf32> to vector<1x16xf32>
      tpu.vector_store %arg8[%swap3A_996, %swap3A_997], %swap3A_1000 {strides = array<i32>} : memref<32x1024xf32, #tpu.memory_space<vmem>>, vector<1x16xf32>,
      %get3A_1001 = arith.index_cast %scan3A_50 : i32 to index
      %get3A_1002 = arith.constant 944 : index
      %get3A_1003 = tpu.vector_load %arg8[%get3A_1001, %get3A_1002] {strides = array<i32>} : memref<32x1024xf32, #tpu.memory_space<vmem>>, vector<1x16xf32>,
      %get3A_1004 = vector.shape_cast %get3A_1003 : vector<1x16xf32> to vector<16xf32>
      %mul3A_1005 = arith.mulf %get3A_1004, %get3A_53 : vector<16xf32>
      %get3A_1006 = arith.index_cast %scan3A_50 : i32 to index
      %get3A_1007 = arith.constant 944 : index
      %get3A_1008 = tpu.vector_load %arg9[%get3A_1006, %get3A_1007] {strides = array<i32>} : memref<32x1024xf32, #tpu.memory_space<vmem>>, vector<1x16xf32>,
      %get3A_1009 = vector.shape_cast %get3A_1008 : vector<1x16xf32> to vector<16xf32>
      %mul3A_1010 = arith.mulf %get3A_1009, %get3A_57 : vector<16xf32>
      %add3A_1011 = arith.addf %mul3A_1005, %mul3A_1010 : vector<16xf32>
      %swap3A_1012 = arith.index_cast %scan3A_50 : i32 to index
      %swap3A_1013 = arith.constant 944 : index
      %swap3A_1014 = tpu.vector_load %arg8[%swap3A_1012, %swap3A_1013] {strides = array<i32>} : memref<32x1024xf32, #tpu.memory_space<vmem>>, vector<1x16xf32>,
      %swap3A_1015 = vector.shape_cast %swap3A_1014 : vector<1x16xf32> to vector<16xf32>
      %swap3A_1016 = vector.shape_cast %add3A_1011 : vector<16xf32> to vector<1x16xf32>
      tpu.vector_store %arg8[%swap3A_1012, %swap3A_1013], %swap3A_1016 {strides = array<i32>} : memref<32x1024xf32, #tpu.memory_space<vmem>>, vector<1x16xf32>,
      %get3A_1017 = arith.index_cast %scan3A_50 : i32 to index
      %get3A_1018 = arith.constant 960 : index
      %get3A_1019 = tpu.vector_load %arg8[%get3A_1017, %get3A_1018] {strides = array<i32>} : memref<32x1024xf32, #tpu.memory_space<vmem>>, vector<1x16xf32>,
      %get3A_1020 = vector.shape_cast %get3A_1019 : vector<1x16xf32> to vector<16xf32>
      %mul3A_1021 = arith.mulf %get3A_1020, %get3A_53 : vector<16xf32>
      %get3A_1022 = arith.index_cast %scan3A_50 : i32 to index
      %get3A_1023 = arith.constant 960 : index
      %get3A_1024 = tpu.vector_load %arg9[%get3A_1022, %get3A_1023] {strides = array<i32>} : memref<32x1024xf32, #tpu.memory_space<vmem>>, vector<1x16xf32>,
      %get3A_1025 = vector.shape_cast %get3A_1024 : vector<1x16xf32> to vector<16xf32>
      %mul3A_1026 = arith.mulf %get3A_1025, %get3A_57 : vector<16xf32>
      %add3A_1027 = arith.addf %mul3A_1021, %mul3A_1026 : vector<16xf32>
      %swap3A_1028 = arith.index_cast %scan3A_50 : i32 to index
      %swap3A_1029 = arith.constant 960 : index
      %swap3A_1030 = tpu.vector_load %arg8[%swap3A_1028, %swap3A_1029] {strides = array<i32>} : memref<32x1024xf32, #tpu.memory_space<vmem>>, vector<1x16xf32>,
      %swap3A_1031 = vector.shape_cast %swap3A_1030 : vector<1x16xf32> to vector<16xf32>
      %swap3A_1032 = vector.shape_cast %add3A_1027 : vector<16xf32> to vector<1x16xf32>
      tpu.vector_store %arg8[%swap3A_1028, %swap3A_1029], %swap3A_1032 {strides = array<i32>} : memref<32x1024xf32, #tpu.memory_space<vmem>>, vector<1x16xf32>,
      %get3A_1033 = arith.index_cast %scan3A_50 : i32 to index
      %get3A_1034 = arith.constant 976 : index
      %get3A_1035 = tpu.vector_load %arg8[%get3A_1033, %get3A_1034] {strides = array<i32>} : memref<32x1024xf32, #tpu.memory_space<vmem>>, vector<1x16xf32>,
      %get3A_1036 = vector.shape_cast %get3A_1035 : vector<1x16xf32> to vector<16xf32>
      %mul3A_1037 = arith.mulf %get3A_1036, %get3A_53 : vector<16xf32>
      %get3A_1038 = arith.index_cast %scan3A_50 : i32 to index
      %get3A_1039 = arith.constant 976 : index
      %get3A_1040 = tpu.vector_load %arg9[%get3A_1038, %get3A_1039] {strides = array<i32>} : memref<32x1024xf32, #tpu.memory_space<vmem>>, vector<1x16xf32>,
      %get3A_1041 = vector.shape_cast %get3A_1040 : vector<1x16xf32> to vector<16xf32>
      %mul3A_1042 = arith.mulf %get3A_1041, %get3A_57 : vector<16xf32>
      %add3A_1043 = arith.addf %mul3A_1037, %mul3A_1042 : vector<16xf32>
      %swap3A_1044 = arith.index_cast %scan3A_50 : i32 to index
      %swap3A_1045 = arith.constant 976 : index
      %swap3A_1046 = tpu.vector_load %arg8[%swap3A_1044, %swap3A_1045] {strides = array<i32>} : memref<32x1024xf32, #tpu.memory_space<vmem>>, vector<1x16xf32>,
      %swap3A_1047 = vector.shape_cast %swap3A_1046 : vector<1x16xf32> to vector<16xf32>
      %swap3A_1048 = vector.shape_cast %add3A_1043 : vector<16xf32> to vector<1x16xf32>
      tpu.vector_store %arg8[%swap3A_1044, %swap3A_1045], %swap3A_1048 {strides = array<i32>} : memref<32x1024xf32, #tpu.memory_space<vmem>>, vector<1x16xf32>,
      %get3A_1049 = arith.index_cast %scan3A_50 : i32 to index
      %get3A_1050 = arith.constant 992 : index
      %get3A_1051 = tpu.vector_load %arg8[%get3A_1049, %get3A_1050] {strides = array<i32>} : memref<32x1024xf32, #tpu.memory_space<vmem>>, vector<1x16xf32>,
      %get3A_1052 = vector.shape_cast %get3A_1051 : vector<1x16xf32> to vector<16xf32>
      %mul3A_1053 = arith.mulf %get3A_1052, %get3A_53 : vector<16xf32>
      %get3A_1054 = arith.index_cast %scan3A_50 : i32 to index
      %get3A_1055 = arith.constant 992 : index
      %get3A_1056 = tpu.vector_load %arg9[%get3A_1054, %get3A_1055] {strides = array<i32>} : memref<32x1024xf32, #tpu.memory_space<vmem>>, vector<1x16xf32>,
      %get3A_1057 = vector.shape_cast %get3A_1056 : vector<1x16xf32> to vector<16xf32>
      %mul3A_1058 = arith.mulf %get3A_1057, %get3A_57 : vector<16xf32>
      %add3A_1059 = arith.addf %mul3A_1053, %mul3A_1058 : vector<16xf32>
      %swap3A_1060 = arith.index_cast %scan3A_50 : i32 to index
      %swap3A_1061 = arith.constant 992 : index
      %swap3A_1062 = tpu.vector_load %arg8[%swap3A_1060, %swap3A_1061] {strides = array<i32>} : memref<32x1024xf32, #tpu.memory_space<vmem>>, vector<1x16xf32>,
      %swap3A_1063 = vector.shape_cast %swap3A_1062 : vector<1x16xf32> to vector<16xf32>
      %swap3A_1064 = vector.shape_cast %add3A_1059 : vector<16xf32> to vector<1x16xf32>
      tpu.vector_store %arg8[%swap3A_1060, %swap3A_1061], %swap3A_1064 {strides = array<i32>} : memref<32x1024xf32, #tpu.memory_space<vmem>>, vector<1x16xf32>,
      %get3A_1065 = arith.index_cast %scan3A_50 : i32 to index
      %get3A_1066 = arith.constant 1008 : index
      %get3A_1067 = tpu.vector_load %arg8[%get3A_1065, %get3A_1066] {strides = array<i32>} : memref<32x1024xf32, #tpu.memory_space<vmem>>, vector<1x16xf32>,
      %get3A_1068 = vector.shape_cast %get3A_1067 : vector<1x16xf32> to vector<16xf32>
      %mul3A_1069 = arith.mulf %get3A_1068, %get3A_53 : vector<16xf32>
      %get3A_1070 = arith.index_cast %scan3A_50 : i32 to index
      %get3A_1071 = arith.constant 1008 : index
      %get3A_1072 = tpu.vector_load %arg9[%get3A_1070, %get3A_1071] {strides = array<i32>} : memref<32x1024xf32, #tpu.memory_space<vmem>>, vector<1x16xf32>,
      %get3A_1073 = vector.shape_cast %get3A_1072 : vector<1x16xf32> to vector<16xf32>
      %mul3A_1074 = arith.mulf %get3A_1073, %get3A_57 : vector<16xf32>
      %add3A_1075 = arith.addf %mul3A_1069, %mul3A_1074 : vector<16xf32>
      %swap3A_1076 = arith.index_cast %scan3A_50 : i32 to index
      %swap3A_1077 = arith.constant 1008 : index
      %swap3A_1078 = tpu.vector_load %arg8[%swap3A_1076, %swap3A_1077] {strides = array<i32>} : memref<32x1024xf32, #tpu.memory_space<vmem>>, vector<1x16xf32>,
      %swap3A_1079 = vector.shape_cast %swap3A_1078 : vector<1x16xf32> to vector<16xf32>
      %swap3A_1080 = vector.shape_cast %add3A_1075 : vector<16xf32> to vector<1x16xf32>
      tpu.vector_store %arg8[%swap3A_1076, %swap3A_1077], %swap3A_1080 {strides = array<i32>} : memref<32x1024xf32, #tpu.memory_space<vmem>>, vector<1x16xf32>,
    }
    %scan3A_23 = arith.constant 32 : i32
    "tpu.region"() ({
      %run_scoped3A = tpu.sem_alloc : memref<!tpu.dma_semaphore, #tpu.memory_space<semaphore_mem>>
      %dma_start3A_50 = arith.constant 0 : i32
      %dma_start3A_51 = tpu.memref_slice %arg5[%add3A_4, %dma_start3A_50] : memref<2048x1024xf32, #tpu.memory_space<hbm>> -> memref<32x1024xf32, #tpu.memory_space<hbm>>
      %dma_start3A_52 = arith.constant 0 : i32
      %dma_start3A_53 = tpu.memref_slice %arg5[%add3A_4, %dma_start3A_52] : memref<2048x1024xf32, #tpu.memory_space<hbm>> -> memref<32x1024xf32, #tpu.memory_space<hbm>>
      tpu.enqueue_dma source(%arg8 : memref<32x1024xf32, #tpu.memory_space<vmem>>) target(%dma_start3A_53 : memref<32x1024xf32, #tpu.memory_space<hbm>>) target_semaphore(%run_scoped3A : memref<!tpu.dma_semaphore, #tpu.memory_space<semaphore_mem>>)
      %dma_wait3A_54 = arith.constant 0 : i32
      %dma_wait3A_55 = tpu.memref_slice %arg5[%add3A_4, %dma_wait3A_54] : memref<2048x1024xf32, #tpu.memory_space<hbm>> -> memref<32x1024xf32, #tpu.memory_space<hbm>>
      %dma_wait3A_56 = arith.constant 0 : i32
      %dma_wait3A_57 = tpu.memref_slice %arg5[%add3A_4, %dma_wait3A_56] : memref<2048x1024xf32, #tpu.memory_space<hbm>> -> memref<32x1024xf32, #tpu.memory_space<hbm>>
      tpu.wait_dma2 semaphore(%run_scoped3A : memref<!tpu.dma_semaphore, #tpu.memory_space<semaphore_mem>>) src(%arg8 : memref<32x1024xf32, #tpu.memory_space<vmem>>) dst(%dma_wait3A_57 : memref<32x1024xf32, #tpu.memory_space<hbm>>)
      tpu.yield
    }) : () -> ()
    %mul3A_24 = arith.constant 64 : i32
    %mul3A_25 = arith.muli %add3A, %mul3A_24 : i32
    %add3A_26 = arith.constant 32 : i32
    %add3A_27 = arith.addi %mul3A_25, %add3A_26 : i32
    "tpu.region"() ({
      %run_scoped3A = tpu.sem_alloc : memref<!tpu.dma_semaphore, #tpu.memory_space<semaphore_mem>>
      %dma_start3A_50 = tpu.memref_slice %arg3[%add3A_27] : memref<4096xi32, #tpu.memory_space<hbm>> -> memref<32xi32, #tpu.memory_space<hbm>>
      %dma_start3A_51 = tpu.memref_slice %arg3[%add3A_27] : memref<4096xi32, #tpu.memory_space<hbm>> -> memref<32xi32, #tpu.memory_space<hbm>>
      tpu.enqueue_dma source(%dma_start3A_51 : memref<32xi32, #tpu.memory_space<hbm>>) target(%arg6 : memref<32xi32, #tpu.memory_space<vmem>>) target_semaphore(%run_scoped3A : memref<!tpu.dma_semaphore, #tpu.memory_space<semaphore_mem>>)
      %dma_wait3A_52 = tpu.memref_slice %arg3[%add3A_27] : memref<4096xi32, #tpu.memory_space<hbm>> -> memref<32xi32, #tpu.memory_space<hbm>>
      %dma_wait3A_53 = tpu.memref_slice %arg3[%add3A_27] : memref<4096xi32, #tpu.memory_space<hbm>> -> memref<32xi32, #tpu.memory_space<hbm>>
      tpu.wait_dma2 semaphore(%run_scoped3A : memref<!tpu.dma_semaphore, #tpu.memory_space<semaphore_mem>>) src(%dma_wait3A_53 : memref<32xi32, #tpu.memory_space<hbm>>) dst(%arg6 : memref<32xi32, #tpu.memory_space<vmem>>)
      tpu.yield
    }) : () -> ()
    %add3A_28 = arith.constant 2048 : i32
    %add3A_29 = arith.addi %add3A_28, %add3A_27 : i32
    "tpu.region"() ({
      %run_scoped3A = tpu.sem_alloc : memref<!tpu.dma_semaphore, #tpu.memory_space<semaphore_mem>>
      %dma_start3A_50 = tpu.memref_slice %arg3[%add3A_29] : memref<4096xi32, #tpu.memory_space<hbm>> -> memref<32xi32, #tpu.memory_space<hbm>>
      %dma_start3A_51 = tpu.memref_slice %arg3[%add3A_29] : memref<4096xi32, #tpu.memory_space<hbm>> -> memref<32xi32, #tpu.memory_space<hbm>>
      tpu.enqueue_dma source(%dma_start3A_51 : memref<32xi32, #tpu.memory_space<hbm>>) target(%arg7 : memref<32xi32, #tpu.memory_space<vmem>>) target_semaphore(%run_scoped3A : memref<!tpu.dma_semaphore, #tpu.memory_space<semaphore_mem>>)
      %dma_wait3A_52 = tpu.memref_slice %arg3[%add3A_29] : memref<4096xi32, #tpu.memory_space<hbm>> -> memref<32xi32, #tpu.memory_space<hbm>>
      %dma_wait3A_53 = tpu.memref_slice %arg3[%add3A_29] : memref<4096xi32, #tpu.memory_space<hbm>> -> memref<32xi32, #tpu.memory_space<hbm>>
      tpu.wait_dma2 semaphore(%run_scoped3A : memref<!tpu.dma_semaphore, #tpu.memory_space<semaphore_mem>>) src(%dma_wait3A_53 : memref<32xi32, #tpu.memory_space<hbm>>) dst(%arg7 : memref<32xi32, #tpu.memory_space<vmem>>)
      tpu.yield
    }) : () -> ()
    %dma_start3A_30 = arith.constant 0 : i32
    %dma_start3A_31 = arith.constant 0 : i32
    %dma_start3A_32 = tpu.memref_slice %arg2[%dma_start3A_30, %dma_start3A_31] : memref<6144x1024xf32, #tpu.memory_space<hbm>> -> memref<6144x1024xf32, #tpu.memory_space<hbm>>
    tpu.enqueue_indirect_dma source(%dma_start3A_32 : memref<6144x1024xf32, #tpu.memory_space<hbm>>) target(%arg8 : memref<32x1024xf32, #tpu.memory_space<vmem>>) offsets(%arg6 : memref<32xi32, #tpu.memory_space<vmem>>) semaphore(%arg12 : memref<!tpu.dma_semaphore, #tpu.memory_space<semaphore_mem>>)
    %dma_start3A_33 = arith.constant 0 : i32
    %dma_start3A_34 = arith.constant 0 : i32
    %dma_start3A_35 = tpu.memref_slice %arg2[%dma_start3A_33, %dma_start3A_34] : memref<6144x1024xf32, #tpu.memory_space<hbm>> -> memref<6144x1024xf32, #tpu.memory_space<hbm>>
    tpu.enqueue_indirect_dma source(%dma_start3A_35 : memref<6144x1024xf32, #tpu.memory_space<hbm>>) target(%arg9 : memref<32x1024xf32, #tpu.memory_space<vmem>>) offsets(%arg7 : memref<32xi32, #tpu.memory_space<vmem>>) semaphore(%arg13 : memref<!tpu.dma_semaphore, #tpu.memory_space<semaphore_mem>>)
    "tpu.region"() ({
      %run_scoped3A = tpu.sem_alloc : memref<!tpu.dma_semaphore, #tpu.memory_space<semaphore_mem>>
      %dma_start3A_50 = arith.constant 0 : i32
      %dma_start3A_51 = tpu.memref_slice %arg4[%add3A_27, %dma_start3A_50] : memref<4096x128xf32, #tpu.memory_space<hbm>> -> memref<32x128xf32, #tpu.memory_space<hbm>>
      %dma_start3A_52 = arith.constant 0 : i32
      %dma_start3A_53 = tpu.memref_slice %arg4[%add3A_27, %dma_start3A_52] : memref<4096x128xf32, #tpu.memory_space<hbm>> -> memref<32x128xf32, #tpu.memory_space<hbm>>
      tpu.enqueue_dma source(%dma_start3A_53 : memref<32x128xf32, #tpu.memory_space<hbm>>) target(%arg10 : memref<32x128xf32, #tpu.memory_space<vmem>>) target_semaphore(%run_scoped3A : memref<!tpu.dma_semaphore, #tpu.memory_space<semaphore_mem>>)
      %dma_wait3A_54 = arith.constant 0 : i32
      %dma_wait3A_55 = tpu.memref_slice %arg4[%add3A_27, %dma_wait3A_54] : memref<4096x128xf32, #tpu.memory_space<hbm>> -> memref<32x128xf32, #tpu.memory_space<hbm>>
      %dma_wait3A_56 = arith.constant 0 : i32
      %dma_wait3A_57 = tpu.memref_slice %arg4[%add3A_27, %dma_wait3A_56] : memref<4096x128xf32, #tpu.memory_space<hbm>> -> memref<32x128xf32, #tpu.memory_space<hbm>>
      tpu.wait_dma2 semaphore(%run_scoped3A : memref<!tpu.dma_semaphore, #tpu.memory_space<semaphore_mem>>) src(%dma_wait3A_57 : memref<32x128xf32, #tpu.memory_space<hbm>>) dst(%arg10 : memref<32x128xf32, #tpu.memory_space<vmem>>)
      tpu.yield
    }) : () -> ()
    %add3A_36 = arith.constant 2048 : i32
    %add3A_37 = arith.addi %add3A_36, %add3A_27 : i32
    "tpu.region"() ({
      %run_scoped3A = tpu.sem_alloc : memref<!tpu.dma_semaphore, #tpu.memory_space<semaphore_mem>>
      %dma_start3A_50 = arith.constant 0 : i32
      %dma_start3A_51 = tpu.memref_slice %arg4[%add3A_37, %dma_start3A_50] : memref<4096x128xf32, #tpu.memory_space<hbm>> -> memref<32x128xf32, #tpu.memory_space<hbm>>
      %dma_start3A_52 = arith.constant 0 : i32
      %dma_start3A_53 = tpu.memref_slice %arg4[%add3A_37, %dma_start3A_52] : memref<4096x128xf32, #tpu.memory_space<hbm>> -> memref<32x128xf32, #tpu.memory_space<hbm>>
      tpu.enqueue_dma source(%dma_start3A_53 : memref<32x128xf32, #tpu.memory_space<hbm>>) target(%arg11 : memref<32x128xf32, #tpu.memory_space<vmem>>) target_semaphore(%run_scoped3A : memref<!tpu.dma_semaphore, #tpu.memory_space<semaphore_mem>>)
      %dma_wait3A_54 = arith.constant 0 : i32
      %dma_wait3A_55 = tpu.memref_slice %arg4[%add3A_37, %dma_wait3A_54] : memref<4096x128xf32, #tpu.memory_space<hbm>> -> memref<32x128xf32, #tpu.memory_space<hbm>>
      %dma_wait3A_56 = arith.constant 0 : i32
      %dma_wait3A_57 = tpu.memref_slice %arg4[%add3A_37, %dma_wait3A_56] : memref<4096x128xf32, #tpu.memory_space<hbm>> -> memref<32x128xf32, #tpu.memory_space<hbm>>
      tpu.wait_dma2 semaphore(%run_scoped3A : memref<!tpu.dma_semaphore, #tpu.memory_space<semaphore_mem>>) src(%dma_wait3A_57 : memref<32x128xf32, #tpu.memory_space<hbm>>) dst(%arg11 : memref<32x128xf32, #tpu.memory_space<vmem>>)
      tpu.yield
    }) : () -> ()
    %dma_wait3A_38 = arith.constant 0 : i32
    %dma_wait3A_39 = arith.constant 0 : i32
    %dma_wait3A_40 = tpu.memref_slice %arg2[%dma_wait3A_38, %dma_wait3A_39] : memref<6144x1024xf32, #tpu.memory_space<hbm>> -> memref<6144x1024xf32, #tpu.memory_space<hbm>>
    tpu.wait_indirect_dma semaphore(%arg12 : memref<!tpu.dma_semaphore, #tpu.memory_space<semaphore_mem>>) src(%dma_wait3A_40 : memref<6144x1024xf32, #tpu.memory_space<hbm>>) dst(%arg8 : memref<32x1024xf32, #tpu.memory_space<vmem>>)
    %dma_wait3A_41 = arith.constant 0 : i32
    %dma_wait3A_42 = arith.constant 0 : i32
    %dma_wait3A_43 = tpu.memref_slice %arg2[%dma_wait3A_41, %dma_wait3A_42] : memref<6144x1024xf32, #tpu.memory_space<hbm>> -> memref<6144x1024xf32, #tpu.memory_space<hbm>>
    tpu.wait_indirect_dma semaphore(%arg13 : memref<!tpu.dma_semaphore, #tpu.memory_space<semaphore_mem>>) src(%dma_wait3A_43 : memref<6144x1024xf32, #tpu.memory_space<hbm>>) dst(%arg9 : memref<32x1024xf32, #tpu.memory_space<vmem>>)
    %scan3A_44 = arith.constant 0 : i32
    %scan3A_45 = arith.constant 0 : i32
    %scan3A_46 = arith.constant 32 : i32
    %scan3A_47 = arith.addi %scan3A_45, %scan3A_46 : i32
    %scan3A_48 = arith.constant 1 : i32
    scf.for %scan3A_50 = %scan3A_45 to %scan3A_47 step %scan3A_48  : i32 {
      %get3A = arith.index_cast %scan3A_50 : i32 to index
      %get3A_51 = arith.constant 0 : index
      %get3A_52 = tpu.vector_load %arg10[%get3A, %get3A_51] {strides = array<i32>} : memref<32x128xf32, #tpu.memory_space<vmem>>, vector<1x16xf32>,
      %get3A_53 = vector.shape_cast %get3A_52 : vector<1x16xf32> to vector<16xf32>
      %get3A_54 = arith.index_cast %scan3A_50 : i32 to index
      %get3A_55 = arith.constant 0 : index
      %get3A_56 = tpu.vector_load %arg11[%get3A_54, %get3A_55] {strides = array<i32>} : memref<32x128xf32, #tpu.memory_space<vmem>>, vector<1x16xf32>,
      %get3A_57 = vector.shape_cast %get3A_56 : vector<1x16xf32> to vector<16xf32>
      %get3A_58 = arith.index_cast %scan3A_50 : i32 to index
      %get3A_59 = arith.constant 0 : index
      %get3A_60 = tpu.vector_load %arg8[%get3A_58, %get3A_59] {strides = array<i32>} : memref<32x1024xf32, #tpu.memory_space<vmem>>, vector<1x16xf32>,
      %get3A_61 = vector.shape_cast %get3A_60 : vector<1x16xf32> to vector<16xf32>
      %mul3A_62 = arith.mulf %get3A_61, %get3A_53 : vector<16xf32>
      %get3A_63 = arith.index_cast %scan3A_50 : i32 to index
      %get3A_64 = arith.constant 0 : index
      %get3A_65 = tpu.vector_load %arg9[%get3A_63, %get3A_64] {strides = array<i32>} : memref<32x1024xf32, #tpu.memory_space<vmem>>, vector<1x16xf32>,
      %get3A_66 = vector.shape_cast %get3A_65 : vector<1x16xf32> to vector<16xf32>
      %mul3A_67 = arith.mulf %get3A_66, %get3A_57 : vector<16xf32>
      %add3A_68 = arith.addf %mul3A_62, %mul3A_67 : vector<16xf32>
      %swap3A = arith.index_cast %scan3A_50 : i32 to index
      %swap3A_69 = arith.constant 0 : index
      %swap3A_70 = tpu.vector_load %arg8[%swap3A, %swap3A_69] {strides = array<i32>} : memref<32x1024xf32, #tpu.memory_space<vmem>>, vector<1x16xf32>,
      %swap3A_71 = vector.shape_cast %swap3A_70 : vector<1x16xf32> to vector<16xf32>
      %swap3A_72 = vector.shape_cast %add3A_68 : vector<16xf32> to vector<1x16xf32>
      tpu.vector_store %arg8[%swap3A, %swap3A_69], %swap3A_72 {strides = array<i32>} : memref<32x1024xf32, #tpu.memory_space<vmem>>, vector<1x16xf32>,
      %get3A_73 = arith.index_cast %scan3A_50 : i32 to index
      %get3A_74 = arith.constant 16 : index
      %get3A_75 = tpu.vector_load %arg8[%get3A_73, %get3A_74] {strides = array<i32>} : memref<32x1024xf32, #tpu.memory_space<vmem>>, vector<1x16xf32>,
      %get3A_76 = vector.shape_cast %get3A_75 : vector<1x16xf32> to vector<16xf32>
      %mul3A_77 = arith.mulf %get3A_76, %get3A_53 : vector<16xf32>
      %get3A_78 = arith.index_cast %scan3A_50 : i32 to index
      %get3A_79 = arith.constant 16 : index
      %get3A_80 = tpu.vector_load %arg9[%get3A_78, %get3A_79] {strides = array<i32>} : memref<32x1024xf32, #tpu.memory_space<vmem>>, vector<1x16xf32>,
      %get3A_81 = vector.shape_cast %get3A_80 : vector<1x16xf32> to vector<16xf32>
      %mul3A_82 = arith.mulf %get3A_81, %get3A_57 : vector<16xf32>
      %add3A_83 = arith.addf %mul3A_77, %mul3A_82 : vector<16xf32>
      %swap3A_84 = arith.index_cast %scan3A_50 : i32 to index
      %swap3A_85 = arith.constant 16 : index
      %swap3A_86 = tpu.vector_load %arg8[%swap3A_84, %swap3A_85] {strides = array<i32>} : memref<32x1024xf32, #tpu.memory_space<vmem>>, vector<1x16xf32>,
      %swap3A_87 = vector.shape_cast %swap3A_86 : vector<1x16xf32> to vector<16xf32>
      %swap3A_88 = vector.shape_cast %add3A_83 : vector<16xf32> to vector<1x16xf32>
      tpu.vector_store %arg8[%swap3A_84, %swap3A_85], %swap3A_88 {strides = array<i32>} : memref<32x1024xf32, #tpu.memory_space<vmem>>, vector<1x16xf32>,
      %get3A_89 = arith.index_cast %scan3A_50 : i32 to index
      %get3A_90 = arith.constant 32 : index
      %get3A_91 = tpu.vector_load %arg8[%get3A_89, %get3A_90] {strides = array<i32>} : memref<32x1024xf32, #tpu.memory_space<vmem>>, vector<1x16xf32>,
      %get3A_92 = vector.shape_cast %get3A_91 : vector<1x16xf32> to vector<16xf32>
      %mul3A_93 = arith.mulf %get3A_92, %get3A_53 : vector<16xf32>
      %get3A_94 = arith.index_cast %scan3A_50 : i32 to index
      %get3A_95 = arith.constant 32 : index
      %get3A_96 = tpu.vector_load %arg9[%get3A_94, %get3A_95] {strides = array<i32>} : memref<32x1024xf32, #tpu.memory_space<vmem>>, vector<1x16xf32>,
      %get3A_97 = vector.shape_cast %get3A_96 : vector<1x16xf32> to vector<16xf32>
      %mul3A_98 = arith.mulf %get3A_97, %get3A_57 : vector<16xf32>
      %add3A_99 = arith.addf %mul3A_93, %mul3A_98 : vector<16xf32>
      %swap3A_100 = arith.index_cast %scan3A_50 : i32 to index
      %swap3A_101 = arith.constant 32 : index
      %swap3A_102 = tpu.vector_load %arg8[%swap3A_100, %swap3A_101] {strides = array<i32>} : memref<32x1024xf32, #tpu.memory_space<vmem>>, vector<1x16xf32>,
      %swap3A_103 = vector.shape_cast %swap3A_102 : vector<1x16xf32> to vector<16xf32>
      %swap3A_104 = vector.shape_cast %add3A_99 : vector<16xf32> to vector<1x16xf32>
      tpu.vector_store %arg8[%swap3A_100, %swap3A_101], %swap3A_104 {strides = array<i32>} : memref<32x1024xf32, #tpu.memory_space<vmem>>, vector<1x16xf32>,
      %get3A_105 = arith.index_cast %scan3A_50 : i32 to index
      %get3A_106 = arith.constant 48 : index
      %get3A_107 = tpu.vector_load %arg8[%get3A_105, %get3A_106] {strides = array<i32>} : memref<32x1024xf32, #tpu.memory_space<vmem>>, vector<1x16xf32>,
      %get3A_108 = vector.shape_cast %get3A_107 : vector<1x16xf32> to vector<16xf32>
      %mul3A_109 = arith.mulf %get3A_108, %get3A_53 : vector<16xf32>
      %get3A_110 = arith.index_cast %scan3A_50 : i32 to index
      %get3A_111 = arith.constant 48 : index
      %get3A_112 = tpu.vector_load %arg9[%get3A_110, %get3A_111] {strides = array<i32>} : memref<32x1024xf32, #tpu.memory_space<vmem>>, vector<1x16xf32>,
      %get3A_113 = vector.shape_cast %get3A_112 : vector<1x16xf32> to vector<16xf32>
      %mul3A_114 = arith.mulf %get3A_113, %get3A_57 : vector<16xf32>
      %add3A_115 = arith.addf %mul3A_109, %mul3A_114 : vector<16xf32>
      %swap3A_116 = arith.index_cast %scan3A_50 : i32 to index
      %swap3A_117 = arith.constant 48 : index
      %swap3A_118 = tpu.vector_load %arg8[%swap3A_116, %swap3A_117] {strides = array<i32>} : memref<32x1024xf32, #tpu.memory_space<vmem>>, vector<1x16xf32>,
      %swap3A_119 = vector.shape_cast %swap3A_118 : vector<1x16xf32> to vector<16xf32>
      %swap3A_120 = vector.shape_cast %add3A_115 : vector<16xf32> to vector<1x16xf32>
      tpu.vector_store %arg8[%swap3A_116, %swap3A_117], %swap3A_120 {strides = array<i32>} : memref<32x1024xf32, #tpu.memory_space<vmem>>, vector<1x16xf32>,
      %get3A_121 = arith.index_cast %scan3A_50 : i32 to index
      %get3A_122 = arith.constant 64 : index
      %get3A_123 = tpu.vector_load %arg8[%get3A_121, %get3A_122] {strides = array<i32>} : memref<32x1024xf32, #tpu.memory_space<vmem>>, vector<1x16xf32>,
      %get3A_124 = vector.shape_cast %get3A_123 : vector<1x16xf32> to vector<16xf32>
      %mul3A_125 = arith.mulf %get3A_124, %get3A_53 : vector<16xf32>
      %get3A_126 = arith.index_cast %scan3A_50 : i32 to index
      %get3A_127 = arith.constant 64 : index
      %get3A_128 = tpu.vector_load %arg9[%get3A_126, %get3A_127] {strides = array<i32>} : memref<32x1024xf32, #tpu.memory_space<vmem>>, vector<1x16xf32>,
      %get3A_129 = vector.shape_cast %get3A_128 : vector<1x16xf32> to vector<16xf32>
      %mul3A_130 = arith.mulf %get3A_129, %get3A_57 : vector<16xf32>
      %add3A_131 = arith.addf %mul3A_125, %mul3A_130 : vector<16xf32>
      %swap3A_132 = arith.index_cast %scan3A_50 : i32 to index
      %swap3A_133 = arith.constant 64 : index
      %swap3A_134 = tpu.vector_load %arg8[%swap3A_132, %swap3A_133] {strides = array<i32>} : memref<32x1024xf32, #tpu.memory_space<vmem>>, vector<1x16xf32>,
      %swap3A_135 = vector.shape_cast %swap3A_134 : vector<1x16xf32> to vector<16xf32>
      %swap3A_136 = vector.shape_cast %add3A_131 : vector<16xf32> to vector<1x16xf32>
      tpu.vector_store %arg8[%swap3A_132, %swap3A_133], %swap3A_136 {strides = array<i32>} : memref<32x1024xf32, #tpu.memory_space<vmem>>, vector<1x16xf32>,
      %get3A_137 = arith.index_cast %scan3A_50 : i32 to index
      %get3A_138 = arith.constant 80 : index
      %get3A_139 = tpu.vector_load %arg8[%get3A_137, %get3A_138] {strides = array<i32>} : memref<32x1024xf32, #tpu.memory_space<vmem>>, vector<1x16xf32>,
      %get3A_140 = vector.shape_cast %get3A_139 : vector<1x16xf32> to vector<16xf32>
      %mul3A_141 = arith.mulf %get3A_140, %get3A_53 : vector<16xf32>
      %get3A_142 = arith.index_cast %scan3A_50 : i32 to index
      %get3A_143 = arith.constant 80 : index
      %get3A_144 = tpu.vector_load %arg9[%get3A_142, %get3A_143] {strides = array<i32>} : memref<32x1024xf32, #tpu.memory_space<vmem>>, vector<1x16xf32>,
      %get3A_145 = vector.shape_cast %get3A_144 : vector<1x16xf32> to vector<16xf32>
      %mul3A_146 = arith.mulf %get3A_145, %get3A_57 : vector<16xf32>
      %add3A_147 = arith.addf %mul3A_141, %mul3A_146 : vector<16xf32>
      %swap3A_148 = arith.index_cast %scan3A_50 : i32 to index
      %swap3A_149 = arith.constant 80 : index
      %swap3A_150 = tpu.vector_load %arg8[%swap3A_148, %swap3A_149] {strides = array<i32>} : memref<32x1024xf32, #tpu.memory_space<vmem>>, vector<1x16xf32>,
      %swap3A_151 = vector.shape_cast %swap3A_150 : vector<1x16xf32> to vector<16xf32>
      %swap3A_152 = vector.shape_cast %add3A_147 : vector<16xf32> to vector<1x16xf32>
      tpu.vector_store %arg8[%swap3A_148, %swap3A_149], %swap3A_152 {strides = array<i32>} : memref<32x1024xf32, #tpu.memory_space<vmem>>, vector<1x16xf32>,
      %get3A_153 = arith.index_cast %scan3A_50 : i32 to index
      %get3A_154 = arith.constant 96 : index
      %get3A_155 = tpu.vector_load %arg8[%get3A_153, %get3A_154] {strides = array<i32>} : memref<32x1024xf32, #tpu.memory_space<vmem>>, vector<1x16xf32>,
      %get3A_156 = vector.shape_cast %get3A_155 : vector<1x16xf32> to vector<16xf32>
      %mul3A_157 = arith.mulf %get3A_156, %get3A_53 : vector<16xf32>
      %get3A_158 = arith.index_cast %scan3A_50 : i32 to index
      %get3A_159 = arith.constant 96 : index
      %get3A_160 = tpu.vector_load %arg9[%get3A_158, %get3A_159] {strides = array<i32>} : memref<32x1024xf32, #tpu.memory_space<vmem>>, vector<1x16xf32>,
      %get3A_161 = vector.shape_cast %get3A_160 : vector<1x16xf32> to vector<16xf32>
      %mul3A_162 = arith.mulf %get3A_161, %get3A_57 : vector<16xf32>
      %add3A_163 = arith.addf %mul3A_157, %mul3A_162 : vector<16xf32>
      %swap3A_164 = arith.index_cast %scan3A_50 : i32 to index
      %swap3A_165 = arith.constant 96 : index
      %swap3A_166 = tpu.vector_load %arg8[%swap3A_164, %swap3A_165] {strides = array<i32>} : memref<32x1024xf32, #tpu.memory_space<vmem>>, vector<1x16xf32>,
      %swap3A_167 = vector.shape_cast %swap3A_166 : vector<1x16xf32> to vector<16xf32>
      %swap3A_168 = vector.shape_cast %add3A_163 : vector<16xf32> to vector<1x16xf32>
      tpu.vector_store %arg8[%swap3A_164, %swap3A_165], %swap3A_168 {strides = array<i32>} : memref<32x1024xf32, #tpu.memory_space<vmem>>, vector<1x16xf32>,
      %get3A_169 = arith.index_cast %scan3A_50 : i32 to index
      %get3A_170 = arith.constant 112 : index
      %get3A_171 = tpu.vector_load %arg8[%get3A_169, %get3A_170] {strides = array<i32>} : memref<32x1024xf32, #tpu.memory_space<vmem>>, vector<1x16xf32>,
      %get3A_172 = vector.shape_cast %get3A_171 : vector<1x16xf32> to vector<16xf32>
      %mul3A_173 = arith.mulf %get3A_172, %get3A_53 : vector<16xf32>
      %get3A_174 = arith.index_cast %scan3A_50 : i32 to index
      %get3A_175 = arith.constant 112 : index
      %get3A_176 = tpu.vector_load %arg9[%get3A_174, %get3A_175] {strides = array<i32>} : memref<32x1024xf32, #tpu.memory_space<vmem>>, vector<1x16xf32>,
      %get3A_177 = vector.shape_cast %get3A_176 : vector<1x16xf32> to vector<16xf32>
      %mul3A_178 = arith.mulf %get3A_177, %get3A_57 : vector<16xf32>
      %add3A_179 = arith.addf %mul3A_173, %mul3A_178 : vector<16xf32>
      %swap3A_180 = arith.index_cast %scan3A_50 : i32 to index
      %swap3A_181 = arith.constant 112 : index
      %swap3A_182 = tpu.vector_load %arg8[%swap3A_180, %swap3A_181] {strides = array<i32>} : memref<32x1024xf32, #tpu.memory_space<vmem>>, vector<1x16xf32>,
      %swap3A_183 = vector.shape_cast %swap3A_182 : vector<1x16xf32> to vector<16xf32>
      %swap3A_184 = vector.shape_cast %add3A_179 : vector<16xf32> to vector<1x16xf32>
      tpu.vector_store %arg8[%swap3A_180, %swap3A_181], %swap3A_184 {strides = array<i32>} : memref<32x1024xf32, #tpu.memory_space<vmem>>, vector<1x16xf32>,
      %get3A_185 = arith.index_cast %scan3A_50 : i32 to index
      %get3A_186 = arith.constant 128 : index
      %get3A_187 = tpu.vector_load %arg8[%get3A_185, %get3A_186] {strides = array<i32>} : memref<32x1024xf32, #tpu.memory_space<vmem>>, vector<1x16xf32>,
      %get3A_188 = vector.shape_cast %get3A_187 : vector<1x16xf32> to vector<16xf32>
      %mul3A_189 = arith.mulf %get3A_188, %get3A_53 : vector<16xf32>
      %get3A_190 = arith.index_cast %scan3A_50 : i32 to index
      %get3A_191 = arith.constant 128 : index
      %get3A_192 = tpu.vector_load %arg9[%get3A_190, %get3A_191] {strides = array<i32>} : memref<32x1024xf32, #tpu.memory_space<vmem>>, vector<1x16xf32>,
      %get3A_193 = vector.shape_cast %get3A_192 : vector<1x16xf32> to vector<16xf32>
      %mul3A_194 = arith.mulf %get3A_193, %get3A_57 : vector<16xf32>
      %add3A_195 = arith.addf %mul3A_189, %mul3A_194 : vector<16xf32>
      %swap3A_196 = arith.index_cast %scan3A_50 : i32 to index
      %swap3A_197 = arith.constant 128 : index
      %swap3A_198 = tpu.vector_load %arg8[%swap3A_196, %swap3A_197] {strides = array<i32>} : memref<32x1024xf32, #tpu.memory_space<vmem>>, vector<1x16xf32>,
      %swap3A_199 = vector.shape_cast %swap3A_198 : vector<1x16xf32> to vector<16xf32>
      %swap3A_200 = vector.shape_cast %add3A_195 : vector<16xf32> to vector<1x16xf32>
      tpu.vector_store %arg8[%swap3A_196, %swap3A_197], %swap3A_200 {strides = array<i32>} : memref<32x1024xf32, #tpu.memory_space<vmem>>, vector<1x16xf32>,
      %get3A_201 = arith.index_cast %scan3A_50 : i32 to index
      %get3A_202 = arith.constant 144 : index
      %get3A_203 = tpu.vector_load %arg8[%get3A_201, %get3A_202] {strides = array<i32>} : memref<32x1024xf32, #tpu.memory_space<vmem>>, vector<1x16xf32>,
      %get3A_204 = vector.shape_cast %get3A_203 : vector<1x16xf32> to vector<16xf32>
      %mul3A_205 = arith.mulf %get3A_204, %get3A_53 : vector<16xf32>
      %get3A_206 = arith.index_cast %scan3A_50 : i32 to index
      %get3A_207 = arith.constant 144 : index
      %get3A_208 = tpu.vector_load %arg9[%get3A_206, %get3A_207] {strides = array<i32>} : memref<32x1024xf32, #tpu.memory_space<vmem>>, vector<1x16xf32>,
      %get3A_209 = vector.shape_cast %get3A_208 : vector<1x16xf32> to vector<16xf32>
      %mul3A_210 = arith.mulf %get3A_209, %get3A_57 : vector<16xf32>
      %add3A_211 = arith.addf %mul3A_205, %mul3A_210 : vector<16xf32>
      %swap3A_212 = arith.index_cast %scan3A_50 : i32 to index
      %swap3A_213 = arith.constant 144 : index
      %swap3A_214 = tpu.vector_load %arg8[%swap3A_212, %swap3A_213] {strides = array<i32>} : memref<32x1024xf32, #tpu.memory_space<vmem>>, vector<1x16xf32>,
      %swap3A_215 = vector.shape_cast %swap3A_214 : vector<1x16xf32> to vector<16xf32>
      %swap3A_216 = vector.shape_cast %add3A_211 : vector<16xf32> to vector<1x16xf32>
      tpu.vector_store %arg8[%swap3A_212, %swap3A_213], %swap3A_216 {strides = array<i32>} : memref<32x1024xf32, #tpu.memory_space<vmem>>, vector<1x16xf32>,
      %get3A_217 = arith.index_cast %scan3A_50 : i32 to index
      %get3A_218 = arith.constant 160 : index
      %get3A_219 = tpu.vector_load %arg8[%get3A_217, %get3A_218] {strides = array<i32>} : memref<32x1024xf32, #tpu.memory_space<vmem>>, vector<1x16xf32>,
      %get3A_220 = vector.shape_cast %get3A_219 : vector<1x16xf32> to vector<16xf32>
      %mul3A_221 = arith.mulf %get3A_220, %get3A_53 : vector<16xf32>
      %get3A_222 = arith.index_cast %scan3A_50 : i32 to index
      %get3A_223 = arith.constant 160 : index
      %get3A_224 = tpu.vector_load %arg9[%get3A_222, %get3A_223] {strides = array<i32>} : memref<32x1024xf32, #tpu.memory_space<vmem>>, vector<1x16xf32>,
      %get3A_225 = vector.shape_cast %get3A_224 : vector<1x16xf32> to vector<16xf32>
      %mul3A_226 = arith.mulf %get3A_225, %get3A_57 : vector<16xf32>
      %add3A_227 = arith.addf %mul3A_221, %mul3A_226 : vector<16xf32>
      %swap3A_228 = arith.index_cast %scan3A_50 : i32 to index
      %swap3A_229 = arith.constant 160 : index
      %swap3A_230 = tpu.vector_load %arg8[%swap3A_228, %swap3A_229] {strides = array<i32>} : memref<32x1024xf32, #tpu.memory_space<vmem>>, vector<1x16xf32>,
      %swap3A_231 = vector.shape_cast %swap3A_230 : vector<1x16xf32> to vector<16xf32>
      %swap3A_232 = vector.shape_cast %add3A_227 : vector<16xf32> to vector<1x16xf32>
      tpu.vector_store %arg8[%swap3A_228, %swap3A_229], %swap3A_232 {strides = array<i32>} : memref<32x1024xf32, #tpu.memory_space<vmem>>, vector<1x16xf32>,
      %get3A_233 = arith.index_cast %scan3A_50 : i32 to index
      %get3A_234 = arith.constant 176 : index
      %get3A_235 = tpu.vector_load %arg8[%get3A_233, %get3A_234] {strides = array<i32>} : memref<32x1024xf32, #tpu.memory_space<vmem>>, vector<1x16xf32>,
      %get3A_236 = vector.shape_cast %get3A_235 : vector<1x16xf32> to vector<16xf32>
      %mul3A_237 = arith.mulf %get3A_236, %get3A_53 : vector<16xf32>
      %get3A_238 = arith.index_cast %scan3A_50 : i32 to index
      %get3A_239 = arith.constant 176 : index
      %get3A_240 = tpu.vector_load %arg9[%get3A_238, %get3A_239] {strides = array<i32>} : memref<32x1024xf32, #tpu.memory_space<vmem>>, vector<1x16xf32>,
      %get3A_241 = vector.shape_cast %get3A_240 : vector<1x16xf32> to vector<16xf32>
      %mul3A_242 = arith.mulf %get3A_241, %get3A_57 : vector<16xf32>
      %add3A_243 = arith.addf %mul3A_237, %mul3A_242 : vector<16xf32>
      %swap3A_244 = arith.index_cast %scan3A_50 : i32 to index
      %swap3A_245 = arith.constant 176 : index
      %swap3A_246 = tpu.vector_load %arg8[%swap3A_244, %swap3A_245] {strides = array<i32>} : memref<32x1024xf32, #tpu.memory_space<vmem>>, vector<1x16xf32>,
      %swap3A_247 = vector.shape_cast %swap3A_246 : vector<1x16xf32> to vector<16xf32>
      %swap3A_248 = vector.shape_cast %add3A_243 : vector<16xf32> to vector<1x16xf32>
      tpu.vector_store %arg8[%swap3A_244, %swap3A_245], %swap3A_248 {strides = array<i32>} : memref<32x1024xf32, #tpu.memory_space<vmem>>, vector<1x16xf32>,
      %get3A_249 = arith.index_cast %scan3A_50 : i32 to index
      %get3A_250 = arith.constant 192 : index
      %get3A_251 = tpu.vector_load %arg8[%get3A_249, %get3A_250] {strides = array<i32>} : memref<32x1024xf32, #tpu.memory_space<vmem>>, vector<1x16xf32>,
      %get3A_252 = vector.shape_cast %get3A_251 : vector<1x16xf32> to vector<16xf32>
      %mul3A_253 = arith.mulf %get3A_252, %get3A_53 : vector<16xf32>
      %get3A_254 = arith.index_cast %scan3A_50 : i32 to index
      %get3A_255 = arith.constant 192 : index
      %get3A_256 = tpu.vector_load %arg9[%get3A_254, %get3A_255] {strides = array<i32>} : memref<32x1024xf32, #tpu.memory_space<vmem>>, vector<1x16xf32>,
      %get3A_257 = vector.shape_cast %get3A_256 : vector<1x16xf32> to vector<16xf32>
      %mul3A_258 = arith.mulf %get3A_257, %get3A_57 : vector<16xf32>
      %add3A_259 = arith.addf %mul3A_253, %mul3A_258 : vector<16xf32>
      %swap3A_260 = arith.index_cast %scan3A_50 : i32 to index
      %swap3A_261 = arith.constant 192 : index
      %swap3A_262 = tpu.vector_load %arg8[%swap3A_260, %swap3A_261] {strides = array<i32>} : memref<32x1024xf32, #tpu.memory_space<vmem>>, vector<1x16xf32>,
      %swap3A_263 = vector.shape_cast %swap3A_262 : vector<1x16xf32> to vector<16xf32>
      %swap3A_264 = vector.shape_cast %add3A_259 : vector<16xf32> to vector<1x16xf32>
      tpu.vector_store %arg8[%swap3A_260, %swap3A_261], %swap3A_264 {strides = array<i32>} : memref<32x1024xf32, #tpu.memory_space<vmem>>, vector<1x16xf32>,
      %get3A_265 = arith.index_cast %scan3A_50 : i32 to index
      %get3A_266 = arith.constant 208 : index
      %get3A_267 = tpu.vector_load %arg8[%get3A_265, %get3A_266] {strides = array<i32>} : memref<32x1024xf32, #tpu.memory_space<vmem>>, vector<1x16xf32>,
      %get3A_268 = vector.shape_cast %get3A_267 : vector<1x16xf32> to vector<16xf32>
      %mul3A_269 = arith.mulf %get3A_268, %get3A_53 : vector<16xf32>
      %get3A_270 = arith.index_cast %scan3A_50 : i32 to index
      %get3A_271 = arith.constant 208 : index
      %get3A_272 = tpu.vector_load %arg9[%get3A_270, %get3A_271] {strides = array<i32>} : memref<32x1024xf32, #tpu.memory_space<vmem>>, vector<1x16xf32>,
      %get3A_273 = vector.shape_cast %get3A_272 : vector<1x16xf32> to vector<16xf32>
      %mul3A_274 = arith.mulf %get3A_273, %get3A_57 : vector<16xf32>
      %add3A_275 = arith.addf %mul3A_269, %mul3A_274 : vector<16xf32>
      %swap3A_276 = arith.index_cast %scan3A_50 : i32 to index
      %swap3A_277 = arith.constant 208 : index
      %swap3A_278 = tpu.vector_load %arg8[%swap3A_276, %swap3A_277] {strides = array<i32>} : memref<32x1024xf32, #tpu.memory_space<vmem>>, vector<1x16xf32>,
      %swap3A_279 = vector.shape_cast %swap3A_278 : vector<1x16xf32> to vector<16xf32>
      %swap3A_280 = vector.shape_cast %add3A_275 : vector<16xf32> to vector<1x16xf32>
      tpu.vector_store %arg8[%swap3A_276, %swap3A_277], %swap3A_280 {strides = array<i32>} : memref<32x1024xf32, #tpu.memory_space<vmem>>, vector<1x16xf32>,
      %get3A_281 = arith.index_cast %scan3A_50 : i32 to index
      %get3A_282 = arith.constant 224 : index
      %get3A_283 = tpu.vector_load %arg8[%get3A_281, %get3A_282] {strides = array<i32>} : memref<32x1024xf32, #tpu.memory_space<vmem>>, vector<1x16xf32>,
      %get3A_284 = vector.shape_cast %get3A_283 : vector<1x16xf32> to vector<16xf32>
      %mul3A_285 = arith.mulf %get3A_284, %get3A_53 : vector<16xf32>
      %get3A_286 = arith.index_cast %scan3A_50 : i32 to index
      %get3A_287 = arith.constant 224 : index
      %get3A_288 = tpu.vector_load %arg9[%get3A_286, %get3A_287] {strides = array<i32>} : memref<32x1024xf32, #tpu.memory_space<vmem>>, vector<1x16xf32>,
      %get3A_289 = vector.shape_cast %get3A_288 : vector<1x16xf32> to vector<16xf32>
      %mul3A_290 = arith.mulf %get3A_289, %get3A_57 : vector<16xf32>
      %add3A_291 = arith.addf %mul3A_285, %mul3A_290 : vector<16xf32>
      %swap3A_292 = arith.index_cast %scan3A_50 : i32 to index
      %swap3A_293 = arith.constant 224 : index
      %swap3A_294 = tpu.vector_load %arg8[%swap3A_292, %swap3A_293] {strides = array<i32>} : memref<32x1024xf32, #tpu.memory_space<vmem>>, vector<1x16xf32>,
      %swap3A_295 = vector.shape_cast %swap3A_294 : vector<1x16xf32> to vector<16xf32>
      %swap3A_296 = vector.shape_cast %add3A_291 : vector<16xf32> to vector<1x16xf32>
      tpu.vector_store %arg8[%swap3A_292, %swap3A_293], %swap3A_296 {strides = array<i32>} : memref<32x1024xf32, #tpu.memory_space<vmem>>, vector<1x16xf32>,
      %get3A_297 = arith.index_cast %scan3A_50 : i32 to index
      %get3A_298 = arith.constant 240 : index
      %get3A_299 = tpu.vector_load %arg8[%get3A_297, %get3A_298] {strides = array<i32>} : memref<32x1024xf32, #tpu.memory_space<vmem>>, vector<1x16xf32>,
      %get3A_300 = vector.shape_cast %get3A_299 : vector<1x16xf32> to vector<16xf32>
      %mul3A_301 = arith.mulf %get3A_300, %get3A_53 : vector<16xf32>
      %get3A_302 = arith.index_cast %scan3A_50 : i32 to index
      %get3A_303 = arith.constant 240 : index
      %get3A_304 = tpu.vector_load %arg9[%get3A_302, %get3A_303] {strides = array<i32>} : memref<32x1024xf32, #tpu.memory_space<vmem>>, vector<1x16xf32>,
      %get3A_305 = vector.shape_cast %get3A_304 : vector<1x16xf32> to vector<16xf32>
      %mul3A_306 = arith.mulf %get3A_305, %get3A_57 : vector<16xf32>
      %add3A_307 = arith.addf %mul3A_301, %mul3A_306 : vector<16xf32>
      %swap3A_308 = arith.index_cast %scan3A_50 : i32 to index
      %swap3A_309 = arith.constant 240 : index
      %swap3A_310 = tpu.vector_load %arg8[%swap3A_308, %swap3A_309] {strides = array<i32>} : memref<32x1024xf32, #tpu.memory_space<vmem>>, vector<1x16xf32>,
      %swap3A_311 = vector.shape_cast %swap3A_310 : vector<1x16xf32> to vector<16xf32>
      %swap3A_312 = vector.shape_cast %add3A_307 : vector<16xf32> to vector<1x16xf32>
      tpu.vector_store %arg8[%swap3A_308, %swap3A_309], %swap3A_312 {strides = array<i32>} : memref<32x1024xf32, #tpu.memory_space<vmem>>, vector<1x16xf32>,
      %get3A_313 = arith.index_cast %scan3A_50 : i32 to index
      %get3A_314 = arith.constant 256 : index
      %get3A_315 = tpu.vector_load %arg8[%get3A_313, %get3A_314] {strides = array<i32>} : memref<32x1024xf32, #tpu.memory_space<vmem>>, vector<1x16xf32>,
      %get3A_316 = vector.shape_cast %get3A_315 : vector<1x16xf32> to vector<16xf32>
      %mul3A_317 = arith.mulf %get3A_316, %get3A_53 : vector<16xf32>
      %get3A_318 = arith.index_cast %scan3A_50 : i32 to index
      %get3A_319 = arith.constant 256 : index
      %get3A_320 = tpu.vector_load %arg9[%get3A_318, %get3A_319] {strides = array<i32>} : memref<32x1024xf32, #tpu.memory_space<vmem>>, vector<1x16xf32>,
      %get3A_321 = vector.shape_cast %get3A_320 : vector<1x16xf32> to vector<16xf32>
      %mul3A_322 = arith.mulf %get3A_321, %get3A_57 : vector<16xf32>
      %add3A_323 = arith.addf %mul3A_317, %mul3A_322 : vector<16xf32>
      %swap3A_324 = arith.index_cast %scan3A_50 : i32 to index
      %swap3A_325 = arith.constant 256 : index
      %swap3A_326 = tpu.vector_load %arg8[%swap3A_324, %swap3A_325] {strides = array<i32>} : memref<32x1024xf32, #tpu.memory_space<vmem>>, vector<1x16xf32>,
      %swap3A_327 = vector.shape_cast %swap3A_326 : vector<1x16xf32> to vector<16xf32>
      %swap3A_328 = vector.shape_cast %add3A_323 : vector<16xf32> to vector<1x16xf32>
      tpu.vector_store %arg8[%swap3A_324, %swap3A_325], %swap3A_328 {strides = array<i32>} : memref<32x1024xf32, #tpu.memory_space<vmem>>, vector<1x16xf32>,
      %get3A_329 = arith.index_cast %scan3A_50 : i32 to index
      %get3A_330 = arith.constant 272 : index
      %get3A_331 = tpu.vector_load %arg8[%get3A_329, %get3A_330] {strides = array<i32>} : memref<32x1024xf32, #tpu.memory_space<vmem>>, vector<1x16xf32>,
      %get3A_332 = vector.shape_cast %get3A_331 : vector<1x16xf32> to vector<16xf32>
      %mul3A_333 = arith.mulf %get3A_332, %get3A_53 : vector<16xf32>
      %get3A_334 = arith.index_cast %scan3A_50 : i32 to index
      %get3A_335 = arith.constant 272 : index
      %get3A_336 = tpu.vector_load %arg9[%get3A_334, %get3A_335] {strides = array<i32>} : memref<32x1024xf32, #tpu.memory_space<vmem>>, vector<1x16xf32>,
      %get3A_337 = vector.shape_cast %get3A_336 : vector<1x16xf32> to vector<16xf32>
      %mul3A_338 = arith.mulf %get3A_337, %get3A_57 : vector<16xf32>
      %add3A_339 = arith.addf %mul3A_333, %mul3A_338 : vector<16xf32>
      %swap3A_340 = arith.index_cast %scan3A_50 : i32 to index
      %swap3A_341 = arith.constant 272 : index
      %swap3A_342 = tpu.vector_load %arg8[%swap3A_340, %swap3A_341] {strides = array<i32>} : memref<32x1024xf32, #tpu.memory_space<vmem>>, vector<1x16xf32>,
      %swap3A_343 = vector.shape_cast %swap3A_342 : vector<1x16xf32> to vector<16xf32>
      %swap3A_344 = vector.shape_cast %add3A_339 : vector<16xf32> to vector<1x16xf32>
      tpu.vector_store %arg8[%swap3A_340, %swap3A_341], %swap3A_344 {strides = array<i32>} : memref<32x1024xf32, #tpu.memory_space<vmem>>, vector<1x16xf32>,
      %get3A_345 = arith.index_cast %scan3A_50 : i32 to index
      %get3A_346 = arith.constant 288 : index
      %get3A_347 = tpu.vector_load %arg8[%get3A_345, %get3A_346] {strides = array<i32>} : memref<32x1024xf32, #tpu.memory_space<vmem>>, vector<1x16xf32>,
      %get3A_348 = vector.shape_cast %get3A_347 : vector<1x16xf32> to vector<16xf32>
      %mul3A_349 = arith.mulf %get3A_348, %get3A_53 : vector<16xf32>
      %get3A_350 = arith.index_cast %scan3A_50 : i32 to index
      %get3A_351 = arith.constant 288 : index
      %get3A_352 = tpu.vector_load %arg9[%get3A_350, %get3A_351] {strides = array<i32>} : memref<32x1024xf32, #tpu.memory_space<vmem>>, vector<1x16xf32>,
      %get3A_353 = vector.shape_cast %get3A_352 : vector<1x16xf32> to vector<16xf32>
      %mul3A_354 = arith.mulf %get3A_353, %get3A_57 : vector<16xf32>
      %add3A_355 = arith.addf %mul3A_349, %mul3A_354 : vector<16xf32>
      %swap3A_356 = arith.index_cast %scan3A_50 : i32 to index
      %swap3A_357 = arith.constant 288 : index
      %swap3A_358 = tpu.vector_load %arg8[%swap3A_356, %swap3A_357] {strides = array<i32>} : memref<32x1024xf32, #tpu.memory_space<vmem>>, vector<1x16xf32>,
      %swap3A_359 = vector.shape_cast %swap3A_358 : vector<1x16xf32> to vector<16xf32>
      %swap3A_360 = vector.shape_cast %add3A_355 : vector<16xf32> to vector<1x16xf32>
      tpu.vector_store %arg8[%swap3A_356, %swap3A_357], %swap3A_360 {strides = array<i32>} : memref<32x1024xf32, #tpu.memory_space<vmem>>, vector<1x16xf32>,
      %get3A_361 = arith.index_cast %scan3A_50 : i32 to index
      %get3A_362 = arith.constant 304 : index
      %get3A_363 = tpu.vector_load %arg8[%get3A_361, %get3A_362] {strides = array<i32>} : memref<32x1024xf32, #tpu.memory_space<vmem>>, vector<1x16xf32>,
      %get3A_364 = vector.shape_cast %get3A_363 : vector<1x16xf32> to vector<16xf32>
      %mul3A_365 = arith.mulf %get3A_364, %get3A_53 : vector<16xf32>
      %get3A_366 = arith.index_cast %scan3A_50 : i32 to index
      %get3A_367 = arith.constant 304 : index
      %get3A_368 = tpu.vector_load %arg9[%get3A_366, %get3A_367] {strides = array<i32>} : memref<32x1024xf32, #tpu.memory_space<vmem>>, vector<1x16xf32>,
      %get3A_369 = vector.shape_cast %get3A_368 : vector<1x16xf32> to vector<16xf32>
      %mul3A_370 = arith.mulf %get3A_369, %get3A_57 : vector<16xf32>
      %add3A_371 = arith.addf %mul3A_365, %mul3A_370 : vector<16xf32>
      %swap3A_372 = arith.index_cast %scan3A_50 : i32 to index
      %swap3A_373 = arith.constant 304 : index
      %swap3A_374 = tpu.vector_load %arg8[%swap3A_372, %swap3A_373] {strides = array<i32>} : memref<32x1024xf32, #tpu.memory_space<vmem>>, vector<1x16xf32>,
      %swap3A_375 = vector.shape_cast %swap3A_374 : vector<1x16xf32> to vector<16xf32>
      %swap3A_376 = vector.shape_cast %add3A_371 : vector<16xf32> to vector<1x16xf32>
      tpu.vector_store %arg8[%swap3A_372, %swap3A_373], %swap3A_376 {strides = array<i32>} : memref<32x1024xf32, #tpu.memory_space<vmem>>, vector<1x16xf32>,
      %get3A_377 = arith.index_cast %scan3A_50 : i32 to index
      %get3A_378 = arith.constant 320 : index
      %get3A_379 = tpu.vector_load %arg8[%get3A_377, %get3A_378] {strides = array<i32>} : memref<32x1024xf32, #tpu.memory_space<vmem>>, vector<1x16xf32>,
      %get3A_380 = vector.shape_cast %get3A_379 : vector<1x16xf32> to vector<16xf32>
      %mul3A_381 = arith.mulf %get3A_380, %get3A_53 : vector<16xf32>
      %get3A_382 = arith.index_cast %scan3A_50 : i32 to index
      %get3A_383 = arith.constant 320 : index
      %get3A_384 = tpu.vector_load %arg9[%get3A_382, %get3A_383] {strides = array<i32>} : memref<32x1024xf32, #tpu.memory_space<vmem>>, vector<1x16xf32>,
      %get3A_385 = vector.shape_cast %get3A_384 : vector<1x16xf32> to vector<16xf32>
      %mul3A_386 = arith.mulf %get3A_385, %get3A_57 : vector<16xf32>
      %add3A_387 = arith.addf %mul3A_381, %mul3A_386 : vector<16xf32>
      %swap3A_388 = arith.index_cast %scan3A_50 : i32 to index
      %swap3A_389 = arith.constant 320 : index
      %swap3A_390 = tpu.vector_load %arg8[%swap3A_388, %swap3A_389] {strides = array<i32>} : memref<32x1024xf32, #tpu.memory_space<vmem>>, vector<1x16xf32>,
      %swap3A_391 = vector.shape_cast %swap3A_390 : vector<1x16xf32> to vector<16xf32>
      %swap3A_392 = vector.shape_cast %add3A_387 : vector<16xf32> to vector<1x16xf32>
      tpu.vector_store %arg8[%swap3A_388, %swap3A_389], %swap3A_392 {strides = array<i32>} : memref<32x1024xf32, #tpu.memory_space<vmem>>, vector<1x16xf32>,
      %get3A_393 = arith.index_cast %scan3A_50 : i32 to index
      %get3A_394 = arith.constant 336 : index
      %get3A_395 = tpu.vector_load %arg8[%get3A_393, %get3A_394] {strides = array<i32>} : memref<32x1024xf32, #tpu.memory_space<vmem>>, vector<1x16xf32>,
      %get3A_396 = vector.shape_cast %get3A_395 : vector<1x16xf32> to vector<16xf32>
      %mul3A_397 = arith.mulf %get3A_396, %get3A_53 : vector<16xf32>
      %get3A_398 = arith.index_cast %scan3A_50 : i32 to index
      %get3A_399 = arith.constant 336 : index
      %get3A_400 = tpu.vector_load %arg9[%get3A_398, %get3A_399] {strides = array<i32>} : memref<32x1024xf32, #tpu.memory_space<vmem>>, vector<1x16xf32>,
      %get3A_401 = vector.shape_cast %get3A_400 : vector<1x16xf32> to vector<16xf32>
      %mul3A_402 = arith.mulf %get3A_401, %get3A_57 : vector<16xf32>
      %add3A_403 = arith.addf %mul3A_397, %mul3A_402 : vector<16xf32>
      %swap3A_404 = arith.index_cast %scan3A_50 : i32 to index
      %swap3A_405 = arith.constant 336 : index
      %swap3A_406 = tpu.vector_load %arg8[%swap3A_404, %swap3A_405] {strides = array<i32>} : memref<32x1024xf32, #tpu.memory_space<vmem>>, vector<1x16xf32>,
      %swap3A_407 = vector.shape_cast %swap3A_406 : vector<1x16xf32> to vector<16xf32>
      %swap3A_408 = vector.shape_cast %add3A_403 : vector<16xf32> to vector<1x16xf32>
      tpu.vector_store %arg8[%swap3A_404, %swap3A_405], %swap3A_408 {strides = array<i32>} : memref<32x1024xf32, #tpu.memory_space<vmem>>, vector<1x16xf32>,
      %get3A_409 = arith.index_cast %scan3A_50 : i32 to index
      %get3A_410 = arith.constant 352 : index
      %get3A_411 = tpu.vector_load %arg8[%get3A_409, %get3A_410] {strides = array<i32>} : memref<32x1024xf32, #tpu.memory_space<vmem>>, vector<1x16xf32>,
      %get3A_412 = vector.shape_cast %get3A_411 : vector<1x16xf32> to vector<16xf32>
      %mul3A_413 = arith.mulf %get3A_412, %get3A_53 : vector<16xf32>
      %get3A_414 = arith.index_cast %scan3A_50 : i32 to index
      %get3A_415 = arith.constant 352 : index
      %get3A_416 = tpu.vector_load %arg9[%get3A_414, %get3A_415] {strides = array<i32>} : memref<32x1024xf32, #tpu.memory_space<vmem>>, vector<1x16xf32>,
      %get3A_417 = vector.shape_cast %get3A_416 : vector<1x16xf32> to vector<16xf32>
      %mul3A_418 = arith.mulf %get3A_417, %get3A_57 : vector<16xf32>
      %add3A_419 = arith.addf %mul3A_413, %mul3A_418 : vector<16xf32>
      %swap3A_420 = arith.index_cast %scan3A_50 : i32 to index
      %swap3A_421 = arith.constant 352 : index
      %swap3A_422 = tpu.vector_load %arg8[%swap3A_420, %swap3A_421] {strides = array<i32>} : memref<32x1024xf32, #tpu.memory_space<vmem>>, vector<1x16xf32>,
      %swap3A_423 = vector.shape_cast %swap3A_422 : vector<1x16xf32> to vector<16xf32>
      %swap3A_424 = vector.shape_cast %add3A_419 : vector<16xf32> to vector<1x16xf32>
      tpu.vector_store %arg8[%swap3A_420, %swap3A_421], %swap3A_424 {strides = array<i32>} : memref<32x1024xf32, #tpu.memory_space<vmem>>, vector<1x16xf32>,
      %get3A_425 = arith.index_cast %scan3A_50 : i32 to index
      %get3A_426 = arith.constant 368 : index
      %get3A_427 = tpu.vector_load %arg8[%get3A_425, %get3A_426] {strides = array<i32>} : memref<32x1024xf32, #tpu.memory_space<vmem>>, vector<1x16xf32>,
      %get3A_428 = vector.shape_cast %get3A_427 : vector<1x16xf32> to vector<16xf32>
      %mul3A_429 = arith.mulf %get3A_428, %get3A_53 : vector<16xf32>
      %get3A_430 = arith.index_cast %scan3A_50 : i32 to index
      %get3A_431 = arith.constant 368 : index
      %get3A_432 = tpu.vector_load %arg9[%get3A_430, %get3A_431] {strides = array<i32>} : memref<32x1024xf32, #tpu.memory_space<vmem>>, vector<1x16xf32>,
      %get3A_433 = vector.shape_cast %get3A_432 : vector<1x16xf32> to vector<16xf32>
      %mul3A_434 = arith.mulf %get3A_433, %get3A_57 : vector<16xf32>
      %add3A_435 = arith.addf %mul3A_429, %mul3A_434 : vector<16xf32>
      %swap3A_436 = arith.index_cast %scan3A_50 : i32 to index
      %swap3A_437 = arith.constant 368 : index
      %swap3A_438 = tpu.vector_load %arg8[%swap3A_436, %swap3A_437] {strides = array<i32>} : memref<32x1024xf32, #tpu.memory_space<vmem>>, vector<1x16xf32>,
      %swap3A_439 = vector.shape_cast %swap3A_438 : vector<1x16xf32> to vector<16xf32>
      %swap3A_440 = vector.shape_cast %add3A_435 : vector<16xf32> to vector<1x16xf32>
      tpu.vector_store %arg8[%swap3A_436, %swap3A_437], %swap3A_440 {strides = array<i32>} : memref<32x1024xf32, #tpu.memory_space<vmem>>, vector<1x16xf32>,
      %get3A_441 = arith.index_cast %scan3A_50 : i32 to index
      %get3A_442 = arith.constant 384 : index
      %get3A_443 = tpu.vector_load %arg8[%get3A_441, %get3A_442] {strides = array<i32>} : memref<32x1024xf32, #tpu.memory_space<vmem>>, vector<1x16xf32>,
      %get3A_444 = vector.shape_cast %get3A_443 : vector<1x16xf32> to vector<16xf32>
      %mul3A_445 = arith.mulf %get3A_444, %get3A_53 : vector<16xf32>
      %get3A_446 = arith.index_cast %scan3A_50 : i32 to index
      %get3A_447 = arith.constant 384 : index
      %get3A_448 = tpu.vector_load %arg9[%get3A_446, %get3A_447] {strides = array<i32>} : memref<32x1024xf32, #tpu.memory_space<vmem>>, vector<1x16xf32>,
      %get3A_449 = vector.shape_cast %get3A_448 : vector<1x16xf32> to vector<16xf32>
      %mul3A_450 = arith.mulf %get3A_449, %get3A_57 : vector<16xf32>
      %add3A_451 = arith.addf %mul3A_445, %mul3A_450 : vector<16xf32>
      %swap3A_452 = arith.index_cast %scan3A_50 : i32 to index
      %swap3A_453 = arith.constant 384 : index
      %swap3A_454 = tpu.vector_load %arg8[%swap3A_452, %swap3A_453] {strides = array<i32>} : memref<32x1024xf32, #tpu.memory_space<vmem>>, vector<1x16xf32>,
      %swap3A_455 = vector.shape_cast %swap3A_454 : vector<1x16xf32> to vector<16xf32>
      %swap3A_456 = vector.shape_cast %add3A_451 : vector<16xf32> to vector<1x16xf32>
      tpu.vector_store %arg8[%swap3A_452, %swap3A_453], %swap3A_456 {strides = array<i32>} : memref<32x1024xf32, #tpu.memory_space<vmem>>, vector<1x16xf32>,
      %get3A_457 = arith.index_cast %scan3A_50 : i32 to index
      %get3A_458 = arith.constant 400 : index
      %get3A_459 = tpu.vector_load %arg8[%get3A_457, %get3A_458] {strides = array<i32>} : memref<32x1024xf32, #tpu.memory_space<vmem>>, vector<1x16xf32>,
      %get3A_460 = vector.shape_cast %get3A_459 : vector<1x16xf32> to vector<16xf32>
      %mul3A_461 = arith.mulf %get3A_460, %get3A_53 : vector<16xf32>
      %get3A_462 = arith.index_cast %scan3A_50 : i32 to index
      %get3A_463 = arith.constant 400 : index
      %get3A_464 = tpu.vector_load %arg9[%get3A_462, %get3A_463] {strides = array<i32>} : memref<32x1024xf32, #tpu.memory_space<vmem>>, vector<1x16xf32>,
      %get3A_465 = vector.shape_cast %get3A_464 : vector<1x16xf32> to vector<16xf32>
      %mul3A_466 = arith.mulf %get3A_465, %get3A_57 : vector<16xf32>
      %add3A_467 = arith.addf %mul3A_461, %mul3A_466 : vector<16xf32>
      %swap3A_468 = arith.index_cast %scan3A_50 : i32 to index
      %swap3A_469 = arith.constant 400 : index
      %swap3A_470 = tpu.vector_load %arg8[%swap3A_468, %swap3A_469] {strides = array<i32>} : memref<32x1024xf32, #tpu.memory_space<vmem>>, vector<1x16xf32>,
      %swap3A_471 = vector.shape_cast %swap3A_470 : vector<1x16xf32> to vector<16xf32>
      %swap3A_472 = vector.shape_cast %add3A_467 : vector<16xf32> to vector<1x16xf32>
      tpu.vector_store %arg8[%swap3A_468, %swap3A_469], %swap3A_472 {strides = array<i32>} : memref<32x1024xf32, #tpu.memory_space<vmem>>, vector<1x16xf32>,
      %get3A_473 = arith.index_cast %scan3A_50 : i32 to index
      %get3A_474 = arith.constant 416 : index
      %get3A_475 = tpu.vector_load %arg8[%get3A_473, %get3A_474] {strides = array<i32>} : memref<32x1024xf32, #tpu.memory_space<vmem>>, vector<1x16xf32>,
      %get3A_476 = vector.shape_cast %get3A_475 : vector<1x16xf32> to vector<16xf32>
      %mul3A_477 = arith.mulf %get3A_476, %get3A_53 : vector<16xf32>
      %get3A_478 = arith.index_cast %scan3A_50 : i32 to index
      %get3A_479 = arith.constant 416 : index
      %get3A_480 = tpu.vector_load %arg9[%get3A_478, %get3A_479] {strides = array<i32>} : memref<32x1024xf32, #tpu.memory_space<vmem>>, vector<1x16xf32>,
      %get3A_481 = vector.shape_cast %get3A_480 : vector<1x16xf32> to vector<16xf32>
      %mul3A_482 = arith.mulf %get3A_481, %get3A_57 : vector<16xf32>
      %add3A_483 = arith.addf %mul3A_477, %mul3A_482 : vector<16xf32>
      %swap3A_484 = arith.index_cast %scan3A_50 : i32 to index
      %swap3A_485 = arith.constant 416 : index
      %swap3A_486 = tpu.vector_load %arg8[%swap3A_484, %swap3A_485] {strides = array<i32>} : memref<32x1024xf32, #tpu.memory_space<vmem>>, vector<1x16xf32>,
      %swap3A_487 = vector.shape_cast %swap3A_486 : vector<1x16xf32> to vector<16xf32>
      %swap3A_488 = vector.shape_cast %add3A_483 : vector<16xf32> to vector<1x16xf32>
      tpu.vector_store %arg8[%swap3A_484, %swap3A_485], %swap3A_488 {strides = array<i32>} : memref<32x1024xf32, #tpu.memory_space<vmem>>, vector<1x16xf32>,
      %get3A_489 = arith.index_cast %scan3A_50 : i32 to index
      %get3A_490 = arith.constant 432 : index
      %get3A_491 = tpu.vector_load %arg8[%get3A_489, %get3A_490] {strides = array<i32>} : memref<32x1024xf32, #tpu.memory_space<vmem>>, vector<1x16xf32>,
      %get3A_492 = vector.shape_cast %get3A_491 : vector<1x16xf32> to vector<16xf32>
      %mul3A_493 = arith.mulf %get3A_492, %get3A_53 : vector<16xf32>
      %get3A_494 = arith.index_cast %scan3A_50 : i32 to index
      %get3A_495 = arith.constant 432 : index
      %get3A_496 = tpu.vector_load %arg9[%get3A_494, %get3A_495] {strides = array<i32>} : memref<32x1024xf32, #tpu.memory_space<vmem>>, vector<1x16xf32>,
      %get3A_497 = vector.shape_cast %get3A_496 : vector<1x16xf32> to vector<16xf32>
      %mul3A_498 = arith.mulf %get3A_497, %get3A_57 : vector<16xf32>
      %add3A_499 = arith.addf %mul3A_493, %mul3A_498 : vector<16xf32>
      %swap3A_500 = arith.index_cast %scan3A_50 : i32 to index
      %swap3A_501 = arith.constant 432 : index
      %swap3A_502 = tpu.vector_load %arg8[%swap3A_500, %swap3A_501] {strides = array<i32>} : memref<32x1024xf32, #tpu.memory_space<vmem>>, vector<1x16xf32>,
      %swap3A_503 = vector.shape_cast %swap3A_502 : vector<1x16xf32> to vector<16xf32>
      %swap3A_504 = vector.shape_cast %add3A_499 : vector<16xf32> to vector<1x16xf32>
      tpu.vector_store %arg8[%swap3A_500, %swap3A_501], %swap3A_504 {strides = array<i32>} : memref<32x1024xf32, #tpu.memory_space<vmem>>, vector<1x16xf32>,
      %get3A_505 = arith.index_cast %scan3A_50 : i32 to index
      %get3A_506 = arith.constant 448 : index
      %get3A_507 = tpu.vector_load %arg8[%get3A_505, %get3A_506] {strides = array<i32>} : memref<32x1024xf32, #tpu.memory_space<vmem>>, vector<1x16xf32>,
      %get3A_508 = vector.shape_cast %get3A_507 : vector<1x16xf32> to vector<16xf32>
      %mul3A_509 = arith.mulf %get3A_508, %get3A_53 : vector<16xf32>
      %get3A_510 = arith.index_cast %scan3A_50 : i32 to index
      %get3A_511 = arith.constant 448 : index
      %get3A_512 = tpu.vector_load %arg9[%get3A_510, %get3A_511] {strides = array<i32>} : memref<32x1024xf32, #tpu.memory_space<vmem>>, vector<1x16xf32>,
      %get3A_513 = vector.shape_cast %get3A_512 : vector<1x16xf32> to vector<16xf32>
      %mul3A_514 = arith.mulf %get3A_513, %get3A_57 : vector<16xf32>
      %add3A_515 = arith.addf %mul3A_509, %mul3A_514 : vector<16xf32>
      %swap3A_516 = arith.index_cast %scan3A_50 : i32 to index
      %swap3A_517 = arith.constant 448 : index
      %swap3A_518 = tpu.vector_load %arg8[%swap3A_516, %swap3A_517] {strides = array<i32>} : memref<32x1024xf32, #tpu.memory_space<vmem>>, vector<1x16xf32>,
      %swap3A_519 = vector.shape_cast %swap3A_518 : vector<1x16xf32> to vector<16xf32>
      %swap3A_520 = vector.shape_cast %add3A_515 : vector<16xf32> to vector<1x16xf32>
      tpu.vector_store %arg8[%swap3A_516, %swap3A_517], %swap3A_520 {strides = array<i32>} : memref<32x1024xf32, #tpu.memory_space<vmem>>, vector<1x16xf32>,
      %get3A_521 = arith.index_cast %scan3A_50 : i32 to index
      %get3A_522 = arith.constant 464 : index
      %get3A_523 = tpu.vector_load %arg8[%get3A_521, %get3A_522] {strides = array<i32>} : memref<32x1024xf32, #tpu.memory_space<vmem>>, vector<1x16xf32>,
      %get3A_524 = vector.shape_cast %get3A_523 : vector<1x16xf32> to vector<16xf32>
      %mul3A_525 = arith.mulf %get3A_524, %get3A_53 : vector<16xf32>
      %get3A_526 = arith.index_cast %scan3A_50 : i32 to index
      %get3A_527 = arith.constant 464 : index
      %get3A_528 = tpu.vector_load %arg9[%get3A_526, %get3A_527] {strides = array<i32>} : memref<32x1024xf32, #tpu.memory_space<vmem>>, vector<1x16xf32>,
      %get3A_529 = vector.shape_cast %get3A_528 : vector<1x16xf32> to vector<16xf32>
      %mul3A_530 = arith.mulf %get3A_529, %get3A_57 : vector<16xf32>
      %add3A_531 = arith.addf %mul3A_525, %mul3A_530 : vector<16xf32>
      %swap3A_532 = arith.index_cast %scan3A_50 : i32 to index
      %swap3A_533 = arith.constant 464 : index
      %swap3A_534 = tpu.vector_load %arg8[%swap3A_532, %swap3A_533] {strides = array<i32>} : memref<32x1024xf32, #tpu.memory_space<vmem>>, vector<1x16xf32>,
      %swap3A_535 = vector.shape_cast %swap3A_534 : vector<1x16xf32> to vector<16xf32>
      %swap3A_536 = vector.shape_cast %add3A_531 : vector<16xf32> to vector<1x16xf32>
      tpu.vector_store %arg8[%swap3A_532, %swap3A_533], %swap3A_536 {strides = array<i32>} : memref<32x1024xf32, #tpu.memory_space<vmem>>, vector<1x16xf32>,
      %get3A_537 = arith.index_cast %scan3A_50 : i32 to index
      %get3A_538 = arith.constant 480 : index
      %get3A_539 = tpu.vector_load %arg8[%get3A_537, %get3A_538] {strides = array<i32>} : memref<32x1024xf32, #tpu.memory_space<vmem>>, vector<1x16xf32>,
      %get3A_540 = vector.shape_cast %get3A_539 : vector<1x16xf32> to vector<16xf32>
      %mul3A_541 = arith.mulf %get3A_540, %get3A_53 : vector<16xf32>
      %get3A_542 = arith.index_cast %scan3A_50 : i32 to index
      %get3A_543 = arith.constant 480 : index
      %get3A_544 = tpu.vector_load %arg9[%get3A_542, %get3A_543] {strides = array<i32>} : memref<32x1024xf32, #tpu.memory_space<vmem>>, vector<1x16xf32>,
      %get3A_545 = vector.shape_cast %get3A_544 : vector<1x16xf32> to vector<16xf32>
      %mul3A_546 = arith.mulf %get3A_545, %get3A_57 : vector<16xf32>
      %add3A_547 = arith.addf %mul3A_541, %mul3A_546 : vector<16xf32>
      %swap3A_548 = arith.index_cast %scan3A_50 : i32 to index
      %swap3A_549 = arith.constant 480 : index
      %swap3A_550 = tpu.vector_load %arg8[%swap3A_548, %swap3A_549] {strides = array<i32>} : memref<32x1024xf32, #tpu.memory_space<vmem>>, vector<1x16xf32>,
      %swap3A_551 = vector.shape_cast %swap3A_550 : vector<1x16xf32> to vector<16xf32>
      %swap3A_552 = vector.shape_cast %add3A_547 : vector<16xf32> to vector<1x16xf32>
      tpu.vector_store %arg8[%swap3A_548, %swap3A_549], %swap3A_552 {strides = array<i32>} : memref<32x1024xf32, #tpu.memory_space<vmem>>, vector<1x16xf32>,
      %get3A_553 = arith.index_cast %scan3A_50 : i32 to index
      %get3A_554 = arith.constant 496 : index
      %get3A_555 = tpu.vector_load %arg8[%get3A_553, %get3A_554] {strides = array<i32>} : memref<32x1024xf32, #tpu.memory_space<vmem>>, vector<1x16xf32>,
      %get3A_556 = vector.shape_cast %get3A_555 : vector<1x16xf32> to vector<16xf32>
      %mul3A_557 = arith.mulf %get3A_556, %get3A_53 : vector<16xf32>
      %get3A_558 = arith.index_cast %scan3A_50 : i32 to index
      %get3A_559 = arith.constant 496 : index
      %get3A_560 = tpu.vector_load %arg9[%get3A_558, %get3A_559] {strides = array<i32>} : memref<32x1024xf32, #tpu.memory_space<vmem>>, vector<1x16xf32>,
      %get3A_561 = vector.shape_cast %get3A_560 : vector<1x16xf32> to vector<16xf32>
      %mul3A_562 = arith.mulf %get3A_561, %get3A_57 : vector<16xf32>
      %add3A_563 = arith.addf %mul3A_557, %mul3A_562 : vector<16xf32>
      %swap3A_564 = arith.index_cast %scan3A_50 : i32 to index
      %swap3A_565 = arith.constant 496 : index
      %swap3A_566 = tpu.vector_load %arg8[%swap3A_564, %swap3A_565] {strides = array<i32>} : memref<32x1024xf32, #tpu.memory_space<vmem>>, vector<1x16xf32>,
      %swap3A_567 = vector.shape_cast %swap3A_566 : vector<1x16xf32> to vector<16xf32>
      %swap3A_568 = vector.shape_cast %add3A_563 : vector<16xf32> to vector<1x16xf32>
      tpu.vector_store %arg8[%swap3A_564, %swap3A_565], %swap3A_568 {strides = array<i32>} : memref<32x1024xf32, #tpu.memory_space<vmem>>, vector<1x16xf32>,
      %get3A_569 = arith.index_cast %scan3A_50 : i32 to index
      %get3A_570 = arith.constant 512 : index
      %get3A_571 = tpu.vector_load %arg8[%get3A_569, %get3A_570] {strides = array<i32>} : memref<32x1024xf32, #tpu.memory_space<vmem>>, vector<1x16xf32>,
      %get3A_572 = vector.shape_cast %get3A_571 : vector<1x16xf32> to vector<16xf32>
      %mul3A_573 = arith.mulf %get3A_572, %get3A_53 : vector<16xf32>
      %get3A_574 = arith.index_cast %scan3A_50 : i32 to index
      %get3A_575 = arith.constant 512 : index
      %get3A_576 = tpu.vector_load %arg9[%get3A_574, %get3A_575] {strides = array<i32>} : memref<32x1024xf32, #tpu.memory_space<vmem>>, vector<1x16xf32>,
      %get3A_577 = vector.shape_cast %get3A_576 : vector<1x16xf32> to vector<16xf32>
      %mul3A_578 = arith.mulf %get3A_577, %get3A_57 : vector<16xf32>
      %add3A_579 = arith.addf %mul3A_573, %mul3A_578 : vector<16xf32>
      %swap3A_580 = arith.index_cast %scan3A_50 : i32 to index
      %swap3A_581 = arith.constant 512 : index
      %swap3A_582 = tpu.vector_load %arg8[%swap3A_580, %swap3A_581] {strides = array<i32>} : memref<32x1024xf32, #tpu.memory_space<vmem>>, vector<1x16xf32>,
      %swap3A_583 = vector.shape_cast %swap3A_582 : vector<1x16xf32> to vector<16xf32>
      %swap3A_584 = vector.shape_cast %add3A_579 : vector<16xf32> to vector<1x16xf32>
      tpu.vector_store %arg8[%swap3A_580, %swap3A_581], %swap3A_584 {strides = array<i32>} : memref<32x1024xf32, #tpu.memory_space<vmem>>, vector<1x16xf32>,
      %get3A_585 = arith.index_cast %scan3A_50 : i32 to index
      %get3A_586 = arith.constant 528 : index
      %get3A_587 = tpu.vector_load %arg8[%get3A_585, %get3A_586] {strides = array<i32>} : memref<32x1024xf32, #tpu.memory_space<vmem>>, vector<1x16xf32>,
      %get3A_588 = vector.shape_cast %get3A_587 : vector<1x16xf32> to vector<16xf32>
      %mul3A_589 = arith.mulf %get3A_588, %get3A_53 : vector<16xf32>
      %get3A_590 = arith.index_cast %scan3A_50 : i32 to index
      %get3A_591 = arith.constant 528 : index
      %get3A_592 = tpu.vector_load %arg9[%get3A_590, %get3A_591] {strides = array<i32>} : memref<32x1024xf32, #tpu.memory_space<vmem>>, vector<1x16xf32>,
      %get3A_593 = vector.shape_cast %get3A_592 : vector<1x16xf32> to vector<16xf32>
      %mul3A_594 = arith.mulf %get3A_593, %get3A_57 : vector<16xf32>
      %add3A_595 = arith.addf %mul3A_589, %mul3A_594 : vector<16xf32>
      %swap3A_596 = arith.index_cast %scan3A_50 : i32 to index
      %swap3A_597 = arith.constant 528 : index
      %swap3A_598 = tpu.vector_load %arg8[%swap3A_596, %swap3A_597] {strides = array<i32>} : memref<32x1024xf32, #tpu.memory_space<vmem>>, vector<1x16xf32>,
      %swap3A_599 = vector.shape_cast %swap3A_598 : vector<1x16xf32> to vector<16xf32>
      %swap3A_600 = vector.shape_cast %add3A_595 : vector<16xf32> to vector<1x16xf32>
      tpu.vector_store %arg8[%swap3A_596, %swap3A_597], %swap3A_600 {strides = array<i32>} : memref<32x1024xf32, #tpu.memory_space<vmem>>, vector<1x16xf32>,
      %get3A_601 = arith.index_cast %scan3A_50 : i32 to index
      %get3A_602 = arith.constant 544 : index
      %get3A_603 = tpu.vector_load %arg8[%get3A_601, %get3A_602] {strides = array<i32>} : memref<32x1024xf32, #tpu.memory_space<vmem>>, vector<1x16xf32>,
      %get3A_604 = vector.shape_cast %get3A_603 : vector<1x16xf32> to vector<16xf32>
      %mul3A_605 = arith.mulf %get3A_604, %get3A_53 : vector<16xf32>
      %get3A_606 = arith.index_cast %scan3A_50 : i32 to index
      %get3A_607 = arith.constant 544 : index
      %get3A_608 = tpu.vector_load %arg9[%get3A_606, %get3A_607] {strides = array<i32>} : memref<32x1024xf32, #tpu.memory_space<vmem>>, vector<1x16xf32>,
      %get3A_609 = vector.shape_cast %get3A_608 : vector<1x16xf32> to vector<16xf32>
      %mul3A_610 = arith.mulf %get3A_609, %get3A_57 : vector<16xf32>
      %add3A_611 = arith.addf %mul3A_605, %mul3A_610 : vector<16xf32>
      %swap3A_612 = arith.index_cast %scan3A_50 : i32 to index
      %swap3A_613 = arith.constant 544 : index
      %swap3A_614 = tpu.vector_load %arg8[%swap3A_612, %swap3A_613] {strides = array<i32>} : memref<32x1024xf32, #tpu.memory_space<vmem>>, vector<1x16xf32>,
      %swap3A_615 = vector.shape_cast %swap3A_614 : vector<1x16xf32> to vector<16xf32>
      %swap3A_616 = vector.shape_cast %add3A_611 : vector<16xf32> to vector<1x16xf32>
      tpu.vector_store %arg8[%swap3A_612, %swap3A_613], %swap3A_616 {strides = array<i32>} : memref<32x1024xf32, #tpu.memory_space<vmem>>, vector<1x16xf32>,
      %get3A_617 = arith.index_cast %scan3A_50 : i32 to index
      %get3A_618 = arith.constant 560 : index
      %get3A_619 = tpu.vector_load %arg8[%get3A_617, %get3A_618] {strides = array<i32>} : memref<32x1024xf32, #tpu.memory_space<vmem>>, vector<1x16xf32>,
      %get3A_620 = vector.shape_cast %get3A_619 : vector<1x16xf32> to vector<16xf32>
      %mul3A_621 = arith.mulf %get3A_620, %get3A_53 : vector<16xf32>
      %get3A_622 = arith.index_cast %scan3A_50 : i32 to index
      %get3A_623 = arith.constant 560 : index
      %get3A_624 = tpu.vector_load %arg9[%get3A_622, %get3A_623] {strides = array<i32>} : memref<32x1024xf32, #tpu.memory_space<vmem>>, vector<1x16xf32>,
      %get3A_625 = vector.shape_cast %get3A_624 : vector<1x16xf32> to vector<16xf32>
      %mul3A_626 = arith.mulf %get3A_625, %get3A_57 : vector<16xf32>
      %add3A_627 = arith.addf %mul3A_621, %mul3A_626 : vector<16xf32>
      %swap3A_628 = arith.index_cast %scan3A_50 : i32 to index
      %swap3A_629 = arith.constant 560 : index
      %swap3A_630 = tpu.vector_load %arg8[%swap3A_628, %swap3A_629] {strides = array<i32>} : memref<32x1024xf32, #tpu.memory_space<vmem>>, vector<1x16xf32>,
      %swap3A_631 = vector.shape_cast %swap3A_630 : vector<1x16xf32> to vector<16xf32>
      %swap3A_632 = vector.shape_cast %add3A_627 : vector<16xf32> to vector<1x16xf32>
      tpu.vector_store %arg8[%swap3A_628, %swap3A_629], %swap3A_632 {strides = array<i32>} : memref<32x1024xf32, #tpu.memory_space<vmem>>, vector<1x16xf32>,
      %get3A_633 = arith.index_cast %scan3A_50 : i32 to index
      %get3A_634 = arith.constant 576 : index
      %get3A_635 = tpu.vector_load %arg8[%get3A_633, %get3A_634] {strides = array<i32>} : memref<32x1024xf32, #tpu.memory_space<vmem>>, vector<1x16xf32>,
      %get3A_636 = vector.shape_cast %get3A_635 : vector<1x16xf32> to vector<16xf32>
      %mul3A_637 = arith.mulf %get3A_636, %get3A_53 : vector<16xf32>
      %get3A_638 = arith.index_cast %scan3A_50 : i32 to index
      %get3A_639 = arith.constant 576 : index
      %get3A_640 = tpu.vector_load %arg9[%get3A_638, %get3A_639] {strides = array<i32>} : memref<32x1024xf32, #tpu.memory_space<vmem>>, vector<1x16xf32>,
      %get3A_641 = vector.shape_cast %get3A_640 : vector<1x16xf32> to vector<16xf32>
      %mul3A_642 = arith.mulf %get3A_641, %get3A_57 : vector<16xf32>
      %add3A_643 = arith.addf %mul3A_637, %mul3A_642 : vector<16xf32>
      %swap3A_644 = arith.index_cast %scan3A_50 : i32 to index
      %swap3A_645 = arith.constant 576 : index
      %swap3A_646 = tpu.vector_load %arg8[%swap3A_644, %swap3A_645] {strides = array<i32>} : memref<32x1024xf32, #tpu.memory_space<vmem>>, vector<1x16xf32>,
      %swap3A_647 = vector.shape_cast %swap3A_646 : vector<1x16xf32> to vector<16xf32>
      %swap3A_648 = vector.shape_cast %add3A_643 : vector<16xf32> to vector<1x16xf32>
      tpu.vector_store %arg8[%swap3A_644, %swap3A_645], %swap3A_648 {strides = array<i32>} : memref<32x1024xf32, #tpu.memory_space<vmem>>, vector<1x16xf32>,
      %get3A_649 = arith.index_cast %scan3A_50 : i32 to index
      %get3A_650 = arith.constant 592 : index
      %get3A_651 = tpu.vector_load %arg8[%get3A_649, %get3A_650] {strides = array<i32>} : memref<32x1024xf32, #tpu.memory_space<vmem>>, vector<1x16xf32>,
      %get3A_652 = vector.shape_cast %get3A_651 : vector<1x16xf32> to vector<16xf32>
      %mul3A_653 = arith.mulf %get3A_652, %get3A_53 : vector<16xf32>
      %get3A_654 = arith.index_cast %scan3A_50 : i32 to index
      %get3A_655 = arith.constant 592 : index
      %get3A_656 = tpu.vector_load %arg9[%get3A_654, %get3A_655] {strides = array<i32>} : memref<32x1024xf32, #tpu.memory_space<vmem>>, vector<1x16xf32>,
      %get3A_657 = vector.shape_cast %get3A_656 : vector<1x16xf32> to vector<16xf32>
      %mul3A_658 = arith.mulf %get3A_657, %get3A_57 : vector<16xf32>
      %add3A_659 = arith.addf %mul3A_653, %mul3A_658 : vector<16xf32>
      %swap3A_660 = arith.index_cast %scan3A_50 : i32 to index
      %swap3A_661 = arith.constant 592 : index
      %swap3A_662 = tpu.vector_load %arg8[%swap3A_660, %swap3A_661] {strides = array<i32>} : memref<32x1024xf32, #tpu.memory_space<vmem>>, vector<1x16xf32>,
      %swap3A_663 = vector.shape_cast %swap3A_662 : vector<1x16xf32> to vector<16xf32>
      %swap3A_664 = vector.shape_cast %add3A_659 : vector<16xf32> to vector<1x16xf32>
      tpu.vector_store %arg8[%swap3A_660, %swap3A_661], %swap3A_664 {strides = array<i32>} : memref<32x1024xf32, #tpu.memory_space<vmem>>, vector<1x16xf32>,
      %get3A_665 = arith.index_cast %scan3A_50 : i32 to index
      %get3A_666 = arith.constant 608 : index
      %get3A_667 = tpu.vector_load %arg8[%get3A_665, %get3A_666] {strides = array<i32>} : memref<32x1024xf32, #tpu.memory_space<vmem>>, vector<1x16xf32>,
      %get3A_668 = vector.shape_cast %get3A_667 : vector<1x16xf32> to vector<16xf32>
      %mul3A_669 = arith.mulf %get3A_668, %get3A_53 : vector<16xf32>
      %get3A_670 = arith.index_cast %scan3A_50 : i32 to index
      %get3A_671 = arith.constant 608 : index
      %get3A_672 = tpu.vector_load %arg9[%get3A_670, %get3A_671] {strides = array<i32>} : memref<32x1024xf32, #tpu.memory_space<vmem>>, vector<1x16xf32>,
      %get3A_673 = vector.shape_cast %get3A_672 : vector<1x16xf32> to vector<16xf32>
      %mul3A_674 = arith.mulf %get3A_673, %get3A_57 : vector<16xf32>
      %add3A_675 = arith.addf %mul3A_669, %mul3A_674 : vector<16xf32>
      %swap3A_676 = arith.index_cast %scan3A_50 : i32 to index
      %swap3A_677 = arith.constant 608 : index
      %swap3A_678 = tpu.vector_load %arg8[%swap3A_676, %swap3A_677] {strides = array<i32>} : memref<32x1024xf32, #tpu.memory_space<vmem>>, vector<1x16xf32>,
      %swap3A_679 = vector.shape_cast %swap3A_678 : vector<1x16xf32> to vector<16xf32>
      %swap3A_680 = vector.shape_cast %add3A_675 : vector<16xf32> to vector<1x16xf32>
      tpu.vector_store %arg8[%swap3A_676, %swap3A_677], %swap3A_680 {strides = array<i32>} : memref<32x1024xf32, #tpu.memory_space<vmem>>, vector<1x16xf32>,
      %get3A_681 = arith.index_cast %scan3A_50 : i32 to index
      %get3A_682 = arith.constant 624 : index
      %get3A_683 = tpu.vector_load %arg8[%get3A_681, %get3A_682] {strides = array<i32>} : memref<32x1024xf32, #tpu.memory_space<vmem>>, vector<1x16xf32>,
      %get3A_684 = vector.shape_cast %get3A_683 : vector<1x16xf32> to vector<16xf32>
      %mul3A_685 = arith.mulf %get3A_684, %get3A_53 : vector<16xf32>
      %get3A_686 = arith.index_cast %scan3A_50 : i32 to index
      %get3A_687 = arith.constant 624 : index
      %get3A_688 = tpu.vector_load %arg9[%get3A_686, %get3A_687] {strides = array<i32>} : memref<32x1024xf32, #tpu.memory_space<vmem>>, vector<1x16xf32>,
      %get3A_689 = vector.shape_cast %get3A_688 : vector<1x16xf32> to vector<16xf32>
      %mul3A_690 = arith.mulf %get3A_689, %get3A_57 : vector<16xf32>
      %add3A_691 = arith.addf %mul3A_685, %mul3A_690 : vector<16xf32>
      %swap3A_692 = arith.index_cast %scan3A_50 : i32 to index
      %swap3A_693 = arith.constant 624 : index
      %swap3A_694 = tpu.vector_load %arg8[%swap3A_692, %swap3A_693] {strides = array<i32>} : memref<32x1024xf32, #tpu.memory_space<vmem>>, vector<1x16xf32>,
      %swap3A_695 = vector.shape_cast %swap3A_694 : vector<1x16xf32> to vector<16xf32>
      %swap3A_696 = vector.shape_cast %add3A_691 : vector<16xf32> to vector<1x16xf32>
      tpu.vector_store %arg8[%swap3A_692, %swap3A_693], %swap3A_696 {strides = array<i32>} : memref<32x1024xf32, #tpu.memory_space<vmem>>, vector<1x16xf32>,
      %get3A_697 = arith.index_cast %scan3A_50 : i32 to index
      %get3A_698 = arith.constant 640 : index
      %get3A_699 = tpu.vector_load %arg8[%get3A_697, %get3A_698] {strides = array<i32>} : memref<32x1024xf32, #tpu.memory_space<vmem>>, vector<1x16xf32>,
      %get3A_700 = vector.shape_cast %get3A_699 : vector<1x16xf32> to vector<16xf32>
      %mul3A_701 = arith.mulf %get3A_700, %get3A_53 : vector<16xf32>
      %get3A_702 = arith.index_cast %scan3A_50 : i32 to index
      %get3A_703 = arith.constant 640 : index
      %get3A_704 = tpu.vector_load %arg9[%get3A_702, %get3A_703] {strides = array<i32>} : memref<32x1024xf32, #tpu.memory_space<vmem>>, vector<1x16xf32>,
      %get3A_705 = vector.shape_cast %get3A_704 : vector<1x16xf32> to vector<16xf32>
      %mul3A_706 = arith.mulf %get3A_705, %get3A_57 : vector<16xf32>
      %add3A_707 = arith.addf %mul3A_701, %mul3A_706 : vector<16xf32>
      %swap3A_708 = arith.index_cast %scan3A_50 : i32 to index
      %swap3A_709 = arith.constant 640 : index
      %swap3A_710 = tpu.vector_load %arg8[%swap3A_708, %swap3A_709] {strides = array<i32>} : memref<32x1024xf32, #tpu.memory_space<vmem>>, vector<1x16xf32>,
      %swap3A_711 = vector.shape_cast %swap3A_710 : vector<1x16xf32> to vector<16xf32>
      %swap3A_712 = vector.shape_cast %add3A_707 : vector<16xf32> to vector<1x16xf32>
      tpu.vector_store %arg8[%swap3A_708, %swap3A_709], %swap3A_712 {strides = array<i32>} : memref<32x1024xf32, #tpu.memory_space<vmem>>, vector<1x16xf32>,
      %get3A_713 = arith.index_cast %scan3A_50 : i32 to index
      %get3A_714 = arith.constant 656 : index
      %get3A_715 = tpu.vector_load %arg8[%get3A_713, %get3A_714] {strides = array<i32>} : memref<32x1024xf32, #tpu.memory_space<vmem>>, vector<1x16xf32>,
      %get3A_716 = vector.shape_cast %get3A_715 : vector<1x16xf32> to vector<16xf32>
      %mul3A_717 = arith.mulf %get3A_716, %get3A_53 : vector<16xf32>
      %get3A_718 = arith.index_cast %scan3A_50 : i32 to index
      %get3A_719 = arith.constant 656 : index
      %get3A_720 = tpu.vector_load %arg9[%get3A_718, %get3A_719] {strides = array<i32>} : memref<32x1024xf32, #tpu.memory_space<vmem>>, vector<1x16xf32>,
      %get3A_721 = vector.shape_cast %get3A_720 : vector<1x16xf32> to vector<16xf32>
      %mul3A_722 = arith.mulf %get3A_721, %get3A_57 : vector<16xf32>
      %add3A_723 = arith.addf %mul3A_717, %mul3A_722 : vector<16xf32>
      %swap3A_724 = arith.index_cast %scan3A_50 : i32 to index
      %swap3A_725 = arith.constant 656 : index
      %swap3A_726 = tpu.vector_load %arg8[%swap3A_724, %swap3A_725] {strides = array<i32>} : memref<32x1024xf32, #tpu.memory_space<vmem>>, vector<1x16xf32>,
      %swap3A_727 = vector.shape_cast %swap3A_726 : vector<1x16xf32> to vector<16xf32>
      %swap3A_728 = vector.shape_cast %add3A_723 : vector<16xf32> to vector<1x16xf32>
      tpu.vector_store %arg8[%swap3A_724, %swap3A_725], %swap3A_728 {strides = array<i32>} : memref<32x1024xf32, #tpu.memory_space<vmem>>, vector<1x16xf32>,
      %get3A_729 = arith.index_cast %scan3A_50 : i32 to index
      %get3A_730 = arith.constant 672 : index
      %get3A_731 = tpu.vector_load %arg8[%get3A_729, %get3A_730] {strides = array<i32>} : memref<32x1024xf32, #tpu.memory_space<vmem>>, vector<1x16xf32>,
      %get3A_732 = vector.shape_cast %get3A_731 : vector<1x16xf32> to vector<16xf32>
      %mul3A_733 = arith.mulf %get3A_732, %get3A_53 : vector<16xf32>
      %get3A_734 = arith.index_cast %scan3A_50 : i32 to index
      %get3A_735 = arith.constant 672 : index
      %get3A_736 = tpu.vector_load %arg9[%get3A_734, %get3A_735] {strides = array<i32>} : memref<32x1024xf32, #tpu.memory_space<vmem>>, vector<1x16xf32>,
      %get3A_737 = vector.shape_cast %get3A_736 : vector<1x16xf32> to vector<16xf32>
      %mul3A_738 = arith.mulf %get3A_737, %get3A_57 : vector<16xf32>
      %add3A_739 = arith.addf %mul3A_733, %mul3A_738 : vector<16xf32>
      %swap3A_740 = arith.index_cast %scan3A_50 : i32 to index
      %swap3A_741 = arith.constant 672 : index
      %swap3A_742 = tpu.vector_load %arg8[%swap3A_740, %swap3A_741] {strides = array<i32>} : memref<32x1024xf32, #tpu.memory_space<vmem>>, vector<1x16xf32>,
      %swap3A_743 = vector.shape_cast %swap3A_742 : vector<1x16xf32> to vector<16xf32>
      %swap3A_744 = vector.shape_cast %add3A_739 : vector<16xf32> to vector<1x16xf32>
      tpu.vector_store %arg8[%swap3A_740, %swap3A_741], %swap3A_744 {strides = array<i32>} : memref<32x1024xf32, #tpu.memory_space<vmem>>, vector<1x16xf32>,
      %get3A_745 = arith.index_cast %scan3A_50 : i32 to index
      %get3A_746 = arith.constant 688 : index
      %get3A_747 = tpu.vector_load %arg8[%get3A_745, %get3A_746] {strides = array<i32>} : memref<32x1024xf32, #tpu.memory_space<vmem>>, vector<1x16xf32>,
      %get3A_748 = vector.shape_cast %get3A_747 : vector<1x16xf32> to vector<16xf32>
      %mul3A_749 = arith.mulf %get3A_748, %get3A_53 : vector<16xf32>
      %get3A_750 = arith.index_cast %scan3A_50 : i32 to index
      %get3A_751 = arith.constant 688 : index
      %get3A_752 = tpu.vector_load %arg9[%get3A_750, %get3A_751] {strides = array<i32>} : memref<32x1024xf32, #tpu.memory_space<vmem>>, vector<1x16xf32>,
      %get3A_753 = vector.shape_cast %get3A_752 : vector<1x16xf32> to vector<16xf32>
      %mul3A_754 = arith.mulf %get3A_753, %get3A_57 : vector<16xf32>
      %add3A_755 = arith.addf %mul3A_749, %mul3A_754 : vector<16xf32>
      %swap3A_756 = arith.index_cast %scan3A_50 : i32 to index
      %swap3A_757 = arith.constant 688 : index
      %swap3A_758 = tpu.vector_load %arg8[%swap3A_756, %swap3A_757] {strides = array<i32>} : memref<32x1024xf32, #tpu.memory_space<vmem>>, vector<1x16xf32>,
      %swap3A_759 = vector.shape_cast %swap3A_758 : vector<1x16xf32> to vector<16xf32>
      %swap3A_760 = vector.shape_cast %add3A_755 : vector<16xf32> to vector<1x16xf32>
      tpu.vector_store %arg8[%swap3A_756, %swap3A_757], %swap3A_760 {strides = array<i32>} : memref<32x1024xf32, #tpu.memory_space<vmem>>, vector<1x16xf32>,
      %get3A_761 = arith.index_cast %scan3A_50 : i32 to index
      %get3A_762 = arith.constant 704 : index
      %get3A_763 = tpu.vector_load %arg8[%get3A_761, %get3A_762] {strides = array<i32>} : memref<32x1024xf32, #tpu.memory_space<vmem>>, vector<1x16xf32>,
      %get3A_764 = vector.shape_cast %get3A_763 : vector<1x16xf32> to vector<16xf32>
      %mul3A_765 = arith.mulf %get3A_764, %get3A_53 : vector<16xf32>
      %get3A_766 = arith.index_cast %scan3A_50 : i32 to index
      %get3A_767 = arith.constant 704 : index
      %get3A_768 = tpu.vector_load %arg9[%get3A_766, %get3A_767] {strides = array<i32>} : memref<32x1024xf32, #tpu.memory_space<vmem>>, vector<1x16xf32>,
      %get3A_769 = vector.shape_cast %get3A_768 : vector<1x16xf32> to vector<16xf32>
      %mul3A_770 = arith.mulf %get3A_769, %get3A_57 : vector<16xf32>
      %add3A_771 = arith.addf %mul3A_765, %mul3A_770 : vector<16xf32>
      %swap3A_772 = arith.index_cast %scan3A_50 : i32 to index
      %swap3A_773 = arith.constant 704 : index
      %swap3A_774 = tpu.vector_load %arg8[%swap3A_772, %swap3A_773] {strides = array<i32>} : memref<32x1024xf32, #tpu.memory_space<vmem>>, vector<1x16xf32>,
      %swap3A_775 = vector.shape_cast %swap3A_774 : vector<1x16xf32> to vector<16xf32>
      %swap3A_776 = vector.shape_cast %add3A_771 : vector<16xf32> to vector<1x16xf32>
      tpu.vector_store %arg8[%swap3A_772, %swap3A_773], %swap3A_776 {strides = array<i32>} : memref<32x1024xf32, #tpu.memory_space<vmem>>, vector<1x16xf32>,
      %get3A_777 = arith.index_cast %scan3A_50 : i32 to index
      %get3A_778 = arith.constant 720 : index
      %get3A_779 = tpu.vector_load %arg8[%get3A_777, %get3A_778] {strides = array<i32>} : memref<32x1024xf32, #tpu.memory_space<vmem>>, vector<1x16xf32>,
      %get3A_780 = vector.shape_cast %get3A_779 : vector<1x16xf32> to vector<16xf32>
      %mul3A_781 = arith.mulf %get3A_780, %get3A_53 : vector<16xf32>
      %get3A_782 = arith.index_cast %scan3A_50 : i32 to index
      %get3A_783 = arith.constant 720 : index
      %get3A_784 = tpu.vector_load %arg9[%get3A_782, %get3A_783] {strides = array<i32>} : memref<32x1024xf32, #tpu.memory_space<vmem>>, vector<1x16xf32>,
      %get3A_785 = vector.shape_cast %get3A_784 : vector<1x16xf32> to vector<16xf32>
      %mul3A_786 = arith.mulf %get3A_785, %get3A_57 : vector<16xf32>
      %add3A_787 = arith.addf %mul3A_781, %mul3A_786 : vector<16xf32>
      %swap3A_788 = arith.index_cast %scan3A_50 : i32 to index
      %swap3A_789 = arith.constant 720 : index
      %swap3A_790 = tpu.vector_load %arg8[%swap3A_788, %swap3A_789] {strides = array<i32>} : memref<32x1024xf32, #tpu.memory_space<vmem>>, vector<1x16xf32>,
      %swap3A_791 = vector.shape_cast %swap3A_790 : vector<1x16xf32> to vector<16xf32>
      %swap3A_792 = vector.shape_cast %add3A_787 : vector<16xf32> to vector<1x16xf32>
      tpu.vector_store %arg8[%swap3A_788, %swap3A_789], %swap3A_792 {strides = array<i32>} : memref<32x1024xf32, #tpu.memory_space<vmem>>, vector<1x16xf32>,
      %get3A_793 = arith.index_cast %scan3A_50 : i32 to index
      %get3A_794 = arith.constant 736 : index
      %get3A_795 = tpu.vector_load %arg8[%get3A_793, %get3A_794] {strides = array<i32>} : memref<32x1024xf32, #tpu.memory_space<vmem>>, vector<1x16xf32>,
      %get3A_796 = vector.shape_cast %get3A_795 : vector<1x16xf32> to vector<16xf32>
      %mul3A_797 = arith.mulf %get3A_796, %get3A_53 : vector<16xf32>
      %get3A_798 = arith.index_cast %scan3A_50 : i32 to index
      %get3A_799 = arith.constant 736 : index
      %get3A_800 = tpu.vector_load %arg9[%get3A_798, %get3A_799] {strides = array<i32>} : memref<32x1024xf32, #tpu.memory_space<vmem>>, vector<1x16xf32>,
      %get3A_801 = vector.shape_cast %get3A_800 : vector<1x16xf32> to vector<16xf32>
      %mul3A_802 = arith.mulf %get3A_801, %get3A_57 : vector<16xf32>
      %add3A_803 = arith.addf %mul3A_797, %mul3A_802 : vector<16xf32>
      %swap3A_804 = arith.index_cast %scan3A_50 : i32 to index
      %swap3A_805 = arith.constant 736 : index
      %swap3A_806 = tpu.vector_load %arg8[%swap3A_804, %swap3A_805] {strides = array<i32>} : memref<32x1024xf32, #tpu.memory_space<vmem>>, vector<1x16xf32>,
      %swap3A_807 = vector.shape_cast %swap3A_806 : vector<1x16xf32> to vector<16xf32>
      %swap3A_808 = vector.shape_cast %add3A_803 : vector<16xf32> to vector<1x16xf32>
      tpu.vector_store %arg8[%swap3A_804, %swap3A_805], %swap3A_808 {strides = array<i32>} : memref<32x1024xf32, #tpu.memory_space<vmem>>, vector<1x16xf32>,
      %get3A_809 = arith.index_cast %scan3A_50 : i32 to index
      %get3A_810 = arith.constant 752 : index
      %get3A_811 = tpu.vector_load %arg8[%get3A_809, %get3A_810] {strides = array<i32>} : memref<32x1024xf32, #tpu.memory_space<vmem>>, vector<1x16xf32>,
      %get3A_812 = vector.shape_cast %get3A_811 : vector<1x16xf32> to vector<16xf32>
      %mul3A_813 = arith.mulf %get3A_812, %get3A_53 : vector<16xf32>
      %get3A_814 = arith.index_cast %scan3A_50 : i32 to index
      %get3A_815 = arith.constant 752 : index
      %get3A_816 = tpu.vector_load %arg9[%get3A_814, %get3A_815] {strides = array<i32>} : memref<32x1024xf32, #tpu.memory_space<vmem>>, vector<1x16xf32>,
      %get3A_817 = vector.shape_cast %get3A_816 : vector<1x16xf32> to vector<16xf32>
      %mul3A_818 = arith.mulf %get3A_817, %get3A_57 : vector<16xf32>
      %add3A_819 = arith.addf %mul3A_813, %mul3A_818 : vector<16xf32>
      %swap3A_820 = arith.index_cast %scan3A_50 : i32 to index
      %swap3A_821 = arith.constant 752 : index
      %swap3A_822 = tpu.vector_load %arg8[%swap3A_820, %swap3A_821] {strides = array<i32>} : memref<32x1024xf32, #tpu.memory_space<vmem>>, vector<1x16xf32>,
      %swap3A_823 = vector.shape_cast %swap3A_822 : vector<1x16xf32> to vector<16xf32>
      %swap3A_824 = vector.shape_cast %add3A_819 : vector<16xf32> to vector<1x16xf32>
      tpu.vector_store %arg8[%swap3A_820, %swap3A_821], %swap3A_824 {strides = array<i32>} : memref<32x1024xf32, #tpu.memory_space<vmem>>, vector<1x16xf32>,
      %get3A_825 = arith.index_cast %scan3A_50 : i32 to index
      %get3A_826 = arith.constant 768 : index
      %get3A_827 = tpu.vector_load %arg8[%get3A_825, %get3A_826] {strides = array<i32>} : memref<32x1024xf32, #tpu.memory_space<vmem>>, vector<1x16xf32>,
      %get3A_828 = vector.shape_cast %get3A_827 : vector<1x16xf32> to vector<16xf32>
      %mul3A_829 = arith.mulf %get3A_828, %get3A_53 : vector<16xf32>
      %get3A_830 = arith.index_cast %scan3A_50 : i32 to index
      %get3A_831 = arith.constant 768 : index
      %get3A_832 = tpu.vector_load %arg9[%get3A_830, %get3A_831] {strides = array<i32>} : memref<32x1024xf32, #tpu.memory_space<vmem>>, vector<1x16xf32>,
      %get3A_833 = vector.shape_cast %get3A_832 : vector<1x16xf32> to vector<16xf32>
      %mul3A_834 = arith.mulf %get3A_833, %get3A_57 : vector<16xf32>
      %add3A_835 = arith.addf %mul3A_829, %mul3A_834 : vector<16xf32>
      %swap3A_836 = arith.index_cast %scan3A_50 : i32 to index
      %swap3A_837 = arith.constant 768 : index
      %swap3A_838 = tpu.vector_load %arg8[%swap3A_836, %swap3A_837] {strides = array<i32>} : memref<32x1024xf32, #tpu.memory_space<vmem>>, vector<1x16xf32>,
      %swap3A_839 = vector.shape_cast %swap3A_838 : vector<1x16xf32> to vector<16xf32>
      %swap3A_840 = vector.shape_cast %add3A_835 : vector<16xf32> to vector<1x16xf32>
      tpu.vector_store %arg8[%swap3A_836, %swap3A_837], %swap3A_840 {strides = array<i32>} : memref<32x1024xf32, #tpu.memory_space<vmem>>, vector<1x16xf32>,
      %get3A_841 = arith.index_cast %scan3A_50 : i32 to index
      %get3A_842 = arith.constant 784 : index
      %get3A_843 = tpu.vector_load %arg8[%get3A_841, %get3A_842] {strides = array<i32>} : memref<32x1024xf32, #tpu.memory_space<vmem>>, vector<1x16xf32>,
      %get3A_844 = vector.shape_cast %get3A_843 : vector<1x16xf32> to vector<16xf32>
      %mul3A_845 = arith.mulf %get3A_844, %get3A_53 : vector<16xf32>
      %get3A_846 = arith.index_cast %scan3A_50 : i32 to index
      %get3A_847 = arith.constant 784 : index
      %get3A_848 = tpu.vector_load %arg9[%get3A_846, %get3A_847] {strides = array<i32>} : memref<32x1024xf32, #tpu.memory_space<vmem>>, vector<1x16xf32>,
      %get3A_849 = vector.shape_cast %get3A_848 : vector<1x16xf32> to vector<16xf32>
      %mul3A_850 = arith.mulf %get3A_849, %get3A_57 : vector<16xf32>
      %add3A_851 = arith.addf %mul3A_845, %mul3A_850 : vector<16xf32>
      %swap3A_852 = arith.index_cast %scan3A_50 : i32 to index
      %swap3A_853 = arith.constant 784 : index
      %swap3A_854 = tpu.vector_load %arg8[%swap3A_852, %swap3A_853] {strides = array<i32>} : memref<32x1024xf32, #tpu.memory_space<vmem>>, vector<1x16xf32>,
      %swap3A_855 = vector.shape_cast %swap3A_854 : vector<1x16xf32> to vector<16xf32>
      %swap3A_856 = vector.shape_cast %add3A_851 : vector<16xf32> to vector<1x16xf32>
      tpu.vector_store %arg8[%swap3A_852, %swap3A_853], %swap3A_856 {strides = array<i32>} : memref<32x1024xf32, #tpu.memory_space<vmem>>, vector<1x16xf32>,
      %get3A_857 = arith.index_cast %scan3A_50 : i32 to index
      %get3A_858 = arith.constant 800 : index
      %get3A_859 = tpu.vector_load %arg8[%get3A_857, %get3A_858] {strides = array<i32>} : memref<32x1024xf32, #tpu.memory_space<vmem>>, vector<1x16xf32>,
      %get3A_860 = vector.shape_cast %get3A_859 : vector<1x16xf32> to vector<16xf32>
      %mul3A_861 = arith.mulf %get3A_860, %get3A_53 : vector<16xf32>
      %get3A_862 = arith.index_cast %scan3A_50 : i32 to index
      %get3A_863 = arith.constant 800 : index
      %get3A_864 = tpu.vector_load %arg9[%get3A_862, %get3A_863] {strides = array<i32>} : memref<32x1024xf32, #tpu.memory_space<vmem>>, vector<1x16xf32>,
      %get3A_865 = vector.shape_cast %get3A_864 : vector<1x16xf32> to vector<16xf32>
      %mul3A_866 = arith.mulf %get3A_865, %get3A_57 : vector<16xf32>
      %add3A_867 = arith.addf %mul3A_861, %mul3A_866 : vector<16xf32>
      %swap3A_868 = arith.index_cast %scan3A_50 : i32 to index
      %swap3A_869 = arith.constant 800 : index
      %swap3A_870 = tpu.vector_load %arg8[%swap3A_868, %swap3A_869] {strides = array<i32>} : memref<32x1024xf32, #tpu.memory_space<vmem>>, vector<1x16xf32>,
      %swap3A_871 = vector.shape_cast %swap3A_870 : vector<1x16xf32> to vector<16xf32>
      %swap3A_872 = vector.shape_cast %add3A_867 : vector<16xf32> to vector<1x16xf32>
      tpu.vector_store %arg8[%swap3A_868, %swap3A_869], %swap3A_872 {strides = array<i32>} : memref<32x1024xf32, #tpu.memory_space<vmem>>, vector<1x16xf32>,
      %get3A_873 = arith.index_cast %scan3A_50 : i32 to index
      %get3A_874 = arith.constant 816 : index
      %get3A_875 = tpu.vector_load %arg8[%get3A_873, %get3A_874] {strides = array<i32>} : memref<32x1024xf32, #tpu.memory_space<vmem>>, vector<1x16xf32>,
      %get3A_876 = vector.shape_cast %get3A_875 : vector<1x16xf32> to vector<16xf32>
      %mul3A_877 = arith.mulf %get3A_876, %get3A_53 : vector<16xf32>
      %get3A_878 = arith.index_cast %scan3A_50 : i32 to index
      %get3A_879 = arith.constant 816 : index
      %get3A_880 = tpu.vector_load %arg9[%get3A_878, %get3A_879] {strides = array<i32>} : memref<32x1024xf32, #tpu.memory_space<vmem>>, vector<1x16xf32>,
      %get3A_881 = vector.shape_cast %get3A_880 : vector<1x16xf32> to vector<16xf32>
      %mul3A_882 = arith.mulf %get3A_881, %get3A_57 : vector<16xf32>
      %add3A_883 = arith.addf %mul3A_877, %mul3A_882 : vector<16xf32>
      %swap3A_884 = arith.index_cast %scan3A_50 : i32 to index
      %swap3A_885 = arith.constant 816 : index
      %swap3A_886 = tpu.vector_load %arg8[%swap3A_884, %swap3A_885] {strides = array<i32>} : memref<32x1024xf32, #tpu.memory_space<vmem>>, vector<1x16xf32>,
      %swap3A_887 = vector.shape_cast %swap3A_886 : vector<1x16xf32> to vector<16xf32>
      %swap3A_888 = vector.shape_cast %add3A_883 : vector<16xf32> to vector<1x16xf32>
      tpu.vector_store %arg8[%swap3A_884, %swap3A_885], %swap3A_888 {strides = array<i32>} : memref<32x1024xf32, #tpu.memory_space<vmem>>, vector<1x16xf32>,
      %get3A_889 = arith.index_cast %scan3A_50 : i32 to index
      %get3A_890 = arith.constant 832 : index
      %get3A_891 = tpu.vector_load %arg8[%get3A_889, %get3A_890] {strides = array<i32>} : memref<32x1024xf32, #tpu.memory_space<vmem>>, vector<1x16xf32>,
      %get3A_892 = vector.shape_cast %get3A_891 : vector<1x16xf32> to vector<16xf32>
      %mul3A_893 = arith.mulf %get3A_892, %get3A_53 : vector<16xf32>
      %get3A_894 = arith.index_cast %scan3A_50 : i32 to index
      %get3A_895 = arith.constant 832 : index
      %get3A_896 = tpu.vector_load %arg9[%get3A_894, %get3A_895] {strides = array<i32>} : memref<32x1024xf32, #tpu.memory_space<vmem>>, vector<1x16xf32>,
      %get3A_897 = vector.shape_cast %get3A_896 : vector<1x16xf32> to vector<16xf32>
      %mul3A_898 = arith.mulf %get3A_897, %get3A_57 : vector<16xf32>
      %add3A_899 = arith.addf %mul3A_893, %mul3A_898 : vector<16xf32>
      %swap3A_900 = arith.index_cast %scan3A_50 : i32 to index
      %swap3A_901 = arith.constant 832 : index
      %swap3A_902 = tpu.vector_load %arg8[%swap3A_900, %swap3A_901] {strides = array<i32>} : memref<32x1024xf32, #tpu.memory_space<vmem>>, vector<1x16xf32>,
      %swap3A_903 = vector.shape_cast %swap3A_902 : vector<1x16xf32> to vector<16xf32>
      %swap3A_904 = vector.shape_cast %add3A_899 : vector<16xf32> to vector<1x16xf32>
      tpu.vector_store %arg8[%swap3A_900, %swap3A_901], %swap3A_904 {strides = array<i32>} : memref<32x1024xf32, #tpu.memory_space<vmem>>, vector<1x16xf32>,
      %get3A_905 = arith.index_cast %scan3A_50 : i32 to index
      %get3A_906 = arith.constant 848 : index
      %get3A_907 = tpu.vector_load %arg8[%get3A_905, %get3A_906] {strides = array<i32>} : memref<32x1024xf32, #tpu.memory_space<vmem>>, vector<1x16xf32>,
      %get3A_908 = vector.shape_cast %get3A_907 : vector<1x16xf32> to vector<16xf32>
      %mul3A_909 = arith.mulf %get3A_908, %get3A_53 : vector<16xf32>
      %get3A_910 = arith.index_cast %scan3A_50 : i32 to index
      %get3A_911 = arith.constant 848 : index
      %get3A_912 = tpu.vector_load %arg9[%get3A_910, %get3A_911] {strides = array<i32>} : memref<32x1024xf32, #tpu.memory_space<vmem>>, vector<1x16xf32>,
      %get3A_913 = vector.shape_cast %get3A_912 : vector<1x16xf32> to vector<16xf32>
      %mul3A_914 = arith.mulf %get3A_913, %get3A_57 : vector<16xf32>
      %add3A_915 = arith.addf %mul3A_909, %mul3A_914 : vector<16xf32>
      %swap3A_916 = arith.index_cast %scan3A_50 : i32 to index
      %swap3A_917 = arith.constant 848 : index
      %swap3A_918 = tpu.vector_load %arg8[%swap3A_916, %swap3A_917] {strides = array<i32>} : memref<32x1024xf32, #tpu.memory_space<vmem>>, vector<1x16xf32>,
      %swap3A_919 = vector.shape_cast %swap3A_918 : vector<1x16xf32> to vector<16xf32>
      %swap3A_920 = vector.shape_cast %add3A_915 : vector<16xf32> to vector<1x16xf32>
      tpu.vector_store %arg8[%swap3A_916, %swap3A_917], %swap3A_920 {strides = array<i32>} : memref<32x1024xf32, #tpu.memory_space<vmem>>, vector<1x16xf32>,
      %get3A_921 = arith.index_cast %scan3A_50 : i32 to index
      %get3A_922 = arith.constant 864 : index
      %get3A_923 = tpu.vector_load %arg8[%get3A_921, %get3A_922] {strides = array<i32>} : memref<32x1024xf32, #tpu.memory_space<vmem>>, vector<1x16xf32>,
      %get3A_924 = vector.shape_cast %get3A_923 : vector<1x16xf32> to vector<16xf32>
      %mul3A_925 = arith.mulf %get3A_924, %get3A_53 : vector<16xf32>
      %get3A_926 = arith.index_cast %scan3A_50 : i32 to index
      %get3A_927 = arith.constant 864 : index
      %get3A_928 = tpu.vector_load %arg9[%get3A_926, %get3A_927] {strides = array<i32>} : memref<32x1024xf32, #tpu.memory_space<vmem>>, vector<1x16xf32>,
      %get3A_929 = vector.shape_cast %get3A_928 : vector<1x16xf32> to vector<16xf32>
      %mul3A_930 = arith.mulf %get3A_929, %get3A_57 : vector<16xf32>
      %add3A_931 = arith.addf %mul3A_925, %mul3A_930 : vector<16xf32>
      %swap3A_932 = arith.index_cast %scan3A_50 : i32 to index
      %swap3A_933 = arith.constant 864 : index
      %swap3A_934 = tpu.vector_load %arg8[%swap3A_932, %swap3A_933] {strides = array<i32>} : memref<32x1024xf32, #tpu.memory_space<vmem>>, vector<1x16xf32>,
      %swap3A_935 = vector.shape_cast %swap3A_934 : vector<1x16xf32> to vector<16xf32>
      %swap3A_936 = vector.shape_cast %add3A_931 : vector<16xf32> to vector<1x16xf32>
      tpu.vector_store %arg8[%swap3A_932, %swap3A_933], %swap3A_936 {strides = array<i32>} : memref<32x1024xf32, #tpu.memory_space<vmem>>, vector<1x16xf32>,
      %get3A_937 = arith.index_cast %scan3A_50 : i32 to index
      %get3A_938 = arith.constant 880 : index
      %get3A_939 = tpu.vector_load %arg8[%get3A_937, %get3A_938] {strides = array<i32>} : memref<32x1024xf32, #tpu.memory_space<vmem>>, vector<1x16xf32>,
      %get3A_940 = vector.shape_cast %get3A_939 : vector<1x16xf32> to vector<16xf32>
      %mul3A_941 = arith.mulf %get3A_940, %get3A_53 : vector<16xf32>
      %get3A_942 = arith.index_cast %scan3A_50 : i32 to index
      %get3A_943 = arith.constant 880 : index
      %get3A_944 = tpu.vector_load %arg9[%get3A_942, %get3A_943] {strides = array<i32>} : memref<32x1024xf32, #tpu.memory_space<vmem>>, vector<1x16xf32>,
      %get3A_945 = vector.shape_cast %get3A_944 : vector<1x16xf32> to vector<16xf32>
      %mul3A_946 = arith.mulf %get3A_945, %get3A_57 : vector<16xf32>
      %add3A_947 = arith.addf %mul3A_941, %mul3A_946 : vector<16xf32>
      %swap3A_948 = arith.index_cast %scan3A_50 : i32 to index
      %swap3A_949 = arith.constant 880 : index
      %swap3A_950 = tpu.vector_load %arg8[%swap3A_948, %swap3A_949] {strides = array<i32>} : memref<32x1024xf32, #tpu.memory_space<vmem>>, vector<1x16xf32>,
      %swap3A_951 = vector.shape_cast %swap3A_950 : vector<1x16xf32> to vector<16xf32>
      %swap3A_952 = vector.shape_cast %add3A_947 : vector<16xf32> to vector<1x16xf32>
      tpu.vector_store %arg8[%swap3A_948, %swap3A_949], %swap3A_952 {strides = array<i32>} : memref<32x1024xf32, #tpu.memory_space<vmem>>, vector<1x16xf32>,
      %get3A_953 = arith.index_cast %scan3A_50 : i32 to index
      %get3A_954 = arith.constant 896 : index
      %get3A_955 = tpu.vector_load %arg8[%get3A_953, %get3A_954] {strides = array<i32>} : memref<32x1024xf32, #tpu.memory_space<vmem>>, vector<1x16xf32>,
      %get3A_956 = vector.shape_cast %get3A_955 : vector<1x16xf32> to vector<16xf32>
      %mul3A_957 = arith.mulf %get3A_956, %get3A_53 : vector<16xf32>
      %get3A_958 = arith.index_cast %scan3A_50 : i32 to index
      %get3A_959 = arith.constant 896 : index
      %get3A_960 = tpu.vector_load %arg9[%get3A_958, %get3A_959] {strides = array<i32>} : memref<32x1024xf32, #tpu.memory_space<vmem>>, vector<1x16xf32>,
      %get3A_961 = vector.shape_cast %get3A_960 : vector<1x16xf32> to vector<16xf32>
      %mul3A_962 = arith.mulf %get3A_961, %get3A_57 : vector<16xf32>
      %add3A_963 = arith.addf %mul3A_957, %mul3A_962 : vector<16xf32>
      %swap3A_964 = arith.index_cast %scan3A_50 : i32 to index
      %swap3A_965 = arith.constant 896 : index
      %swap3A_966 = tpu.vector_load %arg8[%swap3A_964, %swap3A_965] {strides = array<i32>} : memref<32x1024xf32, #tpu.memory_space<vmem>>, vector<1x16xf32>,
      %swap3A_967 = vector.shape_cast %swap3A_966 : vector<1x16xf32> to vector<16xf32>
      %swap3A_968 = vector.shape_cast %add3A_963 : vector<16xf32> to vector<1x16xf32>
      tpu.vector_store %arg8[%swap3A_964, %swap3A_965], %swap3A_968 {strides = array<i32>} : memref<32x1024xf32, #tpu.memory_space<vmem>>, vector<1x16xf32>,
      %get3A_969 = arith.index_cast %scan3A_50 : i32 to index
      %get3A_970 = arith.constant 912 : index
      %get3A_971 = tpu.vector_load %arg8[%get3A_969, %get3A_970] {strides = array<i32>} : memref<32x1024xf32, #tpu.memory_space<vmem>>, vector<1x16xf32>,
      %get3A_972 = vector.shape_cast %get3A_971 : vector<1x16xf32> to vector<16xf32>
      %mul3A_973 = arith.mulf %get3A_972, %get3A_53 : vector<16xf32>
      %get3A_974 = arith.index_cast %scan3A_50 : i32 to index
      %get3A_975 = arith.constant 912 : index
      %get3A_976 = tpu.vector_load %arg9[%get3A_974, %get3A_975] {strides = array<i32>} : memref<32x1024xf32, #tpu.memory_space<vmem>>, vector<1x16xf32>,
      %get3A_977 = vector.shape_cast %get3A_976 : vector<1x16xf32> to vector<16xf32>
      %mul3A_978 = arith.mulf %get3A_977, %get3A_57 : vector<16xf32>
      %add3A_979 = arith.addf %mul3A_973, %mul3A_978 : vector<16xf32>
      %swap3A_980 = arith.index_cast %scan3A_50 : i32 to index
      %swap3A_981 = arith.constant 912 : index
      %swap3A_982 = tpu.vector_load %arg8[%swap3A_980, %swap3A_981] {strides = array<i32>} : memref<32x1024xf32, #tpu.memory_space<vmem>>, vector<1x16xf32>,
      %swap3A_983 = vector.shape_cast %swap3A_982 : vector<1x16xf32> to vector<16xf32>
      %swap3A_984 = vector.shape_cast %add3A_979 : vector<16xf32> to vector<1x16xf32>
      tpu.vector_store %arg8[%swap3A_980, %swap3A_981], %swap3A_984 {strides = array<i32>} : memref<32x1024xf32, #tpu.memory_space<vmem>>, vector<1x16xf32>,
      %get3A_985 = arith.index_cast %scan3A_50 : i32 to index
      %get3A_986 = arith.constant 928 : index
      %get3A_987 = tpu.vector_load %arg8[%get3A_985, %get3A_986] {strides = array<i32>} : memref<32x1024xf32, #tpu.memory_space<vmem>>, vector<1x16xf32>,
      %get3A_988 = vector.shape_cast %get3A_987 : vector<1x16xf32> to vector<16xf32>
      %mul3A_989 = arith.mulf %get3A_988, %get3A_53 : vector<16xf32>
      %get3A_990 = arith.index_cast %scan3A_50 : i32 to index
      %get3A_991 = arith.constant 928 : index
      %get3A_992 = tpu.vector_load %arg9[%get3A_990, %get3A_991] {strides = array<i32>} : memref<32x1024xf32, #tpu.memory_space<vmem>>, vector<1x16xf32>,
      %get3A_993 = vector.shape_cast %get3A_992 : vector<1x16xf32> to vector<16xf32>
      %mul3A_994 = arith.mulf %get3A_993, %get3A_57 : vector<16xf32>
      %add3A_995 = arith.addf %mul3A_989, %mul3A_994 : vector<16xf32>
      %swap3A_996 = arith.index_cast %scan3A_50 : i32 to index
      %swap3A_997 = arith.constant 928 : index
      %swap3A_998 = tpu.vector_load %arg8[%swap3A_996, %swap3A_997] {strides = array<i32>} : memref<32x1024xf32, #tpu.memory_space<vmem>>, vector<1x16xf32>,
      %swap3A_999 = vector.shape_cast %swap3A_998 : vector<1x16xf32> to vector<16xf32>
      %swap3A_1000 = vector.shape_cast %add3A_995 : vector<16xf32> to vector<1x16xf32>
      tpu.vector_store %arg8[%swap3A_996, %swap3A_997], %swap3A_1000 {strides = array<i32>} : memref<32x1024xf32, #tpu.memory_space<vmem>>, vector<1x16xf32>,
      %get3A_1001 = arith.index_cast %scan3A_50 : i32 to index
      %get3A_1002 = arith.constant 944 : index
      %get3A_1003 = tpu.vector_load %arg8[%get3A_1001, %get3A_1002] {strides = array<i32>} : memref<32x1024xf32, #tpu.memory_space<vmem>>, vector<1x16xf32>,
      %get3A_1004 = vector.shape_cast %get3A_1003 : vector<1x16xf32> to vector<16xf32>
      %mul3A_1005 = arith.mulf %get3A_1004, %get3A_53 : vector<16xf32>
      %get3A_1006 = arith.index_cast %scan3A_50 : i32 to index
      %get3A_1007 = arith.constant 944 : index
      %get3A_1008 = tpu.vector_load %arg9[%get3A_1006, %get3A_1007] {strides = array<i32>} : memref<32x1024xf32, #tpu.memory_space<vmem>>, vector<1x16xf32>,
      %get3A_1009 = vector.shape_cast %get3A_1008 : vector<1x16xf32> to vector<16xf32>
      %mul3A_1010 = arith.mulf %get3A_1009, %get3A_57 : vector<16xf32>
      %add3A_1011 = arith.addf %mul3A_1005, %mul3A_1010 : vector<16xf32>
      %swap3A_1012 = arith.index_cast %scan3A_50 : i32 to index
      %swap3A_1013 = arith.constant 944 : index
      %swap3A_1014 = tpu.vector_load %arg8[%swap3A_1012, %swap3A_1013] {strides = array<i32>} : memref<32x1024xf32, #tpu.memory_space<vmem>>, vector<1x16xf32>,
      %swap3A_1015 = vector.shape_cast %swap3A_1014 : vector<1x16xf32> to vector<16xf32>
      %swap3A_1016 = vector.shape_cast %add3A_1011 : vector<16xf32> to vector<1x16xf32>
      tpu.vector_store %arg8[%swap3A_1012, %swap3A_1013], %swap3A_1016 {strides = array<i32>} : memref<32x1024xf32, #tpu.memory_space<vmem>>, vector<1x16xf32>,
      %get3A_1017 = arith.index_cast %scan3A_50 : i32 to index
      %get3A_1018 = arith.constant 960 : index
      %get3A_1019 = tpu.vector_load %arg8[%get3A_1017, %get3A_1018] {strides = array<i32>} : memref<32x1024xf32, #tpu.memory_space<vmem>>, vector<1x16xf32>,
      %get3A_1020 = vector.shape_cast %get3A_1019 : vector<1x16xf32> to vector<16xf32>
      %mul3A_1021 = arith.mulf %get3A_1020, %get3A_53 : vector<16xf32>
      %get3A_1022 = arith.index_cast %scan3A_50 : i32 to index
      %get3A_1023 = arith.constant 960 : index
      %get3A_1024 = tpu.vector_load %arg9[%get3A_1022, %get3A_1023] {strides = array<i32>} : memref<32x1024xf32, #tpu.memory_space<vmem>>, vector<1x16xf32>,
      %get3A_1025 = vector.shape_cast %get3A_1024 : vector<1x16xf32> to vector<16xf32>
      %mul3A_1026 = arith.mulf %get3A_1025, %get3A_57 : vector<16xf32>
      %add3A_1027 = arith.addf %mul3A_1021, %mul3A_1026 : vector<16xf32>
      %swap3A_1028 = arith.index_cast %scan3A_50 : i32 to index
      %swap3A_1029 = arith.constant 960 : index
      %swap3A_1030 = tpu.vector_load %arg8[%swap3A_1028, %swap3A_1029] {strides = array<i32>} : memref<32x1024xf32, #tpu.memory_space<vmem>>, vector<1x16xf32>,
      %swap3A_1031 = vector.shape_cast %swap3A_1030 : vector<1x16xf32> to vector<16xf32>
      %swap3A_1032 = vector.shape_cast %add3A_1027 : vector<16xf32> to vector<1x16xf32>
      tpu.vector_store %arg8[%swap3A_1028, %swap3A_1029], %swap3A_1032 {strides = array<i32>} : memref<32x1024xf32, #tpu.memory_space<vmem>>, vector<1x16xf32>,
      %get3A_1033 = arith.index_cast %scan3A_50 : i32 to index
      %get3A_1034 = arith.constant 976 : index
      %get3A_1035 = tpu.vector_load %arg8[%get3A_1033, %get3A_1034] {strides = array<i32>} : memref<32x1024xf32, #tpu.memory_space<vmem>>, vector<1x16xf32>,
      %get3A_1036 = vector.shape_cast %get3A_1035 : vector<1x16xf32> to vector<16xf32>
      %mul3A_1037 = arith.mulf %get3A_1036, %get3A_53 : vector<16xf32>
      %get3A_1038 = arith.index_cast %scan3A_50 : i32 to index
      %get3A_1039 = arith.constant 976 : index
      %get3A_1040 = tpu.vector_load %arg9[%get3A_1038, %get3A_1039] {strides = array<i32>} : memref<32x1024xf32, #tpu.memory_space<vmem>>, vector<1x16xf32>,
      %get3A_1041 = vector.shape_cast %get3A_1040 : vector<1x16xf32> to vector<16xf32>
      %mul3A_1042 = arith.mulf %get3A_1041, %get3A_57 : vector<16xf32>
      %add3A_1043 = arith.addf %mul3A_1037, %mul3A_1042 : vector<16xf32>
      %swap3A_1044 = arith.index_cast %scan3A_50 : i32 to index
      %swap3A_1045 = arith.constant 976 : index
      %swap3A_1046 = tpu.vector_load %arg8[%swap3A_1044, %swap3A_1045] {strides = array<i32>} : memref<32x1024xf32, #tpu.memory_space<vmem>>, vector<1x16xf32>,
      %swap3A_1047 = vector.shape_cast %swap3A_1046 : vector<1x16xf32> to vector<16xf32>
      %swap3A_1048 = vector.shape_cast %add3A_1043 : vector<16xf32> to vector<1x16xf32>
      tpu.vector_store %arg8[%swap3A_1044, %swap3A_1045], %swap3A_1048 {strides = array<i32>} : memref<32x1024xf32, #tpu.memory_space<vmem>>, vector<1x16xf32>,
      %get3A_1049 = arith.index_cast %scan3A_50 : i32 to index
      %get3A_1050 = arith.constant 992 : index
      %get3A_1051 = tpu.vector_load %arg8[%get3A_1049, %get3A_1050] {strides = array<i32>} : memref<32x1024xf32, #tpu.memory_space<vmem>>, vector<1x16xf32>,
      %get3A_1052 = vector.shape_cast %get3A_1051 : vector<1x16xf32> to vector<16xf32>
      %mul3A_1053 = arith.mulf %get3A_1052, %get3A_53 : vector<16xf32>
      %get3A_1054 = arith.index_cast %scan3A_50 : i32 to index
      %get3A_1055 = arith.constant 992 : index
      %get3A_1056 = tpu.vector_load %arg9[%get3A_1054, %get3A_1055] {strides = array<i32>} : memref<32x1024xf32, #tpu.memory_space<vmem>>, vector<1x16xf32>,
      %get3A_1057 = vector.shape_cast %get3A_1056 : vector<1x16xf32> to vector<16xf32>
      %mul3A_1058 = arith.mulf %get3A_1057, %get3A_57 : vector<16xf32>
      %add3A_1059 = arith.addf %mul3A_1053, %mul3A_1058 : vector<16xf32>
      %swap3A_1060 = arith.index_cast %scan3A_50 : i32 to index
      %swap3A_1061 = arith.constant 992 : index
      %swap3A_1062 = tpu.vector_load %arg8[%swap3A_1060, %swap3A_1061] {strides = array<i32>} : memref<32x1024xf32, #tpu.memory_space<vmem>>, vector<1x16xf32>,
      %swap3A_1063 = vector.shape_cast %swap3A_1062 : vector<1x16xf32> to vector<16xf32>
      %swap3A_1064 = vector.shape_cast %add3A_1059 : vector<16xf32> to vector<1x16xf32>
      tpu.vector_store %arg8[%swap3A_1060, %swap3A_1061], %swap3A_1064 {strides = array<i32>} : memref<32x1024xf32, #tpu.memory_space<vmem>>, vector<1x16xf32>,
      %get3A_1065 = arith.index_cast %scan3A_50 : i32 to index
      %get3A_1066 = arith.constant 1008 : index
      %get3A_1067 = tpu.vector_load %arg8[%get3A_1065, %get3A_1066] {strides = array<i32>} : memref<32x1024xf32, #tpu.memory_space<vmem>>, vector<1x16xf32>,
      %get3A_1068 = vector.shape_cast %get3A_1067 : vector<1x16xf32> to vector<16xf32>
      %mul3A_1069 = arith.mulf %get3A_1068, %get3A_53 : vector<16xf32>
      %get3A_1070 = arith.index_cast %scan3A_50 : i32 to index
      %get3A_1071 = arith.constant 1008 : index
      %get3A_1072 = tpu.vector_load %arg9[%get3A_1070, %get3A_1071] {strides = array<i32>} : memref<32x1024xf32, #tpu.memory_space<vmem>>, vector<1x16xf32>,
      %get3A_1073 = vector.shape_cast %get3A_1072 : vector<1x16xf32> to vector<16xf32>
      %mul3A_1074 = arith.mulf %get3A_1073, %get3A_57 : vector<16xf32>
      %add3A_1075 = arith.addf %mul3A_1069, %mul3A_1074 : vector<16xf32>
      %swap3A_1076 = arith.index_cast %scan3A_50 : i32 to index
      %swap3A_1077 = arith.constant 1008 : index
      %swap3A_1078 = tpu.vector_load %arg8[%swap3A_1076, %swap3A_1077] {strides = array<i32>} : memref<32x1024xf32, #tpu.memory_space<vmem>>, vector<1x16xf32>,
      %swap3A_1079 = vector.shape_cast %swap3A_1078 : vector<1x16xf32> to vector<16xf32>
      %swap3A_1080 = vector.shape_cast %add3A_1075 : vector<16xf32> to vector<1x16xf32>
      tpu.vector_store %arg8[%swap3A_1076, %swap3A_1077], %swap3A_1080 {strides = array<i32>} : memref<32x1024xf32, #tpu.memory_space<vmem>>, vector<1x16xf32>,
    }
    %scan3A_49 = arith.constant 32 : i32
    "tpu.region"() ({
      %run_scoped3A = tpu.sem_alloc : memref<!tpu.dma_semaphore, #tpu.memory_space<semaphore_mem>>
      %dma_start3A_50 = arith.constant 0 : i32
      %dma_start3A_51 = tpu.memref_slice %arg5[%add3A_27, %dma_start3A_50] : memref<2048x1024xf32, #tpu.memory_space<hbm>> -> memref<32x1024xf32, #tpu.memory_space<hbm>>
      %dma_start3A_52 = arith.constant 0 : i32
      %dma_start3A_53 = tpu.memref_slice %arg5[%add3A_27, %dma_start3A_52] : memref<2048x1024xf32, #tpu.memory_space<hbm>> -> memref<32x1024xf32, #tpu.memory_space<hbm>>
      tpu.enqueue_dma source(%arg8 : memref<32x1024xf32, #tpu.memory_space<vmem>>) target(%dma_start3A_53 : memref<32x1024xf32, #tpu.memory_space<hbm>>) target_semaphore(%run_scoped3A : memref<!tpu.dma_semaphore, #tpu.memory_space<semaphore_mem>>)
      %dma_wait3A_54 = arith.constant 0 : i32
      %dma_wait3A_55 = tpu.memref_slice %arg5[%add3A_27, %dma_wait3A_54] : memref<2048x1024xf32, #tpu.memory_space<hbm>> -> memref<32x1024xf32, #tpu.memory_space<hbm>>
      %dma_wait3A_56 = arith.constant 0 : i32
      %dma_wait3A_57 = tpu.memref_slice %arg5[%add3A_27, %dma_wait3A_56] : memref<2048x1024xf32, #tpu.memory_space<hbm>> -> memref<32x1024xf32, #tpu.memory_space<hbm>>
      tpu.wait_dma2 semaphore(%run_scoped3A : memref<!tpu.dma_semaphore, #tpu.memory_space<semaphore_mem>>) src(%arg8 : memref<32x1024xf32, #tpu.memory_space<vmem>>) dst(%dma_wait3A_57 : memref<32x1024xf32, #tpu.memory_space<hbm>>)
      tpu.yield
    }) : () -> ()
    return
  }
}

#map = affine_map<(d0, d1) -> (0, 0)>
#map1 = affine_map<(d0, d1) -> (0)>
module attributes {stable_mosaic.version = 14 : i64} {
  func.func @_dispatch_body(%arg0: i32, %arg1: i32, %arg2: memref<2048x1024xf32, #tpu.memory_space<hbm>>, %arg3: memref<4096xi32, #tpu.memory_space<hbm>>, %arg4: memref<6144x1024xf32, #tpu.memory_space<hbm>>, %arg5: memref<32xi32, #tpu.memory_space<vmem>>, %arg6: memref<32xi32, #tpu.memory_space<vmem>>, %arg7: memref<32x1024xf32, #tpu.memory_space<vmem>>, %arg8: memref<32x1024xf32, #tpu.memory_space<vmem>>, %arg9: memref<!tpu.dma_semaphore, #tpu.memory_space<semaphore_mem>>, %arg10: memref<!tpu.dma_semaphore, #tpu.memory_space<semaphore_mem>>) attributes {dimension_semantics = [#tpu.dimension_semantics<core_parallel>, #tpu.dimension_semantics<subcore_parallel>], iteration_bounds = array<i64: 2, 16>, scalar_prefetch = 0 : i64, scratch_operands = 6 : i64, tpu.core_type = #tpu.core_type<sc_vector_subcore>, window_params = [{transform_indices = #map}, {transform_indices = #map1}, {transform_indices = #map}]} {
    %mul3A = arith.constant 2 : i32
    %mul3A_0 = arith.muli %arg1, %mul3A : i32
    %add3A = arith.addi %mul3A_0, %arg0 : i32
    %mul3A_1 = arith.constant 128 : i32
    %mul3A_2 = arith.muli %add3A, %mul3A_1 : i32
    %add3A_3 = arith.constant 0 : i32
    %add3A_4 = arith.addi %mul3A_2, %add3A_3 : i32
    %rem3A = arith.constant 2048 : i32
    %rem3A_5 = arith.remsi %add3A_4, %rem3A : i32
    "tpu.region"() ({
      %run_scoped3A = tpu.sem_alloc : memref<!tpu.dma_semaphore, #tpu.memory_space<semaphore_mem>>
      %dma_start3A_46 = tpu.memref_slice %arg3[%add3A_4] : memref<4096xi32, #tpu.memory_space<hbm>> -> memref<32xi32, #tpu.memory_space<hbm>>
      %dma_start3A_47 = tpu.memref_slice %arg3[%add3A_4] : memref<4096xi32, #tpu.memory_space<hbm>> -> memref<32xi32, #tpu.memory_space<hbm>>
      tpu.enqueue_dma source(%dma_start3A_47 : memref<32xi32, #tpu.memory_space<hbm>>) target(%arg5 : memref<32xi32, #tpu.memory_space<vmem>>) target_semaphore(%run_scoped3A : memref<!tpu.dma_semaphore, #tpu.memory_space<semaphore_mem>>)
      %dma_wait3A_48 = tpu.memref_slice %arg3[%add3A_4] : memref<4096xi32, #tpu.memory_space<hbm>> -> memref<32xi32, #tpu.memory_space<hbm>>
      %dma_wait3A_49 = tpu.memref_slice %arg3[%add3A_4] : memref<4096xi32, #tpu.memory_space<hbm>> -> memref<32xi32, #tpu.memory_space<hbm>>
      tpu.wait_dma2 semaphore(%run_scoped3A : memref<!tpu.dma_semaphore, #tpu.memory_space<semaphore_mem>>) src(%dma_wait3A_49 : memref<32xi32, #tpu.memory_space<hbm>>) dst(%arg5 : memref<32xi32, #tpu.memory_space<vmem>>)
      tpu.yield
    }) : () -> ()
    "tpu.region"() ({
      %run_scoped3A = tpu.sem_alloc : memref<!tpu.dma_semaphore, #tpu.memory_space<semaphore_mem>>
      %dma_start3A_46 = arith.constant 0 : i32
      %dma_start3A_47 = tpu.memref_slice %arg2[%rem3A_5, %dma_start3A_46] : memref<2048x1024xf32, #tpu.memory_space<hbm>> -> memref<32x1024xf32, #tpu.memory_space<hbm>>
      %dma_start3A_48 = arith.constant 0 : i32
      %dma_start3A_49 = tpu.memref_slice %arg2[%rem3A_5, %dma_start3A_48] : memref<2048x1024xf32, #tpu.memory_space<hbm>> -> memref<32x1024xf32, #tpu.memory_space<hbm>>
      tpu.enqueue_dma source(%dma_start3A_49 : memref<32x1024xf32, #tpu.memory_space<hbm>>) target(%arg7 : memref<32x1024xf32, #tpu.memory_space<vmem>>) target_semaphore(%run_scoped3A : memref<!tpu.dma_semaphore, #tpu.memory_space<semaphore_mem>>)
      %dma_wait3A_50 = arith.constant 0 : i32
      %dma_wait3A_51 = tpu.memref_slice %arg2[%rem3A_5, %dma_wait3A_50] : memref<2048x1024xf32, #tpu.memory_space<hbm>> -> memref<32x1024xf32, #tpu.memory_space<hbm>>
      %dma_wait3A_52 = arith.constant 0 : i32
      %dma_wait3A_53 = tpu.memref_slice %arg2[%rem3A_5, %dma_wait3A_52] : memref<2048x1024xf32, #tpu.memory_space<hbm>> -> memref<32x1024xf32, #tpu.memory_space<hbm>>
      tpu.wait_dma2 semaphore(%run_scoped3A : memref<!tpu.dma_semaphore, #tpu.memory_space<semaphore_mem>>) src(%dma_wait3A_53 : memref<32x1024xf32, #tpu.memory_space<hbm>>) dst(%arg7 : memref<32x1024xf32, #tpu.memory_space<vmem>>)
      tpu.yield
    }) : () -> ()
    %dma_start3A = arith.constant 0 : i32
    %dma_start3A_6 = arith.constant 0 : i32
    %dma_start3A_7 = tpu.memref_slice %arg4[%dma_start3A, %dma_start3A_6] : memref<6144x1024xf32, #tpu.memory_space<hbm>> -> memref<6144x1024xf32, #tpu.memory_space<hbm>>
    tpu.enqueue_indirect_dma source(%arg7 : memref<32x1024xf32, #tpu.memory_space<vmem>>) target(%dma_start3A_7 : memref<6144x1024xf32, #tpu.memory_space<hbm>>) offsets(%arg5 : memref<32xi32, #tpu.memory_space<vmem>>) semaphore(%arg9 : memref<!tpu.dma_semaphore, #tpu.memory_space<semaphore_mem>>)
    %mul3A_8 = arith.constant 128 : i32
    %mul3A_9 = arith.muli %add3A, %mul3A_8 : i32
    %add3A_10 = arith.constant 32 : i32
    %add3A_11 = arith.addi %mul3A_9, %add3A_10 : i32
    %rem3A_12 = arith.constant 2048 : i32
    %rem3A_13 = arith.remsi %add3A_11, %rem3A_12 : i32
    "tpu.region"() ({
      %run_scoped3A = tpu.sem_alloc : memref<!tpu.dma_semaphore, #tpu.memory_space<semaphore_mem>>
      %dma_start3A_46 = tpu.memref_slice %arg3[%add3A_11] : memref<4096xi32, #tpu.memory_space<hbm>> -> memref<32xi32, #tpu.memory_space<hbm>>
      %dma_start3A_47 = tpu.memref_slice %arg3[%add3A_11] : memref<4096xi32, #tpu.memory_space<hbm>> -> memref<32xi32, #tpu.memory_space<hbm>>
      tpu.enqueue_dma source(%dma_start3A_47 : memref<32xi32, #tpu.memory_space<hbm>>) target(%arg6 : memref<32xi32, #tpu.memory_space<vmem>>) target_semaphore(%run_scoped3A : memref<!tpu.dma_semaphore, #tpu.memory_space<semaphore_mem>>)
      %dma_wait3A_48 = tpu.memref_slice %arg3[%add3A_11] : memref<4096xi32, #tpu.memory_space<hbm>> -> memref<32xi32, #tpu.memory_space<hbm>>
      %dma_wait3A_49 = tpu.memref_slice %arg3[%add3A_11] : memref<4096xi32, #tpu.memory_space<hbm>> -> memref<32xi32, #tpu.memory_space<hbm>>
      tpu.wait_dma2 semaphore(%run_scoped3A : memref<!tpu.dma_semaphore, #tpu.memory_space<semaphore_mem>>) src(%dma_wait3A_49 : memref<32xi32, #tpu.memory_space<hbm>>) dst(%arg6 : memref<32xi32, #tpu.memory_space<vmem>>)
      tpu.yield
    }) : () -> ()
    "tpu.region"() ({
      %run_scoped3A = tpu.sem_alloc : memref<!tpu.dma_semaphore, #tpu.memory_space<semaphore_mem>>
      %dma_start3A_46 = arith.constant 0 : i32
      %dma_start3A_47 = tpu.memref_slice %arg2[%rem3A_13, %dma_start3A_46] : memref<2048x1024xf32, #tpu.memory_space<hbm>> -> memref<32x1024xf32, #tpu.memory_space<hbm>>
      %dma_start3A_48 = arith.constant 0 : i32
      %dma_start3A_49 = tpu.memref_slice %arg2[%rem3A_13, %dma_start3A_48] : memref<2048x1024xf32, #tpu.memory_space<hbm>> -> memref<32x1024xf32, #tpu.memory_space<hbm>>
      tpu.enqueue_dma source(%dma_start3A_49 : memref<32x1024xf32, #tpu.memory_space<hbm>>) target(%arg8 : memref<32x1024xf32, #tpu.memory_space<vmem>>) target_semaphore(%run_scoped3A : memref<!tpu.dma_semaphore, #tpu.memory_space<semaphore_mem>>)
      %dma_wait3A_50 = arith.constant 0 : i32
      %dma_wait3A_51 = tpu.memref_slice %arg2[%rem3A_13, %dma_wait3A_50] : memref<2048x1024xf32, #tpu.memory_space<hbm>> -> memref<32x1024xf32, #tpu.memory_space<hbm>>
      %dma_wait3A_52 = arith.constant 0 : i32
      %dma_wait3A_53 = tpu.memref_slice %arg2[%rem3A_13, %dma_wait3A_52] : memref<2048x1024xf32, #tpu.memory_space<hbm>> -> memref<32x1024xf32, #tpu.memory_space<hbm>>
      tpu.wait_dma2 semaphore(%run_scoped3A : memref<!tpu.dma_semaphore, #tpu.memory_space<semaphore_mem>>) src(%dma_wait3A_53 : memref<32x1024xf32, #tpu.memory_space<hbm>>) dst(%arg8 : memref<32x1024xf32, #tpu.memory_space<vmem>>)
      tpu.yield
    }) : () -> ()
    %dma_start3A_14 = arith.constant 0 : i32
    %dma_start3A_15 = arith.constant 0 : i32
    %dma_start3A_16 = tpu.memref_slice %arg4[%dma_start3A_14, %dma_start3A_15] : memref<6144x1024xf32, #tpu.memory_space<hbm>> -> memref<6144x1024xf32, #tpu.memory_space<hbm>>
    tpu.enqueue_indirect_dma source(%arg8 : memref<32x1024xf32, #tpu.memory_space<vmem>>) target(%dma_start3A_16 : memref<6144x1024xf32, #tpu.memory_space<hbm>>) offsets(%arg6 : memref<32xi32, #tpu.memory_space<vmem>>) semaphore(%arg10 : memref<!tpu.dma_semaphore, #tpu.memory_space<semaphore_mem>>)
    %dma_wait3A = arith.constant 0 : i32
    %dma_wait3A_17 = arith.constant 0 : i32
    %dma_wait3A_18 = tpu.memref_slice %arg4[%dma_wait3A, %dma_wait3A_17] : memref<6144x1024xf32, #tpu.memory_space<hbm>> -> memref<6144x1024xf32, #tpu.memory_space<hbm>>
    tpu.wait_indirect_dma semaphore(%arg9 : memref<!tpu.dma_semaphore, #tpu.memory_space<semaphore_mem>>) src(%arg7 : memref<32x1024xf32, #tpu.memory_space<vmem>>) dst(%dma_wait3A_18 : memref<6144x1024xf32, #tpu.memory_space<hbm>>)
    %mul3A_19 = arith.constant 128 : i32
    %mul3A_20 = arith.muli %add3A, %mul3A_19 : i32
    %add3A_21 = arith.constant 64 : i32
    %add3A_22 = arith.addi %mul3A_20, %add3A_21 : i32
    %rem3A_23 = arith.constant 2048 : i32
    %rem3A_24 = arith.remsi %add3A_22, %rem3A_23 : i32
    "tpu.region"() ({
      %run_scoped3A = tpu.sem_alloc : memref<!tpu.dma_semaphore, #tpu.memory_space<semaphore_mem>>
      %dma_start3A_46 = tpu.memref_slice %arg3[%add3A_22] : memref<4096xi32, #tpu.memory_space<hbm>> -> memref<32xi32, #tpu.memory_space<hbm>>
      %dma_start3A_47 = tpu.memref_slice %arg3[%add3A_22] : memref<4096xi32, #tpu.memory_space<hbm>> -> memref<32xi32, #tpu.memory_space<hbm>>
      tpu.enqueue_dma source(%dma_start3A_47 : memref<32xi32, #tpu.memory_space<hbm>>) target(%arg5 : memref<32xi32, #tpu.memory_space<vmem>>) target_semaphore(%run_scoped3A : memref<!tpu.dma_semaphore, #tpu.memory_space<semaphore_mem>>)
      %dma_wait3A_48 = tpu.memref_slice %arg3[%add3A_22] : memref<4096xi32, #tpu.memory_space<hbm>> -> memref<32xi32, #tpu.memory_space<hbm>>
      %dma_wait3A_49 = tpu.memref_slice %arg3[%add3A_22] : memref<4096xi32, #tpu.memory_space<hbm>> -> memref<32xi32, #tpu.memory_space<hbm>>
      tpu.wait_dma2 semaphore(%run_scoped3A : memref<!tpu.dma_semaphore, #tpu.memory_space<semaphore_mem>>) src(%dma_wait3A_49 : memref<32xi32, #tpu.memory_space<hbm>>) dst(%arg5 : memref<32xi32, #tpu.memory_space<vmem>>)
      tpu.yield
    }) : () -> ()
    "tpu.region"() ({
      %run_scoped3A = tpu.sem_alloc : memref<!tpu.dma_semaphore, #tpu.memory_space<semaphore_mem>>
      %dma_start3A_46 = arith.constant 0 : i32
      %dma_start3A_47 = tpu.memref_slice %arg2[%rem3A_24, %dma_start3A_46] : memref<2048x1024xf32, #tpu.memory_space<hbm>> -> memref<32x1024xf32, #tpu.memory_space<hbm>>
      %dma_start3A_48 = arith.constant 0 : i32
      %dma_start3A_49 = tpu.memref_slice %arg2[%rem3A_24, %dma_start3A_48] : memref<2048x1024xf32, #tpu.memory_space<hbm>> -> memref<32x1024xf32, #tpu.memory_space<hbm>>
      tpu.enqueue_dma source(%dma_start3A_49 : memref<32x1024xf32, #tpu.memory_space<hbm>>) target(%arg7 : memref<32x1024xf32, #tpu.memory_space<vmem>>) target_semaphore(%run_scoped3A : memref<!tpu.dma_semaphore, #tpu.memory_space<semaphore_mem>>)
      %dma_wait3A_50 = arith.constant 0 : i32
      %dma_wait3A_51 = tpu.memref_slice %arg2[%rem3A_24, %dma_wait3A_50] : memref<2048x1024xf32, #tpu.memory_space<hbm>> -> memref<32x1024xf32, #tpu.memory_space<hbm>>
      %dma_wait3A_52 = arith.constant 0 : i32
      %dma_wait3A_53 = tpu.memref_slice %arg2[%rem3A_24, %dma_wait3A_52] : memref<2048x1024xf32, #tpu.memory_space<hbm>> -> memref<32x1024xf32, #tpu.memory_space<hbm>>
      tpu.wait_dma2 semaphore(%run_scoped3A : memref<!tpu.dma_semaphore, #tpu.memory_space<semaphore_mem>>) src(%dma_wait3A_53 : memref<32x1024xf32, #tpu.memory_space<hbm>>) dst(%arg7 : memref<32x1024xf32, #tpu.memory_space<vmem>>)
      tpu.yield
    }) : () -> ()
    %dma_start3A_25 = arith.constant 0 : i32
    %dma_start3A_26 = arith.constant 0 : i32
    %dma_start3A_27 = tpu.memref_slice %arg4[%dma_start3A_25, %dma_start3A_26] : memref<6144x1024xf32, #tpu.memory_space<hbm>> -> memref<6144x1024xf32, #tpu.memory_space<hbm>>
    tpu.enqueue_indirect_dma source(%arg7 : memref<32x1024xf32, #tpu.memory_space<vmem>>) target(%dma_start3A_27 : memref<6144x1024xf32, #tpu.memory_space<hbm>>) offsets(%arg5 : memref<32xi32, #tpu.memory_space<vmem>>) semaphore(%arg9 : memref<!tpu.dma_semaphore, #tpu.memory_space<semaphore_mem>>)
    %dma_wait3A_28 = arith.constant 0 : i32
    %dma_wait3A_29 = arith.constant 0 : i32
    %dma_wait3A_30 = tpu.memref_slice %arg4[%dma_wait3A_28, %dma_wait3A_29] : memref<6144x1024xf32, #tpu.memory_space<hbm>> -> memref<6144x1024xf32, #tpu.memory_space<hbm>>
    tpu.wait_indirect_dma semaphore(%arg10 : memref<!tpu.dma_semaphore, #tpu.memory_space<semaphore_mem>>) src(%arg8 : memref<32x1024xf32, #tpu.memory_space<vmem>>) dst(%dma_wait3A_30 : memref<6144x1024xf32, #tpu.memory_space<hbm>>)
    %mul3A_31 = arith.constant 128 : i32
    %mul3A_32 = arith.muli %add3A, %mul3A_31 : i32
    %add3A_33 = arith.constant 96 : i32
    %add3A_34 = arith.addi %mul3A_32, %add3A_33 : i32
    %rem3A_35 = arith.constant 2048 : i32
    %rem3A_36 = arith.remsi %add3A_34, %rem3A_35 : i32
    "tpu.region"() ({
      %run_scoped3A = tpu.sem_alloc : memref<!tpu.dma_semaphore, #tpu.memory_space<semaphore_mem>>
      %dma_start3A_46 = tpu.memref_slice %arg3[%add3A_34] : memref<4096xi32, #tpu.memory_space<hbm>> -> memref<32xi32, #tpu.memory_space<hbm>>
      %dma_start3A_47 = tpu.memref_slice %arg3[%add3A_34] : memref<4096xi32, #tpu.memory_space<hbm>> -> memref<32xi32, #tpu.memory_space<hbm>>
      tpu.enqueue_dma source(%dma_start3A_47 : memref<32xi32, #tpu.memory_space<hbm>>) target(%arg6 : memref<32xi32, #tpu.memory_space<vmem>>) target_semaphore(%run_scoped3A : memref<!tpu.dma_semaphore, #tpu.memory_space<semaphore_mem>>)
      %dma_wait3A_48 = tpu.memref_slice %arg3[%add3A_34] : memref<4096xi32, #tpu.memory_space<hbm>> -> memref<32xi32, #tpu.memory_space<hbm>>
      %dma_wait3A_49 = tpu.memref_slice %arg3[%add3A_34] : memref<4096xi32, #tpu.memory_space<hbm>> -> memref<32xi32, #tpu.memory_space<hbm>>
      tpu.wait_dma2 semaphore(%run_scoped3A : memref<!tpu.dma_semaphore, #tpu.memory_space<semaphore_mem>>) src(%dma_wait3A_49 : memref<32xi32, #tpu.memory_space<hbm>>) dst(%arg6 : memref<32xi32, #tpu.memory_space<vmem>>)
      tpu.yield
    }) : () -> ()
    "tpu.region"() ({
      %run_scoped3A = tpu.sem_alloc : memref<!tpu.dma_semaphore, #tpu.memory_space<semaphore_mem>>
      %dma_start3A_46 = arith.constant 0 : i32
      %dma_start3A_47 = tpu.memref_slice %arg2[%rem3A_36, %dma_start3A_46] : memref<2048x1024xf32, #tpu.memory_space<hbm>> -> memref<32x1024xf32, #tpu.memory_space<hbm>>
      %dma_start3A_48 = arith.constant 0 : i32
      %dma_start3A_49 = tpu.memref_slice %arg2[%rem3A_36, %dma_start3A_48] : memref<2048x1024xf32, #tpu.memory_space<hbm>> -> memref<32x1024xf32, #tpu.memory_space<hbm>>
      tpu.enqueue_dma source(%dma_start3A_49 : memref<32x1024xf32, #tpu.memory_space<hbm>>) target(%arg8 : memref<32x1024xf32, #tpu.memory_space<vmem>>) target_semaphore(%run_scoped3A : memref<!tpu.dma_semaphore, #tpu.memory_space<semaphore_mem>>)
      %dma_wait3A_50 = arith.constant 0 : i32
      %dma_wait3A_51 = tpu.memref_slice %arg2[%rem3A_36, %dma_wait3A_50] : memref<2048x1024xf32, #tpu.memory_space<hbm>> -> memref<32x1024xf32, #tpu.memory_space<hbm>>
      %dma_wait3A_52 = arith.constant 0 : i32
      %dma_wait3A_53 = tpu.memref_slice %arg2[%rem3A_36, %dma_wait3A_52] : memref<2048x1024xf32, #tpu.memory_space<hbm>> -> memref<32x1024xf32, #tpu.memory_space<hbm>>
      tpu.wait_dma2 semaphore(%run_scoped3A : memref<!tpu.dma_semaphore, #tpu.memory_space<semaphore_mem>>) src(%dma_wait3A_53 : memref<32x1024xf32, #tpu.memory_space<hbm>>) dst(%arg8 : memref<32x1024xf32, #tpu.memory_space<vmem>>)
      tpu.yield
    }) : () -> ()
    %dma_start3A_37 = arith.constant 0 : i32
    %dma_start3A_38 = arith.constant 0 : i32
    %dma_start3A_39 = tpu.memref_slice %arg4[%dma_start3A_37, %dma_start3A_38] : memref<6144x1024xf32, #tpu.memory_space<hbm>> -> memref<6144x1024xf32, #tpu.memory_space<hbm>>
    tpu.enqueue_indirect_dma source(%arg8 : memref<32x1024xf32, #tpu.memory_space<vmem>>) target(%dma_start3A_39 : memref<6144x1024xf32, #tpu.memory_space<hbm>>) offsets(%arg6 : memref<32xi32, #tpu.memory_space<vmem>>) semaphore(%arg10 : memref<!tpu.dma_semaphore, #tpu.memory_space<semaphore_mem>>)
    %dma_wait3A_40 = arith.constant 0 : i32
    %dma_wait3A_41 = arith.constant 0 : i32
    %dma_wait3A_42 = tpu.memref_slice %arg4[%dma_wait3A_40, %dma_wait3A_41] : memref<6144x1024xf32, #tpu.memory_space<hbm>> -> memref<6144x1024xf32, #tpu.memory_space<hbm>>
    tpu.wait_indirect_dma semaphore(%arg9 : memref<!tpu.dma_semaphore, #tpu.memory_space<semaphore_mem>>) src(%arg7 : memref<32x1024xf32, #tpu.memory_space<vmem>>) dst(%dma_wait3A_42 : memref<6144x1024xf32, #tpu.memory_space<hbm>>)
    %dma_wait3A_43 = arith.constant 0 : i32
    %dma_wait3A_44 = arith.constant 0 : i32
    %dma_wait3A_45 = tpu.memref_slice %arg4[%dma_wait3A_43, %dma_wait3A_44] : memref<6144x1024xf32, #tpu.memory_space<hbm>> -> memref<6144x1024xf32, #tpu.memory_space<hbm>>
    tpu.wait_indirect_dma semaphore(%arg10 : memref<!tpu.dma_semaphore, #tpu.memory_space<semaphore_mem>>) src(%arg8 : memref<32x1024xf32, #tpu.memory_space<vmem>>) dst(%dma_wait3A_45 : memref<6144x1024xf32, #tpu.memory_space<hbm>>)
    return
  }
}

module attributes {stable_mosaic.version = 14 : i64} {
  func.func @_router_kernel(%arg0: memref<2048x1024xf32, #tpu.memory_space<vmem>>, %arg1: memref<1024x8xf32, #tpu.memory_space<vmem>>, %arg2: memref<1x8xf32, #tpu.memory_space<vmem>>, %arg3: memref<4096x1xi32, #tpu.memory_space<vmem>>, %arg4: memref<4096x128xf32, #tpu.memory_space<vmem>>, %arg5: memref<1x24xi32, #tpu.memory_space<vmem>>, %arg6: memref<1x1xi32, #tpu.memory_space<vmem>>, %arg7: memref<1x1xf32, #tpu.memory_space<vmem>>) attributes {dimension_semantics = [], scalar_prefetch = 0 : i64, scratch_operands = 0 : i64, tpu.core_type = #tpu.core_type<tc>} {
    %get3A = arith.constant 0 : index
    %get3A_0 = arith.constant 0 : index
    %get3A_1 = vector.load %arg0[%get3A, %get3A_0] : memref<2048x1024xf32, #tpu.memory_space<vmem>>, vector<2048x1024xf32>
    %get3A_2 = arith.constant 0 : index
    %get3A_3 = arith.constant 0 : index
    %get3A_4 = vector.load %arg1[%get3A_2, %get3A_3] : memref<1024x8xf32, #tpu.memory_space<vmem>>, vector<1024x8xf32>
    %dot_general3A = arith.constant dense<0.000000e+00> : vector<2048x8xf32>
    %dot_general3A_5 = tpu.matmul %get3A_1, %get3A_4, %dot_general3A {dimension_numbers = #tpu.dot_dimension_numbers<[1], [0], [0], [1], [0, 0, 1, 1], [], []>, transpose_lhs_hint = false} : vector<2048x1024xf32>, vector<1024x8xf32>, vector<2048x8xf32> -> vector<2048x8xf32>
    %get3A_6 = arith.constant 0 : index
    %get3A_7 = arith.constant 0 : index
    %get3A_8 = vector.load %arg2[%get3A_6, %get3A_7] : memref<1x8xf32, #tpu.memory_space<vmem>>, vector<1x8xf32>
    %add3A = vector.broadcast %get3A_8 : vector<1x8xf32> to vector<2048x8xf32>
    %add3A_9 = arith.addf %dot_general3A_5, %add3A : vector<2048x8xf32>
    %reduce_max3A = arith.constant dense<0xFF800000> : vector<2048xf32>
    %reduce_max3A_10 = vector.multi_reduction <maximumf>, %add3A_9, %reduce_max3A [1] : vector<2048x8xf32> to vector<2048xf32>
    %broadcast_in_dim3A = vector.shape_cast %reduce_max3A_10 : vector<2048xf32> to vector<2048x1xf32>
    %sub3A = vector.broadcast %broadcast_in_dim3A : vector<2048x1xf32> to vector<2048x8xf32>
    %sub3A_11 = arith.subf %add3A_9, %sub3A : vector<2048x8xf32>
    %exp3A = math.exp %sub3A_11 : vector<2048x8xf32>
    %reduce_sum3A = arith.constant dense<0.000000e+00> : vector<2048xf32>
    %reduce_sum3A_12 = vector.multi_reduction <add>, %exp3A, %reduce_sum3A [1] : vector<2048x8xf32> to vector<2048xf32>
    %broadcast_in_dim3A_13 = vector.shape_cast %reduce_sum3A_12 : vector<2048xf32> to vector<2048x1xf32>
    %div3A = vector.broadcast %broadcast_in_dim3A_13 : vector<2048x1xf32> to vector<2048x8xf32>
    %div3A_14 = arith.divf %exp3A, %div3A : vector<2048x8xf32>
    %reduce_max3A_15 = arith.constant dense<0xFF800000> : vector<2048xf32>
    %reduce_max3A_16 = vector.multi_reduction <maximumf>, %div3A_14, %reduce_max3A_15 [1] : vector<2048x8xf32> to vector<2048xf32>
    %broadcast_in_dim3A_17 = vector.shape_cast %reduce_max3A_16 : vector<2048xf32> to vector<2048x1xf32>
    %eq3A = vector.broadcast %broadcast_in_dim3A_17 : vector<2048x1xf32> to vector<2048x8xf32>
    %eq3A_18 = arith.cmpf oeq, %div3A_14, %eq3A : vector<2048x8xf32>
    %convert_element_type3A = arith.extui %eq3A_18 : vector<2048x8xi1> to vector<2048x8xi32>
    %convert_element_type3A_19 = arith.sitofp %convert_element_type3A : vector<2048x8xi32> to vector<2048x8xf32>
    %broadcast_in_dim3A_20 = arith.constant 0.000000e+00 : f32
    %broadcast_in_dim3A_21 = vector.broadcast %broadcast_in_dim3A_20 : f32 to vector<2048x1xf32>
    %slice3A = vector.extract_strided_slice %convert_element_type3A_19 {offsets = [0, 0], sizes = [2048, 1], strides = [1, 1]} : vector<2048x8xf32> to vector<2048x1xf32>
    %add3A_22 = arith.addf %broadcast_in_dim3A_21, %slice3A : vector<2048x1xf32>
    %slice3A_23 = vector.extract_strided_slice %convert_element_type3A_19 {offsets = [0, 1], sizes = [2048, 1], strides = [1, 1]} : vector<2048x8xf32> to vector<2048x1xf32>
    %add3A_24 = arith.addf %add3A_22, %slice3A_23 : vector<2048x1xf32>
    %slice3A_25 = vector.extract_strided_slice %convert_element_type3A_19 {offsets = [0, 2], sizes = [2048, 1], strides = [1, 1]} : vector<2048x8xf32> to vector<2048x1xf32>
    %add3A_26 = arith.addf %add3A_24, %slice3A_25 : vector<2048x1xf32>
    %slice3A_27 = vector.extract_strided_slice %convert_element_type3A_19 {offsets = [0, 3], sizes = [2048, 1], strides = [1, 1]} : vector<2048x8xf32> to vector<2048x1xf32>
    %add3A_28 = arith.addf %add3A_26, %slice3A_27 : vector<2048x1xf32>
    %slice3A_29 = vector.extract_strided_slice %convert_element_type3A_19 {offsets = [0, 4], sizes = [2048, 1], strides = [1, 1]} : vector<2048x8xf32> to vector<2048x1xf32>
    %add3A_30 = arith.addf %add3A_28, %slice3A_29 : vector<2048x1xf32>
    %slice3A_31 = vector.extract_strided_slice %convert_element_type3A_19 {offsets = [0, 5], sizes = [2048, 1], strides = [1, 1]} : vector<2048x8xf32> to vector<2048x1xf32>
    %add3A_32 = arith.addf %add3A_30, %slice3A_31 : vector<2048x1xf32>
    %slice3A_33 = vector.extract_strided_slice %convert_element_type3A_19 {offsets = [0, 6], sizes = [2048, 1], strides = [1, 1]} : vector<2048x8xf32> to vector<2048x1xf32>
    %add3A_34 = arith.addf %add3A_32, %slice3A_33 : vector<2048x1xf32>
    %concatenate3A = tpu.concatenate %broadcast_in_dim3A_21, %add3A_22, %add3A_24, %add3A_26, %add3A_28, %add3A_30, %add3A_32, %add3A_34 in 1 : vector<2048x1xf32>, vector<2048x1xf32>, vector<2048x1xf32>, vector<2048x1xf32>, vector<2048x1xf32>, vector<2048x1xf32>, vector<2048x1xf32>, vector<2048x1xf32> -> vector<2048x8xf32>
    %gt3A = arith.constant 0.000000e+00 : f32
    %gt3A_35 = vector.broadcast %gt3A : f32 to vector<2048x8xf32>
    %gt3A_36 = arith.cmpf ogt, %convert_element_type3A_19, %gt3A_35 : vector<2048x8xf32>
    %eq3A_37 = arith.constant 0.000000e+00 : f32
    %eq3A_38 = vector.broadcast %eq3A_37 : f32 to vector<2048x8xf32>
    %eq3A_39 = arith.cmpf oeq, %concatenate3A, %eq3A_38 : vector<2048x8xf32>
    %and3A = arith.andi %gt3A_36, %eq3A_39 : vector<2048x8xi1>
    %jit3A = arith.constant -1.000000e+00 : f32
    %broadcast_in_dim3A_40 = vector.broadcast %jit3A : f32 to vector<2048x8xf32>
    %select_n3A = arith.select %and3A, %broadcast_in_dim3A_40, %div3A_14 : vector<2048x8xi1>, vector<2048x8xf32>
    %reduce_max3A_41 = arith.constant dense<0xFF800000> : vector<2048xf32>
    %reduce_max3A_42 = vector.multi_reduction <maximumf>, %select_n3A, %reduce_max3A_41 [1] : vector<2048x8xf32> to vector<2048xf32>
    %broadcast_in_dim3A_43 = vector.shape_cast %reduce_max3A_42 : vector<2048xf32> to vector<2048x1xf32>
    %eq3A_44 = vector.broadcast %broadcast_in_dim3A_43 : vector<2048x1xf32> to vector<2048x8xf32>
    %eq3A_45 = arith.cmpf oeq, %select_n3A, %eq3A_44 : vector<2048x8xf32>
    %convert_element_type3A_46 = arith.extui %eq3A_45 : vector<2048x8xi1> to vector<2048x8xi32>
    %convert_element_type3A_47 = arith.sitofp %convert_element_type3A_46 : vector<2048x8xi32> to vector<2048x8xf32>
    %broadcast_in_dim3A_48 = arith.constant 0.000000e+00 : f32
    %broadcast_in_dim3A_49 = vector.broadcast %broadcast_in_dim3A_48 : f32 to vector<2048x1xf32>
    %slice3A_50 = vector.extract_strided_slice %convert_element_type3A_47 {offsets = [0, 0], sizes = [2048, 1], strides = [1, 1]} : vector<2048x8xf32> to vector<2048x1xf32>
    %add3A_51 = arith.addf %broadcast_in_dim3A_49, %slice3A_50 : vector<2048x1xf32>
    %slice3A_52 = vector.extract_strided_slice %convert_element_type3A_47 {offsets = [0, 1], sizes = [2048, 1], strides = [1, 1]} : vector<2048x8xf32> to vector<2048x1xf32>
    %add3A_53 = arith.addf %add3A_51, %slice3A_52 : vector<2048x1xf32>
    %slice3A_54 = vector.extract_strided_slice %convert_element_type3A_47 {offsets = [0, 2], sizes = [2048, 1], strides = [1, 1]} : vector<2048x8xf32> to vector<2048x1xf32>
    %add3A_55 = arith.addf %add3A_53, %slice3A_54 : vector<2048x1xf32>
    %slice3A_56 = vector.extract_strided_slice %convert_element_type3A_47 {offsets = [0, 3], sizes = [2048, 1], strides = [1, 1]} : vector<2048x8xf32> to vector<2048x1xf32>
    %add3A_57 = arith.addf %add3A_55, %slice3A_56 : vector<2048x1xf32>
    %slice3A_58 = vector.extract_strided_slice %convert_element_type3A_47 {offsets = [0, 4], sizes = [2048, 1], strides = [1, 1]} : vector<2048x8xf32> to vector<2048x1xf32>
    %add3A_59 = arith.addf %add3A_57, %slice3A_58 : vector<2048x1xf32>
    %slice3A_60 = vector.extract_strided_slice %convert_element_type3A_47 {offsets = [0, 5], sizes = [2048, 1], strides = [1, 1]} : vector<2048x8xf32> to vector<2048x1xf32>
    %add3A_61 = arith.addf %add3A_59, %slice3A_60 : vector<2048x1xf32>
    %slice3A_62 = vector.extract_strided_slice %convert_element_type3A_47 {offsets = [0, 6], sizes = [2048, 1], strides = [1, 1]} : vector<2048x8xf32> to vector<2048x1xf32>
    %add3A_63 = arith.addf %add3A_61, %slice3A_62 : vector<2048x1xf32>
    %concatenate3A_64 = tpu.concatenate %broadcast_in_dim3A_49, %add3A_51, %add3A_53, %add3A_55, %add3A_57, %add3A_59, %add3A_61, %add3A_63 in 1 : vector<2048x1xf32>, vector<2048x1xf32>, vector<2048x1xf32>, vector<2048x1xf32>, vector<2048x1xf32>, vector<2048x1xf32>, vector<2048x1xf32>, vector<2048x1xf32> -> vector<2048x8xf32>
    %gt3A_65 = arith.constant 0.000000e+00 : f32
    %gt3A_66 = vector.broadcast %gt3A_65 : f32 to vector<2048x8xf32>
    %gt3A_67 = arith.cmpf ogt, %convert_element_type3A_47, %gt3A_66 : vector<2048x8xf32>
    %eq3A_68 = arith.constant 0.000000e+00 : f32
    %eq3A_69 = vector.broadcast %eq3A_68 : f32 to vector<2048x8xf32>
    %eq3A_70 = arith.cmpf oeq, %concatenate3A_64, %eq3A_69 : vector<2048x8xf32>
    %and3A_71 = arith.andi %gt3A_67, %eq3A_70 : vector<2048x8xi1>
    %or3A = arith.ori %and3A, %and3A_71 : vector<2048x8xi1>
    %convert_element_type3A_72 = arith.extui %or3A : vector<2048x8xi1> to vector<2048x8xi32>
    %convert_element_type3A_73 = arith.sitofp %convert_element_type3A_72 : vector<2048x8xi32> to vector<2048x8xf32>
    %reduce_sum3A_74 = arith.constant dense<0.000000e+00> : vector<8xf32>
    %reduce_sum3A_75 = vector.multi_reduction <add>, %convert_element_type3A_73, %reduce_sum3A_74 [0] : vector<2048x8xf32> to vector<8xf32>
    %broadcast_in_dim3A_76 = vector.shape_cast %reduce_sum3A_75 : vector<8xf32> to vector<1x8xf32>
    %div3A_77 = arith.constant 2.048000e+03 : f32
    %div3A_78 = vector.broadcast %div3A_77 : f32 to vector<1x8xf32>
    %div3A_79 = arith.divf %broadcast_in_dim3A_76, %div3A_78 : vector<1x8xf32>
    %reduce_sum3A_80 = arith.constant dense<0.000000e+00> : vector<8xf32>
    %reduce_sum3A_81 = vector.multi_reduction <add>, %div3A_14, %reduce_sum3A_80 [0] : vector<2048x8xf32> to vector<8xf32>
    %broadcast_in_dim3A_82 = vector.shape_cast %reduce_sum3A_81 : vector<8xf32> to vector<1x8xf32>
    %div3A_83 = arith.constant 2.048000e+03 : f32
    %div3A_84 = vector.broadcast %div3A_83 : f32 to vector<1x8xf32>
    %div3A_85 = arith.divf %broadcast_in_dim3A_82, %div3A_84 : vector<1x8xf32>
    %mul3A = arith.mulf %div3A_79, %div3A_85 : vector<1x8xf32>
    %reduce_sum3A_86 = vector.shape_cast %mul3A : vector<1x8xf32> to vector<1x1x8xf32>
    %reduce_sum3A_87 = arith.constant dense<0.000000e+00> : vector<1xf32>
    %reduce_sum3A_88 = vector.multi_reduction <add>, %reduce_sum3A_86, %reduce_sum3A_87 [1, 2] : vector<1x1x8xf32> to vector<1xf32>
    %reduce_sum3A_89 = vector.shape_cast %reduce_sum3A_88 : vector<1xf32> to vector<1x1x1xf32>
    %reduce_sum3A_90 = vector.extract %reduce_sum3A_89[0, 0, 0] : f32 from vector<1x1x1xf32>
    %mul3A_91 = arith.constant 8.000000e-02 : f32
    %mul3A_92 = arith.mulf %mul3A_91, %reduce_sum3A_90 : f32
    %reshape3A = vector.broadcast %mul3A_92 : f32 to vector<1x1xf32>
    %swap3A = arith.constant 0 : index
    %swap3A_93 = arith.constant 0 : index
    %swap3A_94 = vector.load %arg7[%swap3A, %swap3A_93] : memref<1x1xf32, #tpu.memory_space<vmem>>, vector<1x1xf32>
    tpu.vector_store %arg7[%swap3A, %swap3A_93], %reshape3A {strides = array<i32>} : memref<1x1xf32, #tpu.memory_space<vmem>>, vector<1x1xf32>,
    %convert_element_type3A_95 = arith.extui %and3A : vector<2048x8xi1> to vector<2048x8xi32>
    %convert_element_type3A_96 = arith.sitofp %convert_element_type3A_95 : vector<2048x8xi32> to vector<2048x8xf32>
    %convert_element_type3A_97 = arith.extui %and3A_71 : vector<2048x8xi1> to vector<2048x8xi32>
    %convert_element_type3A_98 = arith.sitofp %convert_element_type3A_97 : vector<2048x8xi32> to vector<2048x8xf32>
    %concatenate3A_99 = tpu.concatenate %convert_element_type3A_96, %convert_element_type3A_98 in 0 : vector<2048x8xf32>, vector<2048x8xf32> -> vector<4096x8xf32>
    %broadcast_in_dim3A_100 = arith.constant 0.000000e+00 : f32
    %broadcast_in_dim3A_101 = vector.broadcast %broadcast_in_dim3A_100 : f32 to vector<1x8xf32>
    %slice3A_102 = vector.extract_strided_slice %concatenate3A_99 {offsets = [0, 0], sizes = [4095, 8], strides = [1, 1]} : vector<4096x8xf32> to vector<4095x8xf32>
    %concatenate3A_103 = tpu.concatenate %broadcast_in_dim3A_101, %slice3A_102 in 0 : vector<1x8xf32>, vector<4095x8xf32> -> vector<4096x8xf32>
    %add3A_104 = arith.addf %concatenate3A_99, %concatenate3A_103 : vector<4096x8xf32>
    %broadcast_in_dim3A_105 = arith.constant 0.000000e+00 : f32
    %broadcast_in_dim3A_106 = vector.broadcast %broadcast_in_dim3A_105 : f32 to vector<2x8xf32>
    %slice3A_107 = vector.extract_strided_slice %add3A_104 {offsets = [0, 0], sizes = [4094, 8], strides = [1, 1]} : vector<4096x8xf32> to vector<4094x8xf32>
    %concatenate3A_108 = tpu.concatenate %broadcast_in_dim3A_106, %slice3A_107 in 0 : vector<2x8xf32>, vector<4094x8xf32> -> vector<4096x8xf32>
    %add3A_109 = arith.addf %add3A_104, %concatenate3A_108 : vector<4096x8xf32>
    %broadcast_in_dim3A_110 = arith.constant 0.000000e+00 : f32
    %broadcast_in_dim3A_111 = vector.broadcast %broadcast_in_dim3A_110 : f32 to vector<4x8xf32>
    %slice3A_112 = vector.extract_strided_slice %add3A_109 {offsets = [0, 0], sizes = [4092, 8], strides = [1, 1]} : vector<4096x8xf32> to vector<4092x8xf32>
    %concatenate3A_113 = tpu.concatenate %broadcast_in_dim3A_111, %slice3A_112 in 0 : vector<4x8xf32>, vector<4092x8xf32> -> vector<4096x8xf32>
    %add3A_114 = arith.addf %add3A_109, %concatenate3A_113 : vector<4096x8xf32>
    %broadcast_in_dim3A_115 = arith.constant 0.000000e+00 : f32
    %broadcast_in_dim3A_116 = vector.broadcast %broadcast_in_dim3A_115 : f32 to vector<8x8xf32>
    %slice3A_117 = vector.extract_strided_slice %add3A_114 {offsets = [0, 0], sizes = [4088, 8], strides = [1, 1]} : vector<4096x8xf32> to vector<4088x8xf32>
    %concatenate3A_118 = tpu.concatenate %broadcast_in_dim3A_116, %slice3A_117 in 0 : vector<8x8xf32>, vector<4088x8xf32> -> vector<4096x8xf32>
    %add3A_119 = arith.addf %add3A_114, %concatenate3A_118 : vector<4096x8xf32>
    %broadcast_in_dim3A_120 = arith.constant 0.000000e+00 : f32
    %broadcast_in_dim3A_121 = vector.broadcast %broadcast_in_dim3A_120 : f32 to vector<16x8xf32>
    %slice3A_122 = vector.extract_strided_slice %add3A_119 {offsets = [0, 0], sizes = [4080, 8], strides = [1, 1]} : vector<4096x8xf32> to vector<4080x8xf32>
    %concatenate3A_123 = tpu.concatenate %broadcast_in_dim3A_121, %slice3A_122 in 0 : vector<16x8xf32>, vector<4080x8xf32> -> vector<4096x8xf32>
    %add3A_124 = arith.addf %add3A_119, %concatenate3A_123 : vector<4096x8xf32>
    %broadcast_in_dim3A_125 = arith.constant 0.000000e+00 : f32
    %broadcast_in_dim3A_126 = vector.broadcast %broadcast_in_dim3A_125 : f32 to vector<32x8xf32>
    %slice3A_127 = vector.extract_strided_slice %add3A_124 {offsets = [0, 0], sizes = [4064, 8], strides = [1, 1]} : vector<4096x8xf32> to vector<4064x8xf32>
    %concatenate3A_128 = tpu.concatenate %broadcast_in_dim3A_126, %slice3A_127 in 0 : vector<32x8xf32>, vector<4064x8xf32> -> vector<4096x8xf32>
    %add3A_129 = arith.addf %add3A_124, %concatenate3A_128 : vector<4096x8xf32>
    %broadcast_in_dim3A_130 = arith.constant 0.000000e+00 : f32
    %broadcast_in_dim3A_131 = vector.broadcast %broadcast_in_dim3A_130 : f32 to vector<64x8xf32>
    %slice3A_132 = vector.extract_strided_slice %add3A_129 {offsets = [0, 0], sizes = [4032, 8], strides = [1, 1]} : vector<4096x8xf32> to vector<4032x8xf32>
    %concatenate3A_133 = tpu.concatenate %broadcast_in_dim3A_131, %slice3A_132 in 0 : vector<64x8xf32>, vector<4032x8xf32> -> vector<4096x8xf32>
    %add3A_134 = arith.addf %add3A_129, %concatenate3A_133 : vector<4096x8xf32>
    %broadcast_in_dim3A_135 = arith.constant 0.000000e+00 : f32
    %broadcast_in_dim3A_136 = vector.broadcast %broadcast_in_dim3A_135 : f32 to vector<128x8xf32>
    %slice3A_137 = vector.extract_strided_slice %add3A_134 {offsets = [0, 0], sizes = [3968, 8], strides = [1, 1]} : vector<4096x8xf32> to vector<3968x8xf32>
    %concatenate3A_138 = tpu.concatenate %broadcast_in_dim3A_136, %slice3A_137 in 0 : vector<128x8xf32>, vector<3968x8xf32> -> vector<4096x8xf32>
    %add3A_139 = arith.addf %add3A_134, %concatenate3A_138 : vector<4096x8xf32>
    %broadcast_in_dim3A_140 = arith.constant 0.000000e+00 : f32
    %broadcast_in_dim3A_141 = vector.broadcast %broadcast_in_dim3A_140 : f32 to vector<256x8xf32>
    %slice3A_142 = vector.extract_strided_slice %add3A_139 {offsets = [0, 0], sizes = [3840, 8], strides = [1, 1]} : vector<4096x8xf32> to vector<3840x8xf32>
    %concatenate3A_143 = tpu.concatenate %broadcast_in_dim3A_141, %slice3A_142 in 0 : vector<256x8xf32>, vector<3840x8xf32> -> vector<4096x8xf32>
    %add3A_144 = arith.addf %add3A_139, %concatenate3A_143 : vector<4096x8xf32>
    %broadcast_in_dim3A_145 = arith.constant 0.000000e+00 : f32
    %broadcast_in_dim3A_146 = vector.broadcast %broadcast_in_dim3A_145 : f32 to vector<512x8xf32>
    %slice3A_147 = vector.extract_strided_slice %add3A_144 {offsets = [0, 0], sizes = [3584, 8], strides = [1, 1]} : vector<4096x8xf32> to vector<3584x8xf32>
    %concatenate3A_148 = tpu.concatenate %broadcast_in_dim3A_146, %slice3A_147 in 0 : vector<512x8xf32>, vector<3584x8xf32> -> vector<4096x8xf32>
    %add3A_149 = arith.addf %add3A_144, %concatenate3A_148 : vector<4096x8xf32>
    %broadcast_in_dim3A_150 = arith.constant 0.000000e+00 : f32
    %broadcast_in_dim3A_151 = vector.broadcast %broadcast_in_dim3A_150 : f32 to vector<1024x8xf32>
    %slice3A_152 = vector.extract_strided_slice %add3A_149 {offsets = [0, 0], sizes = [3072, 8], strides = [1, 1]} : vector<4096x8xf32> to vector<3072x8xf32>
    %concatenate3A_153 = tpu.concatenate %broadcast_in_dim3A_151, %slice3A_152 in 0 : vector<1024x8xf32>, vector<3072x8xf32> -> vector<4096x8xf32>
    %add3A_154 = arith.addf %add3A_149, %concatenate3A_153 : vector<4096x8xf32>
    %broadcast_in_dim3A_155 = arith.constant 0.000000e+00 : f32
    %broadcast_in_dim3A_156 = vector.broadcast %broadcast_in_dim3A_155 : f32 to vector<2048x8xf32>
    %slice3A_157 = vector.extract_strided_slice %add3A_154 {offsets = [0, 0], sizes = [2048, 8], strides = [1, 1]} : vector<4096x8xf32> to vector<2048x8xf32>
    %concatenate3A_158 = tpu.concatenate %broadcast_in_dim3A_156, %slice3A_157 in 0 : vector<2048x8xf32>, vector<2048x8xf32> -> vector<4096x8xf32>
    %add3A_159 = arith.addf %add3A_154, %concatenate3A_158 : vector<4096x8xf32>
    %sub3A_160 = arith.subf %add3A_159, %concatenate3A_99 : vector<4096x8xf32>
    %slice3A_161 = vector.extract_strided_slice %add3A_159 {offsets = [4095, 0], sizes = [1, 8], strides = [1, 1]} : vector<4096x8xf32> to vector<1x8xf32>
    %convert_element_type3A_162 = arith.fptosi %slice3A_161 : vector<1x8xf32> to vector<1x8xi32>
    %add3A_163 = arith.constant 256 : i32
    %add3A_164 = vector.broadcast %add3A_163 : i32 to vector<1x8xi32>
    %add3A_165 = arith.addi %convert_element_type3A_162, %add3A_164 : vector<1x8xi32>
    %sub3A_166 = arith.constant 1 : i32
    %sub3A_167 = vector.broadcast %sub3A_166 : i32 to vector<1x8xi32>
    %sub3A_168 = arith.subi %add3A_165, %sub3A_167 : vector<1x8xi32>
    %jit3A_169 = arith.constant 256 : i32
    %div3A_170 = vector.broadcast %jit3A_169 : i32 to vector<1x8xi32>
    %div3A_171 = arith.divsi %sub3A_168, %div3A_170 : vector<1x8xi32>
    %sign3A = arith.constant 0 : i32
    %sign3A_172 = vector.broadcast %sign3A : i32 to vector<1x8xi32>
    %sign3A_173 = arith.cmpi sgt, %sub3A_168, %sign3A_172 : vector<1x8xi32>
    %sign3A_174 = arith.extui %sign3A_173 : vector<1x8xi1> to vector<1x8xi32>
    %sign3A_175 = arith.constant 0 : i32
    %sign3A_176 = vector.broadcast %sign3A_175 : i32 to vector<1x8xi32>
    %sign3A_177 = arith.cmpi slt, %sub3A_168, %sign3A_176 : vector<1x8xi32>
    %sign3A_178 = arith.extui %sign3A_177 : vector<1x8xi1> to vector<1x8xi32>
    %sign3A_179 = arith.subi %sign3A_174, %sign3A_178 : vector<1x8xi32>
    %sign3A_180 = arith.constant 0 : i32
    %sign3A_181 = arith.cmpi sgt, %jit3A_169, %sign3A_180 : i32
    %sign3A_182 = arith.extui %sign3A_181 : i1 to i32
    %sign3A_183 = arith.constant 0 : i32
    %sign3A_184 = arith.cmpi slt, %jit3A_169, %sign3A_183 : i32
    %sign3A_185 = arith.extui %sign3A_184 : i1 to i32
    %sign3A_186 = arith.subi %sign3A_182, %sign3A_185 : i32
    %ne3A = vector.broadcast %sign3A_186 : i32 to vector<1x8xi32>
    %ne3A_187 = arith.cmpi ne, %sign3A_179, %ne3A : vector<1x8xi32>
    %rem3A = vector.broadcast %jit3A_169 : i32 to vector<1x8xi32>
    %rem3A_188 = arith.remsi %sub3A_168, %rem3A : vector<1x8xi32>
    %ne3A_189 = arith.constant 0 : i32
    %ne3A_190 = vector.broadcast %ne3A_189 : i32 to vector<1x8xi32>
    %ne3A_191 = arith.cmpi ne, %rem3A_188, %ne3A_190 : vector<1x8xi32>
    %and3A_192 = arith.andi %ne3A_187, %ne3A_191 : vector<1x8xi1>
    %sub3A_193 = arith.constant 1 : i32
    %sub3A_194 = vector.broadcast %sub3A_193 : i32 to vector<1x8xi32>
    %sub3A_195 = arith.subi %div3A_171, %sub3A_194 : vector<1x8xi32>
    %select_n3A_196 = arith.select %and3A_192, %sub3A_195, %div3A_171 : vector<1x8xi1>, vector<1x8xi32>
    %mul3A_197 = arith.constant 256 : i32
    %mul3A_198 = vector.broadcast %mul3A_197 : i32 to vector<1x8xi32>
    %mul3A_199 = arith.muli %select_n3A_196, %mul3A_198 : vector<1x8xi32>
    %broadcast_in_dim3A_200 = arith.constant 0 : i32
    %broadcast_in_dim3A_201 = vector.broadcast %broadcast_in_dim3A_200 : i32 to vector<1x1xi32>
    %slice3A_202 = vector.extract_strided_slice %mul3A_199 {offsets = [0, 0], sizes = [1, 1], strides = [1, 1]} : vector<1x8xi32> to vector<1x1xi32>
    %add3A_203 = arith.addi %broadcast_in_dim3A_201, %slice3A_202 : vector<1x1xi32>
    %slice3A_204 = vector.extract_strided_slice %mul3A_199 {offsets = [0, 1], sizes = [1, 1], strides = [1, 1]} : vector<1x8xi32> to vector<1x1xi32>
    %add3A_205 = arith.addi %add3A_203, %slice3A_204 : vector<1x1xi32>
    %slice3A_206 = vector.extract_strided_slice %mul3A_199 {offsets = [0, 2], sizes = [1, 1], strides = [1, 1]} : vector<1x8xi32> to vector<1x1xi32>
    %add3A_207 = arith.addi %add3A_205, %slice3A_206 : vector<1x1xi32>
    %slice3A_208 = vector.extract_strided_slice %mul3A_199 {offsets = [0, 3], sizes = [1, 1], strides = [1, 1]} : vector<1x8xi32> to vector<1x1xi32>
    %add3A_209 = arith.addi %add3A_207, %slice3A_208 : vector<1x1xi32>
    %slice3A_210 = vector.extract_strided_slice %mul3A_199 {offsets = [0, 4], sizes = [1, 1], strides = [1, 1]} : vector<1x8xi32> to vector<1x1xi32>
    %add3A_211 = arith.addi %add3A_209, %slice3A_210 : vector<1x1xi32>
    %slice3A_212 = vector.extract_strided_slice %mul3A_199 {offsets = [0, 5], sizes = [1, 1], strides = [1, 1]} : vector<1x8xi32> to vector<1x1xi32>
    %add3A_213 = arith.addi %add3A_211, %slice3A_212 : vector<1x1xi32>
    %slice3A_214 = vector.extract_strided_slice %mul3A_199 {offsets = [0, 6], sizes = [1, 1], strides = [1, 1]} : vector<1x8xi32> to vector<1x1xi32>
    %add3A_215 = arith.addi %add3A_213, %slice3A_214 : vector<1x1xi32>
    %slice3A_216 = vector.extract_strided_slice %mul3A_199 {offsets = [0, 7], sizes = [1, 1], strides = [1, 1]} : vector<1x8xi32> to vector<1x1xi32>
    %add3A_217 = arith.addi %add3A_215, %slice3A_216 : vector<1x1xi32>
    %concatenate3A_218 = tpu.concatenate %broadcast_in_dim3A_201, %add3A_203, %add3A_205, %add3A_207, %add3A_209, %add3A_211, %add3A_213, %add3A_215 in 1 : vector<1x1xi32>, vector<1x1xi32>, vector<1x1xi32>, vector<1x1xi32>, vector<1x1xi32>, vector<1x1xi32>, vector<1x1xi32>, vector<1x1xi32> -> vector<1x8xi32>
    %jit3A_219 = arith.constant 256 : i32
    %div3A_220 = vector.broadcast %jit3A_219 : i32 to vector<1x1xi32>
    %div3A_221 = arith.divsi %add3A_217, %div3A_220 : vector<1x1xi32>
    %sign3A_222 = arith.constant 0 : i32
    %sign3A_223 = vector.broadcast %sign3A_222 : i32 to vector<1x1xi32>
    %sign3A_224 = arith.cmpi sgt, %add3A_217, %sign3A_223 : vector<1x1xi32>
    %sign3A_225 = arith.extui %sign3A_224 : vector<1x1xi1> to vector<1x1xi32>
    %sign3A_226 = arith.constant 0 : i32
    %sign3A_227 = vector.broadcast %sign3A_226 : i32 to vector<1x1xi32>
    %sign3A_228 = arith.cmpi slt, %add3A_217, %sign3A_227 : vector<1x1xi32>
    %sign3A_229 = arith.extui %sign3A_228 : vector<1x1xi1> to vector<1x1xi32>
    %sign3A_230 = arith.subi %sign3A_225, %sign3A_229 : vector<1x1xi32>
    %sign3A_231 = arith.constant 0 : i32
    %sign3A_232 = arith.cmpi sgt, %jit3A_219, %sign3A_231 : i32
    %sign3A_233 = arith.extui %sign3A_232 : i1 to i32
    %sign3A_234 = arith.constant 0 : i32
    %sign3A_235 = arith.cmpi slt, %jit3A_219, %sign3A_234 : i32
    %sign3A_236 = arith.extui %sign3A_235 : i1 to i32
    %sign3A_237 = arith.subi %sign3A_233, %sign3A_236 : i32
    %ne3A_238 = vector.broadcast %sign3A_237 : i32 to vector<1x1xi32>
    %ne3A_239 = arith.cmpi ne, %sign3A_230, %ne3A_238 : vector<1x1xi32>
    %rem3A_240 = vector.broadcast %jit3A_219 : i32 to vector<1x1xi32>
    %rem3A_241 = arith.remsi %add3A_217, %rem3A_240 : vector<1x1xi32>
    %ne3A_242 = arith.constant 0 : i32
    %ne3A_243 = vector.broadcast %ne3A_242 : i32 to vector<1x1xi32>
    %ne3A_244 = arith.cmpi ne, %rem3A_241, %ne3A_243 : vector<1x1xi32>
    %and3A_245 = arith.andi %ne3A_239, %ne3A_244 : vector<1x1xi1>
    %sub3A_246 = arith.constant 1 : i32
    %sub3A_247 = vector.broadcast %sub3A_246 : i32 to vector<1x1xi32>
    %sub3A_248 = arith.subi %div3A_221, %sub3A_247 : vector<1x1xi32>
    %select_n3A_249 = arith.select %and3A_245, %sub3A_248, %div3A_221 : vector<1x1xi1>, vector<1x1xi32>
    %swap3A_250 = arith.constant 0 : index
    %swap3A_251 = arith.constant 0 : index
    %swap3A_252 = vector.load %arg6[%swap3A_250, %swap3A_251] : memref<1x1xi32, #tpu.memory_space<vmem>>, vector<1x1xi32>
    tpu.vector_store %arg6[%swap3A_250, %swap3A_251], %select_n3A_249 {strides = array<i32>} : memref<1x1xi32, #tpu.memory_space<vmem>>, vector<1x1xi32>,
    %convert_element_type3A_253 = arith.sitofp %concatenate3A_218 : vector<1x8xi32> to vector<1x8xf32>
    %add3A_254 = vector.broadcast %convert_element_type3A_253 : vector<1x8xf32> to vector<4096x8xf32>
    %add3A_255 = arith.addf %add3A_254, %sub3A_160 : vector<4096x8xf32>
    %mul3A_256 = arith.mulf %concatenate3A_99, %add3A_255 : vector<4096x8xf32>
    %reduce_sum3A_257 = arith.constant dense<0.000000e+00> : vector<4096xf32>
    %reduce_sum3A_258 = vector.multi_reduction <add>, %mul3A_256, %reduce_sum3A_257 [1] : vector<4096x8xf32> to vector<4096xf32>
    %broadcast_in_dim3A_259 = vector.shape_cast %reduce_sum3A_258 : vector<4096xf32> to vector<4096x1xf32>
    %convert_element_type3A_260 = arith.fptosi %broadcast_in_dim3A_259 : vector<4096x1xf32> to vector<4096x1xi32>
    %swap3A_261 = arith.constant 0 : index
    %swap3A_262 = arith.constant 0 : index
    %swap3A_263 = vector.load %arg3[%swap3A_261, %swap3A_262] : memref<4096x1xi32, #tpu.memory_space<vmem>>, vector<4096x1xi32>
    tpu.vector_store %arg3[%swap3A_261, %swap3A_262], %convert_element_type3A_260 {strides = array<i32>} : memref<4096x1xi32, #tpu.memory_space<vmem>>, vector<4096x1xi32>,
    %concatenate3A_264 = tpu.concatenate %broadcast_in_dim3A_17, %broadcast_in_dim3A_43 in 0 : vector<2048x1xf32>, vector<2048x1xf32> -> vector<4096x1xf32>
    %broadcast_in_dim3A_265 = vector.shape_cast %concatenate3A_264 : vector<4096x1xf32> to vector<4096x1xf32>
    %broadcast_in_dim3A_266 = vector.broadcast %broadcast_in_dim3A_265 : vector<4096x1xf32> to vector<4096x128xf32>
    %swap3A_267 = arith.constant 0 : index
    %swap3A_268 = arith.constant 0 : index
    %swap3A_269 = vector.load %arg4[%swap3A_267, %swap3A_268] : memref<4096x128xf32, #tpu.memory_space<vmem>>, vector<4096x128xf32>
    tpu.vector_store %arg4[%swap3A_267, %swap3A_268], %broadcast_in_dim3A_266 {strides = array<i32>} : memref<4096x128xf32, #tpu.memory_space<vmem>>, vector<4096x128xf32>,
    %add3A_270 = arith.addi %concatenate3A_218, %mul3A_199 : vector<1x8xi32>
    %iota3A = tpu.iota {dimensions = array<i32: 1>} : vector<1x24xi32>
    %broadcast_in_dim3A_271 = arith.constant 0 : i32
    %broadcast_in_dim3A_272 = vector.broadcast %broadcast_in_dim3A_271 : i32 to vector<1x24xi32>
    %mul3A_273 = arith.constant 256 : i32
    %mul3A_274 = vector.broadcast %mul3A_273 : i32 to vector<1x24xi32>
    %mul3A_275 = arith.muli %iota3A, %mul3A_274 : vector<1x24xi32>
    %slice3A_276 = vector.extract_strided_slice %add3A_270 {offsets = [0, 0], sizes = [1, 1], strides = [1, 1]} : vector<1x8xi32> to vector<1x1xi32>
    %ge3A = vector.broadcast %slice3A_276 : vector<1x1xi32> to vector<1x24xi32>
    %ge3A_277 = arith.cmpi sge, %mul3A_275, %ge3A : vector<1x24xi32>
    %convert_element_type3A_278 = arith.extui %ge3A_277 : vector<1x24xi1> to vector<1x24xi32>
    %add3A_279 = arith.addi %broadcast_in_dim3A_272, %convert_element_type3A_278 : vector<1x24xi32>
    %mul3A_280 = arith.constant 256 : i32
    %mul3A_281 = vector.broadcast %mul3A_280 : i32 to vector<1x24xi32>
    %mul3A_282 = arith.muli %iota3A, %mul3A_281 : vector<1x24xi32>
    %slice3A_283 = vector.extract_strided_slice %add3A_270 {offsets = [0, 1], sizes = [1, 1], strides = [1, 1]} : vector<1x8xi32> to vector<1x1xi32>
    %ge3A_284 = vector.broadcast %slice3A_283 : vector<1x1xi32> to vector<1x24xi32>
    %ge3A_285 = arith.cmpi sge, %mul3A_282, %ge3A_284 : vector<1x24xi32>
    %convert_element_type3A_286 = arith.extui %ge3A_285 : vector<1x24xi1> to vector<1x24xi32>
    %add3A_287 = arith.addi %add3A_279, %convert_element_type3A_286 : vector<1x24xi32>
    %mul3A_288 = arith.constant 256 : i32
    %mul3A_289 = vector.broadcast %mul3A_288 : i32 to vector<1x24xi32>
    %mul3A_290 = arith.muli %iota3A, %mul3A_289 : vector<1x24xi32>
    %slice3A_291 = vector.extract_strided_slice %add3A_270 {offsets = [0, 2], sizes = [1, 1], strides = [1, 1]} : vector<1x8xi32> to vector<1x1xi32>
    %ge3A_292 = vector.broadcast %slice3A_291 : vector<1x1xi32> to vector<1x24xi32>
    %ge3A_293 = arith.cmpi sge, %mul3A_290, %ge3A_292 : vector<1x24xi32>
    %convert_element_type3A_294 = arith.extui %ge3A_293 : vector<1x24xi1> to vector<1x24xi32>
    %add3A_295 = arith.addi %add3A_287, %convert_element_type3A_294 : vector<1x24xi32>
    %mul3A_296 = arith.constant 256 : i32
    %mul3A_297 = vector.broadcast %mul3A_296 : i32 to vector<1x24xi32>
    %mul3A_298 = arith.muli %iota3A, %mul3A_297 : vector<1x24xi32>
    %slice3A_299 = vector.extract_strided_slice %add3A_270 {offsets = [0, 3], sizes = [1, 1], strides = [1, 1]} : vector<1x8xi32> to vector<1x1xi32>
    %ge3A_300 = vector.broadcast %slice3A_299 : vector<1x1xi32> to vector<1x24xi32>
    %ge3A_301 = arith.cmpi sge, %mul3A_298, %ge3A_300 : vector<1x24xi32>
    %convert_element_type3A_302 = arith.extui %ge3A_301 : vector<1x24xi1> to vector<1x24xi32>
    %add3A_303 = arith.addi %add3A_295, %convert_element_type3A_302 : vector<1x24xi32>
    %mul3A_304 = arith.constant 256 : i32
    %mul3A_305 = vector.broadcast %mul3A_304 : i32 to vector<1x24xi32>
    %mul3A_306 = arith.muli %iota3A, %mul3A_305 : vector<1x24xi32>
    %slice3A_307 = vector.extract_strided_slice %add3A_270 {offsets = [0, 4], sizes = [1, 1], strides = [1, 1]} : vector<1x8xi32> to vector<1x1xi32>
    %ge3A_308 = vector.broadcast %slice3A_307 : vector<1x1xi32> to vector<1x24xi32>
    %ge3A_309 = arith.cmpi sge, %mul3A_306, %ge3A_308 : vector<1x24xi32>
    %convert_element_type3A_310 = arith.extui %ge3A_309 : vector<1x24xi1> to vector<1x24xi32>
    %add3A_311 = arith.addi %add3A_303, %convert_element_type3A_310 : vector<1x24xi32>
    %mul3A_312 = arith.constant 256 : i32
    %mul3A_313 = vector.broadcast %mul3A_312 : i32 to vector<1x24xi32>
    %mul3A_314 = arith.muli %iota3A, %mul3A_313 : vector<1x24xi32>
    %slice3A_315 = vector.extract_strided_slice %add3A_270 {offsets = [0, 5], sizes = [1, 1], strides = [1, 1]} : vector<1x8xi32> to vector<1x1xi32>
    %ge3A_316 = vector.broadcast %slice3A_315 : vector<1x1xi32> to vector<1x24xi32>
    %ge3A_317 = arith.cmpi sge, %mul3A_314, %ge3A_316 : vector<1x24xi32>
    %convert_element_type3A_318 = arith.extui %ge3A_317 : vector<1x24xi1> to vector<1x24xi32>
    %add3A_319 = arith.addi %add3A_311, %convert_element_type3A_318 : vector<1x24xi32>
    %mul3A_320 = arith.constant 256 : i32
    %mul3A_321 = vector.broadcast %mul3A_320 : i32 to vector<1x24xi32>
    %mul3A_322 = arith.muli %iota3A, %mul3A_321 : vector<1x24xi32>
    %slice3A_323 = vector.extract_strided_slice %add3A_270 {offsets = [0, 6], sizes = [1, 1], strides = [1, 1]} : vector<1x8xi32> to vector<1x1xi32>
    %ge3A_324 = vector.broadcast %slice3A_323 : vector<1x1xi32> to vector<1x24xi32>
    %ge3A_325 = arith.cmpi sge, %mul3A_322, %ge3A_324 : vector<1x24xi32>
    %convert_element_type3A_326 = arith.extui %ge3A_325 : vector<1x24xi1> to vector<1x24xi32>
    %add3A_327 = arith.addi %add3A_319, %convert_element_type3A_326 : vector<1x24xi32>
    %mul3A_328 = arith.constant 256 : i32
    %mul3A_329 = vector.broadcast %mul3A_328 : i32 to vector<1x24xi32>
    %mul3A_330 = arith.muli %iota3A, %mul3A_329 : vector<1x24xi32>
    %slice3A_331 = vector.extract_strided_slice %add3A_270 {offsets = [0, 7], sizes = [1, 1], strides = [1, 1]} : vector<1x8xi32> to vector<1x1xi32>
    %ge3A_332 = vector.broadcast %slice3A_331 : vector<1x1xi32> to vector<1x24xi32>
    %ge3A_333 = arith.cmpi sge, %mul3A_330, %ge3A_332 : vector<1x24xi32>
    %convert_element_type3A_334 = arith.extui %ge3A_333 : vector<1x24xi1> to vector<1x24xi32>
    %add3A_335 = arith.addi %add3A_327, %convert_element_type3A_334 : vector<1x24xi32>
    %min3A = arith.constant 7 : i32
    %min3A_336 = vector.broadcast %min3A : i32 to vector<1x24xi32>
    %min3A_337 = arith.minsi %add3A_335, %min3A_336 : vector<1x24xi32>
    %swap3A_338 = arith.constant 0 : index
    %swap3A_339 = arith.constant 0 : index
    %swap3A_340 = vector.load %arg5[%swap3A_338, %swap3A_339] : memref<1x24xi32, #tpu.memory_space<vmem>>, vector<1x24xi32>
    tpu.vector_store %arg5[%swap3A_338, %swap3A_339], %min3A_337 {strides = array<i32>} : memref<1x24xi32, #tpu.memory_space<vmem>>, vector<1x24xi32>,
    return
  }
}

module attributes {stable_mosaic.version = 14 : i64} {
  func.func @_ffn_kernel(%arg0: i32, %arg1: memref<24xi32, #tpu.memory_space<smem>>, %arg2: memref<1xi32, #tpu.memory_space<smem>>, %arg3: memref<256x1024xf32, #tpu.memory_space<vmem>>, %arg4: memref<1x1024x2048xbf16, #tpu.memory_space<vmem>>, %arg5: memref<1x1x2048xf32, #tpu.memory_space<vmem>>, %arg6: memref<1x1024x2048xbf16, #tpu.memory_space<vmem>>, %arg7: memref<1x1x2048xf32, #tpu.memory_space<vmem>>, %arg8: memref<1x2048x1024xbf16, #tpu.memory_space<vmem>>, %arg9: memref<1x1x1024xf32, #tpu.memory_space<vmem>>, %arg10: memref<256x1024xf32, #tpu.memory_space<vmem>>) attributes {dimension_semantics = [#tpu.dimension_semantics<arbitrary>], iteration_bounds = array<i64: 24>, scalar_prefetch = 2 : i64, scratch_operands = 0 : i64, tpu.core_type = #tpu.core_type<tc>, window_params = [{transform_indices = @transform_0, window_bounds = array<i64: 256, 1024>}, {transform_indices = @transform_1, window_bounds = array<i64: 1, 1024, 2048>}, {transform_indices = @transform_2, window_bounds = array<i64: 1, 1, 2048>}, {transform_indices = @transform_3, window_bounds = array<i64: 1, 1024, 2048>}, {transform_indices = @transform_4, window_bounds = array<i64: 1, 1, 2048>}, {transform_indices = @transform_5, window_bounds = array<i64: 1, 2048, 1024>}, {transform_indices = @transform_6, window_bounds = array<i64: 1, 1, 1024>}, {transform_indices = @transform_7, window_bounds = array<i64: 256, 1024>}]} {
    %get3A = arith.constant 0 : index
    %get3A_0 = memref.load %arg2[%get3A] : memref<1xi32, #tpu.memory_space<smem>>
    %lt3A = arith.cmpi slt, %arg0, %get3A_0 : i32
    %convert_element_type3A = arith.extui %lt3A : i1 to i32
    %cond3A = arith.constant 0 : i32
    %cond3A_1 = arith.cmpi ne, %convert_element_type3A, %cond3A : i32
    scf.if %cond3A_1 {
      %get3A_2 = arith.constant 0 : index
      %get3A_3 = arith.constant 0 : index
      %get3A_4 = vector.load %arg3[%get3A_2, %get3A_3] : memref<256x1024xf32, #tpu.memory_space<vmem>>, vector<256x1024xf32>
      %convert_element_type3A_5 = arith.truncf %get3A_4 : vector<256x1024xf32> to vector<256x1024xbf16>
      %get3A_6 = arith.constant 0 : index
      %get3A_7 = arith.constant 0 : index
      %get3A_8 = arith.constant 0 : index
      %get3A_9 = vector.load %arg4[%get3A_6, %get3A_7, %get3A_8] : memref<1x1024x2048xbf16, #tpu.memory_space<vmem>>, vector<1x1024x2048xbf16>
      %get3A_10 = vector.shape_cast %get3A_9 : vector<1x1024x2048xbf16> to vector<1024x2048xbf16>
      %dot_general3A = arith.constant dense<0.000000e+00> : vector<256x2048xf32>
      %dot_general3A_11 = tpu.matmul %convert_element_type3A_5, %get3A_10, %dot_general3A {dimension_numbers = #tpu.dot_dimension_numbers<[1], [0], [0], [1], [0, 0, 1, 1], [], []>, transpose_lhs_hint = false} : vector<256x1024xbf16>, vector<1024x2048xbf16>, vector<256x2048xf32> -> vector<256x2048xf32>
      %get3A_12 = arith.constant 0 : index
      %get3A_13 = arith.constant 0 : index
      %get3A_14 = arith.constant 0 : index
      %get3A_15 = vector.load %arg5[%get3A_12, %get3A_13, %get3A_14] : memref<1x1x2048xf32, #tpu.memory_space<vmem>>, vector<1x1x2048xf32>
      %get3A_16 = vector.shape_cast %get3A_15 : vector<1x1x2048xf32> to vector<2048xf32>
      %broadcast_in_dim3A = vector.shape_cast %get3A_16 : vector<2048xf32> to vector<1x2048xf32>
      %add3A = vector.broadcast %broadcast_in_dim3A : vector<1x2048xf32> to vector<256x2048xf32>
      %add3A_17 = arith.addf %dot_general3A_11, %add3A : vector<256x2048xf32>
      %get3A_18 = arith.constant 0 : index
      %get3A_19 = arith.constant 0 : index
      %get3A_20 = arith.constant 0 : index
      %get3A_21 = vector.load %arg6[%get3A_18, %get3A_19, %get3A_20] : memref<1x1024x2048xbf16, #tpu.memory_space<vmem>>, vector<1x1024x2048xbf16>
      %get3A_22 = vector.shape_cast %get3A_21 : vector<1x1024x2048xbf16> to vector<1024x2048xbf16>
      %dot_general3A_23 = arith.constant dense<0.000000e+00> : vector<256x2048xf32>
      %dot_general3A_24 = tpu.matmul %convert_element_type3A_5, %get3A_22, %dot_general3A_23 {dimension_numbers = #tpu.dot_dimension_numbers<[1], [0], [0], [1], [0, 0, 1, 1], [], []>, transpose_lhs_hint = false} : vector<256x1024xbf16>, vector<1024x2048xbf16>, vector<256x2048xf32> -> vector<256x2048xf32>
      %get3A_25 = arith.constant 0 : index
      %get3A_26 = arith.constant 0 : index
      %get3A_27 = arith.constant 0 : index
      %get3A_28 = vector.load %arg7[%get3A_25, %get3A_26, %get3A_27] : memref<1x1x2048xf32, #tpu.memory_space<vmem>>, vector<1x1x2048xf32>
      %get3A_29 = vector.shape_cast %get3A_28 : vector<1x1x2048xf32> to vector<2048xf32>
      %broadcast_in_dim3A_30 = vector.shape_cast %get3A_29 : vector<2048xf32> to vector<1x2048xf32>
      %add3A_31 = vector.broadcast %broadcast_in_dim3A_30 : vector<1x2048xf32> to vector<256x2048xf32>
      %add3A_32 = arith.addf %dot_general3A_24, %add3A_31 : vector<256x2048xf32>
      %logistic3A = arith.negf %add3A_32 : vector<256x2048xf32>
      %logistic3A_33 = math.exp %logistic3A : vector<256x2048xf32>
      %logistic3A_34 = arith.constant 1.000000e+00 : f32
      %logistic3A_35 = vector.broadcast %logistic3A_34 : f32 to vector<256x2048xf32>
      %logistic3A_36 = arith.addf %logistic3A_35, %logistic3A_33 : vector<256x2048xf32>
      %logistic3A_37 = arith.divf %logistic3A_35, %logistic3A_36 : vector<256x2048xf32>
      %mul3A = arith.mulf %add3A_32, %logistic3A_37 : vector<256x2048xf32>
      %mul3A_38 = arith.mulf %add3A_17, %mul3A : vector<256x2048xf32>
      %convert_element_type3A_39 = arith.truncf %mul3A_38 : vector<256x2048xf32> to vector<256x2048xbf16>
      %get3A_40 = arith.constant 0 : index
      %get3A_41 = arith.constant 0 : index
      %get3A_42 = arith.constant 0 : index
      %get3A_43 = vector.load %arg8[%get3A_40, %get3A_41, %get3A_42] : memref<1x2048x1024xbf16, #tpu.memory_space<vmem>>, vector<1x2048x1024xbf16>
      %get3A_44 = vector.shape_cast %get3A_43 : vector<1x2048x1024xbf16> to vector<2048x1024xbf16>
      %dot_general3A_45 = arith.constant dense<0.000000e+00> : vector<256x1024xf32>
      %dot_general3A_46 = tpu.matmul %convert_element_type3A_39, %get3A_44, %dot_general3A_45 {dimension_numbers = #tpu.dot_dimension_numbers<[1], [0], [0], [1], [0, 0, 1, 1], [], []>, transpose_lhs_hint = false} : vector<256x2048xbf16>, vector<2048x1024xbf16>, vector<256x1024xf32> -> vector<256x1024xf32>
      %get3A_47 = arith.constant 0 : index
      %get3A_48 = arith.constant 0 : index
      %get3A_49 = arith.constant 0 : index
      %get3A_50 = vector.load %arg9[%get3A_47, %get3A_48, %get3A_49] : memref<1x1x1024xf32, #tpu.memory_space<vmem>>, vector<1x1x1024xf32>
      %get3A_51 = vector.shape_cast %get3A_50 : vector<1x1x1024xf32> to vector<1024xf32>
      %broadcast_in_dim3A_52 = vector.shape_cast %get3A_51 : vector<1024xf32> to vector<1x1024xf32>
      %add3A_53 = vector.broadcast %broadcast_in_dim3A_52 : vector<1x1024xf32> to vector<256x1024xf32>
      %add3A_54 = arith.addf %dot_general3A_46, %add3A_53 : vector<256x1024xf32>
      %swap3A = arith.constant 0 : index
      %swap3A_55 = arith.constant 0 : index
      %swap3A_56 = vector.load %arg10[%swap3A, %swap3A_55] : memref<256x1024xf32, #tpu.memory_space<vmem>>, vector<256x1024xf32>
      tpu.vector_store %arg10[%swap3A, %swap3A_55], %add3A_54 {strides = array<i32>} : memref<256x1024xf32, #tpu.memory_space<vmem>>, vector<256x1024xf32>,
    } else {
    }
    return
  }
  func.func @transform_0(%arg0: i32, %arg1: memref<24xi32, #tpu.memory_space<smem>>, %arg2: memref<1xi32, #tpu.memory_space<smem>>) -> (i32, i32) {
    %c0_i32 = arith.constant 0 : i32
    %c0_i32_0 = arith.constant 0 : i32
    return %arg0, %c0_i32 : i32, i32
  }
  func.func @transform_1(%arg0: i32, %arg1: memref<24xi32, #tpu.memory_space<smem>>, %arg2: memref<1xi32, #tpu.memory_space<smem>>) -> (i32, i32, i32) {
    %get3A = arith.index_cast %arg0 : i32 to index
    %get3A_0 = memref.load %arg1[%get3A] : memref<24xi32, #tpu.memory_space<smem>>
    %c0_i32 = arith.constant 0 : i32
    %c0_i32_1 = arith.constant 0 : i32
    %c0_i32_2 = arith.constant 0 : i32
    return %get3A_0, %c0_i32, %c0_i32_1 : i32, i32, i32
  }
  func.func @transform_2(%arg0: i32, %arg1: memref<24xi32, #tpu.memory_space<smem>>, %arg2: memref<1xi32, #tpu.memory_space<smem>>) -> (i32, i32, i32) {
    %get3A = arith.index_cast %arg0 : i32 to index
    %get3A_0 = memref.load %arg1[%get3A] : memref<24xi32, #tpu.memory_space<smem>>
    %c0_i32 = arith.constant 0 : i32
    %c0_i32_1 = arith.constant 0 : i32
    %c0_i32_2 = arith.constant 0 : i32
    return %get3A_0, %c0_i32, %c0_i32_1 : i32, i32, i32
  }
  func.func @transform_3(%arg0: i32, %arg1: memref<24xi32, #tpu.memory_space<smem>>, %arg2: memref<1xi32, #tpu.memory_space<smem>>) -> (i32, i32, i32) {
    %get3A = arith.index_cast %arg0 : i32 to index
    %get3A_0 = memref.load %arg1[%get3A] : memref<24xi32, #tpu.memory_space<smem>>
    %c0_i32 = arith.constant 0 : i32
    %c0_i32_1 = arith.constant 0 : i32
    %c0_i32_2 = arith.constant 0 : i32
    return %get3A_0, %c0_i32, %c0_i32_1 : i32, i32, i32
  }
  func.func @transform_4(%arg0: i32, %arg1: memref<24xi32, #tpu.memory_space<smem>>, %arg2: memref<1xi32, #tpu.memory_space<smem>>) -> (i32, i32, i32) {
    %get3A = arith.index_cast %arg0 : i32 to index
    %get3A_0 = memref.load %arg1[%get3A] : memref<24xi32, #tpu.memory_space<smem>>
    %c0_i32 = arith.constant 0 : i32
    %c0_i32_1 = arith.constant 0 : i32
    %c0_i32_2 = arith.constant 0 : i32
    return %get3A_0, %c0_i32, %c0_i32_1 : i32, i32, i32
  }
  func.func @transform_5(%arg0: i32, %arg1: memref<24xi32, #tpu.memory_space<smem>>, %arg2: memref<1xi32, #tpu.memory_space<smem>>) -> (i32, i32, i32) {
    %get3A = arith.index_cast %arg0 : i32 to index
    %get3A_0 = memref.load %arg1[%get3A] : memref<24xi32, #tpu.memory_space<smem>>
    %c0_i32 = arith.constant 0 : i32
    %c0_i32_1 = arith.constant 0 : i32
    %c0_i32_2 = arith.constant 0 : i32
    return %get3A_0, %c0_i32, %c0_i32_1 : i32, i32, i32
  }
  func.func @transform_6(%arg0: i32, %arg1: memref<24xi32, #tpu.memory_space<smem>>, %arg2: memref<1xi32, #tpu.memory_space<smem>>) -> (i32, i32, i32) {
    %get3A = arith.index_cast %arg0 : i32 to index
    %get3A_0 = memref.load %arg1[%get3A] : memref<24xi32, #tpu.memory_space<smem>>
    %c0_i32 = arith.constant 0 : i32
    %c0_i32_1 = arith.constant 0 : i32
    %c0_i32_2 = arith.constant 0 : i32
    return %get3A_0, %c0_i32, %c0_i32_1 : i32, i32, i32
  }
  func.func @transform_7(%arg0: i32, %arg1: memref<24xi32, #tpu.memory_space<smem>>, %arg2: memref<1xi32, #tpu.memory_space<smem>>) -> (i32, i32) {
    %c0_i32 = arith.constant 0 : i32
    %c0_i32_0 = arith.constant 0 : i32
    return %arg0, %c0_i32 : i32, i32
  }
}

</mosaic_0001>

<sc_bundles>
// kernel: kernel.6.cloned.1.call-start
scs
__scs_entry_jumppad:
0x0: {  	(pc) =	sbr.rel $0x88, $3  }
0x1: {  	(tag) =	ssettag $0x0;
	lr =	simm.s32 $0x1  }
0x2: {  	[smem:$0x3F98] =	sst lr;
	_ =	strace $0xD0000000  }
0x3: {  	_ = 	snop  }
0x4: {  	_ = 	snop  }
0x5: {  	_ = 	snop  }
0x6: {  	_ = 	snop  }
0x7: {  	_ = 	snop  }
__scs_overlays_trampoline_lowered:
0x8: {  	[smem:$0x3FA7] =	sst s0  }
0x9: {  	[smem:$0x3FA8] =	sst s1  }
0xa: {  	[smem:$0x3FA9] =	sst s2  }
0xb: {  	[smem:$0x3FAA] =	sst s3  }
0xc: {  	[smem:$0x3FAB] =	sst s4  }
0xd: {  	[smem:$0x3FAC] =	sst s5  }
0xe: {  	[smem:$0x3FAD] =	sst s6  }
0xf: {  	[smem:$0x3FAE] =	sst s7  }
0x10: {  	[smem:$0x3FAF] =	sst s8  }
0x11: {  	[smem:$0x3FB0] =	sst s9;
	s0 =	simm.s32 @!p0 $0x0  }
0x12: {  	s1 =	sld [smem:$0x3F96];
	s0 =	simm.s32 @p0 $0x1  }
0x13: {  	[smem:$0x3FB1] =	sst s0;
	s0 =	simm.s32 @!p1 $0x0  }
0x14: {  	s2 =	sld [smem:$0x3F95];
	s0 =	simm.s32 @p1 $0x1  }
0x15: {  	[smem:$0x3FB2] =	sst s0;
	s0 =	simm.s32 @!p2 $0x0  }
0x16: {  	s3 =	sld [smem:$0x3FDB];
	s0 =	simm.s32 @p2 $0x1  }
0x17: {  	s4 =	simm.s32 $0x1BF5;
	[smem:$0x3FB4] =	sst s0  }
0x18: {  	s0 =	sld [smem:$0x3F97];
	_ =	swait.ge [sflag:s4], $0x0  }
0x19: {  	s7 =	sld [smem:$0x3F98]  }
0x1a: {  	s8 =	sadd.s32 $0xFFFFE003, lr  }
0x1b: {  	s9 =	sadd.s32 $0xFFFFFEF7, lr;
	s5 =	simm.s32 $0xFFFFFFFF;
	p2 =	slt.u32 s8, $0xFFFFF086  }
0x1c: {  	p1 =	slt.u32 s9, $0xF7A;
	s5 =	simm.s32 @!p2 $0x0  }
0x1d: {  	s5 =	simm.s32 @p1 $0x1;
	p0 =	seq.s32 s7, s2  }
0x1e: {  	s7 =	smul.u32 @!p0 $0xF7A, s2;
	p2 =	seq.s32 @!p0 s5, $0x0  }
0x1f: {  	s9 =	smul.u32 $0xF7A, s1;
	s8 =	simm.s32 @!p0 $0x1BF5;
	p2 =	por !p2, p0  }
0x20: {  	[sflag:s8] =	ssyncset.s32 @!p0 $0xFFFFF086;
	s6 =	sadd.s32 @!p0 s3, s7;
	s7 =	simm.s32 @!p0 $0x108  }
0x21: {  	s3 =	sadd.s32 s3, s9;
	s6 =	sadd.s32 @!p0 $0x88, s6;
	s7 =	simm.s32 @p2 $0x1082  }
0x22: {  	[simem:s7], [sflag:s8] =	dma.local @!p0 [hbm:s6], $0xF7A  }
0x23: {  	s9 =	sor.u32 $0xD0000000, s2;
	s6 =	simm.s32 $0x108;
	_ =	swait.ge @!p0 [sflag:s8], $0x0  }
0x24: {  	s3 =	sadd.s32 $0x88, s3;
	s6 =	simm.s32 @!p1 $0x1082;
	[sflag:s4] =	ssyncset.s32 $0xFFFFF086  }
0x25: {  	[simem:s6], [sflag:s4] =	dma.local [hbm:s3], $0xF7A  }
0x26: {  	[smem:$0x3F98] =	sst s1;
	(tag) =	ssettag s2;
	_ =	strace s9  }
0x27: {  	s1 =	sld [smem:$0x3FA8]  }
0x28: {  	s2 =	sld [smem:$0x3FA9]  }
0x29: {  	s4 =	sld [smem:$0x3FAB]  }
0x2a: {  	p0 =	seq.s32 s5, $0x0;
	s5 =	sld [smem:$0x3FAC]  }
0x2b: {  	s6 =	sld [smem:$0x3FAD]  }
0x2c: {  	s7 =	sld [smem:$0x3FAE]  }
0x2d: {  	s3 =	simm.s32 $0x108;
	s8 =	sld [smem:$0x3FAF]  }
0x2e: {  	s3 =	simm.s32 @!p0 $0x1082;
	s9 =	sld [smem:$0x3FB0]  }
0x2f: {  	lr =	sadd.s32 s0, s3;
	s0 =	sld [smem:$0x3FA7]  }
0x30: {  	s3 =	sld [smem:$0x3FAA]  }
0x31: {  	[smem:$0x3FB3] =	sst s10  }
0x32: {  	s10 =	sld [smem:$0x3FB1];
	_ =	sdelay $0x3  }
0x33: {  	p0 =	seq.s32 s10, $0x1;
	s10 =	sld [smem:$0x3FB3];
	_ =	sdelay $0x3  }
0x34: {  	[smem:$0x3FB3] =	sst s10  }
0x35: {  	s10 =	sld [smem:$0x3FB2];
	_ =	sdelay $0x3  }
0x36: {  	p1 =	seq.s32 s10, $0x1;
	s10 =	sld [smem:$0x3FB3];
	_ =	sdelay $0x3  }
0x37: {  	[smem:$0x3FB3] =	sst s10  }
0x38: {  	s10 =	sld [smem:$0x3FB4]  }
0x39: {  	_ = 	snop;
	(pc) =	sbr.ind lr, $3  }
0x3a: {  	_ = 	snop  }
0x3b: {  	_ = 	snop  }
0x3c: {  	p2 =	seq.s32 s10, $0x1;
	s10 =	sld [smem:$0x3FB3]  }
0x3d: {  	_ =	shalt  }
0x3e: {  	_ =	shalt  }
0x3f: {  	_ =	shalt  }
0x40: {  	_ =	shalt  }
0x41: {  	_ =	shalt  }
0x42: {  	_ =	shalt  }
0x43: {  	_ =	shalt  }
0x44: {  	_ =	shalt  }
0x45: {  	_ =	shalt  }
0x46: {  	_ =	shalt  }
0x47: {  	_ =	shalt  }
0x48: {  	_ =	shalt  }
0x49: {  	_ =	shalt  }
0x4a: {  	_ =	shalt  }
0x4b: {  	_ =	shalt  }
0x4c: {  	_ =	shalt  }
0x4d: {  	_ =	shalt  }
0x4e: {  	_ =	shalt  }
0x4f: {  	_ =	shalt  }
0x50: {  	_ =	shalt  }
0x51: {  	_ =	shalt  }
0x52: {  	_ =	shalt  }
0x53: {  	_ =	shalt  }
0x54: {  	_ =	shalt  }
0x55: {  	_ =	shalt  }
0x56: {  	_ =	shalt  }
0x57: {  	_ =	shalt  }
0x58: {  	_ =	shalt  }
0x59: {  	_ =	shalt  }
0x5a: {  	_ =	shalt  }
0x5b: {  	_ =	shalt  }
0x5c: {  	_ =	shalt  }
0x5d: {  	_ =	shalt  }
0x5e: {  	_ =	shalt  }
0x5f: {  	_ =	shalt  }
0x60: {  	_ =	shalt  }
0x61: {  	_ =	shalt  }
0x62: {  	_ =	shalt  }
0x63: {  	_ =	shalt  }
0x64: {  	_ =	shalt  }
0x65: {  	_ =	shalt  }
0x66: {  	_ =	shalt  }
0x67: {  	_ =	shalt  }
0x68: {  	_ =	shalt  }
0x69: {  	_ =	shalt  }
0x6a: {  	_ =	shalt  }
0x6b: {  	_ =	shalt  }
0x6c: {  	_ =	shalt  }
0x6d: {  	_ =	shalt  }
0x6e: {  	_ =	shalt  }
0x6f: {  	_ =	shalt  }
0x70: {  	_ =	shalt  }
0x71: {  	_ =	shalt  }
0x72: {  	_ =	shalt  }
0x73: {  	_ =	shalt  }
0x74: {  	_ =	shalt  }
0x75: {  	_ =	shalt  }
0x76: {  	_ =	shalt  }
0x77: {  	_ =	shalt  }
0x78: {  	_ =	shalt  }
0x79: {  	_ =	shalt  }
0x7a: {  	_ =	shalt  }
0x7b: {  	_ =	shalt  }
0x7c: {  	_ =	shalt  }
0x7d: {  	_ =	shalt  }
0x7e: {  	_ =	shalt  }
0x7f: {  	_ =	shalt  }
0x80: {  	_ =	shalt  }
0x81: {  	_ =	shalt  }
0x82: {  	_ =	shalt  }
0x83: {  	_ =	shalt  }
0x84: {  	_ =	shalt  }
0x85: {  	_ =	shalt  }
0x86: {  	_ =	shalt  }
0x87: {  	_ =	shalt  }
.Lfunc_end0:
.L_simem_size_0:
called_computation_lowered:
.L_overlay_start_0:
0x88: {  	s2 =	sld [smem:$0x3FD9]  }
0x89: {  	s3 =	sld [smem:$0x3FFE];
	_ =	sdelay $0x1  }
0x8a: {  	s1 =	srdreg.scid  }
0x8b: {  	s0 =	sand.u32 $0x1, s1  }
0x8c: {  	s17 =	sshll.u32 s0, $0xA;
	s2 =	sadd.s32 s3, s2  }
0x8d: {  	s2 =	sadd.s32 s2, s17  }
0x8e: {  	[smem:$0x3FBF] =	sst s2  }
0x8f: {  	_ = 	snop  }
0x90: {  	s2 =	sld [smem:$0x3FC9];
	(tm) =	ssettm $0x1  }
0x91: {  	s18 =	sld [smem:$0x3FFB];
	_ =	sdelay $0x3  }
0x92: {  	_ =	strace s18  }
0x93: {  	s3 =	sld [smem:$0x3FFC];
	_ =	sdelay $0x3  }
0x94: {  	_ =	strace s3  }
0x95: {  	s3 =	sld [smem:$0x3FFD];
	_ =	sdelay $0x3  }
0x96: {  	_ =	strace s3  }
0x97: {  	_ =	strace $0x8FFFFFFF  }
0x98: {  	s19 =	sld [smem:$0x3FDB];
	_ =	sdelay $0x1  }
0x99: {  	s4 =	simm.s32 $_scs_section_size  }
0x9a: {  	s5 =	simm.s32 $_size__tile_overlayer_lowered;
	s6 =	simm.s32 $_tile_overlayer_lowered  }
0x9b: {  	s22 =	simm.s32 $0x1BFF;
	s21 =	sshll.u32 s6, $0x1;
	s3 =	sadd.s32 s4, s19  }
0x9c: {  	s7 =	simm.s32 $0x0;
	s20 =	sshll.u32 s5, $0x1;
	s5 =	sadd.s32 s21, s3  }
0x9d: {  	[timem:s7], [sflag:s22] =	dma.local [hbm:s5], s20  }
0x9e: {  	_ =	swait.ge [sflag:s22], s20  }
0x9f: {  	s4 =	ssub.s32 $0x0, s20;
	[sflag:s22] =	ssyncset.done $0x0  }
0xa0: {  	[sflag:s22] =	ssyncadd.s32 s4;
	_ =	sdelay $0x1  }
0xa1: {  	s23 =	simm.s32 $0x1B8B  }
0xa2: {  	_ =	swait.ge [sflag:s23], $0x1  }
0xa3: {  	[sflag:s23] =	ssyncset.done $0x0  }
0xa4: {  	s25 =	simm.s32 $0x1B8E;
	s24 =	sld [smem:$0x3FFE];
	[sflag:s23] =	ssyncadd.s32 $0xFFFFFFFF  }
0xa5: {  	s26 =	simm.s32 $execute0_lowered;
	[smem:$0x3FD2] =	sst s25  }
0xa6: {  	s5 =	sshll.u32 s26, $0x1;
	_ =	strace $0x80000046;
	[dreg:$0x1] =	wrdreg $0xFFFFFFFF  }
0xa7: {  	s28 =	simm.s32 $_size_execute0_lowered;
	s3 =	sadd.s32 s3, s5;
	[dreg:$0x0] =	wrdreg $0x0  }
0xa8: {  	s5 =	sshll.u32 s28, $0x1;
	[dreg:$0x2] =	wrdreg s3  }
0xa9: {  	[dreg:$0x3] =	wrdreg s5  }
0xaa: {  	[dreg:$0x4] =	wrdreg $0xC0  }
0xab: {  	_ =	task [dreg:s7], $0x5FFFF  }
0xac: {  	[dreg:$0x1] =	wrdreg $0xFFFFFFFF  }
0xad: {  	[dreg:$0x0] =	wrdreg $0x60  }
0xae: {  	[dreg:$0x2] =	wrdreg s2  }
0xaf: {  	[dreg:$0x3] =	wrdreg s24  }
0xb0: {  	[dreg:$0x4] =	wrdreg $0x9  }
0xb1: {  	_ =	task.clear_ibuf [dreg:s7], $0x5FFFF;
	_ =	strace $0x90000046  }
0xb2: {  	s29 =	simm.s32 $0x9;
	_ =	strace $0x80000048  }
0xb3: {  	_ =	swait.ge [sflag:s29], $0x1  }
0xb4: {  	[sflag:s29] =	ssyncadd.s32 $0xFFFFFFFF  }
0xb5: {  	_ =	strace $0x90000048  }
0xb6: {  	_ =	sfence  }
0xb7: {  	s30 =	sld [smem:$0x0];
	_ =	sdelay $0x2  }
0xb8: {  	s31 =	sshll.u32 s1, $0xD;
	s1 =	sshrl.u32 s1, $0x2  }
0xb9: {  	s3 =	sand.u32 $0x4000, s31;
	s1 =	sadd.s32 s1, s30  }
0xba: {  	s0 =	sor.u32 s3, s0;
	s1 =	sshll.u32 s1, $0x11  }
0xbb: {  	s0 =	sor.u32 s1, s0  }
0xbc: {  	s0 =	sadd.s32 $0x8F2B, s0  }
0xbd: {  	[sflag:s0] =	ssyncadd.remote.s32 $0x1  }
0xbe: {  	_ =	sfence.sel $0xFFFF  }
0xbf: {  	[dreg:$0x0] =	wrdreg $0xFFFFFFFF;
	(pc) =	sbr.abs _section_cstart, $3  }
0xc0: {  	[dreg:$0x1] =	wrdreg $0xFFFFFFFF  }
0xc1: {  	_ =	task.clear_ibuf [dreg:s7], $0x2FFFF;
	_ =	strace $0x9FFFFFFF  }
0xc2: {  	(tm) =	ssettm $0x7FFFFFFF  }
0xc3: {  	_ =	shalt  }
tec
execute0_lowered:
.L_overlay_start_1:
0x0: {  	(tag) =	ssettag $0x1  }
0x1: {  	s0 =	rddreg [dreg:$0x0]  }
0x2: {  	s1 =	rddreg [dreg:$0x1]  }
0x3: {  	s3 =	srdreg.scid;
	s2 =	simm.s32 $0x0;
	s5 =	stileid.u32  }
0x4: {  	s28 =	simm.s32 $0x2900;
	s29 =	simm.s32 $0x3100;
	s30 =	simm.s32 $0x3900  }
0x5: {  	s31 =	simm.s32 $0x4100;
	s11 =	simm.s32 $0x6100;
	s12 =	simm.s32 $0x6900  }
0x6: {  	s13 =	simm.s32 $0x7100;
	s14 =	simm.s32 $0x7900;
	s4 =	sand.u32 $0x1, s3  }
0x7: {  	[smem:$0x7FF] =	sst s2;
	s15 =	sshll.u32 s5, $0x8;
	s6 =	sadd.s32 $0x11200, s1  }
0x8: {  	s3 =	sadd.s32 $0x11400, s1;
	s16 =	sshll.u32 s4, $0x7;
	s4 =	ssub.s32 $0x2, s4  }
0x9: {  	_ =	strace $0x80000047;
	s5 =	sor.u32 s16, s15;
	s9 =	sshrl.u32 s4, $0x1  }
0xa: {  	s15 =	simm.s32 $0x80;
	s16 =	simm.s32 $0x8900;
	s7 =	sshrl.u32 s5, $0x3  }
0xb: {  	s8 =	sshll.u32 s5, $0x7;
	s18 =	ssub.s32 s4, s9;
	s19 =	sor.u32 $0x20, s5  }
0xc: {  	s4 =	sadd.s32 $0x11500, s1;
	s10 =	sor.u32 $0x40, s5;
	s5 =	sor.u32 $0x60, s5  }
0xd: {  	s7 =	sadd.s32 s6, s7;
	s8 =	sand.u32 $0x3C000, s8;
	s20 =	sshrl.u32 s19, $0x3  }
0xe: {  	s21 =	sshrl.u32 s10, $0x3;
	s23 =	sshll.u32 s10, $0x7;
	s25 =	sshrl.u32 s5, $0x3  }
0xf: {  	s5 =	sshll.u32 s5, $0x7;
	s10 =	simm.s32 $0x5900;
	[dreg:$0x3] =	wrdreg s7  }
0x10: {  	s17 =	sadd.s32 s0, s8;
	s7 =	sshll.u32 s19, $0x7;
	s9 =	sadd.s32 s6, s20  }
0x11: {  	s22 =	sadd.s32 s6, s21;
	s24 =	sand.u32 $0x3E000, s23;
	s6 =	sadd.s32 s6, s25  }
0x12: {  	s26 =	sand.u32 $0x3F000, s5;
	s5 =	sadd.s32 $0x11600, s1;
	[dreg:$0x4] =	wrdreg s17  }
0x13: {  	s8 =	simm.s32 $0x3;
	s19 =	simm.s32 $0x1;
	[dreg:$0x5] =	wrdreg s9  }
0x14: {  	s20 =	simm.s32 $0x2;
	s23 =	simm.s32 $0x1100;
	[dreg:$0x7] =	wrdreg s22  }
0x15: {  	s25 =	simm.s32 $0x2100;
	s7 =	sand.u32 $0x3D000, s7;
	[dreg:$0x9] =	wrdreg s6  }
0x16: {  	s6 =	sadd.s32 $0x11700, s1;
	s22 =	simm.s32 $0x900;
	s9 =	simm.s32 $0x4900  }
0x17: {  	s1 =	simm.s32 $0x5100;
	s17 =	simm.s32 $0x9100;
	s7 =	sadd.s32 s0, s7  }
0x18: {  	v2 =	vlaneseq.u32;
	[dreg:$0x6] =	wrdreg s7;
	s7 =	sadd.s32 s0, s24;
	s0 =	sadd.s32 s0, s26  }
0x19: {  	vm0 =	vmmov $0xffff;
	v1 =	vshrl.u32 v2, $0x3;
	s26 =	simm.s32 $0x100;
	s24 =	simm.s32 $0x1900;
	[dreg:$0x8] =	wrdreg s7  }
0x1a: {  	v0 =	vand.u32 $0x7, v2;
	v2 =	vor.u32 $0x8, v2;
	v1 =	vmul.u32 $0x8, v1;
	[dreg:$0xa] =	wrdreg s0;
	s7 =	smax.u32 s18, $0x1;
	s18 =	simm.s32 $0x9900  }
.LBB2_1:
0x1b: {  	s21 =	rddreg [dreg:$0x3]  }
0x1c: {  	[tilespmem:s2], [sflag:$0x3] =	stream.linear.gather [hbm4b:s21+s2], $0x20, $0x38;
	[tilespmem:$0x10100] =	vst v63  }
0x1d: {  	_ =	swait.ge [sflag:s8], $0x20  }
0x1e: {  	[sflag:s8] =	ssyncset.done $0x0  }
0x1f: {  	s0 =	rddreg [dreg:$0x4];
	[sflag:s8] =	ssyncadd.s32 $0xFFFFFFE0  }
0x20: {  	[tilespmem:s26], [sflag:$0x3] =	stream.linear.gather [hbm4b:s0+s2], $0x8000, $0x38;
	[tilespmem:$0x10100] =	vst v63  }
0x21: {  	_ =	swait.ge [sflag:s8], $0x8000  }
0x22: {  	[sflag:s8] =	ssyncset.done $0x0  }
0x23: {  	[sflag:s8] =	ssyncadd.s32 $0xFFFF8000  }
0x24: {  	v3 =	vld [tilespmem:$0x0];
	_ =	sdelay $0x4  }
0x25: {  	v4 =	vshll.u32 v3, $0x3  }
0x26: {  	v3 =	vand.u32 $0x7, v3;
	v4 =	vand.u32 $0xFFFFFFC0, v4  }
0x27: {  	v3 =	vor.u32 v3, v4  }
0x28: {  	v4 =	vperm.xlane v3, v0;
	_ =	sdelay $0x1  }
0x29: {  	v4 =	vadd.s32 v1, v4;
	_ =	sdelay $0x4  }
0x2a: {  	[hbm4b:s3+s2] =	stream.indirect_vreg.scatter [tilespmem:s26], [sflag:$0x1], $0x80, v4, vm0, $0xb8;
	[tilespmem:$0x10100] =	vst v63  }
0x2b: {  	v3 =	vperm.xlane v3, v2  }
0x2c: {  	[hbm4b:s4+s2] =	stream.indirect_vreg.scatter [tilespmem:s22], [sflag:$0x1], $0x80, v4, vm0, $0xb8;
	[tilespmem:$0x10100] =	vst v63  }
0x2d: {  	v3 =	vadd.s32 v1, v3  }
0x2e: {  	[hbm4b:s5+s2] =	stream.indirect_vreg.scatter [tilespmem:s23], [sflag:$0x1], $0x80, v4, vm0, $0xb8;
	[tilespmem:$0x10100] =	vst v63  }
0x2f: {  	_ = 	snop  }
0x30: {  	[hbm4b:s6+s2] =	stream.indirect_vreg.scatter [tilespmem:s24], [sflag:$0x1], $0x80, v4, vm0, $0xb8;
	[tilespmem:$0x10100] =	vst v63  }
0x31: {  	_ = 	snop  }
0x32: {  	[hbm4b:s3+s2] =	stream.indirect_vreg.scatter [tilespmem:s25], [sflag:$0x1], $0x80, v3, vm0, $0xb8;
	[tilespmem:$0x10100] =	vst v63  }
0x33: {  	_ = 	snop  }
0x34: {  	[hbm4b:s4+s2] =	stream.indirect_vreg.scatter [tilespmem:s28], [sflag:$0x1], $0x80, v3, vm0, $0xb8;
	[tilespmem:$0x10100] =	vst v63  }
0x35: {  	_ = 	snop  }
0x36: {  	[hbm4b:s5+s2] =	stream.indirect_vreg.scatter [tilespmem:s29], [sflag:$0x1], $0x80, v3, vm0, $0xb8;
	[tilespmem:$0x10100] =	vst v63  }
0x37: {  	_ = 	snop  }
0x38: {  	[hbm4b:s6+s2] =	stream.indirect_vreg.scatter [tilespmem:s30], [sflag:$0x1], $0x80, v3, vm0, $0xb8;
	[tilespmem:$0x10100] =	vst v63  }
0x39: {  	v3 =	vld [tilespmem:$0x10];
	_ =	sdelay $0x4  }
0x3a: {  	v57 =	vshll.u32 v3, $0x3  }
0x3b: {  	v3 =	vand.u32 $0x7, v3;
	v4 =	vand.u32 $0xFFFFFFC0, v57  }
0x3c: {  	v3 =	vor.u32 v3, v4  }
0x3d: {  	v4 =	vperm.xlane v3, v0;
	_ =	sdelay $0x1  }
0x3e: {  	v4 =	vadd.s32 v1, v4;
	_ =	sdelay $0x4  }
0x3f: {  	[hbm4b:s3+s2] =	stream.indirect_vreg.scatter [tilespmem:s31], [sflag:$0x1], $0x80, v4, vm0, $0xb8;
	[tilespmem:$0x10100] =	vst v63  }
0x40: {  	v3 =	vperm.xlane v3, v2  }
0x41: {  	[hbm4b:s4+s2] =	stream.indirect_vreg.scatter [tilespmem:s9], [sflag:$0x1], $0x80, v4, vm0, $0xb8;
	[tilespmem:$0x10100] =	vst v63  }
0x42: {  	v3 =	vadd.s32 v1, v3  }
0x43: {  	[hbm4b:s5+s2] =	stream.indirect_vreg.scatter [tilespmem:s1], [sflag:$0x1], $0x80, v4, vm0, $0xb8;
	[tilespmem:$0x10100] =	vst v63  }
0x44: {  	_ = 	snop  }
0x45: {  	[hbm4b:s6+s2] =	stream.indirect_vreg.scatter [tilespmem:s10], [sflag:$0x1], $0x80, v4, vm0, $0xb8;
	[tilespmem:$0x10100] =	vst v63  }
0x46: {  	_ = 	snop  }
0x47: {  	[hbm4b:s3+s2] =	stream.indirect_vreg.scatter [tilespmem:s11], [sflag:$0x1], $0x80, v3, vm0, $0xb8;
	[tilespmem:$0x10100] =	vst v63  }
0x48: {  	_ = 	snop  }
0x49: {  	[hbm4b:s4+s2] =	stream.indirect_vreg.scatter [tilespmem:s12], [sflag:$0x1], $0x80, v3, vm0, $0xb8;
	[tilespmem:$0x10100] =	vst v63  }
0x4a: {  	_ = 	snop  }
0x4b: {  	[hbm4b:s5+s2] =	stream.indirect_vreg.scatter [tilespmem:s13], [sflag:$0x1], $0x80, v3, vm0, $0xb8;
	[tilespmem:$0x10100] =	vst v63  }
0x4c: {  	_ = 	snop  }
0x4d: {  	[hbm4b:s6+s2] =	stream.indirect_vreg.scatter [tilespmem:s14], [sflag:$0x1], $0x80, v3, vm0, $0xb8;
	[tilespmem:$0x10100] =	vst v63  }
0x4e: {  	s0 =	rddreg [dreg:$0x5]  }
0x4f: {  	[tilespmem:s15], [sflag:$0x3] =	stream.linear.gather [hbm4b:s0+s2], $0x20, $0x38;
	[tilespmem:$0x10100] =	vst v63  }
0x50: {  	_ =	swait.ge [sflag:s8], $0x20  }
0x51: {  	[sflag:s8] =	ssyncset.done $0x0  }
0x52: {  	s0 =	simm.s32 $0x8100;
	s21 =	rddreg [dreg:$0x6];
	[sflag:s8] =	ssyncadd.s32 $0xFFFFFFE0  }
0x53: {  	[tilespmem:s0], [sflag:$0x3] =	stream.linear.gather [hbm4b:s21+s2], $0x8000, $0x38;
	[tilespmem:$0x10100] =	vst v63  }
0x54: {  	_ =	swait.ge [sflag:s8], $0x8000  }
0x55: {  	[sflag:s8] =	ssyncset.done $0x0  }
0x56: {  	[sflag:s8] =	ssyncadd.s32 $0xFFFF8000  }
0x57: {  	v3 =	vld [tilespmem:$0x80];
	_ =	sdelay $0x4  }
0x58: {  	v58 =	vshll.u32 v3, $0x3  }
0x59: {  	v3 =	vand.u32 $0x7, v3;
	v4 =	vand.u32 $0xFFFFFFC0, v58  }
0x5a: {  	v3 =	vor.u32 v3, v4  }
0x5b: {  	v4 =	vperm.xlane v3, v0;
	_ =	sdelay $0x1  }
0x5c: {  	v4 =	vadd.s32 v1, v4;
	_ =	sdelay $0x4  }
0x5d: {  	[hbm4b:s3+s2] =	stream.indirect_vreg.scatter [tilespmem:s0], [sflag:$0x2], $0x80, v4, vm0, $0xb8;
	[tilespmem:$0x10100] =	vst v63  }
0x5e: {  	v3 =	vperm.xlane v3, v2  }
0x5f: {  	[hbm4b:s4+s2] =	stream.indirect_vreg.scatter [tilespmem:s16], [sflag:$0x2], $0x80, v4, vm0, $0xb8;
	[tilespmem:$0x10100] =	vst v63  }
0x60: {  	v3 =	vadd.s32 v1, v3  }
0x61: {  	[hbm4b:s5+s2] =	stream.indirect_vreg.scatter [tilespmem:s17], [sflag:$0x2], $0x80, v4, vm0, $0xb8;
	[tilespmem:$0x10100] =	vst v63  }
0x62: {  	_ = 	snop  }
0x63: {  	[hbm4b:s6+s2] =	stream.indirect_vreg.scatter [tilespmem:s18], [sflag:$0x2], $0x80, v4, vm0, $0xb8;
	[tilespmem:$0x10100] =	vst v63  }
0x64: {  	s21 =	simm.s32 $0xA100  }
0x65: {  	[hbm4b:s3+s2] =	stream.indirect_vreg.scatter [tilespmem:s21], [sflag:$0x2], $0x80, v3, vm0, $0xb8;
	[tilespmem:$0x10100] =	vst v63  }
0x66: {  	s21 =	simm.s32 $0xA900  }
0x67: {  	[hbm4b:s4+s2] =	stream.indirect_vreg.scatter [tilespmem:s21], [sflag:$0x2], $0x80, v3, vm0, $0xb8;
	[tilespmem:$0x10100] =	vst v63  }
0x68: {  	s21 =	simm.s32 $0xB100  }
0x69: {  	[hbm4b:s5+s2] =	stream.indirect_vreg.scatter [tilespmem:s21], [sflag:$0x2], $0x80, v3, vm0, $0xb8;
	[tilespmem:$0x10100] =	vst v63  }
0x6a: {  	s21 =	simm.s32 $0xB900  }
0x6b: {  	[hbm4b:s6+s2] =	stream.indirect_vreg.scatter [tilespmem:s21], [sflag:$0x2], $0x80, v3, vm0, $0xb8;
	[tilespmem:$0x10100] =	vst v63  }
0x6c: {  	v3 =	vld [tilespmem:$0x90];
	_ =	sdelay $0x4  }
0x6d: {  	v59 =	vshll.u32 v3, $0x3  }
0x6e: {  	v3 =	vand.u32 $0x7, v3;
	v4 =	vand.u32 $0xFFFFFFC0, v59  }
0x6f: {  	v3 =	vor.u32 v3, v4  }
0x70: {  	v4 =	vperm.xlane v3, v0;
	_ =	sdelay $0x1  }
0x71: {  	v4 =	vadd.s32 v1, v4;
	_ =	sdelay $0x3  }
0x72: {  	s21 =	simm.s32 $0xC100  }
0x73: {  	[hbm4b:s3+s2] =	stream.indirect_vreg.scatter [tilespmem:s21], [sflag:$0x2], $0x80, v4, vm0, $0xb8;
	[tilespmem:$0x10100] =	vst v63  }
0x74: {  	v3 =	vperm.xlane v3, v2;
	s21 =	simm.s32 $0xC900  }
0x75: {  	[hbm4b:s4+s2] =	stream.indirect_vreg.scatter [tilespmem:s21], [sflag:$0x2], $0x80, v4, vm0, $0xb8;
	[tilespmem:$0x10100] =	vst v63  }
0x76: {  	v3 =	vadd.s32 v1, v3;
	s21 =	simm.s32 $0xD100  }
0x77: {  	[hbm4b:s5+s2] =	stream.indirect_vreg.scatter [tilespmem:s21], [sflag:$0x2], $0x80, v4, vm0, $0xb8;
	[tilespmem:$0x10100] =	vst v63  }
0x78: {  	s21 =	simm.s32 $0xD900  }
0x79: {  	[hbm4b:s6+s2] =	stream.indirect_vreg.scatter [tilespmem:s21], [sflag:$0x2], $0x80, v4, vm0, $0xb8;
	[tilespmem:$0x10100] =	vst v63  }
0x7a: {  	s21 =	simm.s32 $0xE100  }
0x7b: {  	[hbm4b:s3+s2] =	stream.indirect_vreg.scatter [tilespmem:s21], [sflag:$0x2], $0x80, v3, vm0, $0xb8;
	[tilespmem:$0x10100] =	vst v63  }
0x7c: {  	s21 =	simm.s32 $0xE900  }
0x7d: {  	[hbm4b:s4+s2] =	stream.indirect_vreg.scatter [tilespmem:s21], [sflag:$0x2], $0x80, v3, vm0, $0xb8;
	[tilespmem:$0x10100] =	vst v63  }
0x7e: {  	s21 =	simm.s32 $0xF100  }
0x7f: {  	[hbm4b:s5+s2] =	stream.indirect_vreg.scatter [tilespmem:s21], [sflag:$0x2], $0x80, v3, vm0, $0xb8;
	[tilespmem:$0x10100] =	vst v63  }
0x80: {  	s21 =	simm.s32 $0xF900  }
0x81: {  	[hbm4b:s6+s2] =	stream.indirect_vreg.scatter [tilespmem:s21], [sflag:$0x2], $0x80, v3, vm0, $0xb8;
	[tilespmem:$0x10100] =	vst v63  }
0x82: {  	_ =	swait.ge [sflag:s19], $0x8000  }
0x83: {  	[sflag:s19] =	ssyncset.done $0x0  }
0x84: {  	s21 =	rddreg [dreg:$0x7];
	[sflag:s19] =	ssyncadd.s32 $0xFFFF8000  }
0x85: {  	[tilespmem:s2], [sflag:$0x3] =	stream.linear.gather [hbm4b:s21+s2], $0x20, $0x38;
	[tilespmem:$0x10100] =	vst v63  }
0x86: {  	_ =	swait.ge [sflag:s8], $0x20  }
0x87: {  	[sflag:s8] =	ssyncset.done $0x0  }
0x88: {  	s21 =	rddreg [dreg:$0x8];
	[sflag:s8] =	ssyncadd.s32 $0xFFFFFFE0  }
0x89: {  	[tilespmem:s26], [sflag:$0x3] =	stream.linear.gather [hbm4b:s21+s2], $0x8000, $0x38;
	[tilespmem:$0x10100] =	vst v63  }
0x8a: {  	_ =	swait.ge [sflag:s8], $0x8000  }
0x8b: {  	[sflag:s8] =	ssyncset.done $0x0  }
0x8c: {  	[sflag:s8] =	ssyncadd.s32 $0xFFFF8000  }
0x8d: {  	v3 =	vld [tilespmem:$0x0];
	_ =	sdelay $0x4  }
0x8e: {  	v60 =	vshll.u32 v3, $0x3  }
0x8f: {  	v3 =	vand.u32 $0x7, v3;
	v4 =	vand.u32 $0xFFFFFFC0, v60  }
0x90: {  	v3 =	vor.u32 v3, v4  }
0x91: {  	v4 =	vperm.xlane v3, v0;
	_ =	sdelay $0x1  }
0x92: {  	v4 =	vadd.s32 v1, v4;
	_ =	sdelay $0x4  }
0x93: {  	[hbm4b:s3+s2] =	stream.indirect_vreg.scatter [tilespmem:s26], [sflag:$0x1], $0x80, v4, vm0, $0xb8;
	[tilespmem:$0x10100] =	vst v63  }
0x94: {  	v3 =	vperm.xlane v3, v2  }
0x95: {  	[hbm4b:s4+s2] =	stream.indirect_vreg.scatter [tilespmem:s22], [sflag:$0x1], $0x80, v4, vm0, $0xb8;
	[tilespmem:$0x10100] =	vst v63  }
0x96: {  	v3 =	vadd.s32 v1, v3  }
0x97: {  	[hbm4b:s5+s2] =	stream.indirect_vreg.scatter [tilespmem:s23], [sflag:$0x1], $0x80, v4, vm0, $0xb8;
	[tilespmem:$0x10100] =	vst v63  }
0x98: {  	_ = 	snop  }
0x99: {  	[hbm4b:s6+s2] =	stream.indirect_vreg.scatter [tilespmem:s24], [sflag:$0x1], $0x80, v4, vm0, $0xb8;
	[tilespmem:$0x10100] =	vst v63  }
0x9a: {  	_ = 	snop  }
0x9b: {  	[hbm4b:s3+s2] =	stream.indirect_vreg.scatter [tilespmem:s25], [sflag:$0x1], $0x80, v3, vm0, $0xb8;
	[tilespmem:$0x10100] =	vst v63  }
0x9c: {  	_ = 	snop  }
0x9d: {  	[hbm4b:s4+s2] =	stream.indirect_vreg.scatter [tilespmem:s28], [sflag:$0x1], $0x80, v3, vm0, $0xb8;
	[tilespmem:$0x10100] =	vst v63  }
0x9e: {  	_ = 	snop  }
0x9f: {  	[hbm4b:s5+s2] =	stream.indirect_vreg.scatter [tilespmem:s29], [sflag:$0x1], $0x80, v3, vm0, $0xb8;
	[tilespmem:$0x10100] =	vst v63  }
0xa0: {  	_ = 	snop  }
0xa1: {  	[hbm4b:s6+s2] =	stream.indirect_vreg.scatter [tilespmem:s30], [sflag:$0x1], $0x80, v3, vm0, $0xb8;
	[tilespmem:$0x10100] =	vst v63  }
0xa2: {  	v3 =	vld [tilespmem:$0x10];
	_ =	sdelay $0x4  }
0xa3: {  	v61 =	vshll.u32 v3, $0x3  }
0xa4: {  	v3 =	vand.u32 $0x7, v3;
	v4 =	vand.u32 $0xFFFFFFC0, v61  }
0xa5: {  	v3 =	vor.u32 v3, v4  }
0xa6: {  	v4 =	vperm.xlane v3, v0;
	_ =	sdelay $0x1  }
0xa7: {  	v4 =	vadd.s32 v1, v4;
	_ =	sdelay $0x4  }
0xa8: {  	[hbm4b:s3+s2] =	stream.indirect_vreg.scatter [tilespmem:s31], [sflag:$0x1], $0x80, v4, vm0, $0xb8;
	[tilespmem:$0x10100] =	vst v63  }
0xa9: {  	v3 =	vperm.xlane v3, v2  }
0xaa: {  	[hbm4b:s4+s2] =	stream.indirect_vreg.scatter [tilespmem:s9], [sflag:$0x1], $0x80, v4, vm0, $0xb8;
	[tilespmem:$0x10100] =	vst v63  }
0xab: {  	v3 =	vadd.s32 v1, v3  }
0xac: {  	[hbm4b:s5+s2] =	stream.indirect_vreg.scatter [tilespmem:s1], [sflag:$0x1], $0x80, v4, vm0, $0xb8;
	[tilespmem:$0x10100] =	vst v63  }
0xad: {  	_ = 	snop  }
0xae: {  	[hbm4b:s6+s2] =	stream.indirect_vreg.scatter [tilespmem:s10], [sflag:$0x1], $0x80, v4, vm0, $0xb8;
	[tilespmem:$0x10100] =	vst v63  }
0xaf: {  	_ = 	snop  }
0xb0: {  	[hbm4b:s3+s2] =	stream.indirect_vreg.scatter [tilespmem:s11], [sflag:$0x1], $0x80, v3, vm0, $0xb8;
	[tilespmem:$0x10100] =	vst v63  }
0xb1: {  	_ = 	snop  }
0xb2: {  	[hbm4b:s4+s2] =	stream.indirect_vreg.scatter [tilespmem:s12], [sflag:$0x1], $0x80, v3, vm0, $0xb8;
	[tilespmem:$0x10100] =	vst v63  }
0xb3: {  	_ = 	snop  }
0xb4: {  	[hbm4b:s5+s2] =	stream.indirect_vreg.scatter [tilespmem:s13], [sflag:$0x1], $0x80, v3, vm0, $0xb8;
	[tilespmem:$0x10100] =	vst v63  }
0xb5: {  	_ = 	snop  }
0xb6: {  	[hbm4b:s6+s2] =	stream.indirect_vreg.scatter [tilespmem:s14], [sflag:$0x1], $0x80, v3, vm0, $0xb8;
	[tilespmem:$0x10100] =	vst v63  }
0xb7: {  	_ =	swait.ge [sflag:s20], $0x8000  }
0xb8: {  	[sflag:s20] =	ssyncset.done $0x0  }
0xb9: {  	s21 =	rddreg [dreg:$0x9];
	[sflag:s20] =	ssyncadd.s32 $0xFFFF8000  }
0xba: {  	[tilespmem:s15], [sflag:$0x3] =	stream.linear.gather [hbm4b:s21+s2], $0x20, $0x38;
	[tilespmem:$0x10100] =	vst v63  }
0xbb: {  	_ =	swait.ge [sflag:s8], $0x20  }
0xbc: {  	[sflag:s8] =	ssyncset.done $0x0  }
0xbd: {  	s21 =	rddreg [dreg:$0xa];
	[sflag:s8] =	ssyncadd.s32 $0xFFFFFFE0  }
0xbe: {  	[tilespmem:s0], [sflag:$0x3] =	stream.linear.gather [hbm4b:s21+s2], $0x8000, $0x38;
	[tilespmem:$0x10100] =	vst v63  }
0xbf: {  	_ =	swait.ge [sflag:s8], $0x8000  }
0xc0: {  	[sflag:s8] =	ssyncset.done $0x0  }
0xc1: {  	[sflag:s8] =	ssyncadd.s32 $0xFFFF8000  }
0xc2: {  	v3 =	vld [tilespmem:$0x80];
	_ =	sdelay $0x4  }
0xc3: {  	v62 =	vshll.u32 v3, $0x3  }
0xc4: {  	v3 =	vand.u32 $0x7, v3;
	v4 =	vand.u32 $0xFFFFFFC0, v62  }
0xc5: {  	v3 =	vor.u32 v3, v4  }
0xc6: {  	v4 =	vperm.xlane v3, v0;
	_ =	sdelay $0x1  }
0xc7: {  	v4 =	vadd.s32 v1, v4;
	_ =	sdelay $0x4  }
0xc8: {  	[hbm4b:s3+s2] =	stream.indirect_vreg.scatter [tilespmem:s0], [sflag:$0x2], $0x80, v4, vm0, $0xb8;
	[tilespmem:$0x10100] =	vst v63  }
0xc9: {  	v3 =	vperm.xlane v3, v2  }
0xca: {  	[hbm4b:s4+s2] =	stream.indirect_vreg.scatter [tilespmem:s16], [sflag:$0x2], $0x80, v4, vm0, $0xb8;
	[tilespmem:$0x10100] =	vst v63  }
0xcb: {  	v3 =	vadd.s32 v1, v3  }
0xcc: {  	[hbm4b:s5+s2] =	stream.indirect_vreg.scatter [tilespmem:s17], [sflag:$0x2], $0x80, v4, vm0, $0xb8;
	[tilespmem:$0x10100] =	vst v63  }
0xcd: {  	_ = 	snop  }
0xce: {  	[hbm4b:s6+s2] =	stream.indirect_vreg.scatter [tilespmem:s18], [sflag:$0x2], $0x80, v4, vm0, $0xb8;
	[tilespmem:$0x10100] =	vst v63  }
0xcf: {  	s21 =	simm.s32 $0xA100  }
0xd0: {  	[hbm4b:s3+s2] =	stream.indirect_vreg.scatter [tilespmem:s21], [sflag:$0x2], $0x80, v3, vm0, $0xb8;
	[tilespmem:$0x10100] =	vst v63  }
0xd1: {  	s21 =	simm.s32 $0xA900  }
0xd2: {  	[hbm4b:s4+s2] =	stream.indirect_vreg.scatter [tilespmem:s21], [sflag:$0x2], $0x80, v3, vm0, $0xb8;
	[tilespmem:$0x10100] =	vst v63  }
0xd3: {  	s21 =	simm.s32 $0xB100  }
0xd4: {  	[hbm4b:s5+s2] =	stream.indirect_vreg.scatter [tilespmem:s21], [sflag:$0x2], $0x80, v3, vm0, $0xb8;
	[tilespmem:$0x10100] =	vst v63  }
0xd5: {  	s21 =	simm.s32 $0xB900  }
0xd6: {  	[hbm4b:s6+s2] =	stream.indirect_vreg.scatter [tilespmem:s21], [sflag:$0x2], $0x80, v3, vm0, $0xb8;
	[tilespmem:$0x10100] =	vst v63  }
0xd7: {  	v3 =	vld [tilespmem:$0x90];
	_ =	sdelay $0x4  }
0xd8: {  	v63 =	vshll.u32 v3, $0x3  }
0xd9: {  	v3 =	vand.u32 $0x7, v3;
	v4 =	vand.u32 $0xFFFFFFC0, v63  }
0xda: {  	v3 =	vor.u32 v3, v4  }
0xdb: {  	v4 =	vperm.xlane v3, v0;
	_ =	sdelay $0x1  }
0xdc: {  	v4 =	vadd.s32 v1, v4;
	_ =	sdelay $0x3  }
0xdd: {  	s21 =	simm.s32 $0xC100  }
0xde: {  	[hbm4b:s3+s2] =	stream.indirect_vreg.scatter [tilespmem:s21], [sflag:$0x2], $0x80, v4, vm0, $0xb8;
	[tilespmem:$0x10100] =	vst v63  }
0xdf: {  	v3 =	vperm.xlane v3, v2;
	s21 =	simm.s32 $0xC900  }
0xe0: {  	[hbm4b:s4+s2] =	stream.indirect_vreg.scatter [tilespmem:s21], [sflag:$0x2], $0x80, v4, vm0, $0xb8;
	[tilespmem:$0x10100] =	vst v63  }
0xe1: {  	v3 =	vadd.s32 v1, v3;
	s21 =	simm.s32 $0xD100  }
0xe2: {  	[hbm4b:s5+s2] =	stream.indirect_vreg.scatter [tilespmem:s21], [sflag:$0x2], $0x80, v4, vm0, $0xb8;
	[tilespmem:$0x10100] =	vst v63  }
0xe3: {  	s21 =	simm.s32 $0xD900  }
0xe4: {  	[hbm4b:s6+s2] =	stream.indirect_vreg.scatter [tilespmem:s21], [sflag:$0x2], $0x80, v4, vm0, $0xb8;
	[tilespmem:$0x10100] =	vst v63  }
0xe5: {  	s21 =	simm.s32 $0xE100  }
0xe6: {  	[hbm4b:s3+s2] =	stream.indirect_vreg.scatter [tilespmem:s21], [sflag:$0x2], $0x80, v3, vm0, $0xb8;
	[tilespmem:$0x10100] =	vst v63  }
0xe7: {  	s21 =	simm.s32 $0xE900  }
0xe8: {  	[hbm4b:s4+s2] =	stream.indirect_vreg.scatter [tilespmem:s21], [sflag:$0x2], $0x80, v3, vm0, $0xb8;
	[tilespmem:$0x10100] =	vst v63  }
0xe9: {  	s21 =	simm.s32 $0xF100  }
0xea: {  	[hbm4b:s5+s2] =	stream.indirect_vreg.scatter [tilespmem:s21], [sflag:$0x2], $0x80, v3, vm0, $0xb8;
	[tilespmem:$0x10100] =	vst v63  }
0xeb: {  	s21 =	simm.s32 $0xF900  }
0xec: {  	[hbm4b:s6+s2] =	stream.indirect_vreg.scatter [tilespmem:s21], [sflag:$0x2], $0x80, v3, vm0, $0xb8;
	[tilespmem:$0x10100] =	vst v63  }
0xed: {  	p0 =	sne.s32 s7, $0x1;
	_ =	swait.ge [sflag:s19], $0x8000  }
.Ltmp0:
0xee: {  	[sflag:s19] =	ssyncset.done $0x0;
	(pc) =	sbr.rel @p0 .LBB2_1-.Ltmp0, $4  }
0xef: {  	[sflag:s19] =	ssyncadd.s32 $0xFFFF8000  }
0xf0: {  	_ =	swait.ge [sflag:s20], $0x8000  }
0xf1: {  	[sflag:s20] =	ssyncset.done $0x0  }
0xf2: {  	s7 =	sadd.s32 $0xFFFFFFFF, s7;
	[sflag:s20] =	ssyncadd.s32 $0xFFFF8000  }
0xf3: {  	_ =	sfence.sel $0x180000  }
0xf4: {  	[bflag:$0x0] =	sbarrier.arrive $0xFFFF  }
0xf5: {  	_ =	strace $0x90000047  }
0xf6: {  	s0 =	stileid.u32;
	[bflag:$0x2] =	sbarrier.arrive $0xFFFF  }
0xf7: {  	p0 =	sne.s32 s0, $0x0;
	s0 =	rddreg [dreg:$0x2]  }
0xf8: {  	s0 =	sadd.s32 @!p0 $0x100000, s0  }
0xf9: {  	[sflag:s0] =	ssyncadd.tile.s32 @!p0 $0x1;
	_ =	shalt  }
.Lfunc_end2:
_tile_overlayer_lowered:
.L_overlay_start_2:
0xfa: {  	(tag) =	ssettag $0x2  }
0xfb: {  	s0 =	rddreg [dreg:$0x0];
	s2 =	stileid.u32  }
0xfc: {  	s1 =	rddreg [dreg:$0x1];
	p0 =	sne.s32 s2, $0x0  }
0xfd: {  	s3 =	rddreg [dreg:$0x2];
	[bflag:$0x3] =	sbarrier.arrive $0xFFFF;
	s2 =	simm.s32 @!p0 $0x1C03  }
0xfe: {  	[timem:s3], [sflag:s2] =	dma.local @!p0 [hbm:s0], s1  }
0xff: {  	s0 =	simm.s32 @!p0 $0x3  }
0x100: {  	_ =	swait.ge @!p0 [sflag:s0], s1  }
0x101: {  	s1 =	ssub.s32 @!p0 $0x0, s1;
	[sflag:s0] =	ssyncset.done @!p0 $0x0  }
0x102: {  	[sflag:s0] =	ssyncadd.s32 @!p0 s1  }
0x103: {  	[bflag:$0x3] =	sbarrier.arrive $0xFFFF  }
0x104: {  	_ =	shalt  }

// kernel: kernel.9.cloned.1.call-start
scs
__scs_entry_jumppad:
0x0: {  	(pc) =	sbr.rel $0x88, $3  }
0x1: {  	(tag) =	ssettag $0x0;
	lr =	simm.s32 $0x1  }
0x2: {  	[smem:$0x3F98] =	sst lr;
	_ =	strace $0xD0000000  }
0x3: {  	_ = 	snop  }
0x4: {  	_ = 	snop  }
0x5: {  	_ = 	snop  }
0x6: {  	_ = 	snop  }
0x7: {  	_ = 	snop  }
__scs_overlays_trampoline_lowered:
0x8: {  	[smem:$0x3FA7] =	sst s0  }
0x9: {  	[smem:$0x3FA8] =	sst s1  }
0xa: {  	[smem:$0x3FA9] =	sst s2  }
0xb: {  	[smem:$0x3FAA] =	sst s3  }
0xc: {  	[smem:$0x3FAB] =	sst s4  }
0xd: {  	[smem:$0x3FAC] =	sst s5  }
0xe: {  	[smem:$0x3FAD] =	sst s6  }
0xf: {  	[smem:$0x3FAE] =	sst s7  }
0x10: {  	[smem:$0x3FAF] =	sst s8  }
0x11: {  	[smem:$0x3FB0] =	sst s9;
	s0 =	simm.s32 @!p0 $0x0  }
0x12: {  	s1 =	sld [smem:$0x3F96];
	s0 =	simm.s32 @p0 $0x1  }
0x13: {  	[smem:$0x3FB1] =	sst s0;
	s0 =	simm.s32 @!p1 $0x0  }
0x14: {  	s2 =	sld [smem:$0x3F95];
	s0 =	simm.s32 @p1 $0x1  }
0x15: {  	[smem:$0x3FB2] =	sst s0;
	s0 =	simm.s32 @!p2 $0x0  }
0x16: {  	s3 =	sld [smem:$0x3FDB];
	s0 =	simm.s32 @p2 $0x1  }
0x17: {  	s4 =	simm.s32 $0x1BF5;
	[smem:$0x3FB4] =	sst s0  }
0x18: {  	s0 =	sld [smem:$0x3F97];
	_ =	swait.ge [sflag:s4], $0x0  }
0x19: {  	s7 =	sld [smem:$0x3F98]  }
0x1a: {  	s8 =	sadd.s32 $0xFFFFE003, lr  }
0x1b: {  	s9 =	sadd.s32 $0xFFFFFEF7, lr;
	s5 =	simm.s32 $0xFFFFFFFF;
	p2 =	slt.u32 s8, $0xFFFFF086  }
0x1c: {  	p1 =	slt.u32 s9, $0xF7A;
	s5 =	simm.s32 @!p2 $0x0  }
0x1d: {  	s5 =	simm.s32 @p1 $0x1;
	p0 =	seq.s32 s7, s2  }
0x1e: {  	s7 =	smul.u32 @!p0 $0xF7A, s2;
	p2 =	seq.s32 @!p0 s5, $0x0  }
0x1f: {  	s9 =	smul.u32 $0xF7A, s1;
	s8 =	simm.s32 @!p0 $0x1BF5;
	p2 =	por !p2, p0  }
0x20: {  	[sflag:s8] =	ssyncset.s32 @!p0 $0xFFFFF086;
	s6 =	sadd.s32 @!p0 s3, s7;
	s7 =	simm.s32 @!p0 $0x108  }
0x21: {  	s3 =	sadd.s32 s3, s9;
	s6 =	sadd.s32 @!p0 $0x88, s6;
	s7 =	simm.s32 @p2 $0x1082  }
0x22: {  	[simem:s7], [sflag:s8] =	dma.local @!p0 [hbm:s6], $0xF7A  }
0x23: {  	s9 =	sor.u32 $0xD0000000, s2;
	s6 =	simm.s32 $0x108;
	_ =	swait.ge @!p0 [sflag:s8], $0x0  }
0x24: {  	s3 =	sadd.s32 $0x88, s3;
	s6 =	simm.s32 @!p1 $0x1082;
	[sflag:s4] =	ssyncset.s32 $0xFFFFF086  }
0x25: {  	[simem:s6], [sflag:s4] =	dma.local [hbm:s3], $0xF7A  }
0x26: {  	[smem:$0x3F98] =	sst s1;
	(tag) =	ssettag s2;
	_ =	strace s9  }
0x27: {  	s1 =	sld [smem:$0x3FA8]  }
0x28: {  	s2 =	sld [smem:$0x3FA9]  }
0x29: {  	s4 =	sld [smem:$0x3FAB]  }
0x2a: {  	p0 =	seq.s32 s5, $0x0;
	s5 =	sld [smem:$0x3FAC]  }
0x2b: {  	s6 =	sld [smem:$0x3FAD]  }
0x2c: {  	s7 =	sld [smem:$0x3FAE]  }
0x2d: {  	s3 =	simm.s32 $0x108;
	s8 =	sld [smem:$0x3FAF]  }
0x2e: {  	s3 =	simm.s32 @!p0 $0x1082;
	s9 =	sld [smem:$0x3FB0]  }
0x2f: {  	lr =	sadd.s32 s0, s3;
	s0 =	sld [smem:$0x3FA7]  }
0x30: {  	s3 =	sld [smem:$0x3FAA]  }
0x31: {  	[smem:$0x3FB3] =	sst s10  }
0x32: {  	s10 =	sld [smem:$0x3FB1];
	_ =	sdelay $0x3  }
0x33: {  	p0 =	seq.s32 s10, $0x1;
	s10 =	sld [smem:$0x3FB3];
	_ =	sdelay $0x3  }
0x34: {  	[smem:$0x3FB3] =	sst s10  }
0x35: {  	s10 =	sld [smem:$0x3FB2];
	_ =	sdelay $0x3  }
0x36: {  	p1 =	seq.s32 s10, $0x1;
	s10 =	sld [smem:$0x3FB3];
	_ =	sdelay $0x3  }
0x37: {  	[smem:$0x3FB3] =	sst s10  }
0x38: {  	s10 =	sld [smem:$0x3FB4]  }
0x39: {  	_ = 	snop;
	(pc) =	sbr.ind lr, $3  }
0x3a: {  	_ = 	snop  }
0x3b: {  	_ = 	snop  }
0x3c: {  	p2 =	seq.s32 s10, $0x1;
	s10 =	sld [smem:$0x3FB3]  }
0x3d: {  	_ =	shalt  }
0x3e: {  	_ =	shalt  }
0x3f: {  	_ =	shalt  }
0x40: {  	_ =	shalt  }
0x41: {  	_ =	shalt  }
0x42: {  	_ =	shalt  }
0x43: {  	_ =	shalt  }
0x44: {  	_ =	shalt  }
0x45: {  	_ =	shalt  }
0x46: {  	_ =	shalt  }
0x47: {  	_ =	shalt  }
0x48: {  	_ =	shalt  }
0x49: {  	_ =	shalt  }
0x4a: {  	_ =	shalt  }
0x4b: {  	_ =	shalt  }
0x4c: {  	_ =	shalt  }
0x4d: {  	_ =	shalt  }
0x4e: {  	_ =	shalt  }
0x4f: {  	_ =	shalt  }
0x50: {  	_ =	shalt  }
0x51: {  	_ =	shalt  }
0x52: {  	_ =	shalt  }
0x53: {  	_ =	shalt  }
0x54: {  	_ =	shalt  }
0x55: {  	_ =	shalt  }
0x56: {  	_ =	shalt  }
0x57: {  	_ =	shalt  }
0x58: {  	_ =	shalt  }
0x59: {  	_ =	shalt  }
0x5a: {  	_ =	shalt  }
0x5b: {  	_ =	shalt  }
0x5c: {  	_ =	shalt  }
0x5d: {  	_ =	shalt  }
0x5e: {  	_ =	shalt  }
0x5f: {  	_ =	shalt  }
0x60: {  	_ =	shalt  }
0x61: {  	_ =	shalt  }
0x62: {  	_ =	shalt  }
0x63: {  	_ =	shalt  }
0x64: {  	_ =	shalt  }
0x65: {  	_ =	shalt  }
0x66: {  	_ =	shalt  }
0x67: {  	_ =	shalt  }
0x68: {  	_ =	shalt  }
0x69: {  	_ =	shalt  }
0x6a: {  	_ =	shalt  }
0x6b: {  	_ =	shalt  }
0x6c: {  	_ =	shalt  }
0x6d: {  	_ =	shalt  }
0x6e: {  	_ =	shalt  }
0x6f: {  	_ =	shalt  }
0x70: {  	_ =	shalt  }
0x71: {  	_ =	shalt  }
0x72: {  	_ =	shalt  }
0x73: {  	_ =	shalt  }
0x74: {  	_ =	shalt  }
0x75: {  	_ =	shalt  }
0x76: {  	_ =	shalt  }
0x77: {  	_ =	shalt  }
0x78: {  	_ =	shalt  }
0x79: {  	_ =	shalt  }
0x7a: {  	_ =	shalt  }
0x7b: {  	_ =	shalt  }
0x7c: {  	_ =	shalt  }
0x7d: {  	_ =	shalt  }
0x7e: {  	_ =	shalt  }
0x7f: {  	_ =	shalt  }
0x80: {  	_ =	shalt  }
0x81: {  	_ =	shalt  }
0x82: {  	_ =	shalt  }
0x83: {  	_ =	shalt  }
0x84: {  	_ =	shalt  }
0x85: {  	_ =	shalt  }
0x86: {  	_ =	shalt  }
0x87: {  	_ =	shalt  }
.Lfunc_end0:
.L_simem_size_0:
called_computation.1_lowered:
.L_overlay_start_0:
0x88: {  	s2 =	sld [smem:$0x3FD9]  }
0x89: {  	s3 =	sld [smem:$0x3FFE];
	_ =	sdelay $0x1  }
0x8a: {  	s1 =	srdreg.scid  }
0x8b: {  	s0 =	sand.u32 $0x1, s1  }
0x8c: {  	s14 =	sshll.u32 s0, $0xA;
	s2 =	sadd.s32 s3, s2  }
0x8d: {  	s2 =	sadd.s32 s2, s14  }
0x8e: {  	[smem:$0x3FBF] =	sst s2  }
0x8f: {  	_ = 	snop  }
0x90: {  	s2 =	sld [smem:$0x3FD0];
	_ =	sdelay $0x2  }
0x91: {  	s15 =	simm.s32 $0xA;
	s4 =	simm.s32 $0x10  }
0x92: {  	[smem:s4], [sflag:s15] =	dma.local [hbm:s2], $0x1  }
0x93: {  	_ =	swait.eq [sflag:s15], $0x1  }
0x94: {  	[sflag:s15] =	ssyncset.done $0x0  }
0x95: {  	[sflag:s15] =	ssyncadd.s32 $0xFFFFFFFF  }
0x96: {  	s16 =	sld [smem:$0x10];
	(tm) =	ssettm $0x1  }
0x97: {  	s17 =	sld [smem:$0x3FFB];
	_ =	sdelay $0x3  }
0x98: {  	_ =	strace s17  }
0x99: {  	s3 =	sld [smem:$0x3FFC];
	_ =	sdelay $0x3  }
0x9a: {  	_ =	strace s3  }
0x9b: {  	s3 =	sld [smem:$0x3FFD];
	_ =	sdelay $0x3  }
0x9c: {  	_ =	strace s3  }
0x9d: {  	_ =	strace $0x8FFFFFFF  }
0x9e: {  	s18 =	sld [smem:$0x3FDB];
	_ =	sdelay $0x1  }
0x9f: {  	s19 =	simm.s32 $_scs_section_size  }
0xa0: {  	s5 =	simm.s32 $_size__tile_overlayer_lowered;
	s6 =	simm.s32 $_tile_overlayer_lowered  }
0xa1: {  	s22 =	simm.s32 $0x1BFF;
	s21 =	sshll.u32 s6, $0x1;
	s3 =	sadd.s32 s19, s18  }
0xa2: {  	s7 =	simm.s32 $0x0;
	s20 =	sshll.u32 s5, $0x1;
	s5 =	sadd.s32 s21, s3  }
0xa3: {  	[timem:s7], [sflag:s22] =	dma.local [hbm:s5], s20  }
0xa4: {  	_ =	swait.ge [sflag:s22], s20  }
0xa5: {  	s4 =	ssub.s32 $0x0, s20;
	[sflag:s22] =	ssyncset.done $0x0  }
0xa6: {  	[sflag:s22] =	ssyncadd.s32 s4;
	_ =	sdelay $0x1  }
0xa7: {  	s23 =	simm.s32 $0x1B8B  }
0xa8: {  	_ =	swait.ge [sflag:s23], $0x1  }
0xa9: {  	[sflag:s23] =	ssyncset.done $0x0  }
0xaa: {  	s25 =	simm.s32 $0x1B8E;
	s24 =	sld [smem:$0x3FFE];
	[sflag:s23] =	ssyncadd.s32 $0xFFFFFFFF  }
0xab: {  	s26 =	simm.s32 $execute0_lowered;
	[smem:$0x3FD2] =	sst s25  }
0xac: {  	s5 =	sshll.u32 s26, $0x1;
	_ =	strace $0x80000049;
	[dreg:$0x1] =	wrdreg $0xFFFFFFFF  }
0xad: {  	s28 =	simm.s32 $_size_execute0_lowered;
	s3 =	sadd.s32 s3, s5;
	[dreg:$0x0] =	wrdreg $0x0  }
0xae: {  	s5 =	sshll.u32 s28, $0x1;
	[dreg:$0x2] =	wrdreg s3  }
0xaf: {  	[dreg:$0x3] =	wrdreg s5  }
0xb0: {  	[dreg:$0x4] =	wrdreg $0xC0  }
0xb1: {  	_ =	task [dreg:s7], $0x5FFFF  }
0xb2: {  	[dreg:$0x1] =	wrdreg $0xFFFFFFFF  }
0xb3: {  	[dreg:$0x0] =	wrdreg $0x60  }
0xb4: {  	[dreg:$0x2] =	wrdreg s24  }
0xb5: {  	[dreg:$0x3] =	wrdreg s16  }
0xb6: {  	[dreg:$0x4] =	wrdreg $0x9  }
0xb7: {  	_ =	task.clear_ibuf [dreg:s7], $0x5FFFF;
	_ =	strace $0x90000049  }
0xb8: {  	s29 =	simm.s32 $0x9;
	_ =	strace $0x8000004B  }
0xb9: {  	_ =	swait.ge [sflag:s29], $0x1  }
0xba: {  	[sflag:s29] =	ssyncadd.s32 $0xFFFFFFFF  }
0xbb: {  	_ =	strace $0x9000004B  }
0xbc: {  	_ =	sfence  }
0xbd: {  	s30 =	sld [smem:$0x0];
	_ =	sdelay $0x2  }
0xbe: {  	s31 =	sshll.u32 s1, $0xD;
	s1 =	sshrl.u32 s1, $0x2  }
0xbf: {  	s3 =	sand.u32 $0x4000, s31;
	s1 =	sadd.s32 s1, s30  }
0xc0: {  	s0 =	sor.u32 s3, s0;
	s1 =	sshll.u32 s1, $0x11  }
0xc1: {  	s0 =	sor.u32 s1, s0  }
0xc2: {  	s0 =	sadd.s32 $0x8F2B, s0  }
0xc3: {  	[sflag:s0] =	ssyncadd.remote.s32 $0x1  }
0xc4: {  	_ =	sfence.sel $0xFFFF  }
0xc5: {  	[dreg:$0x0] =	wrdreg $0xFFFFFFFF;
	(pc) =	sbr.abs _section_cstart, $3  }
0xc6: {  	[dreg:$0x1] =	wrdreg $0xFFFFFFFF  }
0xc7: {  	_ =	task.clear_ibuf [dreg:s7], $0x2FFFF;
	_ =	strace $0x9FFFFFFF  }
0xc8: {  	(tm) =	ssettm $0x7FFFFFFF  }
0xc9: {  	_ =	shalt  }
tec
execute0_lowered:
.L_overlay_start_1:
0x0: {  	(tag) =	ssettag $0x1  }
0x1: {  	s0 =	rddreg [dreg:$0x0]  }
0x2: {  	s2 =	rddreg [dreg:$0x1];
	s1 =	simm.s32 $0x0;
	s4 =	srdreg.scid  }
0x3: {  	s6 =	stileid.u32;
	s13 =	simm.s32 $0xD100;
	s28 =	simm.s32 $0xD900  }
0x4: {  	s29 =	simm.s32 $0xE100;
	s30 =	simm.s32 $0xE900;
	s14 =	simm.s32 $0xF100  }
0x5: {  	s31 =	simm.s32 $0xF900;
	[smem:$0x7FF] =	sst s1;
	s3 =	sadd.s32 $0x3D1400, s0  }
0x6: {  	s4 =	sand.u32 $0x1, s4;
	s5 =	sadd.s32 $0x11200, s0;
	s6 =	sshll.u32 s6, $0x7  }
0x7: {  	s9 =	sadd.s32 $0x1200, s0;
	s8 =	sadd.s32 $0x3D1700, s0;
	s7 =	sshll.u32 s4, $0x6  }
0x8: {  	_ =	strace $0x8000004A;
	s4 =	ssub.s32 $0x2, s4;
	s10 =	sor.u32 s7, s6  }
0x9: {  	s15 =	sshrl.u32 s4, $0x1;
	s7 =	sshrl.u32 s10, $0x3;
	s11 =	sor.u32 $0x800, s10  }
0xa: {  	s4 =	ssub.s32 s4, s15;
	s18 =	sshll.u32 s10, $0x4;
	s20 =	sor.u32 $0x20, s10  }
0xb: {  	s21 =	sshll.u32 s10, $0x7;
	s10 =	sor.u32 $0x820, s10;
	s15 =	simm.s32 $0x1  }
0xc: {  	s16 =	sadd.s32 s5, s7;
	s17 =	sshrl.u32 s11, $0x3;
	s7 =	sadd.s32 $0x3D1600, s0  }
0xd: {  	s11 =	sshll.u32 s11, $0x4;
	s12 =	sshrl.u32 s20, $0x3;
	s23 =	sshrl.u32 s10, $0x3  }
0xe: {  	s24 =	sshll.u32 s20, $0x4;
	s26 =	smax.u32 s4, $0x1;
	[dreg:$0x3] =	wrdreg s16  }
0xf: {  	s10 =	sshll.u32 s10, $0x4;
	s6 =	sadd.s32 s5, s17;
	[dreg:$0xd] =	wrdreg s26  }
0x10: {  	s19 =	sadd.s32 s9, s11;
	s11 =	sadd.s32 s2, s21;
	[dreg:$0x4] =	wrdreg s6  }
0x11: {  	s22 =	sadd.s32 s5, s12;
	s5 =	sadd.s32 s5, s23;
	[dreg:$0x6] =	wrdreg s19  }
0x12: {  	s25 =	sadd.s32 s9, s10;
	s23 =	simm.s32 $0xA100;
	[dreg:$0x7] =	wrdreg s11  }
0x13: {  	s12 =	simm.s32 $0xB900;
	s26 =	simm.s32 $0xC900;
	[dreg:$0x8] =	wrdreg s22  }
0x14: {  	s6 =	sadd.s32 $0x3D1500, s0;
	s0 =	sadd.s32 s9, s18;
	[dreg:$0x9] =	wrdreg s5  }
0x15: {  	v2 =	vlaneseq.u32;
	s5 =	sadd.s32 s9, s24;
	[dreg:$0xb] =	wrdreg s25;
	s18 =	simm.s32 $0x3  }
0x16: {  	v0 =	vand.u32 $0x7, v2;
	v1 =	vshrl.u32 v2, $0x3;
	s22 =	simm.s32 $0x9900;
	s11 =	simm.s32 $0xA900;
	s24 =	simm.s32 $0xB100  }
0x17: {  	v63 =	vor.u32 $0x8, v2;
	[tilespmem:$0x1FFD0] =	vst v0;
	v62 =	vmul.u32 $0x8, v1;
	s25 =	simm.s32 $0xC100;
	[dreg:$0x5] =	wrdreg s0;
	s0 =	sshll.u32 s20, $0x7  }
0x18: {  	[tilespmem:$0x1FFF0] =	vst v63;
	[dreg:$0xa] =	wrdreg s5;
	s20 =	simm.s32 $0x100;
	s0 =	sadd.s32 s2, s0  }
0x19: {  	vm0 =	vmmov $0xffff;
	[tilespmem:$0x1FFE0] =	vst v62;
	s2 =	simm.s32 $0x0;
	[dreg:$0xc] =	wrdreg s0;
	s0 =	simm.s32 $0x2  }
.LBB2_1:
0x1a: {  	s4 =	rddreg [dreg:$0x3]  }
0x1b: {  	[tilespmem:s1], [sflag:$0x3] =	stream.linear.gather [hbm4b:s4+s1], $0x20, $0x38;
	[tilespmem:$0x12100] =	vst v63  }
0x1c: {  	_ =	swait.ge [sflag:s18], $0x20  }
0x1d: {  	[sflag:s18] =	ssyncset.done $0x0  }
0x1e: {  	s5 =	simm.s32 $0x80;
	s21 =	rddreg [dreg:$0x4];
	[sflag:s18] =	ssyncadd.s32 $0xFFFFFFE0  }
0x1f: {  	[tilespmem:s5], [sflag:$0x3] =	stream.linear.gather [hbm4b:s21+s1], $0x20, $0x38;
	[tilespmem:$0x12100] =	vst v63  }
0x20: {  	_ =	swait.ge [sflag:s18], $0x20  }
0x21: {  	[sflag:s18] =	ssyncset.done $0x0  }
0x22: {  	[sflag:s18] =	ssyncadd.s32 $0xFFFFFFE0  }
0x23: {  	v3 =	vld [tilespmem:$0x0];
	_ =	sdelay $0x2  }
0x24: {  	v0 =	vld [tilespmem:$0x1FFD0];
	_ =	sdelay $0x1  }
0x25: {  	v1 =	vld [tilespmem:$0x1FFE0];
	v4 =	vshll.u32 v3, $0x3  }
0x26: {  	v3 =	vand.u32 $0x7, v3;
	v4 =	vand.u32 $0xFFFFFFC0, v4  }
0x27: {  	v3 =	vor.u32 v3, v4  }
0x28: {  	v4 =	vperm.xlane v3, v0;
	_ =	sdelay $0x1  }
0x29: {  	v4 =	vadd.s32 v1, v4  }
0x2a: {  	v2 =	vld [tilespmem:$0x1FFF0];
	_ =	sdelay $0x3  }
0x2b: {  	[tilespmem:s20], [sflag:$0x1] =	stream.indirect_vreg.gather [hbm4b:s3+s1], $0x80, v4, vm0, $0xb8;
	[tilespmem:$0x12100] =	vst v63  }
0x2c: {  	s9 =	simm.s32 $0x900;
	v3 =	vperm.xlane v3, v2  }
0x2d: {  	[tilespmem:s9], [sflag:$0x1] =	stream.indirect_vreg.gather [hbm4b:s6+s1], $0x80, v4, vm0, $0xb8;
	[tilespmem:$0x12100] =	vst v63  }
0x2e: {  	s10 =	simm.s32 $0x1100;
	v3 =	vadd.s32 v1, v3  }
0x2f: {  	[tilespmem:s10], [sflag:$0x1] =	stream.indirect_vreg.gather [hbm4b:s7+s1], $0x80, v4, vm0, $0xb8;
	[tilespmem:$0x12100] =	vst v63  }
0x30: {  	s16 =	simm.s32 $0x1900  }
0x31: {  	[tilespmem:s16], [sflag:$0x1] =	stream.indirect_vreg.gather [hbm4b:s8+s1], $0x80, v4, vm0, $0xb8;
	[tilespmem:$0x12100] =	vst v63  }
0x32: {  	s17 =	simm.s32 $0x2100  }
0x33: {  	[tilespmem:s17], [sflag:$0x1] =	stream.indirect_vreg.gather [hbm4b:s3+s1], $0x80, v3, vm0, $0xb8;
	[tilespmem:$0x12100] =	vst v63  }
0x34: {  	s19 =	simm.s32 $0x2900  }
0x35: {  	[tilespmem:s19], [sflag:$0x1] =	stream.indirect_vreg.gather [hbm4b:s6+s1], $0x80, v3, vm0, $0xb8;
	[tilespmem:$0x12100] =	vst v63  }
0x36: {  	s21 =	simm.s32 $0x3100  }
0x37: {  	[tilespmem:s21], [sflag:$0x1] =	stream.indirect_vreg.gather [hbm4b:s7+s1], $0x80, v3, vm0, $0xb8;
	[tilespmem:$0x12100] =	vst v63  }
0x38: {  	s5 =	simm.s32 $0x3900  }
0x39: {  	[tilespmem:s5], [sflag:$0x1] =	stream.indirect_vreg.gather [hbm4b:s8+s1], $0x80, v3, vm0, $0xb8;
	[tilespmem:$0x12100] =	vst v63  }
0x3a: {  	v3 =	vld [tilespmem:$0x10];
	_ =	sdelay $0x4  }
0x3b: {  	v61 =	vshll.u32 v3, $0x3  }
0x3c: {  	v3 =	vand.u32 $0x7, v3;
	v4 =	vand.u32 $0xFFFFFFC0, v61  }
0x3d: {  	v3 =	vor.u32 v3, v4  }
0x3e: {  	v4 =	vperm.xlane v3, v0;
	_ =	sdelay $0x1  }
0x3f: {  	v4 =	vadd.s32 v1, v4;
	_ =	sdelay $0x3  }
0x40: {  	s9 =	simm.s32 $0x4100  }
0x41: {  	[tilespmem:s9], [sflag:$0x1] =	stream.indirect_vreg.gather [hbm4b:s3+s1], $0x80, v4, vm0, $0xb8;
	[tilespmem:$0x12100] =	vst v63  }
0x42: {  	s10 =	simm.s32 $0x4900;
	v3 =	vperm.xlane v3, v2  }
0x43: {  	[tilespmem:s10], [sflag:$0x1] =	stream.indirect_vreg.gather [hbm4b:s6+s1], $0x80, v4, vm0, $0xb8;
	[tilespmem:$0x12100] =	vst v63  }
0x44: {  	s16 =	simm.s32 $0x5100;
	v3 =	vadd.s32 v1, v3  }
0x45: {  	[tilespmem:s16], [sflag:$0x1] =	stream.indirect_vreg.gather [hbm4b:s7+s1], $0x80, v4, vm0, $0xb8;
	[tilespmem:$0x12100] =	vst v63  }
0x46: {  	s17 =	simm.s32 $0x5900  }
0x47: {  	[tilespmem:s17], [sflag:$0x1] =	stream.indirect_vreg.gather [hbm4b:s8+s1], $0x80, v4, vm0, $0xb8;
	[tilespmem:$0x12100] =	vst v63  }
0x48: {  	s19 =	simm.s32 $0x6100  }
0x49: {  	[tilespmem:s19], [sflag:$0x1] =	stream.indirect_vreg.gather [hbm4b:s3+s1], $0x80, v3, vm0, $0xb8;
	[tilespmem:$0x12100] =	vst v63  }
0x4a: {  	s21 =	simm.s32 $0x6900  }
0x4b: {  	[tilespmem:s21], [sflag:$0x1] =	stream.indirect_vreg.gather [hbm4b:s6+s1], $0x80, v3, vm0, $0xb8;
	[tilespmem:$0x12100] =	vst v63  }
0x4c: {  	s5 =	simm.s32 $0x7100  }
0x4d: {  	[tilespmem:s5], [sflag:$0x1] =	stream.indirect_vreg.gather [hbm4b:s7+s1], $0x80, v3, vm0, $0xb8;
	[tilespmem:$0x12100] =	vst v63  }
0x4e: {  	s9 =	simm.s32 $0x7900  }
0x4f: {  	[tilespmem:s9], [sflag:$0x1] =	stream.indirect_vreg.gather [hbm4b:s8+s1], $0x80, v3, vm0, $0xb8;
	[tilespmem:$0x12100] =	vst v63  }
0x50: {  	v3 =	vld [tilespmem:$0x80];
	_ =	sdelay $0x4  }
0x51: {  	v62 =	vshll.u32 v3, $0x3  }
0x52: {  	v3 =	vand.u32 $0x7, v3;
	v4 =	vand.u32 $0xFFFFFFC0, v62  }
0x53: {  	v3 =	vor.u32 v3, v4  }
0x54: {  	v4 =	vperm.xlane v3, v0;
	_ =	sdelay $0x1  }
0x55: {  	v4 =	vadd.s32 v1, v4;
	_ =	sdelay $0x3  }
0x56: {  	s10 =	simm.s32 $0x8100  }
0x57: {  	[tilespmem:s10], [sflag:$0x2] =	stream.indirect_vreg.gather [hbm4b:s3+s1], $0x80, v4, vm0, $0xb8;
	[tilespmem:$0x12100] =	vst v63  }
0x58: {  	s16 =	simm.s32 $0x8900;
	v3 =	vperm.xlane v3, v2  }
0x59: {  	[tilespmem:s16], [sflag:$0x2] =	stream.indirect_vreg.gather [hbm4b:s6+s1], $0x80, v4, vm0, $0xb8;
	[tilespmem:$0x12100] =	vst v63  }
0x5a: {  	s17 =	simm.s32 $0x9100;
	v3 =	vadd.s32 v1, v3  }
0x5b: {  	[tilespmem:s17], [sflag:$0x2] =	stream.indirect_vreg.gather [hbm4b:s7+s1], $0x80, v4, vm0, $0xb8;
	[tilespmem:$0x12100] =	vst v63  }
0x5c: {  	_ = 	snop  }
0x5d: {  	[tilespmem:s22], [sflag:$0x2] =	stream.indirect_vreg.gather [hbm4b:s8+s1], $0x80, v4, vm0, $0xb8;
	[tilespmem:$0x12100] =	vst v63  }
0x5e: {  	_ = 	snop  }
0x5f: {  	[tilespmem:s23], [sflag:$0x2] =	stream.indirect_vreg.gather [hbm4b:s3+s1], $0x80, v3, vm0, $0xb8;
	[tilespmem:$0x12100] =	vst v63  }
0x60: {  	_ = 	snop  }
0x61: {  	[tilespmem:s11], [sflag:$0x2] =	stream.indirect_vreg.gather [hbm4b:s6+s1], $0x80, v3, vm0, $0xb8;
	[tilespmem:$0x12100] =	vst v63  }
0x62: {  	_ = 	snop  }
0x63: {  	[tilespmem:s24], [sflag:$0x2] =	stream.indirect_vreg.gather [hbm4b:s7+s1], $0x80, v3, vm0, $0xb8;
	[tilespmem:$0x12100] =	vst v63  }
0x64: {  	_ = 	snop  }
0x65: {  	[tilespmem:s12], [sflag:$0x2] =	stream.indirect_vreg.gather [hbm4b:s8+s1], $0x80, v3, vm0, $0xb8;
	[tilespmem:$0x12100] =	vst v63  }
0x66: {  	v3 =	vld [tilespmem:$0x90];
	_ =	sdelay $0x4  }
0x67: {  	v63 =	vshll.u32 v3, $0x3  }
0x68: {  	v3 =	vand.u32 $0x7, v3;
	v4 =	vand.u32 $0xFFFFFFC0, v63  }
0x69: {  	v3 =	vor.u32 v3, v4  }
0x6a: {  	v4 =	vperm.xlane v3, v0;
	_ =	sdelay $0x1  }
0x6b: {  	v4 =	vadd.s32 v1, v4;
	_ =	sdelay $0x4  }
0x6c: {  	[tilespmem:s25], [sflag:$0x2] =	stream.indirect_vreg.gather [hbm4b:s3+s1], $0x80, v4, vm0, $0xb8;
	[tilespmem:$0x12100] =	vst v63  }
0x6d: {  	v3 =	vperm.xlane v3, v2  }
0x6e: {  	[tilespmem:s26], [sflag:$0x2] =	stream.indirect_vreg.gather [hbm4b:s6+s1], $0x80, v4, vm0, $0xb8;
	[tilespmem:$0x12100] =	vst v63  }
0x6f: {  	v3 =	vadd.s32 v1, v3  }
0x70: {  	[tilespmem:s13], [sflag:$0x2] =	stream.indirect_vreg.gather [hbm4b:s7+s1], $0x80, v4, vm0, $0xb8;
	[tilespmem:$0x12100] =	vst v63  }
0x71: {  	_ = 	snop  }
0x72: {  	[tilespmem:s28], [sflag:$0x2] =	stream.indirect_vreg.gather [hbm4b:s8+s1], $0x80, v4, vm0, $0xb8;
	[tilespmem:$0x12100] =	vst v63  }
0x73: {  	_ = 	snop  }
0x74: {  	[tilespmem:s29], [sflag:$0x2] =	stream.indirect_vreg.gather [hbm4b:s3+s1], $0x80, v3, vm0, $0xb8;
	[tilespmem:$0x12100] =	vst v63  }
0x75: {  	_ = 	snop  }
0x76: {  	[tilespmem:s30], [sflag:$0x2] =	stream.indirect_vreg.gather [hbm4b:s6+s1], $0x80, v3, vm0, $0xb8;
	[tilespmem:$0x12100] =	vst v63  }
0x77: {  	_ = 	snop  }
0x78: {  	[tilespmem:s14], [sflag:$0x2] =	stream.indirect_vreg.gather [hbm4b:s7+s1], $0x80, v3, vm0, $0xb8;
	[tilespmem:$0x12100] =	vst v63  }
0x79: {  	_ = 	snop  }
0x7a: {  	[tilespmem:s31], [sflag:$0x2] =	stream.indirect_vreg.gather [hbm4b:s8+s1], $0x80, v3, vm0, $0xb8;
	[tilespmem:$0x12100] =	vst v63  }
0x7b: {  	s19 =	rddreg [dreg:$0x5];
	s16 =	simm.s32 $0x10100  }
0x7c: {  	[tilespmem:s16], [sflag:$0x3] =	stream.linear.gather [hbm4b:s19+s1], $0x1000, $0x38;
	[tilespmem:$0x12100] =	vst v63  }
0x7d: {  	_ =	swait.ge [sflag:s18], $0x1000  }
0x7e: {  	[sflag:s18] =	ssyncset.done $0x0  }
0x7f: {  	s4 =	simm.s32 $0x11100;
	s21 =	rddreg [dreg:$0x6];
	[sflag:s18] =	ssyncadd.s32 $0xFFFFF000  }
0x80: {  	[tilespmem:s4], [sflag:$0x3] =	stream.linear.gather [hbm4b:s21+s1], $0x1000, $0x38;
	[tilespmem:$0x12100] =	vst v63  }
0x81: {  	_ =	swait.ge [sflag:s18], $0x1000  }
0x82: {  	[sflag:s18] =	ssyncset.done $0x0  }
0x83: {  	[sflag:s18] =	ssyncadd.s32 $0xFFFFF000  }
0x84: {  	_ =	swait.ge [sflag:s15], $0x8000  }
0x85: {  	[sflag:s15] =	ssyncset.done $0x0  }
0x86: {  	[sflag:s15] =	ssyncadd.s32 $0xFFFF8000  }
0x87: {  	_ =	swait.ge [sflag:s0], $0x8000  }
0x88: {  	s5 =	simm.s32 $0x0;
	[sflag:s0] =	ssyncset.done $0x0  }
0x89: {  	s9 =	simm.s32 $0x0;
	s17 =	simm.s32 $0x0;
	[sflag:s0] =	ssyncadd.s32 $0xFFFF8000  }
.LBB2_2:
0x8a: {  	v3 =	vld [tilespmem:s16+$0x0];
	s10 =	sand.u32 $0x6000, s5;
	s19 =	sand.u32 $0x380, s9  }
0x8b: {  	v4 =	vld [tilespmem:s4+$0x0];
	s10 =	sor.u32 s19, s10  }
0x8c: {  	v6 =	vld [tilespmem:s10+$0x100]  }
0x8d: {  	v7 =	vld [tilespmem:s10+$0x8100]  }
0x8e: {  	v10 =	vld [tilespmem:s10+$0x110]  }
0x8f: {  	v11 =	vld [tilespmem:s10+$0x8110]  }
0x90: {  	v14 =	vld [tilespmem:s10+$0x120]  }
0x91: {  	v17 =	vld [tilespmem:s10+$0x8120]  }
0x92: {  	v20 =	vld [tilespmem:s10+$0x130]  }
0x93: {  	v21 =	vld [tilespmem:s10+$0x8130]  }
0x94: {  	v26 =	vld [tilespmem:s10+$0x140]  }
0x95: {  	v27 =	vld [tilespmem:s10+$0x8140]  }
0x96: {  	v28 =	vld [tilespmem:s10+$0x150]  }
0x97: {  	v29 =	vld [tilespmem:s10+$0x8150]  }
0x98: {  	v30 =	vld [tilespmem:s10+$0x160]  }
0x99: {  	v31 =	vld [tilespmem:s10+$0x8160]  }
0x9a: {  	v32 =	vld [tilespmem:s10+$0x170]  }
0x9b: {  	v33 =	vld [tilespmem:s10+$0x8170]  }
0x9c: {  	v34 =	vld [tilespmem:s10+$0x500]  }
0x9d: {  	v35 =	vld [tilespmem:s10+$0x8500]  }
0x9e: {  	v36 =	vld [tilespmem:s10+$0x510]  }
0x9f: {  	v37 =	vld [tilespmem:s10+$0x8510]  }
0xa0: {  	v38 =	vld [tilespmem:s10+$0x520]  }
0xa1: {  	v39 =	vld [tilespmem:s10+$0x8520]  }
0xa2: {  	v40 =	vld [tilespmem:s10+$0x530]  }
0xa3: {  	v41 =	vld [tilespmem:s10+$0x8530]  }
0xa4: {  	v42 =	vld [tilespmem:s10+$0x540]  }
0xa5: {  	v43 =	vld [tilespmem:s10+$0x8540]  }
0xa6: {  	v44 =	vld [tilespmem:s10+$0x550]  }
0xa7: {  	v45 =	vld [tilespmem:s10+$0x8550]  }
0xa8: {  	v46 =	vld [tilespmem:s10+$0x560]  }
0xa9: {  	v47 =	vld [tilespmem:s10+$0x8560]  }
0xaa: {  	v48 =	vld [tilespmem:s10+$0x570]  }
0xab: {  	v49 =	vld [tilespmem:s10+$0x8570]  }
0xac: {  	v50 =	vld [tilespmem:s10+$0x900]  }
0xad: {  	v51 =	vld [tilespmem:s10+$0x8900]  }
0xae: {  	v52 =	vld [tilespmem:s10+$0x910]  }
0xaf: {  	v53 =	vld [tilespmem:s10+$0x8910]  }
0xb0: {  	v54 =	vld [tilespmem:s10+$0x920]  }
0xb1: {  	v55 =	vld [tilespmem:s10+$0x8920]  }
0xb2: {  	v56 =	vld [tilespmem:s10+$0x930]  }
0xb3: {  	v57 =	vld [tilespmem:s10+$0x8930]  }
0xb4: {  	v58 =	vld [tilespmem:s10+$0x940]  }
0xb5: {  	v59 =	vld [tilespmem:s10+$0x8940]  }
0xb6: {  	v60 =	vld [tilespmem:s10+$0x950]  }
0xb7: {  	v61 =	vld [tilespmem:s10+$0x8950]  }
0xb8: {  	v62 =	vld [tilespmem:s10+$0x960]  }
0xb9: {  	v63 =	vld [tilespmem:s10+$0x8960]  }
0xba: {  	v5 =	vld [tilespmem:s10+$0x970]  }
0xbb: {  	v2 =	vld [tilespmem:s10+$0x8970]  }
0xbc: {  	v24 =	vld [tilespmem:s10+$0xD00]  }
0xbd: {  	v25 =	vld [tilespmem:s10+$0x8D00]  }
0xbe: {  	v22 =	vld [tilespmem:s10+$0xD10]  }
0xbf: {  	v23 =	vld [tilespmem:s10+$0x8D10]  }
0xc0: {  	v18 =	vld [tilespmem:s10+$0xD20]  }
0xc1: {  	v0 =	vld [tilespmem:s10+$0xD60]  }
0xc2: {  	v19 =	vld [tilespmem:s10+$0x8D20]  }
0xc3: {  	v15 =	vld [tilespmem:s10+$0xD30]  }
0xc4: {  	v16 =	vld [tilespmem:s10+$0x8D30]  }
0xc5: {  	v12 =	vld [tilespmem:s10+$0xD40];
	v1 =	vmul.f32 v6, v3  }
0xc6: {  	v13 =	vld [tilespmem:s10+$0x8D40];
	[tilespmem:$0x1FFC0] =	vst v0;
	v0 =	vmul.f32 v7, v4;
	v10 =	vmul.f32 v10, v3  }
0xc7: {  	v8 =	vld [tilespmem:s10+$0xD50];
	v11 =	vmul.f32 v11, v4;
	v14 =	vmul.f32 v14, v3  }
0xc8: {  	v9 =	vld [tilespmem:s10+$0x8D50];
	v17 =	vmul.f32 v17, v4;
	v20 =	vmul.f32 v20, v3  }
0xc9: {  	v7 =	vld [tilespmem:s10+$0x8D60];
	v21 =	vmul.f32 v21, v4;
	v26 =	vmul.f32 v26, v3  }
0xca: {  	v6 =	vld [tilespmem:s10+$0xD70];
	v27 =	vmul.f32 v27, v4;
	v34 =	vmul.f32 v34, v3  }
0xcb: {  	v35 =	vmul.f32 v35, v4;
	v38 =	vmul.f32 v38, v3;
	v1 =	vadd.f32 v0, v1;
	v0 =	vld [tilespmem:s10+$0x8D70]  }
0xcc: {  	v39 =	vmul.f32 v39, v4;
	v40 =	vmul.f32 v40, v3;
	v10 =	vadd.f32 v11, v10;
	v11 =	vld [tilespmem:s10+$0x1100]  }
0xcd: {  	v5 =	vmul.f32 v5, v3;
	v2 =	vmul.f32 v2, v4;
	[tilespmem:s10+$0x100] =	vst v1;
	v1 =	vadd.f32 v17, v14;
	v14 =	vld [tilespmem:s10+$0x9100]  }
0xce: {  	[tilespmem:s10+$0x110] =	vst v10;
	v10 =	vadd.f32 v21, v20;
	v21 =	vmul.f32 v28, v3;
	v28 =	vmul.f32 v29, v4;
	v17 =	vld [tilespmem:s10+$0x1110]  }
0xcf: {  	v52 =	vmul.f32 v52, v3;
	v2 =	vadd.f32 v2, v5;
	v20 =	vld [tilespmem:s10+$0x9110];
	v29 =	vmul.f32 v33, v4;
	[tilespmem:s10+$0x120] =	vst v1  }
0xd0: {  	v1 =	vadd.f32 v27, v26;
	v26 =	vmul.f32 v30, v3;
	[tilespmem:s10+$0x130] =	vst v10;
	v10 =	vadd.f32 v28, v21;
	v21 =	vld [tilespmem:s10+$0x1120]  }
0xd1: {  	v27 =	vmul.f32 v31, v4;
	v28 =	vmul.f32 v32, v3;
	v31 =	vld [tilespmem:s10+$0x1130]  }
0xd2: {  	v24 =	vmul.f32 v24, v3;
	v25 =	vmul.f32 v25, v4;
	[tilespmem:s10+$0x970] =	vst v2;
	v32 =	vld [tilespmem:s10+$0x9130]  }
0xd3: {  	v18 =	vmul.f32 v18, v3;
	v33 =	vadd.f32 v27, v26;
	v26 =	vld [tilespmem:s10+$0x9120];
	[tilespmem:s10+$0x150] =	vst v10;
	v10 =	vadd.f32 v29, v28  }
0xd4: {  	[tilespmem:s10+$0x140] =	vst v1;
	v28 =	vmul.f32 v36, v3;
	v36 =	vmul.f32 v37, v4;
	v37 =	vadd.f32 v35, v34;
	v34 =	vld [tilespmem:s10+$0x9140]  }
0xd5: {  	v19 =	vmul.f32 v19, v4;
	v12 =	vmul.f32 v12, v3;
	v35 =	vld [tilespmem:s10+$0x1150];
	[tilespmem:s10+$0x160] =	vst v33  }
0xd6: {  	v13 =	vmul.f32 v13, v4;
	v27 =	vld [tilespmem:s10+$0x9520];
	v29 =	vadd.f32 v25, v24;
	[tilespmem:s10+$0x170] =	vst v10;
	v10 =	vadd.f32 v36, v28  }
0xd7: {  	v36 =	vmul.f32 v41, v4;
	v33 =	vld [tilespmem:s10+$0x1140];
	[tilespmem:s10+$0x500] =	vst v37;
	v37 =	vadd.f32 v39, v38;
	v38 =	vmul.f32 v42, v3  }
0xd8: {  	v39 =	vmul.f32 v43, v4;
	v41 =	vmul.f32 v45, v4;
	v28 =	vld [tilespmem:s10+$0x1520];
	[tilespmem:s10+$0xD00] =	vst v29  }
0xd9: {  	v43 =	vmul.f32 v46, v3;
	[tilespmem:s10+$0x510] =	vst v10;
	v10 =	vadd.f32 v36, v40;
	v40 =	vmul.f32 v44, v3;
	v36 =	vld [tilespmem:s10+$0x9150]  }
0xda: {  	v46 =	vmul.f32 v48, v3;
	[tilespmem:s10+$0x520] =	vst v37;
	v42 =	vadd.f32 v39, v38;
	v44 =	vmul.f32 v47, v4;
	v37 =	vld [tilespmem:s10+$0x1160]  }
0xdb: {  	v47 =	vmul.f32 v49, v4;
	v49 =	vmul.f32 v50, v3;
	v38 =	vld [tilespmem:s10+$0x9160];
	[tilespmem:s10+$0x530] =	vst v10;
	v45 =	vadd.f32 v41, v40  }
0xdc: {  	v50 =	vmul.f32 v51, v4;
	v39 =	vld [tilespmem:s10+$0x1170];
	[tilespmem:s10+$0x540] =	vst v42;
	v48 =	vadd.f32 v44, v43;
	v44 =	vmul.f32 v53, v4  }
0xdd: {  	v51 =	vadd.f32 v47, v46;
	v46 =	vmul.f32 v54, v3;
	v47 =	vmul.f32 v55, v4;
	v40 =	vld [tilespmem:s10+$0x9170];
	[tilespmem:s10+$0x550] =	vst v45  }
0xde: {  	v41 =	vld [tilespmem:s10+$0x1500];
	v53 =	vmul.f32 v59, v4;
	v55 =	vmul.f32 v60, v3;
	[tilespmem:s10+$0x560] =	vst v48;
	v45 =	vadd.f32 v50, v49  }
0xdf: {  	v42 =	vld [tilespmem:s10+$0x9500];
	v59 =	vmul.f32 v63, v4;
	v63 =	vmul.f32 v23, v4;
	[tilespmem:s10+$0x570] =	vst v51;
	v48 =	vadd.f32 v44, v52  }
0xe0: {  	v43 =	vld [tilespmem:s10+$0x1510];
	v49 =	vmul.f32 v56, v3;
	v50 =	vmul.f32 v57, v4;
	v51 =	vadd.f32 v47, v46;
	[tilespmem:s10+$0x900] =	vst v45  }
0xe1: {  	v23 =	vld [tilespmem:s10+$0x9530];
	v25 =	vmul.f32 v33, v3;
	v52 =	vmul.f32 v58, v3;
	v47 =	vadd.f32 v19, v18;
	[tilespmem:s10+$0x910] =	vst v48  }
0xe2: {  	v56 =	vmul.f32 v61, v4;
	v58 =	vmul.f32 v62, v3;
	v44 =	vld [tilespmem:s10+$0x9510];
	v54 =	vadd.f32 v50, v49;
	[tilespmem:s10+$0x920] =	vst v51  }
0xe3: {  	v62 =	vmul.f32 v22, v3;
	v22 =	vld [tilespmem:s10+$0x1530];
	v46 =	vmul.f32 v16, v4;
	v57 =	vadd.f32 v53, v52;
	[tilespmem:s10+$0xD20] =	vst v47  }
0xe4: {  	v16 =	vld [tilespmem:s10+$0x9540];
	v33 =	vmul.f32 v37, v3;
	v60 =	vadd.f32 v56, v55;
	v45 =	vmul.f32 v15, v3;
	[tilespmem:s10+$0x930] =	vst v54  }
0xe5: {  	v18 =	vld [tilespmem:s10+$0x1910];
	v61 =	vadd.f32 v59, v58;
	v49 =	vmul.f32 v8, v3;
	v50 =	vmul.f32 v9, v4;
	[tilespmem:s10+$0x940] =	vst v57  }
0xe6: {  	v19 =	vld [tilespmem:s10+$0x9910];
	v30 =	vadd.f32 v63, v62;
	v56 =	vmul.f32 v11, v3;
	v58 =	vmul.f32 v17, v3;
	[tilespmem:s10+$0x950] =	vst v60  }
0xe7: {  	v15 =	vld [tilespmem:s10+$0x1540];
	v51 =	vadd.f32 v13, v12;
	v59 =	vmul.f32 v20, v4;
	v62 =	vmul.f32 v26, v4;
	[tilespmem:s10+$0x960] =	vst v61  }
0xe8: {  	v9 =	vld [tilespmem:s10+$0x1550];
	v20 =	vmul.f32 v31, v3;
	v26 =	vmul.f32 v34, v4;
	[tilespmem:s10+$0xD10] =	vst v30;
	v48 =	vadd.f32 v46, v45  }
0xe9: {  	v52 =	vld [tilespmem:$0x1FFC0];
	v31 =	vmul.f32 v36, v4;
	v34 =	vmul.f32 v38, v4;
	v53 =	vadd.f32 v50, v49;
	[tilespmem:s10+$0xD40] =	vst v51  }
0xea: {  	v12 =	vld [tilespmem:s10+$0x9550];
	v36 =	vmul.f32 v39, v3;
	v37 =	vmul.f32 v40, v4;
	v63 =	vadd.f32 v59, v58;
	[tilespmem:s10+$0xD30] =	vst v48  }
0xeb: {  	v11 =	vld [tilespmem:s10+$0x1570];
	v61 =	vmul.f32 v21, v3;
	v21 =	vmul.f32 v32, v4;
	v32 =	vadd.f32 v26, v25;
	[tilespmem:s10+$0xD50] =	vst v53  }
0xec: {  	v13 =	vld [tilespmem:s10+$0x9570];
	v39 =	vmul.f32 v41, v3;
	v40 =	vmul.f32 v42, v4;
	v38 =	vadd.f32 v34, v33;
	[tilespmem:s10+$0x1110] =	vst v63  }
0xed: {  	v0 =	vmul.f32 v0, v4;
	v17 =	vld [tilespmem:s10+$0x9900];
	v54 =	vmul.f32 v6, v3;
	v42 =	vadd.f32 v37, v36;
	[tilespmem:s10+$0x1140] =	vst v32  }
0xee: {  	v41 =	vld [tilespmem:s10+$0x9920];
	v57 =	vmul.f32 v14, v4;
	v47 =	vadd.f32 v40, v39;
	[tilespmem:s10+$0x1160] =	vst v38  }
0xef: {  	v6 =	vld [tilespmem:s10+$0x1560];
	v0 =	vadd.f32 v0, v54;
	[tilespmem:s10+$0x1170] =	vst v42  }
0xf0: {  	v14 =	vld [tilespmem:s10+$0x1900];
	v60 =	vadd.f32 v57, v56;
	[tilespmem:s10+$0x1500] =	vst v47  }
0xf1: {  	v7 =	vmul.f32 v7, v4;
	v30 =	vmul.f32 v35, v3;
	v46 =	vld [tilespmem:s10+$0x1930];
	v24 =	vadd.f32 v62, v61;
	[tilespmem:s10+$0xD70] =	vst v0  }
0xf2: {  	v43 =	vmul.f32 v43, v3;
	v50 =	vld [tilespmem:s10+$0x9930];
	v45 =	vmul.f32 v44, v4;
	v29 =	vadd.f32 v21, v20;
	[tilespmem:s10+$0x1100] =	vst v60  }
0xf3: {  	v49 =	vmul.f32 v27, v4;
	v58 =	vld [tilespmem:s10+$0x1950];
	v35 =	vadd.f32 v31, v30;
	v10 =	vmul.f32 v52, v3;
	[tilespmem:s10+$0x1120] =	vst v24  }
0xf4: {  	v36 =	vld [tilespmem:s10+$0x9970];
	v53 =	vmul.f32 v23, v4;
	v51 =	vadd.f32 v45, v43;
	v52 =	vmul.f32 v22, v3;
	[tilespmem:s10+$0x1130] =	vst v29  }
0xf5: {  	v40 =	vld [tilespmem:s10+$0x9940];
	v57 =	vmul.f32 v16, v4;
	v56 =	vmul.f32 v15, v3;
	[tilespmem:s10+$0x1150] =	vst v35;
	v55 =	vadd.f32 v7, v10  }
0xf6: {  	v20 =	vld [tilespmem:s10+$0x1920];
	v26 =	vmul.f32 v11, v3;
	v27 =	vmul.f32 v13, v4;
	[tilespmem:s10+$0x1510] =	vst v51;
	v59 =	vadd.f32 v53, v52  }
0xf7: {  	v62 =	vld [tilespmem:s10+$0x9950];
	v61 =	vmul.f32 v12, v4;
	v60 =	vmul.f32 v9, v3;
	v63 =	vadd.f32 v57, v56;
	[tilespmem:s10+$0xD60] =	vst v55  }
0xf8: {  	v34 =	vmul.f32 v18, v3;
	v16 =	vld [tilespmem:s10+$0x1960];
	v35 =	vmul.f32 v19, v4;
	v33 =	vadd.f32 v27, v26;
	[tilespmem:s10+$0x1530] =	vst v59  }
0xf9: {  	v48 =	vmul.f32 v28, v3;
	v28 =	vld [tilespmem:s10+$0x9960];
	v31 =	vmul.f32 v17, v4;
	v23 =	vadd.f32 v61, v60;
	[tilespmem:s10+$0x1540] =	vst v63  }
0xfa: {  	v32 =	vld [tilespmem:s10+$0x1970];
	v39 =	vmul.f32 v41, v4;
	v30 =	vmul.f32 v14, v3;
	v41 =	vadd.f32 v35, v34;
	[tilespmem:s10+$0x1570] =	vst v33  }
0xfb: {  	v10 =	vld [tilespmem:s10+$0x9560];
	v42 =	vmul.f32 v46, v3;
	v43 =	vmul.f32 v50, v4;
	v55 =	vadd.f32 v49, v48;
	[tilespmem:s10+$0x1550] =	vst v23  }
0xfc: {  	v54 =	vld [tilespmem:s10+$0x1940];
	v37 =	vadd.f32 v31, v30;
	v38 =	vmul.f32 v20, v3;
	[tilespmem:s10+$0x1910] =	vst v41  }
0xfd: {  	v45 =	vmul.f32 v58, v3;
	v46 =	vmul.f32 v62, v4;
	v47 =	vadd.f32 v43, v42;
	[tilespmem:s10+$0x1520] =	vst v55  }
0xfe: {  	v48 =	vmul.f32 v16, v3;
	v49 =	vmul.f32 v28, v4;
	[tilespmem:s10+$0x1900] =	vst v37;
	v44 =	vadd.f32 v39, v38  }
0xff: {  	v52 =	vmul.f32 v36, v4;
	v51 =	vmul.f32 v32, v3;
	v50 =	vadd.f32 v46, v45;
	[tilespmem:s10+$0x1930] =	vst v47  }
0x100: {  	v6 =	vmul.f32 v6, v3;
	v53 =	vadd.f32 v49, v48;
	v12 =	vmul.f32 v10, v4;
	[tilespmem:s10+$0x1920] =	vst v44  }
0x101: {  	s21 =	sand.u32 $0x7, s17;
	v54 =	vmul.f32 v54, v3;
	v55 =	vmul.f32 v40, v4;
	v56 =	vadd.f32 v52, v51;
	[tilespmem:s10+$0x1950] =	vst v50  }
0x102: {  	s19 =	sshll.u32 s21, $0x7;
	[tilespmem:s10+$0x1960] =	vst v53;
	v29 =	vadd.f32 v12, v6  }
0x103: {  	s19 =	sadd.s32 s19, s5;
	v2 =	vadd.f32 v55, v54;
	[tilespmem:s10+$0x1970] =	vst v56  }
0x104: {  	s21 =	sor.u32 $0x1C00, s19;
	[tilespmem:s10+$0x1560] =	vst v29  }
0x105: {  	[tilespmem:s10+$0x1940] =	vst v2;
	v0 =	vld [tilespmem:s21+$0x100]  }
0x106: {  	v1 =	vld [tilespmem:s21+$0x8100];
	_ =	sdelay $0x4  }
0x107: {  	v0 =	vmul.f32 v0, v3;
	v1 =	vmul.f32 v1, v4;
	_ =	sdelay $0x1  }
0x108: {  	v0 =	vadd.f32 v1, v0;
	_ =	sdelay $0x1  }
0x109: {  	[tilespmem:s21+$0x100] =	vst v0;
	s21 =	sor.u32 $0x1C10, s19  }
0x10a: {  	v0 =	vld [tilespmem:s21+$0x100]  }
0x10b: {  	v57 =	vld [tilespmem:s21+$0x8100];
	_ =	sdelay $0x4  }
0x10c: {  	v0 =	vmul.f32 v0, v3;
	v1 =	vmul.f32 v57, v4;
	_ =	sdelay $0x1  }
0x10d: {  	v0 =	vadd.f32 v1, v0;
	_ =	sdelay $0x1  }
0x10e: {  	[tilespmem:s21+$0x100] =	vst v0;
	s21 =	sor.u32 $0x1C20, s19  }
0x10f: {  	v0 =	vld [tilespmem:s21+$0x100]  }
0x110: {  	v58 =	vld [tilespmem:s21+$0x8100];
	_ =	sdelay $0x4  }
0x111: {  	v0 =	vmul.f32 v0, v3;
	v1 =	vmul.f32 v58, v4;
	_ =	sdelay $0x1  }
0x112: {  	v0 =	vadd.f32 v1, v0;
	_ =	sdelay $0x1  }
0x113: {  	[tilespmem:s21+$0x100] =	vst v0;
	s21 =	sor.u32 $0x1C30, s19  }
0x114: {  	v0 =	vld [tilespmem:s21+$0x100]  }
0x115: {  	v59 =	vld [tilespmem:s21+$0x8100];
	_ =	sdelay $0x4  }
0x116: {  	v0 =	vmul.f32 v0, v3;
	v1 =	vmul.f32 v59, v4;
	_ =	sdelay $0x1  }
0x117: {  	v0 =	vadd.f32 v1, v0;
	_ =	sdelay $0x1  }
0x118: {  	[tilespmem:s21+$0x100] =	vst v0;
	s21 =	sor.u32 $0x1C40, s19  }
0x119: {  	v0 =	vld [tilespmem:s21+$0x100]  }
0x11a: {  	v60 =	vld [tilespmem:s21+$0x8100];
	_ =	sdelay $0x4  }
0x11b: {  	v0 =	vmul.f32 v0, v3;
	v1 =	vmul.f32 v60, v4;
	_ =	sdelay $0x1  }
0x11c: {  	v0 =	vadd.f32 v1, v0;
	_ =	sdelay $0x1  }
0x11d: {  	[tilespmem:s21+$0x100] =	vst v0;
	s21 =	sor.u32 $0x1C50, s19  }
0x11e: {  	v0 =	vld [tilespmem:s21+$0x100]  }
0x11f: {  	v61 =	vld [tilespmem:s21+$0x8100];
	_ =	sdelay $0x4  }
0x120: {  	v0 =	vmul.f32 v0, v3;
	v1 =	vmul.f32 v61, v4;
	_ =	sdelay $0x1  }
0x121: {  	v0 =	vadd.f32 v1, v0;
	_ =	sdelay $0x1  }
0x122: {  	[tilespmem:s21+$0x100] =	vst v0;
	s21 =	sor.u32 $0x1C60, s19  }
0x123: {  	v0 =	vld [tilespmem:s21+$0x100]  }
0x124: {  	v62 =	vld [tilespmem:s21+$0x8100];
	_ =	sdelay $0x4  }
0x125: {  	v0 =	vmul.f32 v0, v3;
	v1 =	vmul.f32 v62, v4;
	_ =	sdelay $0x1  }
0x126: {  	v0 =	vadd.f32 v1, v0;
	_ =	sdelay $0x1  }
0x127: {  	[tilespmem:s21+$0x100] =	vst v0;
	s21 =	sor.u32 $0x1C70, s19  }
0x128: {  	v0 =	vld [tilespmem:s21+$0x100]  }
0x129: {  	v63 =	vld [tilespmem:s21+$0x8100];
	_ =	sdelay $0x3  }
0x12a: {  	p0 =	sne.s32 s9, $0xF80  }
.Ltmp0:
0x12b: {  	v0 =	vmul.f32 v0, v3;
	v1 =	vmul.f32 v63, v4;
	(pc) =	sbr.rel @p0 .LBB2_2-.Ltmp0, $4  }
0x12c: {  	_ = 	snop  }
0x12d: {  	v0 =	vadd.f32 v1, v0  }
0x12e: {  	s17 =	sadd.s32 $0x1, s17;
	s16 =	sadd.s32 $0x80, s16  }
0x12f: {  	s4 =	sadd.s32 $0x80, s4;
	s9 =	sadd.s32 $0x80, s9;
	s5 =	sadd.s32 $0x400, s5;
	[tilespmem:s21+$0x100] =	vst v0  }
0x130: {  	s16 =	simm.s32 $0x0;
	s4 =	rddreg [dreg:$0x7]  }
0x131: {  	[hbm4b:s4+s16] =	stream.linear.scatter [tilespmem:s20], [sflag:$0x3], $0x8000, $0x38;
	[tilespmem:$0x12100] =	vst v63  }
0x132: {  	_ =	swait.ge [sflag:s18], $0x8000  }
0x133: {  	[sflag:s18] =	ssyncset.done $0x0  }
0x134: {  	s10 =	rddreg [dreg:$0x8];
	[sflag:s18] =	ssyncadd.s32 $0xFFFF8000  }
0x135: {  	[tilespmem:s16], [sflag:$0x3] =	stream.linear.gather [hbm4b:s10+s16], $0x20, $0x38;
	[tilespmem:$0x12100] =	vst v63  }
0x136: {  	_ =	swait.ge [sflag:s18], $0x20  }
0x137: {  	[sflag:s18] =	ssyncset.done $0x0  }
0x138: {  	s5 =	simm.s32 $0x80;
	s17 =	rddreg [dreg:$0x9];
	[sflag:s18] =	ssyncadd.s32 $0xFFFFFFE0  }
0x139: {  	[tilespmem:s5], [sflag:$0x3] =	stream.linear.gather [hbm4b:s17+s16], $0x20, $0x38;
	[tilespmem:$0x12100] =	vst v63  }
0x13a: {  	_ =	swait.ge [sflag:s18], $0x20  }
0x13b: {  	[sflag:s18] =	ssyncset.done $0x0  }
0x13c: {  	[sflag:s18] =	ssyncadd.s32 $0xFFFFFFE0  }
0x13d: {  	v0 =	vld [tilespmem:$0x0];
	_ =	sdelay $0x2  }
0x13e: {  	v2 =	vld [tilespmem:$0x1FFD0];
	_ =	sdelay $0x1  }
0x13f: {  	v3 =	vld [tilespmem:$0x1FFE0];
	v1 =	vshll.u32 v0, $0x3  }
0x140: {  	v0 =	vand.u32 $0x7, v0;
	v1 =	vand.u32 $0xFFFFFFC0, v1  }
0x141: {  	v0 =	vor.u32 v0, v1  }
0x142: {  	v1 =	vperm.xlane v0, v2;
	_ =	sdelay $0x1  }
0x143: {  	v1 =	vadd.s32 v3, v1  }
0x144: {  	v4 =	vld [tilespmem:$0x1FFF0];
	_ =	sdelay $0x3  }
0x145: {  	[tilespmem:s20], [sflag:$0x1] =	stream.indirect_vreg.gather [hbm4b:s3+s16], $0x80, v1, vm0, $0xb8;
	[tilespmem:$0x12100] =	vst v63  }
0x146: {  	s19 =	simm.s32 $0x900;
	v0 =	vperm.xlane v0, v4  }
0x147: {  	[tilespmem:s19], [sflag:$0x1] =	stream.indirect_vreg.gather [hbm4b:s6+s16], $0x80, v1, vm0, $0xb8;
	[tilespmem:$0x12100] =	vst v63  }
0x148: {  	s21 =	simm.s32 $0x1100;
	v0 =	vadd.s32 v3, v0  }
0x149: {  	[tilespmem:s21], [sflag:$0x1] =	stream.indirect_vreg.gather [hbm4b:s7+s16], $0x80, v1, vm0, $0xb8;
	[tilespmem:$0x12100] =	vst v63  }
0x14a: {  	s5 =	simm.s32 $0x1900  }
0x14b: {  	[tilespmem:s5], [sflag:$0x1] =	stream.indirect_vreg.gather [hbm4b:s8+s16], $0x80, v1, vm0, $0xb8;
	[tilespmem:$0x12100] =	vst v63  }
0x14c: {  	s9 =	simm.s32 $0x2100  }
0x14d: {  	[tilespmem:s9], [sflag:$0x1] =	stream.indirect_vreg.gather [hbm4b:s3+s16], $0x80, v0, vm0, $0xb8;
	[tilespmem:$0x12100] =	vst v63  }
0x14e: {  	s10 =	simm.s32 $0x2900  }
0x14f: {  	[tilespmem:s10], [sflag:$0x1] =	stream.indirect_vreg.gather [hbm4b:s6+s16], $0x80, v0, vm0, $0xb8;
	[tilespmem:$0x12100] =	vst v63  }
0x150: {  	s17 =	simm.s32 $0x3100  }
0x151: {  	[tilespmem:s17], [sflag:$0x1] =	stream.indirect_vreg.gather [hbm4b:s7+s16], $0x80, v0, vm0, $0xb8;
	[tilespmem:$0x12100] =	vst v63  }
0x152: {  	s19 =	simm.s32 $0x3900  }
0x153: {  	[tilespmem:s19], [sflag:$0x1] =	stream.indirect_vreg.gather [hbm4b:s8+s16], $0x80, v0, vm0, $0xb8;
	[tilespmem:$0x12100] =	vst v63  }
0x154: {  	v0 =	vld [tilespmem:$0x10];
	_ =	sdelay $0x4  }
0x155: {  	v61 =	vshll.u32 v0, $0x3  }
0x156: {  	v0 =	vand.u32 $0x7, v0;
	v1 =	vand.u32 $0xFFFFFFC0, v61  }
0x157: {  	v0 =	vor.u32 v0, v1  }
0x158: {  	v1 =	vperm.xlane v0, v2;
	_ =	sdelay $0x1  }
0x159: {  	v1 =	vadd.s32 v3, v1;
	_ =	sdelay $0x3  }
0x15a: {  	s21 =	simm.s32 $0x4100  }
0x15b: {  	[tilespmem:s21], [sflag:$0x1] =	stream.indirect_vreg.gather [hbm4b:s3+s16], $0x80, v1, vm0, $0xb8;
	[tilespmem:$0x12100] =	vst v63  }
0x15c: {  	s5 =	simm.s32 $0x4900;
	v0 =	vperm.xlane v0, v4  }
0x15d: {  	[tilespmem:s5], [sflag:$0x1] =	stream.indirect_vreg.gather [hbm4b:s6+s16], $0x80, v1, vm0, $0xb8;
	[tilespmem:$0x12100] =	vst v63  }
0x15e: {  	s9 =	simm.s32 $0x5100;
	v0 =	vadd.s32 v3, v0  }
0x15f: {  	[tilespmem:s9], [sflag:$0x1] =	stream.indirect_vreg.gather [hbm4b:s7+s16], $0x80, v1, vm0, $0xb8;
	[tilespmem:$0x12100] =	vst v63  }
0x160: {  	s10 =	simm.s32 $0x5900  }
0x161: {  	[tilespmem:s10], [sflag:$0x1] =	stream.indirect_vreg.gather [hbm4b:s8+s16], $0x80, v1, vm0, $0xb8;
	[tilespmem:$0x12100] =	vst v63  }
0x162: {  	s17 =	simm.s32 $0x6100  }
0x163: {  	[tilespmem:s17], [sflag:$0x1] =	stream.indirect_vreg.gather [hbm4b:s3+s16], $0x80, v0, vm0, $0xb8;
	[tilespmem:$0x12100] =	vst v63  }
0x164: {  	s19 =	simm.s32 $0x6900  }
0x165: {  	[tilespmem:s19], [sflag:$0x1] =	stream.indirect_vreg.gather [hbm4b:s6+s16], $0x80, v0, vm0, $0xb8;
	[tilespmem:$0x12100] =	vst v63  }
0x166: {  	s21 =	simm.s32 $0x7100  }
0x167: {  	[tilespmem:s21], [sflag:$0x1] =	stream.indirect_vreg.gather [hbm4b:s7+s16], $0x80, v0, vm0, $0xb8;
	[tilespmem:$0x12100] =	vst v63  }
0x168: {  	s5 =	simm.s32 $0x7900  }
0x169: {  	[tilespmem:s5], [sflag:$0x1] =	stream.indirect_vreg.gather [hbm4b:s8+s16], $0x80, v0, vm0, $0xb8;
	[tilespmem:$0x12100] =	vst v63  }
0x16a: {  	v0 =	vld [tilespmem:$0x80];
	_ =	sdelay $0x4  }
0x16b: {  	v62 =	vshll.u32 v0, $0x3  }
0x16c: {  	v0 =	vand.u32 $0x7, v0;
	v1 =	vand.u32 $0xFFFFFFC0, v62  }
0x16d: {  	v0 =	vor.u32 v0, v1  }
0x16e: {  	v1 =	vperm.xlane v0, v2;
	_ =	sdelay $0x1  }
0x16f: {  	v1 =	vadd.s32 v3, v1;
	_ =	sdelay $0x3  }
0x170: {  	s9 =	simm.s32 $0x8100  }
0x171: {  	[tilespmem:s9], [sflag:$0x2] =	stream.indirect_vreg.gather [hbm4b:s3+s16], $0x80, v1, vm0, $0xb8;
	[tilespmem:$0x12100] =	vst v63  }
0x172: {  	s10 =	simm.s32 $0x8900;
	v0 =	vperm.xlane v0, v4  }
0x173: {  	[tilespmem:s10], [sflag:$0x2] =	stream.indirect_vreg.gather [hbm4b:s6+s16], $0x80, v1, vm0, $0xb8;
	[tilespmem:$0x12100] =	vst v63  }
0x174: {  	s17 =	simm.s32 $0x9100;
	v0 =	vadd.s32 v3, v0  }
0x175: {  	[tilespmem:s17], [sflag:$0x2] =	stream.indirect_vreg.gather [hbm4b:s7+s16], $0x80, v1, vm0, $0xb8;
	[tilespmem:$0x12100] =	vst v63  }
0x176: {  	_ = 	snop  }
0x177: {  	[tilespmem:s22], [sflag:$0x2] =	stream.indirect_vreg.gather [hbm4b:s8+s16], $0x80, v1, vm0, $0xb8;
	[tilespmem:$0x12100] =	vst v63  }
0x178: {  	_ = 	snop  }
0x179: {  	[tilespmem:s23], [sflag:$0x2] =	stream.indirect_vreg.gather [hbm4b:s3+s16], $0x80, v0, vm0, $0xb8;
	[tilespmem:$0x12100] =	vst v63  }
0x17a: {  	_ = 	snop  }
0x17b: {  	[tilespmem:s11], [sflag:$0x2] =	stream.indirect_vreg.gather [hbm4b:s6+s16], $0x80, v0, vm0, $0xb8;
	[tilespmem:$0x12100] =	vst v63  }
0x17c: {  	_ = 	snop  }
0x17d: {  	[tilespmem:s24], [sflag:$0x2] =	stream.indirect_vreg.gather [hbm4b:s7+s16], $0x80, v0, vm0, $0xb8;
	[tilespmem:$0x12100] =	vst v63  }
0x17e: {  	_ = 	snop  }
0x17f: {  	[tilespmem:s12], [sflag:$0x2] =	stream.indirect_vreg.gather [hbm4b:s8+s16], $0x80, v0, vm0, $0xb8;
	[tilespmem:$0x12100] =	vst v63  }
0x180: {  	v0 =	vld [tilespmem:$0x90];
	_ =	sdelay $0x4  }
0x181: {  	v63 =	vshll.u32 v0, $0x3  }
0x182: {  	v0 =	vand.u32 $0x7, v0;
	v1 =	vand.u32 $0xFFFFFFC0, v63  }
0x183: {  	v0 =	vor.u32 v0, v1  }
0x184: {  	v1 =	vperm.xlane v0, v2;
	_ =	sdelay $0x1  }
0x185: {  	v1 =	vadd.s32 v3, v1;
	_ =	sdelay $0x4  }
0x186: {  	[tilespmem:s25], [sflag:$0x2] =	stream.indirect_vreg.gather [hbm4b:s3+s16], $0x80, v1, vm0, $0xb8;
	[tilespmem:$0x12100] =	vst v63  }
0x187: {  	v0 =	vperm.xlane v0, v4  }
0x188: {  	[tilespmem:s26], [sflag:$0x2] =	stream.indirect_vreg.gather [hbm4b:s6+s16], $0x80, v1, vm0, $0xb8;
	[tilespmem:$0x12100] =	vst v63  }
0x189: {  	v0 =	vadd.s32 v3, v0  }
0x18a: {  	[tilespmem:s13], [sflag:$0x2] =	stream.indirect_vreg.gather [hbm4b:s7+s16], $0x80, v1, vm0, $0xb8;
	[tilespmem:$0x12100] =	vst v63  }
0x18b: {  	_ = 	snop  }
0x18c: {  	[tilespmem:s28], [sflag:$0x2] =	stream.indirect_vreg.gather [hbm4b:s8+s16], $0x80, v1, vm0, $0xb8;
	[tilespmem:$0x12100] =	vst v63  }
0x18d: {  	_ = 	snop  }
0x18e: {  	[tilespmem:s29], [sflag:$0x2] =	stream.indirect_vreg.gather [hbm4b:s3+s16], $0x80, v0, vm0, $0xb8;
	[tilespmem:$0x12100] =	vst v63  }
0x18f: {  	_ = 	snop  }
0x190: {  	[tilespmem:s30], [sflag:$0x2] =	stream.indirect_vreg.gather [hbm4b:s6+s16], $0x80, v0, vm0, $0xb8;
	[tilespmem:$0x12100] =	vst v63  }
0x191: {  	_ = 	snop  }
0x192: {  	[tilespmem:s14], [sflag:$0x2] =	stream.indirect_vreg.gather [hbm4b:s7+s16], $0x80, v0, vm0, $0xb8;
	[tilespmem:$0x12100] =	vst v63  }
0x193: {  	_ = 	snop  }
0x194: {  	[tilespmem:s31], [sflag:$0x2] =	stream.indirect_vreg.gather [hbm4b:s8+s16], $0x80, v0, vm0, $0xb8;
	[tilespmem:$0x12100] =	vst v63  }
0x195: {  	s4 =	simm.s32 $0x10100;
	s19 =	rddreg [dreg:$0xa]  }
0x196: {  	[tilespmem:s4], [sflag:$0x3] =	stream.linear.gather [hbm4b:s19+s16], $0x1000, $0x38;
	[tilespmem:$0x12100] =	vst v63  }
0x197: {  	_ =	swait.ge [sflag:s18], $0x1000  }
0x198: {  	[sflag:s18] =	ssyncset.done $0x0  }
0x199: {  	s17 =	simm.s32 $0x11100;
	s21 =	rddreg [dreg:$0xb];
	[sflag:s18] =	ssyncadd.s32 $0xFFFFF000  }
0x19a: {  	[tilespmem:s17], [sflag:$0x3] =	stream.linear.gather [hbm4b:s21+s16], $0x1000, $0x38;
	[tilespmem:$0x12100] =	vst v63  }
0x19b: {  	_ =	swait.ge [sflag:s18], $0x1000  }
0x19c: {  	[sflag:s18] =	ssyncset.done $0x0  }
0x19d: {  	[sflag:s18] =	ssyncadd.s32 $0xFFFFF000  }
0x19e: {  	_ =	swait.ge [sflag:s15], $0x8000  }
0x19f: {  	[sflag:s15] =	ssyncset.done $0x0  }
0x1a0: {  	[sflag:s15] =	ssyncadd.s32 $0xFFFF8000  }
0x1a1: {  	_ =	swait.ge [sflag:s0], $0x8000  }
0x1a2: {  	[sflag:s0] =	ssyncset.done $0x0  }
0x1a3: {  	s5 =	simm.s32 $0x0;
	s9 =	simm.s32 $0x0;
	[sflag:s0] =	ssyncadd.s32 $0xFFFF8000  }
.LBB2_4:
0x1a4: {  	v3 =	vld [tilespmem:s4+$0x0];
	s10 =	sand.u32 $0x6000, s5;
	s19 =	sand.u32 $0x380, s9  }
0x1a5: {  	v4 =	vld [tilespmem:s17+$0x0];
	s10 =	sor.u32 s19, s10  }
0x1a6: {  	v0 =	vld [tilespmem:s10+$0x100]  }
0x1a7: {  	v1 =	vld [tilespmem:s10+$0x8100]  }
0x1a8: {  	v2 =	vld [tilespmem:s10+$0x110]  }
0x1a9: {  	v6 =	vld [tilespmem:s10+$0x8110]  }
0x1aa: {  	v10 =	vld [tilespmem:s10+$0x120]  }
0x1ab: {  	v11 =	vld [tilespmem:s10+$0x8120]  }
0x1ac: {  	v14 =	vld [tilespmem:s10+$0x130]  }
0x1ad: {  	v17 =	vld [tilespmem:s10+$0x8130]  }
0x1ae: {  	v20 =	vld [tilespmem:s10+$0x140]  }
0x1af: {  	v21 =	vld [tilespmem:s10+$0x8140]  }
0x1b0: {  	v26 =	vld [tilespmem:s10+$0x150]  }
0x1b1: {  	v27 =	vld [tilespmem:s10+$0x8150]  }
0x1b2: {  	v28 =	vld [tilespmem:s10+$0x160]  }
0x1b3: {  	v29 =	vld [tilespmem:s10+$0x8160]  }
0x1b4: {  	v30 =	vld [tilespmem:s10+$0x170]  }
0x1b5: {  	v31 =	vld [tilespmem:s10+$0x8170]  }
0x1b6: {  	v32 =	vld [tilespmem:s10+$0x500]  }
0x1b7: {  	v33 =	vld [tilespmem:s10+$0x8500]  }
0x1b8: {  	v34 =	vld [tilespmem:s10+$0x510]  }
0x1b9: {  	v35 =	vld [tilespmem:s10+$0x8510]  }
0x1ba: {  	v36 =	vld [tilespmem:s10+$0x520]  }
0x1bb: {  	v37 =	vld [tilespmem:s10+$0x8520]  }
0x1bc: {  	v38 =	vld [tilespmem:s10+$0x530]  }
0x1bd: {  	v39 =	vld [tilespmem:s10+$0x8530]  }
0x1be: {  	v40 =	vld [tilespmem:s10+$0x540]  }
0x1bf: {  	v41 =	vld [tilespmem:s10+$0x8540]  }
0x1c0: {  	v42 =	vld [tilespmem:s10+$0x550]  }
0x1c1: {  	v43 =	vld [tilespmem:s10+$0x8550]  }
0x1c2: {  	v44 =	vld [tilespmem:s10+$0x560]  }
0x1c3: {  	v45 =	vld [tilespmem:s10+$0x8560]  }
0x1c4: {  	v46 =	vld [tilespmem:s10+$0x570]  }
0x1c5: {  	v47 =	vld [tilespmem:s10+$0x8570]  }
0x1c6: {  	v48 =	vld [tilespmem:s10+$0x900]  }
0x1c7: {  	v49 =	vld [tilespmem:s10+$0x8900]  }
0x1c8: {  	v50 =	vld [tilespmem:s10+$0x910]  }
0x1c9: {  	v51 =	vld [tilespmem:s10+$0x8910]  }
0x1ca: {  	v52 =	vld [tilespmem:s10+$0x920]  }
0x1cb: {  	v53 =	vld [tilespmem:s10+$0x8920]  }
0x1cc: {  	v54 =	vld [tilespmem:s10+$0x930]  }
0x1cd: {  	v55 =	vld [tilespmem:s10+$0x8930]  }
0x1ce: {  	v56 =	vld [tilespmem:s10+$0x940]  }
0x1cf: {  	v57 =	vld [tilespmem:s10+$0x8940]  }
0x1d0: {  	v58 =	vld [tilespmem:s10+$0x950]  }
0x1d1: {  	v59 =	vld [tilespmem:s10+$0x8950]  }
0x1d2: {  	v60 =	vld [tilespmem:s10+$0x960]  }
0x1d3: {  	v61 =	vld [tilespmem:s10+$0x8960]  }
0x1d4: {  	v62 =	vld [tilespmem:s10+$0x970]  }
0x1d5: {  	v63 =	vld [tilespmem:s10+$0x8970]  }
0x1d6: {  	v24 =	vld [tilespmem:s10+$0xD00]  }
0x1d7: {  	v25 =	vld [tilespmem:s10+$0x8D00]  }
0x1d8: {  	v22 =	vld [tilespmem:s10+$0xD10]  }
0x1d9: {  	v23 =	vld [tilespmem:s10+$0x8D10]  }
0x1da: {  	v18 =	vld [tilespmem:s10+$0xD20]  }
0x1db: {  	v19 =	vld [tilespmem:s10+$0x8D20]  }
0x1dc: {  	v15 =	vld [tilespmem:s10+$0xD30]  }
0x1dd: {  	v16 =	vld [tilespmem:s10+$0x8D30]  }
0x1de: {  	v5 =	vld [tilespmem:s10+$0xD60]  }
0x1df: {  	v12 =	vld [tilespmem:s10+$0xD40]  }
0x1e0: {  	v13 =	vld [tilespmem:s10+$0x8D40]  }
0x1e1: {  	v8 =	vld [tilespmem:s10+$0xD50]  }
0x1e2: {  	v9 =	vld [tilespmem:s10+$0x8D50];
	v0 =	vmul.f32 v0, v3;
	v1 =	vmul.f32 v1, v4  }
0x1e3: {  	v7 =	vld [tilespmem:s10+$0x8D60];
	[tilespmem:$0x1FFA0] =	vst v5;
	v5 =	vmul.f32 v2, v3;
	v2 =	vmul.f32 v6, v4  }
0x1e4: {  	v6 =	vld [tilespmem:s10+$0xD70];
	v17 =	vmul.f32 v17, v4;
	v0 =	vadd.f32 v1, v0  }
0x1e5: {  	v1 =	vmul.f32 v10, v3;
	v10 =	vld [tilespmem:s10+$0x8D70];
	v5 =	vadd.f32 v2, v5;
	v2 =	vmul.f32 v14, v3  }
0x1e6: {  	v11 =	vmul.f32 v11, v4;
	v14 =	vld [tilespmem:s10+$0x9100]  }
0x1e7: {  	v26 =	vmul.f32 v26, v3;
	v2 =	vadd.f32 v17, v2;
	v17 =	vld [tilespmem:s10+$0x1110]  }
0x1e8: {  	[tilespmem:s10+$0x100] =	vst v0;
	v0 =	vadd.f32 v11, v1;
	v1 =	vmul.f32 v20, v3;
	v11 =	vmul.f32 v21, v4;
	v20 =	vld [tilespmem:s10+$0x9110]  }
0x1e9: {  	v27 =	vmul.f32 v27, v4;
	v30 =	vmul.f32 v30, v3;
	v21 =	vld [tilespmem:s10+$0x1120];
	[tilespmem:$0x1FFB0] =	vst v6  }
0x1ea: {  	v31 =	vmul.f32 v31, v4;
	v33 =	vmul.f32 v33, v4;
	v6 =	vld [tilespmem:s10+$0x1100];
	[tilespmem:s10+$0x120] =	vst v0;
	v0 =	vadd.f32 v11, v1  }
0x1eb: {  	v1 =	vmul.f32 v28, v3;
	v11 =	vmul.f32 v29, v4;
	[tilespmem:s10+$0x130] =	vst v2;
	v2 =	vadd.f32 v27, v26;
	v26 =	vld [tilespmem:s10+$0x9120]  }
0x1ec: {  	v42 =	vmul.f32 v42, v3;
	[tilespmem:s10+$0x110] =	vst v5;
	v5 =	vmul.f32 v34, v3;
	v28 =	vld [tilespmem:s10+$0x1130]  }
0x1ed: {  	v34 =	vmul.f32 v37, v4;
	v29 =	vld [tilespmem:s10+$0x9130];
	[tilespmem:s10+$0x140] =	vst v0;
	v0 =	vadd.f32 v11, v1;
	v1 =	vmul.f32 v32, v3  }
0x1ee: {  	v37 =	vmul.f32 v39, v4;
	[tilespmem:s10+$0x150] =	vst v2;
	v2 =	vadd.f32 v31, v30;
	v32 =	vmul.f32 v35, v4;
	v30 =	vld [tilespmem:s10+$0x1140]  }
0x1ef: {  	v31 =	vld [tilespmem:s10+$0x9140];
	[tilespmem:s10+$0x160] =	vst v0;
	v0 =	vadd.f32 v33, v1;
	v33 =	vmul.f32 v36, v3;
	v36 =	vmul.f32 v38, v3  }
0x1f0: {  	v39 =	vmul.f32 v40, v3;
	v40 =	vmul.f32 v41, v4;
	v11 =	vld [tilespmem:s10+$0x9550];
	[tilespmem:s10+$0x170] =	vst v2;
	v35 =	vadd.f32 v32, v5  }
0x1f1: {  	v56 =	vmul.f32 v56, v3;
	v32 =	vld [tilespmem:s10+$0x1150];
	[tilespmem:s10+$0x500] =	vst v0;
	v38 =	vadd.f32 v34, v33;
	v41 =	vadd.f32 v37, v36  }
0x1f2: {  	[tilespmem:s10+$0x510] =	vst v35;
	v36 =	vmul.f32 v43, v4;
	v37 =	vadd.f32 v40, v39;
	v39 =	vmul.f32 v45, v4;
	v33 =	vld [tilespmem:s10+$0x9150]  }
0x1f3: {  	v34 =	vld [tilespmem:s10+$0x1160];
	v45 =	vmul.f32 v49, v4;
	[tilespmem:s10+$0x520] =	vst v38;
	v38 =	vmul.f32 v44, v3  }
0x1f4: {  	v35 =	vld [tilespmem:s10+$0x9160];
	[tilespmem:s10+$0x530] =	vst v41;
	v40 =	vadd.f32 v36, v42;
	v41 =	vmul.f32 v46, v3;
	v42 =	vmul.f32 v47, v4  }
0x1f5: {  	[tilespmem:s10+$0x540] =	vst v37;
	v44 =	vmul.f32 v48, v3;
	v47 =	vmul.f32 v50, v3;
	v36 =	vld [tilespmem:s10+$0x1170];
	v43 =	vadd.f32 v39, v38  }
0x1f6: {  	v48 =	vmul.f32 v51, v4;
	v50 =	vmul.f32 v52, v3;
	v37 =	vld [tilespmem:s10+$0x9170];
	[tilespmem:s10+$0x550] =	vst v40;
	v46 =	vadd.f32 v42, v41  }
0x1f7: {  	v51 =	vmul.f32 v53, v4;
	v53 =	vmul.f32 v54, v3;
	v49 =	vadd.f32 v45, v44;
	v38 =	vld [tilespmem:s10+$0x1500];
	[tilespmem:s10+$0x560] =	vst v43  }
0x1f8: {  	v54 =	vmul.f32 v55, v4;
	v52 =	vadd.f32 v48, v47;
	v44 =	vmul.f32 v57, v4;
	v39 =	vld [tilespmem:s10+$0x9500];
	[tilespmem:s10+$0x570] =	vst v46  }
0x1f9: {  	v55 =	vadd.f32 v51, v50;
	v47 =	vmul.f32 v59, v4;
	v40 =	vld [tilespmem:s10+$0x1510];
	v50 =	vmul.f32 v61, v4;
	[tilespmem:s10+$0x900] =	vst v49  }
0x1fa: {  	v45 =	vadd.f32 v54, v53;
	v41 =	vld [tilespmem:s10+$0x9510];
	v53 =	vmul.f32 v63, v4;
	[tilespmem:s10+$0x910] =	vst v52;
	v46 =	vmul.f32 v58, v3  }
0x1fb: {  	v42 =	vld [tilespmem:s10+$0x1520];
	v59 =	vmul.f32 v23, v4;
	[tilespmem:s10+$0x920] =	vst v55;
	v48 =	vadd.f32 v44, v56;
	v49 =	vmul.f32 v60, v3  }
0x1fc: {  	v23 =	vld [tilespmem:s10+$0x1530];
	v61 =	vmul.f32 v18, v3;
	[tilespmem:s10+$0x930] =	vst v45;
	v52 =	vmul.f32 v62, v3;
	v51 =	vadd.f32 v47, v46  }
0x1fd: {  	v18 =	vld [tilespmem:s10+$0x9530];
	v55 =	vmul.f32 v24, v3;
	v56 =	vmul.f32 v25, v4;
	[tilespmem:s10+$0x940] =	vst v48;
	v54 =	vadd.f32 v50, v49  }
0x1fe: {  	v24 =	vld [tilespmem:s10+$0x9520];
	v58 =	vmul.f32 v22, v3;
	v62 =	vmul.f32 v19, v4;
	v57 =	vadd.f32 v53, v52;
	[tilespmem:s10+$0x950] =	vst v51  }
0x1ff: {  	v22 =	vmul.f32 v15, v3;
	v25 =	vmul.f32 v16, v4;
	v16 =	vld [tilespmem:s10+$0x1540];
	v60 =	vadd.f32 v56, v55;
	[tilespmem:s10+$0x960] =	vst v54  }
0x200: {  	v43 =	vmul.f32 v12, v3;
	v44 =	vmul.f32 v13, v4;
	v12 =	vld [tilespmem:s10+$0x9540];
	v63 =	vadd.f32 v59, v58;
	[tilespmem:s10+$0x970] =	vst v57  }
0x201: {  	v13 =	vld [tilespmem:s10+$0x1570];
	v27 =	vadd.f32 v62, v61;
	v46 =	vmul.f32 v8, v3;
	v47 =	vmul.f32 v9, v4;
	[tilespmem:s10+$0xD00] =	vst v60  }
0x202: {  	v15 =	vld [tilespmem:s10+$0x1900];
	v45 =	vadd.f32 v25, v22;
	v55 =	vmul.f32 v14, v4;
	v58 =	vmul.f32 v20, v4;
	[tilespmem:s10+$0xD10] =	vst v63  }
0x203: {  	v19 =	vld [tilespmem:s10+$0x1910];
	v48 =	vadd.f32 v44, v43;
	v22 =	vmul.f32 v30, v3;
	v25 =	vmul.f32 v31, v4;
	[tilespmem:s10+$0xD20] =	vst v27  }
0x204: {  	v9 =	vld [tilespmem:s10+$0x1550];
	v30 =	vmul.f32 v34, v3;
	v31 =	vmul.f32 v35, v4;
	[tilespmem:s10+$0xD30] =	vst v45;
	v50 =	vadd.f32 v47, v46  }
0x205: {  	v49 =	vld [tilespmem:$0x1FFA0];
	v20 =	vmul.f32 v29, v4;
	[tilespmem:s10+$0xD40] =	vst v48;
	v54 =	vmul.f32 v6, v3;
	v29 =	vadd.f32 v25, v22  }
0x206: {  	v52 =	vmul.f32 v10, v4;
	v10 =	vld [tilespmem:s10+$0x1560];
	v57 =	vmul.f32 v17, v3;
	v35 =	vadd.f32 v31, v30;
	[tilespmem:s10+$0xD50] =	vst v50  }
0x207: {  	v61 =	vmul.f32 v26, v4;
	v14 =	vld [tilespmem:s10+$0x9570];
	v60 =	vmul.f32 v21, v3;
	v59 =	vadd.f32 v55, v54;
	[tilespmem:s10+$0x1140] =	vst v29  }
0x208: {  	v7 =	vmul.f32 v7, v4;
	v44 =	vld [tilespmem:s10+$0x1930];
	v63 =	vmul.f32 v28, v3;
	v62 =	vadd.f32 v58, v57;
	[tilespmem:s10+$0x1160] =	vst v35  }
0x209: {  	v51 =	vld [tilespmem:$0x1FFB0];
	v27 =	vmul.f32 v32, v3;
	v28 =	vmul.f32 v33, v4;
	v21 =	vadd.f32 v61, v60;
	[tilespmem:s10+$0x1100] =	vst v59  }
0x20a: {  	v34 =	vmul.f32 v37, v4;
	v17 =	vld [tilespmem:s10+$0x9900];
	v33 =	vmul.f32 v36, v3;
	v26 =	vadd.f32 v20, v63;
	[tilespmem:s10+$0x1110] =	vst v62  }
0x20b: {  	v37 =	vmul.f32 v39, v4;
	v36 =	vmul.f32 v38, v3;
	v38 =	vld [tilespmem:s10+$0x9920];
	v32 =	vadd.f32 v28, v27;
	[tilespmem:s10+$0x1120] =	vst v21  }
0x20c: {  	v40 =	vmul.f32 v40, v3;
	v43 =	vmul.f32 v41, v4;
	v48 =	vld [tilespmem:s10+$0x9930];
	v39 =	vadd.f32 v34, v33;
	[tilespmem:s10+$0x1130] =	vst v26  }
0x20d: {  	v31 =	vld [tilespmem:s10+$0x1970];
	v45 =	vadd.f32 v37, v36;
	v50 =	vmul.f32 v23, v3;
	v1 =	vmul.f32 v49, v3;
	[tilespmem:s10+$0x1150] =	vst v32  }
0x20e: {  	v20 =	vld [tilespmem:s10+$0x9910];
	v23 =	vmul.f32 v13, v3;
	v49 =	vadd.f32 v43, v40;
	[tilespmem:s10+$0x1170] =	vst v39;
	v26 =	vmul.f32 v14, v4  }
0x20f: {  	v46 =	vmul.f32 v42, v3;
	v55 =	vld [tilespmem:s10+$0x1950];
	[tilespmem:s10+$0x1500] =	vst v45;
	v5 =	vmul.f32 v51, v3;
	v53 =	vadd.f32 v7, v1  }
0x210: {  	v47 =	vmul.f32 v24, v4;
	v58 =	vmul.f32 v11, v4;
	v63 =	vld [tilespmem:s10+$0x1960];
	[tilespmem:s10+$0x1510] =	vst v49;
	v32 =	vadd.f32 v26, v23  }
0x211: {  	v27 =	vld [tilespmem:s10+$0x9960];
	v29 =	vmul.f32 v15, v3;
	v57 =	vmul.f32 v9, v3;
	v56 =	vadd.f32 v52, v5;
	[tilespmem:s10+$0xD60] =	vst v53  }
0x212: {  	v35 =	vld [tilespmem:s10+$0x9970];
	v41 =	vmul.f32 v44, v3;
	v30 =	vmul.f32 v17, v4;
	v52 =	vadd.f32 v47, v46;
	[tilespmem:s10+$0x1570] =	vst v32  }
0x213: {  	v21 =	vld [tilespmem:s10+$0x1920];
	v42 =	vmul.f32 v48, v4;
	v53 =	vmul.f32 v16, v3;
	v16 =	vadd.f32 v58, v57;
	[tilespmem:s10+$0xD70] =	vst v56  }
0x214: {  	v59 =	vld [tilespmem:s10+$0x9950];
	v51 =	vmul.f32 v18, v4;
	v36 =	vadd.f32 v30, v29;
	[tilespmem:s10+$0x1520] =	vst v52  }
0x215: {  	v54 =	vmul.f32 v12, v4;
	v39 =	vld [tilespmem:s10+$0x9940];
	v46 =	vadd.f32 v42, v41;
	[tilespmem:s10+$0x1550] =	vst v16  }
0x216: {  	v33 =	vmul.f32 v19, v3;
	v7 =	vld [tilespmem:s10+$0x9560];
	v34 =	vmul.f32 v20, v4;
	v56 =	vadd.f32 v51, v50;
	[tilespmem:s10+$0x1900] =	vst v36  }
0x217: {  	v18 =	vld [tilespmem:s10+$0x1940];
	v47 =	vmul.f32 v63, v3;
	v48 =	vmul.f32 v27, v4;
	v60 =	vadd.f32 v54, v53;
	[tilespmem:s10+$0x1930] =	vst v46  }
0x218: {  	v38 =	vmul.f32 v38, v4;
	v37 =	vmul.f32 v21, v3;
	v40 =	vadd.f32 v34, v33;
	[tilespmem:s10+$0x1530] =	vst v56  }
0x219: {  	v44 =	vmul.f32 v55, v3;
	v45 =	vmul.f32 v59, v4;
	v52 =	vadd.f32 v48, v47;
	[tilespmem:s10+$0x1540] =	vst v60  }
0x21a: {  	v50 =	vmul.f32 v31, v3;
	v51 =	vmul.f32 v35, v4;
	v43 =	vadd.f32 v38, v37;
	[tilespmem:s10+$0x1910] =	vst v40  }
0x21b: {  	v61 =	vmul.f32 v10, v3;
	v62 =	vmul.f32 v7, v4;
	v49 =	vadd.f32 v45, v44;
	[tilespmem:s10+$0x1960] =	vst v52  }
0x21c: {  	s21 =	sand.u32 $0x7, s16;
	v54 =	vmul.f32 v39, v4;
	v53 =	vmul.f32 v18, v3;
	v55 =	vadd.f32 v51, v50;
	[tilespmem:s10+$0x1920] =	vst v43  }
0x21d: {  	s19 =	sshll.u32 s21, $0x7;
	v28 =	vadd.f32 v62, v61;
	[tilespmem:s10+$0x1950] =	vst v49  }
0x21e: {  	s19 =	sadd.s32 s19, s5;
	v56 =	vadd.f32 v54, v53;
	[tilespmem:s10+$0x1970] =	vst v55  }
0x21f: {  	s21 =	sor.u32 $0x1C00, s19;
	[tilespmem:s10+$0x1560] =	vst v28  }
0x220: {  	[tilespmem:s10+$0x1940] =	vst v56;
	v0 =	vld [tilespmem:s21+$0x100]  }
0x221: {  	v1 =	vld [tilespmem:s21+$0x8100];
	_ =	sdelay $0x4  }
0x222: {  	v0 =	vmul.f32 v0, v3;
	v1 =	vmul.f32 v1, v4;
	_ =	sdelay $0x1  }
0x223: {  	v0 =	vadd.f32 v1, v0;
	_ =	sdelay $0x1  }
0x224: {  	[tilespmem:s21+$0x100] =	vst v0;
	s21 =	sor.u32 $0x1C10, s19  }
0x225: {  	v0 =	vld [tilespmem:s21+$0x100]  }
0x226: {  	v57 =	vld [tilespmem:s21+$0x8100];
	_ =	sdelay $0x4  }
0x227: {  	v0 =	vmul.f32 v0, v3;
	v1 =	vmul.f32 v57, v4;
	_ =	sdelay $0x1  }
0x228: {  	v0 =	vadd.f32 v1, v0;
	_ =	sdelay $0x1  }
0x229: {  	[tilespmem:s21+$0x100] =	vst v0;
	s21 =	sor.u32 $0x1C20, s19  }
0x22a: {  	v0 =	vld [tilespmem:s21+$0x100]  }
0x22b: {  	v58 =	vld [tilespmem:s21+$0x8100];
	_ =	sdelay $0x4  }
0x22c: {  	v0 =	vmul.f32 v0, v3;
	v1 =	vmul.f32 v58, v4;
	_ =	sdelay $0x1  }
0x22d: {  	v0 =	vadd.f32 v1, v0;
	_ =	sdelay $0x1  }
0x22e: {  	[tilespmem:s21+$0x100] =	vst v0;
	s21 =	sor.u32 $0x1C30, s19  }
0x22f: {  	v0 =	vld [tilespmem:s21+$0x100]  }
0x230: {  	v59 =	vld [tilespmem:s21+$0x8100];
	_ =	sdelay $0x4  }
0x231: {  	v0 =	vmul.f32 v0, v3;
	v1 =	vmul.f32 v59, v4;
	_ =	sdelay $0x1  }
0x232: {  	v0 =	vadd.f32 v1, v0;
	_ =	sdelay $0x1  }
0x233: {  	[tilespmem:s21+$0x100] =	vst v0;
	s21 =	sor.u32 $0x1C40, s19  }
0x234: {  	v0 =	vld [tilespmem:s21+$0x100]  }
0x235: {  	v60 =	vld [tilespmem:s21+$0x8100];
	_ =	sdelay $0x4  }
0x236: {  	v0 =	vmul.f32 v0, v3;
	v1 =	vmul.f32 v60, v4;
	_ =	sdelay $0x1  }
0x237: {  	v0 =	vadd.f32 v1, v0;
	_ =	sdelay $0x1  }
0x238: {  	[tilespmem:s21+$0x100] =	vst v0;
	s21 =	sor.u32 $0x1C50, s19  }
0x239: {  	v0 =	vld [tilespmem:s21+$0x100]  }
0x23a: {  	v61 =	vld [tilespmem:s21+$0x8100];
	_ =	sdelay $0x4  }
0x23b: {  	v0 =	vmul.f32 v0, v3;
	v1 =	vmul.f32 v61, v4;
	_ =	sdelay $0x1  }
0x23c: {  	v0 =	vadd.f32 v1, v0;
	_ =	sdelay $0x1  }
0x23d: {  	[tilespmem:s21+$0x100] =	vst v0;
	s21 =	sor.u32 $0x1C60, s19  }
0x23e: {  	v0 =	vld [tilespmem:s21+$0x100]  }
0x23f: {  	v62 =	vld [tilespmem:s21+$0x8100];
	_ =	sdelay $0x4  }
0x240: {  	v0 =	vmul.f32 v0, v3;
	v1 =	vmul.f32 v62, v4;
	_ =	sdelay $0x1  }
0x241: {  	v0 =	vadd.f32 v1, v0;
	_ =	sdelay $0x1  }
0x242: {  	[tilespmem:s21+$0x100] =	vst v0;
	s21 =	sor.u32 $0x1C70, s19  }
0x243: {  	v0 =	vld [tilespmem:s21+$0x100]  }
0x244: {  	v63 =	vld [tilespmem:s21+$0x8100];
	_ =	sdelay $0x3  }
0x245: {  	p0 =	sne.s32 s9, $0xF80  }
.Ltmp1:
0x246: {  	v0 =	vmul.f32 v0, v3;
	v1 =	vmul.f32 v63, v4;
	(pc) =	sbr.rel @p0 .LBB2_4-.Ltmp1, $4  }
0x247: {  	_ = 	snop  }
0x248: {  	v0 =	vadd.f32 v1, v0  }
0x249: {  	s16 =	sadd.s32 $0x1, s16;
	s4 =	sadd.s32 $0x80, s4  }
0x24a: {  	s17 =	sadd.s32 $0x80, s17;
	s9 =	sadd.s32 $0x80, s9;
	s5 =	sadd.s32 $0x400, s5;
	[tilespmem:s21+$0x100] =	vst v0  }
0x24b: {  	s4 =	rddreg [dreg:$0xc]  }
0x24c: {  	[hbm4b:s4+s1] =	stream.linear.scatter [tilespmem:s20], [sflag:$0x3], $0x8000, $0x38;
	[tilespmem:$0x12100] =	vst v63  }
0x24d: {  	_ =	swait.ge [sflag:s18], $0x8000  }
0x24e: {  	s2 =	sadd.s32 $0x1, s2;
	s21 =	rddreg [dreg:$0xd]  }
0x24f: {  	p0 =	sne.s32 s2, s21  }
.Ltmp2:
0x250: {  	_ = 	snop;
	(pc) =	sbr.rel @p0 .LBB2_1-.Ltmp2, $3  }
0x251: {  	_ =	sdelay $0x1  }
0x252: {  	[sflag:s18] =	ssyncset.done $0x0  }
0x253: {  	[sflag:s18] =	ssyncadd.s32 $0xFFFF8000  }
0x254: {  	_ =	sfence.sel $0x180000  }
0x255: {  	[bflag:$0x0] =	sbarrier.arrive $0xFFFF  }
0x256: {  	_ =	strace $0x9000004A  }
0x257: {  	s0 =	stileid.u32;
	[bflag:$0x2] =	sbarrier.arrive $0xFFFF  }
0x258: {  	p0 =	sne.s32 s0, $0x0;
	s0 =	rddreg [dreg:$0x2]  }
0x259: {  	s0 =	sadd.s32 @!p0 $0x100000, s0  }
0x25a: {  	[sflag:s0] =	ssyncadd.tile.s32 @!p0 $0x1;
	_ =	shalt  }
.Lfunc_end2:
_tile_overlayer_lowered:
.L_overlay_start_2:
0x25b: {  	(tag) =	ssettag $0x2  }
0x25c: {  	s0 =	rddreg [dreg:$0x0];
	s2 =	stileid.u32  }
0x25d: {  	s1 =	rddreg [dreg:$0x1];
	p0 =	sne.s32 s2, $0x0  }
0x25e: {  	s3 =	rddreg [dreg:$0x2];
	[bflag:$0x3] =	sbarrier.arrive $0xFFFF;
	s2 =	simm.s32 @!p0 $0x1C03  }
0x25f: {  	[timem:s3], [sflag:s2] =	dma.local @!p0 [hbm:s0], s1  }
0x260: {  	s0 =	simm.s32 @!p0 $0x3  }
0x261: {  	_ =	swait.ge @!p0 [sflag:s0], s1  }
0x262: {  	s1 =	ssub.s32 @!p0 $0x0, s1;
	[sflag:s0] =	ssyncset.done @!p0 $0x0  }
0x263: {  	[sflag:s0] =	ssyncadd.s32 @!p0 s1  }
0x264: {  	[bflag:$0x3] =	sbarrier.arrive $0xFFFF  }
0x265: {  	_ =	shalt  }

</sc_bundles>
